<compile_context>
chip_gen: v7x
topology: tpu7x:2x2x1
jax: 0.10.2.dev20260603
libtpu: 0.0.44.dev20260713+nightly
codegen_flags: <defaults>
</compile_context>

<pallas_src>
import functools
import math

import jax
import jax.numpy as jnp
from jax import lax
from jax.experimental import pallas as pl
from jax.experimental.pallas import tpu as pltpu
from jax.experimental.pallas import tpu_sc as plsc

E1 = math.e - 1.0
LOG_EPS = math.log(1e-10)
NS = 16
NCORES = 2
NLANES = 16
CHUNK = 256
ROW_UNROLL = 8

_C2 = (2.0 / 11.0, 2.0 / 9.0, 2.0 / 7.0, 2.0 / 5.0, 2.0 / 3.0, 2.0)


def _node_stage_body(f_ref, w_ref, b_ref, pri_ref, logp_ref, lq_ref, invq_ref):
    x = f_ref[...]
    logits = jnp.dot(x, w_ref[...], preferred_element_type=jnp.float32)
    logits = logits + b_ref[...]
    m = jnp.max(logits, axis=1, keepdims=True)
    ex = jnp.exp(logits - m)
    ssum = jnp.sum(ex, axis=1, keepdims=True)
    pri = ex / ssum
    pri_ref[...] = pri
    logp_ref[...] = jnp.maximum((logits - m) - jnp.log(ssum), LOG_EPS)
    q = E1 * pri + 1.0
    lq_ref[...] = jnp.log(q)
    invq_ref[...] = 1.0 / q


def _final_body(logp_ref, part_ref, out_ref):
    lb = logp_ref[...] + part_ref[0] + part_ref[1]
    ex = jnp.exp(lb - jnp.max(lb, axis=1, keepdims=True))
    out_ref[...] = ex / jnp.sum(ex, axis=1, keepdims=True)


def _zero_acc_slice(stage, acc, base, rpt):
    def zbody(i, carry):
        stage[i] = jnp.zeros((NLANES,), jnp.float32)
        return carry

    lax.fori_loop(0, rpt, zbody, 0)
    pltpu.sync_copy(stage, acc.at[pl.ds(base, rpt)])


def _stage_table(table_hbm, stage, table_sh, base, rpt):
    pltpu.sync_copy(table_hbm.at[pl.ds(base, rpt)], stage)
    pltpu.sync_copy(stage, table_sh.at[pl.ds(base, rpt)])


def _dump_acc_slice(stage, acc, part_hbm, c, base, rpt):
    pltpu.sync_copy(acc.at[pl.ds(base, rpt)], stage)
    pltpu.sync_copy(stage, part_hbm.at[c, pl.ds(base, rpt)])


def _sc_pass1_body(lq_hbm, sidx_hbm, didx_hbm, part_hbm,
                   sidx_v, didx_v,
                   rows_a, rows_b, rows_c, rows_d, rows_e, rows_f, rows_g, rows_h,
                   stage, lq_sh, acc,
                   gsem_a, gsem_b, gsem_c, gsem_d, gsem_e, gsem_f, gsem_g, gsem_h,
                   ssem_a, ssem_b, ssem_c, ssem_d, ssem_e, ssem_f, ssem_g, ssem_h,
                   *, cpt, rpt):
    c = lax.axis_index("c")
    s = lax.axis_index("s")
    w = c * NS + s
    base = s * rpt

    _stage_table(lq_hbm, stage, lq_sh, base, rpt)
    _zero_acc_slice(stage, acc, base, rpt)
    pltpu.sync_copy(sidx_hbm.at[pl.ds(w * cpt, cpt)], sidx_v)
    pltpu.sync_copy(didx_hbm.at[pl.ds(w * cpt, cpt)], didx_v)
    plsc.subcore_barrier()

    def start_g(j, rows, sem):
        pltpu.async_copy(lq_sh.at[sidx_v.at[j]], rows, sem)

    def wait_g(j, rows, sem):
        pltpu.make_async_copy(lq_sh.at[sidx_v.at[j]], rows, sem).wait()

    def start_s(j, rows, sem):
        pltpu.async_copy(rows, acc.at[didx_v.at[j]], sem, add=True)

    def wait_s(j, rows, sem):
        pltpu.make_async_copy(rows, acc.at[didx_v.at[j]], sem).wait()

    bufs = (rows_a, rows_b, rows_c, rows_d, rows_e, rows_f, rows_g, rows_h)
    gsems = (gsem_a, gsem_b, gsem_c, gsem_d, gsem_e, gsem_f, gsem_g, gsem_h)
    ssems = (ssem_a, ssem_b, ssem_c, ssem_d, ssem_e, ssem_f, ssem_g, ssem_h)
    for bb in range(8):
        start_g(bb, bufs[bb], gsems[bb])

    def octet(k, carry):
        for bb in range(8):
            j = 8 * k + bb
            wait_g(j, bufs[bb], gsems[bb])
            start_s(j, bufs[bb], ssems[bb])
            jp = j - 4
            pb = (bb - 4) % 8

            @pl.when(jp >= 0)
            def _():
                wait_s(jp, bufs[pb], ssems[pb])

                @pl.when(jp + 8 < cpt)
                def _():
                    start_g(jp + 8, bufs[pb], gsems[pb])

        return carry

    lax.fori_loop(0, cpt // 8, octet, 0)
    for bb in range(4):
        wait_s(cpt - 4 + bb, bufs[4 + bb], ssems[4 + bb])
    plsc.subcore_barrier()
    _dump_acc_slice(stage, acc, part_hbm, c, base, rpt)


def _edge_rows_update(rows_y, rows_q, rows_o):

    def row_body(i, carry):
        for uu in range(ROW_UNROLL):
            r = i * ROW_UNROLL + uu
            y = rows_y[r] * rows_q[r]
            a = E1 * y
            tb = jnp.broadcast_to(jnp.sum(y), (NLANES,))
            d = a + (tb + tb)
            rec = 1.0 / d
            rec = rec * (2.0 - d * rec)
            z = a * rec
            z2 = z * z
            p = _C2[0]
            for coef in _C2[1:]:
                p = p * z2 + coef
            rows_o[r] = z * p
        return carry

    lax.fori_loop(0, CHUNK // ROW_UNROLL, row_body, 0)


def _sc_pass2_body(logp_hbm, part1_hbm, invq_hbm, sidx_hbm, didx_hbm, part_hbm,
                   sidx_v, didx_v,
                   ry0, ry1, rq0, rq1, ro0, ro1,
                   stage, pa, pb, b1_sh, invq_sh, acc,
                   sy0, sy1, sq0, sq1, so0, so1,
                   *, cpt, rpt):
    c = lax.axis_index("c")
    s = lax.axis_index("s")
    w = c * NS + s
    base = s * rpt

    pltpu.sync_copy(logp_hbm.at[pl.ds(base, rpt)], stage)
    half = (rpt // 2 + 7) // 8 * 8
    for off, sz in ((0, half), (half, rpt - half)):
        pltpu.sync_copy(part1_hbm.at[0, pl.ds(base + off, sz)], pa.at[pl.ds(0, sz)])
        pltpu.sync_copy(part1_hbm.at[1, pl.ds(base + off, sz)], pb.at[pl.ds(0, sz)])

        def b1_body(i, carry):
            v = stage[off + i] + pa[i] + pb[i]
            mb = jnp.broadcast_to(jnp.max(v), (NLANES,))
            stage[off + i] = jnp.exp(v - mb)
            return carry

        lax.fori_loop(0, sz, b1_body, 0)
    pltpu.sync_copy(stage, b1_sh.at[pl.ds(base, rpt)])

    _stage_table(invq_hbm, stage, invq_sh, base, rpt)
    _zero_acc_slice(stage, acc, base, rpt)
    pltpu.sync_copy(sidx_hbm.at[pl.ds(w * cpt, cpt)], sidx_v)
    pltpu.sync_copy(didx_hbm.at[pl.ds(w * cpt, cpt)], didx_v)
    plsc.subcore_barrier()

    def start_g(j, rows_y, rows_q, sem_y, sem_q):
        pltpu.async_copy(b1_sh.at[sidx_v.at[j]], rows_y, sem_y)
        pltpu.async_copy(invq_sh.at[didx_v.at[j]], rows_q, sem_q)

    def wait_g(j, rows_y, rows_q, sem_y, sem_q):
        pltpu.make_async_copy(b1_sh.at[sidx_v.at[j]], rows_y, sem_y).wait()
        pltpu.make_async_copy(invq_sh.at[didx_v.at[j]], rows_q, sem_q).wait()

    def start_s(j, ro, sem):
        pltpu.async_copy(ro, acc.at[didx_v.at[j]], sem, add=True)

    def wait_s(j, ro, sem):
        pltpu.make_async_copy(ro, acc.at[didx_v.at[j]], sem).wait()

    start_g(0, ry0, rq0, sy0, sq0)
    start_g(1, ry1, rq1, sy1, sq1)

    def pair(k, carry):
        for j, ry, rq, ro, sy, sq, so in (
            (2 * k, ry0, rq0, ro0, sy0, sq0, so0),
            (2 * k + 1, ry1, rq1, ro1, sy1, sq1, so1),
        ):
            wait_g(j, ry, rq, sy, sq)

            @pl.when(j >= 2)
            def _():
                wait_s(j - 2, ro, so)

            _edge_rows_update(ry, rq, ro)
            start_s(j, ro, so)

            @pl.when(j + 2 < cpt)
            def _():
                start_g(j + 2, ry, rq, sy, sq)

        return carry

    lax.fori_loop(0, cpt // 2, pair, 0)
    wait_s(cpt - 2, ro0, so0)
    wait_s(cpt - 1, ro1, so1)
    plsc.subcore_barrier()
    _dump_acc_slice(stage, acc, part_hbm, c, base, rpt)


def kernel(features, W, b, src_nodes, dst_nodes, rev_edges):
    N, D = features.shape
    S = W.shape[1]
    twoE = src_nodes.shape[0]
    f32 = jnp.float32

    NPAD = ((N + 1 + 127) // 128) * 128
    RPT = NPAD // NS
    NW = NCORES * NS
    CPT = -(-twoE // (CHUNK * NW))
    CPT = ((CPT + 7) // 8) * 8
    GC = NW * CPT
    EPAD = GC * CHUNK

    feats_p = jnp.zeros((NPAD, D), f32).at[:N].set(features.astype(f32))
    pad_idx = jnp.full((EPAD - twoE,), N, jnp.int32)
    sidx = jnp.concatenate([src_nodes.astype(jnp.int32), pad_idx]).reshape(GC, CHUNK)
    didx = jnp.concatenate([dst_nodes.astype(jnp.int32), pad_idx]).reshape(GC, CHUNK)
    b2 = jnp.reshape(b.astype(f32), (1, S))

    BN = NPAD // 8
    row_spec = pl.BlockSpec((BN, S), lambda i: (i, 0))
    part_spec = pl.BlockSpec((NCORES, BN, S), lambda i: (0, i, 0))
    node_sds = jax.ShapeDtypeStruct((NPAD, S), f32)

    priors, logp, lq, invq = pl.pallas_call(
        _node_stage_body,
        grid=(8,),
        in_specs=[
            pl.BlockSpec((BN, D), lambda i: (i, 0)),
            pl.BlockSpec((D, S), lambda i: (0, 0)),
            pl.BlockSpec((1, S), lambda i: (0, 0)),
        ],
        out_specs=[row_spec] * 4,
        out_shape=[node_sds] * 4,
    )(feats_p, W.astype(f32), b2)

    mesh = plsc.VectorSubcoreMesh(core_axis_name="c", subcore_axis_name="s")
    part_sds = jax.ShapeDtypeStruct((NCORES, NPAD, S), f32)
    common_scratch = [
        pltpu.VMEM((CPT, CHUNK), jnp.int32),
        pltpu.VMEM((CPT, CHUNK), jnp.int32),
    ]
    stage_scratch = pltpu.VMEM((RPT, S), f32)
    shared_table = pltpu.VMEM_SHARED((NPAD, S), f32)

    sc_params = pltpu.CompilerParams(
        use_tc_tiling_on_sc=False, needs_layout_passes=False
    )
    pass1 = pl.kernel(
        functools.partial(_sc_pass1_body, cpt=CPT, rpt=RPT),
        out_type=part_sds,
        mesh=mesh,
        compiler_params=sc_params,
        scratch_types=common_scratch
        + [pltpu.VMEM((CHUNK, S), f32)] * 8
        + [stage_scratch, shared_table, shared_table]
        + [pltpu.SemaphoreType.DMA] * 16,
    )
    part1 = pass1(lq, sidx, didx)

    pass2 = pl.kernel(
        functools.partial(_sc_pass2_body, cpt=CPT, rpt=RPT),
        out_type=part_sds,
        mesh=mesh,
        compiler_params=sc_params,
        scratch_types=common_scratch
        + [pltpu.VMEM((CHUNK, S), f32)] * 6
        + [stage_scratch]
        + [pltpu.VMEM(((RPT // 2 + 7) // 8 * 8, S), f32)] * 2
        + [shared_table, shared_table, shared_table]
        + [pltpu.SemaphoreType.DMA] * 6,
    )
    part2 = pass2(logp, part1, invq, sidx, didx)

    beliefs = pl.pallas_call(
        _final_body,
        grid=(8,),
        in_specs=[row_spec, part_spec],
        out_specs=row_spec,
        out_shape=node_sds,
    )(logp, part2)

    return (priors[:N], beliefs[:N])

# --- scband reference (transcript-rebuilt; emitter-appended) ---
"""Pipeline reference for scband-bpn-74191265071404 (READ-ONLY COPY).

The authoritative reference and input builder live on the scoring server;
editing this copy changes nothing except your own understanding.
"""

import jax, jax.numpy as jnp
import numpy as np

N = 10000
D = 128
E = 320000  # undirected edges; directed message rows = 2*E
S = 16      # num_states
EPSILON = 1e-10
EPS_POT = 1.0   # potential epsilon
DIFFUSION = 2


def setup_inputs(seed: int = 0) -> dict:
    key = jax.random.key(seed)
    k1, k2, k3, k4 = jax.random.split(key, 4)
    features = jax.random.normal(k1, (N, D), dtype=jnp.float32)
    W = jax.random.normal(k2, (D, S), dtype=jnp.float32) * 0.05
    b = jnp.zeros((S,), dtype=jnp.float32)
    src_half = jax.random.randint(k3, (E,), 0, N)
    dst_half = jax.random.randint(k4, (E,), 0, N)
    # directed edge i in [0,E) goes src_half->dst_half; edge i+E is its reverse
    src_nodes = jnp.concatenate([src_half, dst_half])
    dst_nodes = jnp.concatenate([dst_half, src_half])
    rev_edges = jnp.concatenate([jnp.arange(E) + E, jnp.arange(E)])
    return {
        "features": features,
        "W": W,
        "b": b,
        "src_nodes": src_nodes,
        "dst_nodes": dst_nodes,
        "rev_edges": rev_edges,
    }


def reference(features, W, b, src_nodes, dst_nodes, rev_edges):
    # classifier: linear + softmax -> priors (probabilities)
    priors = jax.nn.softmax(features @ W + b, axis=1)

    # potential = exp(eye(S) * epsilon)
    potential = jnp.exp(jnp.eye(S, dtype=jnp.float32) * EPS_POT)

    # init messages: ones / num_states
    messages = jnp.ones((2 * E, S), dtype=jnp.float32) / S
    beliefs = priors

    for _ in range(DIFFUSION):
        # _update_messages
        new_beliefs = jnp.take(beliefs, src_nodes, axis=0)       # gather [2E, S]
        rev_messages = jnp.take(messages, rev_edges, axis=0)     # gather [2E, S]
        new_msgs = (new_beliefs / rev_messages) @ potential
        messages = new_msgs / new_msgs.sum(axis=1, keepdims=True)

        # _compute_beliefs
        logb = jnp.log(jnp.clip(priors, EPSILON, None))
        log_msgs = jnp.log(jnp.clip(messages, EPSILON, None))
        logb = logb.at[dst_nodes].add(log_msgs)                  # scatter-add [N, S]
        beliefs = jax.nn.softmax(logb, axis=1)

    return (priors, beliefs)

if __name__ == "__main__":
    import jax
    _d = setup_inputs()
    print(jax.jit(kernel)(*tuple(_d.values())))

</pallas_src>

<mosaic_0001>
#map = affine_map<(d0, d1) -> (0, 0)>
#map1 = affine_map<(d0, d1) -> (0, 0, 0)>
module attributes {stable_mosaic.version = 14 : i64} {
  func.func @_sc_pass1_body(%arg0: i32, %arg1: i32, %arg2: memref<10112x16xf32, #tpu.memory_space<hbm>>, %arg3: memref<2560x256xi32, #tpu.memory_space<hbm>>, %arg4: memref<2560x256xi32, #tpu.memory_space<hbm>>, %arg5: memref<2x10112x16xf32, #tpu.memory_space<hbm>>, %arg6: memref<80x256xi32, #tpu.memory_space<vmem>>, %arg7: memref<80x256xi32, #tpu.memory_space<vmem>>, %arg8: memref<256x16xf32, #tpu.memory_space<vmem>>, %arg9: memref<256x16xf32, #tpu.memory_space<vmem>>, %arg10: memref<256x16xf32, #tpu.memory_space<vmem>>, %arg11: memref<256x16xf32, #tpu.memory_space<vmem>>, %arg12: memref<256x16xf32, #tpu.memory_space<vmem>>, %arg13: memref<256x16xf32, #tpu.memory_space<vmem>>, %arg14: memref<256x16xf32, #tpu.memory_space<vmem>>, %arg15: memref<256x16xf32, #tpu.memory_space<vmem>>, %arg16: memref<632x16xf32, #tpu.memory_space<vmem>>, %arg17: memref<10112x16xf32, #tpu.memory_space<vmem_shared>>, %arg18: memref<10112x16xf32, #tpu.memory_space<vmem_shared>>, %arg19: memref<!tpu.dma_semaphore, #tpu.memory_space<semaphore_mem>>, %arg20: memref<!tpu.dma_semaphore, #tpu.memory_space<semaphore_mem>>, %arg21: memref<!tpu.dma_semaphore, #tpu.memory_space<semaphore_mem>>, %arg22: memref<!tpu.dma_semaphore, #tpu.memory_space<semaphore_mem>>, %arg23: memref<!tpu.dma_semaphore, #tpu.memory_space<semaphore_mem>>, %arg24: memref<!tpu.dma_semaphore, #tpu.memory_space<semaphore_mem>>, %arg25: memref<!tpu.dma_semaphore, #tpu.memory_space<semaphore_mem>>, %arg26: memref<!tpu.dma_semaphore, #tpu.memory_space<semaphore_mem>>, %arg27: memref<!tpu.dma_semaphore, #tpu.memory_space<semaphore_mem>>, %arg28: memref<!tpu.dma_semaphore, #tpu.memory_space<semaphore_mem>>, %arg29: memref<!tpu.dma_semaphore, #tpu.memory_space<semaphore_mem>>, %arg30: memref<!tpu.dma_semaphore, #tpu.memory_space<semaphore_mem>>, %arg31: memref<!tpu.dma_semaphore, #tpu.memory_space<semaphore_mem>>, %arg32: memref<!tpu.dma_semaphore, #tpu.memory_space<semaphore_mem>>, %arg33: memref<!tpu.dma_semaphore, #tpu.memory_space<semaphore_mem>>, %arg34: memref<!tpu.dma_semaphore, #tpu.memory_space<semaphore_mem>>) attributes {dimension_semantics = [#tpu.dimension_semantics<core_parallel>, #tpu.dimension_semantics<subcore_parallel>], iteration_bounds = array<i64: 2, 16>, scalar_prefetch = 0 : i64, scratch_operands = 29 : i64, tpu.core_type = #tpu.core_type<sc_vector_subcore>, window_params = [{transform_indices = #map}, {transform_indices = #map}, {transform_indices = #map}, {transform_indices = #map1}]} {
    %mul3A = arith.constant 16 : i32
    %mul3A_0 = arith.muli %arg0, %mul3A : i32
    %add3A = arith.addi %mul3A_0, %arg1 : i32
    %mul3A_1 = arith.constant 632 : i32
    %mul3A_2 = arith.muli %arg1, %mul3A_1 : i32
    "tpu.region"() ({
      %run_scoped3A = tpu.sem_alloc : memref<!tpu.dma_semaphore, #tpu.memory_space<semaphore_mem>>
      %dma_start3A_101 = arith.constant 0 : i32
      %dma_start3A_102 = tpu.memref_slice %arg2[%mul3A_2, %dma_start3A_101] : memref<10112x16xf32, #tpu.memory_space<hbm>> -> memref<632x16xf32, #tpu.memory_space<hbm>>
      %dma_start3A_103 = arith.constant 0 : i32
      %dma_start3A_104 = tpu.memref_slice %arg2[%mul3A_2, %dma_start3A_103] : memref<10112x16xf32, #tpu.memory_space<hbm>> -> memref<632x16xf32, #tpu.memory_space<hbm>>
      tpu.enqueue_dma source(%dma_start3A_104 : memref<632x16xf32, #tpu.memory_space<hbm>>) target(%arg16 : memref<632x16xf32, #tpu.memory_space<vmem>>) target_semaphore(%run_scoped3A : memref<!tpu.dma_semaphore, #tpu.memory_space<semaphore_mem>>)
      %dma_wait3A_105 = arith.constant 0 : i32
      %dma_wait3A_106 = tpu.memref_slice %arg2[%mul3A_2, %dma_wait3A_105] : memref<10112x16xf32, #tpu.memory_space<hbm>> -> memref<632x16xf32, #tpu.memory_space<hbm>>
      %dma_wait3A_107 = arith.constant 0 : i32
      %dma_wait3A_108 = tpu.memref_slice %arg2[%mul3A_2, %dma_wait3A_107] : memref<10112x16xf32, #tpu.memory_space<hbm>> -> memref<632x16xf32, #tpu.memory_space<hbm>>
      tpu.wait_dma2 semaphore(%run_scoped3A : memref<!tpu.dma_semaphore, #tpu.memory_space<semaphore_mem>>) src(%dma_wait3A_108 : memref<632x16xf32, #tpu.memory_space<hbm>>) dst(%arg16 : memref<632x16xf32, #tpu.memory_space<vmem>>)
      tpu.yield
    }) : () -> ()
    "tpu.region"() ({
      %run_scoped3A = tpu.sem_alloc : memref<!tpu.dma_semaphore, #tpu.memory_space<semaphore_mem>>
      %dma_start3A_101 = arith.constant 0 : i32
      %dma_start3A_102 = tpu.memref_slice %arg17[%mul3A_2, %dma_start3A_101] : memref<10112x16xf32, #tpu.memory_space<vmem_shared>> -> memref<632x16xf32, #tpu.memory_space<vmem_shared>>
      %dma_start3A_103 = arith.constant 0 : i32
      %dma_start3A_104 = tpu.memref_slice %arg17[%mul3A_2, %dma_start3A_103] : memref<10112x16xf32, #tpu.memory_space<vmem_shared>> -> memref<632x16xf32, #tpu.memory_space<vmem_shared>>
      tpu.enqueue_dma source(%arg16 : memref<632x16xf32, #tpu.memory_space<vmem>>) target(%dma_start3A_104 : memref<632x16xf32, #tpu.memory_space<vmem_shared>>) target_semaphore(%run_scoped3A : memref<!tpu.dma_semaphore, #tpu.memory_space<semaphore_mem>>)
      %dma_wait3A_105 = arith.constant 0 : i32
      %dma_wait3A_106 = tpu.memref_slice %arg17[%mul3A_2, %dma_wait3A_105] : memref<10112x16xf32, #tpu.memory_space<vmem_shared>> -> memref<632x16xf32, #tpu.memory_space<vmem_shared>>
      %dma_wait3A_107 = arith.constant 0 : i32
      %dma_wait3A_108 = tpu.memref_slice %arg17[%mul3A_2, %dma_wait3A_107] : memref<10112x16xf32, #tpu.memory_space<vmem_shared>> -> memref<632x16xf32, #tpu.memory_space<vmem_shared>>
      tpu.wait_dma2 semaphore(%run_scoped3A : memref<!tpu.dma_semaphore, #tpu.memory_space<semaphore_mem>>) src(%arg16 : memref<632x16xf32, #tpu.memory_space<vmem>>) dst(%dma_wait3A_108 : memref<632x16xf32, #tpu.memory_space<vmem_shared>>)
      tpu.yield
    }) : () -> ()
    %scan3A = arith.constant 0 : i32
    %scan3A_3 = arith.constant 0 : i32
    %scan3A_4 = arith.constant 632 : i32
    %scan3A_5 = arith.addi %scan3A_3, %scan3A_4 : i32
    %scan3A_6 = arith.constant 1 : i32
    scf.for %scan3A_101 = %scan3A_3 to %scan3A_5 step %scan3A_6  : i32 {
      %broadcast_in_dim3A = arith.constant 0.000000e+00 : f32
      %broadcast_in_dim3A_102 = vector.broadcast %broadcast_in_dim3A : f32 to vector<16xf32>
      %swap3A = arith.index_cast %scan3A_101 : i32 to index
      %swap3A_103 = arith.constant 0 : index
      %swap3A_104 = tpu.vector_load %arg16[%swap3A, %swap3A_103] {strides = array<i32>} : memref<632x16xf32, #tpu.memory_space<vmem>>, vector<16xf32>,
      tpu.vector_store %arg16[%swap3A, %swap3A_103], %broadcast_in_dim3A_102 {strides = array<i32>} : memref<632x16xf32, #tpu.memory_space<vmem>>, vector<16xf32>,
    }
    %scan3A_7 = arith.constant 632 : i32
    "tpu.region"() ({
      %run_scoped3A = tpu.sem_alloc : memref<!tpu.dma_semaphore, #tpu.memory_space<semaphore_mem>>
      %dma_start3A_101 = arith.constant 0 : i32
      %dma_start3A_102 = tpu.memref_slice %arg18[%mul3A_2, %dma_start3A_101] : memref<10112x16xf32, #tpu.memory_space<vmem_shared>> -> memref<632x16xf32, #tpu.memory_space<vmem_shared>>
      %dma_start3A_103 = arith.constant 0 : i32
      %dma_start3A_104 = tpu.memref_slice %arg18[%mul3A_2, %dma_start3A_103] : memref<10112x16xf32, #tpu.memory_space<vmem_shared>> -> memref<632x16xf32, #tpu.memory_space<vmem_shared>>
      tpu.enqueue_dma source(%arg16 : memref<632x16xf32, #tpu.memory_space<vmem>>) target(%dma_start3A_104 : memref<632x16xf32, #tpu.memory_space<vmem_shared>>) target_semaphore(%run_scoped3A : memref<!tpu.dma_semaphore, #tpu.memory_space<semaphore_mem>>)
      %dma_wait3A_105 = arith.constant 0 : i32
      %dma_wait3A_106 = tpu.memref_slice %arg18[%mul3A_2, %dma_wait3A_105] : memref<10112x16xf32, #tpu.memory_space<vmem_shared>> -> memref<632x16xf32, #tpu.memory_space<vmem_shared>>
      %dma_wait3A_107 = arith.constant 0 : i32
      %dma_wait3A_108 = tpu.memref_slice %arg18[%mul3A_2, %dma_wait3A_107] : memref<10112x16xf32, #tpu.memory_space<vmem_shared>> -> memref<632x16xf32, #tpu.memory_space<vmem_shared>>
      tpu.wait_dma2 semaphore(%run_scoped3A : memref<!tpu.dma_semaphore, #tpu.memory_space<semaphore_mem>>) src(%arg16 : memref<632x16xf32, #tpu.memory_space<vmem>>) dst(%dma_wait3A_108 : memref<632x16xf32, #tpu.memory_space<vmem_shared>>)
      tpu.yield
    }) : () -> ()
    %mul3A_8 = arith.constant 80 : i32
    %mul3A_9 = arith.muli %add3A, %mul3A_8 : i32
    "tpu.region"() ({
      %run_scoped3A = tpu.sem_alloc : memref<!tpu.dma_semaphore, #tpu.memory_space<semaphore_mem>>
      %dma_start3A_101 = arith.constant 0 : i32
      %dma_start3A_102 = tpu.memref_slice %arg3[%mul3A_9, %dma_start3A_101] : memref<2560x256xi32, #tpu.memory_space<hbm>> -> memref<80x256xi32, #tpu.memory_space<hbm>>
      %dma_start3A_103 = arith.constant 0 : i32
      %dma_start3A_104 = tpu.memref_slice %arg3[%mul3A_9, %dma_start3A_103] : memref<2560x256xi32, #tpu.memory_space<hbm>> -> memref<80x256xi32, #tpu.memory_space<hbm>>
      tpu.enqueue_dma source(%dma_start3A_104 : memref<80x256xi32, #tpu.memory_space<hbm>>) target(%arg6 : memref<80x256xi32, #tpu.memory_space<vmem>>) target_semaphore(%run_scoped3A : memref<!tpu.dma_semaphore, #tpu.memory_space<semaphore_mem>>)
      %dma_wait3A_105 = arith.constant 0 : i32
      %dma_wait3A_106 = tpu.memref_slice %arg3[%mul3A_9, %dma_wait3A_105] : memref<2560x256xi32, #tpu.memory_space<hbm>> -> memref<80x256xi32, #tpu.memory_space<hbm>>
      %dma_wait3A_107 = arith.constant 0 : i32
      %dma_wait3A_108 = tpu.memref_slice %arg3[%mul3A_9, %dma_wait3A_107] : memref<2560x256xi32, #tpu.memory_space<hbm>> -> memref<80x256xi32, #tpu.memory_space<hbm>>
      tpu.wait_dma2 semaphore(%run_scoped3A : memref<!tpu.dma_semaphore, #tpu.memory_space<semaphore_mem>>) src(%dma_wait3A_108 : memref<80x256xi32, #tpu.memory_space<hbm>>) dst(%arg6 : memref<80x256xi32, #tpu.memory_space<vmem>>)
      tpu.yield
    }) : () -> ()
    %mul3A_10 = arith.constant 80 : i32
    %mul3A_11 = arith.muli %add3A, %mul3A_10 : i32
    "tpu.region"() ({
      %run_scoped3A = tpu.sem_alloc : memref<!tpu.dma_semaphore, #tpu.memory_space<semaphore_mem>>
      %dma_start3A_101 = arith.constant 0 : i32
      %dma_start3A_102 = tpu.memref_slice %arg4[%mul3A_11, %dma_start3A_101] : memref<2560x256xi32, #tpu.memory_space<hbm>> -> memref<80x256xi32, #tpu.memory_space<hbm>>
      %dma_start3A_103 = arith.constant 0 : i32
      %dma_start3A_104 = tpu.memref_slice %arg4[%mul3A_11, %dma_start3A_103] : memref<2560x256xi32, #tpu.memory_space<hbm>> -> memref<80x256xi32, #tpu.memory_space<hbm>>
      tpu.enqueue_dma source(%dma_start3A_104 : memref<80x256xi32, #tpu.memory_space<hbm>>) target(%arg7 : memref<80x256xi32, #tpu.memory_space<vmem>>) target_semaphore(%run_scoped3A : memref<!tpu.dma_semaphore, #tpu.memory_space<semaphore_mem>>)
      %dma_wait3A_105 = arith.constant 0 : i32
      %dma_wait3A_106 = tpu.memref_slice %arg4[%mul3A_11, %dma_wait3A_105] : memref<2560x256xi32, #tpu.memory_space<hbm>> -> memref<80x256xi32, #tpu.memory_space<hbm>>
      %dma_wait3A_107 = arith.constant 0 : i32
      %dma_wait3A_108 = tpu.memref_slice %arg4[%mul3A_11, %dma_wait3A_107] : memref<2560x256xi32, #tpu.memory_space<hbm>> -> memref<80x256xi32, #tpu.memory_space<hbm>>
      tpu.wait_dma2 semaphore(%run_scoped3A : memref<!tpu.dma_semaphore, #tpu.memory_space<semaphore_mem>>) src(%dma_wait3A_108 : memref<80x256xi32, #tpu.memory_space<hbm>>) dst(%arg7 : memref<80x256xi32, #tpu.memory_space<vmem>>)
      tpu.yield
    }) : () -> ()
    %barrier3A = arith.constant 0 : index
    tpu.barrier barrier_id(%barrier3A)
    %dma_start3A = arith.constant 0 : i32
    %dma_start3A_12 = arith.constant 0 : i32
    %dma_start3A_13 = tpu.memref_slice %arg6[%dma_start3A, %dma_start3A_12] : memref<80x256xi32, #tpu.memory_space<vmem>> -> memref<1x256xi32, #tpu.memory_space<vmem>>
    %dma_start3A_14 = tpu.memref_squeeze %dma_start3A_13 : memref<1x256xi32, #tpu.memory_space<vmem>> -> memref<256xi32, #tpu.memory_space<vmem>>
    %dma_start3A_15 = arith.constant 0 : i32
    %dma_start3A_16 = arith.constant 0 : i32
    %dma_start3A_17 = tpu.memref_slice %arg17[%dma_start3A_15, %dma_start3A_16] : memref<10112x16xf32, #tpu.memory_space<vmem_shared>> -> memref<10112x16xf32, #tpu.memory_space<vmem_shared>>
    tpu.enqueue_indirect_dma source(%dma_start3A_17 : memref<10112x16xf32, #tpu.memory_space<vmem_shared>>) target(%arg8 : memref<256x16xf32, #tpu.memory_space<vmem>>) offsets(%dma_start3A_14 : memref<256xi32, #tpu.memory_space<vmem>>) semaphore(%arg19 : memref<!tpu.dma_semaphore, #tpu.memory_space<semaphore_mem>>)
    %dma_start3A_18 = arith.constant 1 : i32
    %dma_start3A_19 = arith.constant 0 : i32
    %dma_start3A_20 = tpu.memref_slice %arg6[%dma_start3A_18, %dma_start3A_19] : memref<80x256xi32, #tpu.memory_space<vmem>> -> memref<1x256xi32, #tpu.memory_space<vmem>>
    %dma_start3A_21 = tpu.memref_squeeze %dma_start3A_20 : memref<1x256xi32, #tpu.memory_space<vmem>> -> memref<256xi32, #tpu.memory_space<vmem>>
    %dma_start3A_22 = arith.constant 0 : i32
    %dma_start3A_23 = arith.constant 0 : i32
    %dma_start3A_24 = tpu.memref_slice %arg17[%dma_start3A_22, %dma_start3A_23] : memref<10112x16xf32, #tpu.memory_space<vmem_shared>> -> memref<10112x16xf32, #tpu.memory_space<vmem_shared>>
    tpu.enqueue_indirect_dma source(%dma_start3A_24 : memref<10112x16xf32, #tpu.memory_space<vmem_shared>>) target(%arg9 : memref<256x16xf32, #tpu.memory_space<vmem>>) offsets(%dma_start3A_21 : memref<256xi32, #tpu.memory_space<vmem>>) semaphore(%arg20 : memref<!tpu.dma_semaphore, #tpu.memory_space<semaphore_mem>>)
    %dma_start3A_25 = arith.constant 2 : i32
    %dma_start3A_26 = arith.constant 0 : i32
    %dma_start3A_27 = tpu.memref_slice %arg6[%dma_start3A_25, %dma_start3A_26] : memref<80x256xi32, #tpu.memory_space<vmem>> -> memref<1x256xi32, #tpu.memory_space<vmem>>
    %dma_start3A_28 = tpu.memref_squeeze %dma_start3A_27 : memref<1x256xi32, #tpu.memory_space<vmem>> -> memref<256xi32, #tpu.memory_space<vmem>>
    %dma_start3A_29 = arith.constant 0 : i32
    %dma_start3A_30 = arith.constant 0 : i32
    %dma_start3A_31 = tpu.memref_slice %arg17[%dma_start3A_29, %dma_start3A_30] : memref<10112x16xf32, #tpu.memory_space<vmem_shared>> -> memref<10112x16xf32, #tpu.memory_space<vmem_shared>>
    tpu.enqueue_indirect_dma source(%dma_start3A_31 : memref<10112x16xf32, #tpu.memory_space<vmem_shared>>) target(%arg10 : memref<256x16xf32, #tpu.memory_space<vmem>>) offsets(%dma_start3A_28 : memref<256xi32, #tpu.memory_space<vmem>>) semaphore(%arg21 : memref<!tpu.dma_semaphore, #tpu.memory_space<semaphore_mem>>)
    %dma_start3A_32 = arith.constant 3 : i32
    %dma_start3A_33 = arith.constant 0 : i32
    %dma_start3A_34 = tpu.memref_slice %arg6[%dma_start3A_32, %dma_start3A_33] : memref<80x256xi32, #tpu.memory_space<vmem>> -> memref<1x256xi32, #tpu.memory_space<vmem>>
    %dma_start3A_35 = tpu.memref_squeeze %dma_start3A_34 : memref<1x256xi32, #tpu.memory_space<vmem>> -> memref<256xi32, #tpu.memory_space<vmem>>
    %dma_start3A_36 = arith.constant 0 : i32
    %dma_start3A_37 = arith.constant 0 : i32
    %dma_start3A_38 = tpu.memref_slice %arg17[%dma_start3A_36, %dma_start3A_37] : memref<10112x16xf32, #tpu.memory_space<vmem_shared>> -> memref<10112x16xf32, #tpu.memory_space<vmem_shared>>
    tpu.enqueue_indirect_dma source(%dma_start3A_38 : memref<10112x16xf32, #tpu.memory_space<vmem_shared>>) target(%arg11 : memref<256x16xf32, #tpu.memory_space<vmem>>) offsets(%dma_start3A_35 : memref<256xi32, #tpu.memory_space<vmem>>) semaphore(%arg22 : memref<!tpu.dma_semaphore, #tpu.memory_space<semaphore_mem>>)
    %dma_start3A_39 = arith.constant 4 : i32
    %dma_start3A_40 = arith.constant 0 : i32
    %dma_start3A_41 = tpu.memref_slice %arg6[%dma_start3A_39, %dma_start3A_40] : memref<80x256xi32, #tpu.memory_space<vmem>> -> memref<1x256xi32, #tpu.memory_space<vmem>>
    %dma_start3A_42 = tpu.memref_squeeze %dma_start3A_41 : memref<1x256xi32, #tpu.memory_space<vmem>> -> memref<256xi32, #tpu.memory_space<vmem>>
    %dma_start3A_43 = arith.constant 0 : i32
    %dma_start3A_44 = arith.constant 0 : i32
    %dma_start3A_45 = tpu.memref_slice %arg17[%dma_start3A_43, %dma_start3A_44] : memref<10112x16xf32, #tpu.memory_space<vmem_shared>> -> memref<10112x16xf32, #tpu.memory_space<vmem_shared>>
    tpu.enqueue_indirect_dma source(%dma_start3A_45 : memref<10112x16xf32, #tpu.memory_space<vmem_shared>>) target(%arg12 : memref<256x16xf32, #tpu.memory_space<vmem>>) offsets(%dma_start3A_42 : memref<256xi32, #tpu.memory_space<vmem>>) semaphore(%arg23 : memref<!tpu.dma_semaphore, #tpu.memory_space<semaphore_mem>>)
    %dma_start3A_46 = arith.constant 5 : i32
    %dma_start3A_47 = arith.constant 0 : i32
    %dma_start3A_48 = tpu.memref_slice %arg6[%dma_start3A_46, %dma_start3A_47] : memref<80x256xi32, #tpu.memory_space<vmem>> -> memref<1x256xi32, #tpu.memory_space<vmem>>
    %dma_start3A_49 = tpu.memref_squeeze %dma_start3A_48 : memref<1x256xi32, #tpu.memory_space<vmem>> -> memref<256xi32, #tpu.memory_space<vmem>>
    %dma_start3A_50 = arith.constant 0 : i32
    %dma_start3A_51 = arith.constant 0 : i32
    %dma_start3A_52 = tpu.memref_slice %arg17[%dma_start3A_50, %dma_start3A_51] : memref<10112x16xf32, #tpu.memory_space<vmem_shared>> -> memref<10112x16xf32, #tpu.memory_space<vmem_shared>>
    tpu.enqueue_indirect_dma source(%dma_start3A_52 : memref<10112x16xf32, #tpu.memory_space<vmem_shared>>) target(%arg13 : memref<256x16xf32, #tpu.memory_space<vmem>>) offsets(%dma_start3A_49 : memref<256xi32, #tpu.memory_space<vmem>>) semaphore(%arg24 : memref<!tpu.dma_semaphore, #tpu.memory_space<semaphore_mem>>)
    %dma_start3A_53 = arith.constant 6 : i32
    %dma_start3A_54 = arith.constant 0 : i32
    %dma_start3A_55 = tpu.memref_slice %arg6[%dma_start3A_53, %dma_start3A_54] : memref<80x256xi32, #tpu.memory_space<vmem>> -> memref<1x256xi32, #tpu.memory_space<vmem>>
    %dma_start3A_56 = tpu.memref_squeeze %dma_start3A_55 : memref<1x256xi32, #tpu.memory_space<vmem>> -> memref<256xi32, #tpu.memory_space<vmem>>
    %dma_start3A_57 = arith.constant 0 : i32
    %dma_start3A_58 = arith.constant 0 : i32
    %dma_start3A_59 = tpu.memref_slice %arg17[%dma_start3A_57, %dma_start3A_58] : memref<10112x16xf32, #tpu.memory_space<vmem_shared>> -> memref<10112x16xf32, #tpu.memory_space<vmem_shared>>
    tpu.enqueue_indirect_dma source(%dma_start3A_59 : memref<10112x16xf32, #tpu.memory_space<vmem_shared>>) target(%arg14 : memref<256x16xf32, #tpu.memory_space<vmem>>) offsets(%dma_start3A_56 : memref<256xi32, #tpu.memory_space<vmem>>) semaphore(%arg25 : memref<!tpu.dma_semaphore, #tpu.memory_space<semaphore_mem>>)
    %dma_start3A_60 = arith.constant 7 : i32
    %dma_start3A_61 = arith.constant 0 : i32
    %dma_start3A_62 = tpu.memref_slice %arg6[%dma_start3A_60, %dma_start3A_61] : memref<80x256xi32, #tpu.memory_space<vmem>> -> memref<1x256xi32, #tpu.memory_space<vmem>>
    %dma_start3A_63 = tpu.memref_squeeze %dma_start3A_62 : memref<1x256xi32, #tpu.memory_space<vmem>> -> memref<256xi32, #tpu.memory_space<vmem>>
    %dma_start3A_64 = arith.constant 0 : i32
    %dma_start3A_65 = arith.constant 0 : i32
    %dma_start3A_66 = tpu.memref_slice %arg17[%dma_start3A_64, %dma_start3A_65] : memref<10112x16xf32, #tpu.memory_space<vmem_shared>> -> memref<10112x16xf32, #tpu.memory_space<vmem_shared>>
    tpu.enqueue_indirect_dma source(%dma_start3A_66 : memref<10112x16xf32, #tpu.memory_space<vmem_shared>>) target(%arg15 : memref<256x16xf32, #tpu.memory_space<vmem>>) offsets(%dma_start3A_63 : memref<256xi32, #tpu.memory_space<vmem>>) semaphore(%arg26 : memref<!tpu.dma_semaphore, #tpu.memory_space<semaphore_mem>>)
    %scan3A_67 = arith.constant 0 : i32
    %scan3A_68 = arith.constant 0 : i32
    %scan3A_69 = arith.constant 10 : i32
    %scan3A_70 = arith.addi %scan3A_68, %scan3A_69 : i32
    %scan3A_71 = arith.constant 1 : i32
    scf.for %scan3A_101 = %scan3A_68 to %scan3A_70 step %scan3A_71  : i32 {
      %mul3A_102 = arith.constant 8 : i32
      %mul3A_103 = arith.muli %mul3A_102, %scan3A_101 : i32
      %add3A_104 = arith.constant 0 : i32
      %add3A_105 = arith.addi %mul3A_103, %add3A_104 : i32
      %dma_wait3A_106 = arith.constant 0 : i32
      %dma_wait3A_107 = tpu.memref_slice %arg6[%add3A_105, %dma_wait3A_106] : memref<80x256xi32, #tpu.memory_space<vmem>> -> memref<1x256xi32, #tpu.memory_space<vmem>>
      %dma_wait3A_108 = tpu.memref_squeeze %dma_wait3A_107 : memref<1x256xi32, #tpu.memory_space<vmem>> -> memref<256xi32, #tpu.memory_space<vmem>>
      %dma_wait3A_109 = arith.constant 0 : i32
      %dma_wait3A_110 = arith.constant 0 : i32
      %dma_wait3A_111 = tpu.memref_slice %arg17[%dma_wait3A_109, %dma_wait3A_110] : memref<10112x16xf32, #tpu.memory_space<vmem_shared>> -> memref<10112x16xf32, #tpu.memory_space<vmem_shared>>
      tpu.wait_indirect_dma semaphore(%arg19 : memref<!tpu.dma_semaphore, #tpu.memory_space<semaphore_mem>>) src(%dma_wait3A_111 : memref<10112x16xf32, #tpu.memory_space<vmem_shared>>) dst(%arg8 : memref<256x16xf32, #tpu.memory_space<vmem>>)
      %dma_start3A_112 = arith.constant 0 : i32
      %dma_start3A_113 = tpu.memref_slice %arg7[%add3A_105, %dma_start3A_112] : memref<80x256xi32, #tpu.memory_space<vmem>> -> memref<1x256xi32, #tpu.memory_space<vmem>>
      %dma_start3A_114 = tpu.memref_squeeze %dma_start3A_113 : memref<1x256xi32, #tpu.memory_space<vmem>> -> memref<256xi32, #tpu.memory_space<vmem>>
      %dma_start3A_115 = arith.constant 0 : i32
      %dma_start3A_116 = arith.constant 0 : i32
      %dma_start3A_117 = tpu.memref_slice %arg18[%dma_start3A_115, %dma_start3A_116] : memref<10112x16xf32, #tpu.memory_space<vmem_shared>> -> memref<10112x16xf32, #tpu.memory_space<vmem_shared>>
      tpu.enqueue_indirect_dma source(%arg8 : memref<256x16xf32, #tpu.memory_space<vmem>>) target(%dma_start3A_117 : memref<10112x16xf32, #tpu.memory_space<vmem_shared>>) offsets(%dma_start3A_114 : memref<256xi32, #tpu.memory_space<vmem>>) semaphore(%arg27 : memref<!tpu.dma_semaphore, #tpu.memory_space<semaphore_mem>>) {add = true}
      %sub3A = arith.constant 4 : i32
      %sub3A_118 = arith.subi %add3A_105, %sub3A : i32
      %ge3A = arith.constant 0 : i32
      %ge3A_119 = arith.cmpi sge, %sub3A_118, %ge3A : i32
      %convert_element_type3A = arith.extui %ge3A_119 : i1 to i32
      %cond3A = arith.constant 0 : i32
      %cond3A_120 = arith.cmpi ne, %convert_element_type3A, %cond3A : i32
      scf.if %cond3A_120 {
        %dma_wait3A_282 = arith.constant 0 : i32
        %dma_wait3A_283 = tpu.memref_slice %arg7[%sub3A_118, %dma_wait3A_282] : memref<80x256xi32, #tpu.memory_space<vmem>> -> memref<1x256xi32, #tpu.memory_space<vmem>>
        %dma_wait3A_284 = tpu.memref_squeeze %dma_wait3A_283 : memref<1x256xi32, #tpu.memory_space<vmem>> -> memref<256xi32, #tpu.memory_space<vmem>>
        %dma_wait3A_285 = arith.constant 0 : i32
        %dma_wait3A_286 = arith.constant 0 : i32
        %dma_wait3A_287 = tpu.memref_slice %arg18[%dma_wait3A_285, %dma_wait3A_286] : memref<10112x16xf32, #tpu.memory_space<vmem_shared>> -> memref<10112x16xf32, #tpu.memory_space<vmem_shared>>
        tpu.wait_indirect_dma semaphore(%arg31 : memref<!tpu.dma_semaphore, #tpu.memory_space<semaphore_mem>>) src(%arg12 : memref<256x16xf32, #tpu.memory_space<vmem>>) dst(%dma_wait3A_287 : memref<10112x16xf32, #tpu.memory_space<vmem_shared>>)
        %add3A_288 = arith.constant 8 : i32
        %add3A_289 = arith.addi %sub3A_118, %add3A_288 : i32
        %lt3A = arith.constant 80 : i32
        %lt3A_290 = arith.cmpi slt, %add3A_289, %lt3A : i32
        %convert_element_type3A_291 = arith.extui %lt3A_290 : i1 to i32
        %cond3A_292 = arith.constant 0 : i32
        %cond3A_293 = arith.cmpi ne, %convert_element_type3A_291, %cond3A_292 : i32
        scf.if %cond3A_293 {
          %add3A_294 = arith.constant 8 : i32
          %add3A_295 = arith.addi %sub3A_118, %add3A_294 : i32
          %dma_start3A_296 = arith.constant 0 : i32
          %dma_start3A_297 = tpu.memref_slice %arg6[%add3A_295, %dma_start3A_296] : memref<80x256xi32, #tpu.memory_space<vmem>> -> memref<1x256xi32, #tpu.memory_space<vmem>>
          %dma_start3A_298 = tpu.memref_squeeze %dma_start3A_297 : memref<1x256xi32, #tpu.memory_space<vmem>> -> memref<256xi32, #tpu.memory_space<vmem>>
          %dma_start3A_299 = arith.constant 0 : i32
          %dma_start3A_300 = arith.constant 0 : i32
          %dma_start3A_301 = tpu.memref_slice %arg17[%dma_start3A_299, %dma_start3A_300] : memref<10112x16xf32, #tpu.memory_space<vmem_shared>> -> memref<10112x16xf32, #tpu.memory_space<vmem_shared>>
          tpu.enqueue_indirect_dma source(%dma_start3A_301 : memref<10112x16xf32, #tpu.memory_space<vmem_shared>>) target(%arg12 : memref<256x16xf32, #tpu.memory_space<vmem>>) offsets(%dma_start3A_298 : memref<256xi32, #tpu.memory_space<vmem>>) semaphore(%arg23 : memref<!tpu.dma_semaphore, #tpu.memory_space<semaphore_mem>>)
        } else {
        }
      } else {
      }
      %mul3A_121 = arith.constant 8 : i32
      %mul3A_122 = arith.muli %mul3A_121, %scan3A_101 : i32
      %add3A_123 = arith.constant 1 : i32
      %add3A_124 = arith.addi %mul3A_122, %add3A_123 : i32
      %dma_wait3A_125 = arith.constant 0 : i32
      %dma_wait3A_126 = tpu.memref_slice %arg6[%add3A_124, %dma_wait3A_125] : memref<80x256xi32, #tpu.memory_space<vmem>> -> memref<1x256xi32, #tpu.memory_space<vmem>>
      %dma_wait3A_127 = tpu.memref_squeeze %dma_wait3A_126 : memref<1x256xi32, #tpu.memory_space<vmem>> -> memref<256xi32, #tpu.memory_space<vmem>>
      %dma_wait3A_128 = arith.constant 0 : i32
      %dma_wait3A_129 = arith.constant 0 : i32
      %dma_wait3A_130 = tpu.memref_slice %arg17[%dma_wait3A_128, %dma_wait3A_129] : memref<10112x16xf32, #tpu.memory_space<vmem_shared>> -> memref<10112x16xf32, #tpu.memory_space<vmem_shared>>
      tpu.wait_indirect_dma semaphore(%arg20 : memref<!tpu.dma_semaphore, #tpu.memory_space<semaphore_mem>>) src(%dma_wait3A_130 : memref<10112x16xf32, #tpu.memory_space<vmem_shared>>) dst(%arg9 : memref<256x16xf32, #tpu.memory_space<vmem>>)
      %dma_start3A_131 = arith.constant 0 : i32
      %dma_start3A_132 = tpu.memref_slice %arg7[%add3A_124, %dma_start3A_131] : memref<80x256xi32, #tpu.memory_space<vmem>> -> memref<1x256xi32, #tpu.memory_space<vmem>>
      %dma_start3A_133 = tpu.memref_squeeze %dma_start3A_132 : memref<1x256xi32, #tpu.memory_space<vmem>> -> memref<256xi32, #tpu.memory_space<vmem>>
      %dma_start3A_134 = arith.constant 0 : i32
      %dma_start3A_135 = arith.constant 0 : i32
      %dma_start3A_136 = tpu.memref_slice %arg18[%dma_start3A_134, %dma_start3A_135] : memref<10112x16xf32, #tpu.memory_space<vmem_shared>> -> memref<10112x16xf32, #tpu.memory_space<vmem_shared>>
      tpu.enqueue_indirect_dma source(%arg9 : memref<256x16xf32, #tpu.memory_space<vmem>>) target(%dma_start3A_136 : memref<10112x16xf32, #tpu.memory_space<vmem_shared>>) offsets(%dma_start3A_133 : memref<256xi32, #tpu.memory_space<vmem>>) semaphore(%arg28 : memref<!tpu.dma_semaphore, #tpu.memory_space<semaphore_mem>>) {add = true}
      %sub3A_137 = arith.constant 4 : i32
      %sub3A_138 = arith.subi %add3A_124, %sub3A_137 : i32
      %ge3A_139 = arith.constant 0 : i32
      %ge3A_140 = arith.cmpi sge, %sub3A_138, %ge3A_139 : i32
      %convert_element_type3A_141 = arith.extui %ge3A_140 : i1 to i32
      %cond3A_142 = arith.constant 0 : i32
      %cond3A_143 = arith.cmpi ne, %convert_element_type3A_141, %cond3A_142 : i32
      scf.if %cond3A_143 {
        %dma_wait3A_282 = arith.constant 0 : i32
        %dma_wait3A_283 = tpu.memref_slice %arg7[%sub3A_138, %dma_wait3A_282] : memref<80x256xi32, #tpu.memory_space<vmem>> -> memref<1x256xi32, #tpu.memory_space<vmem>>
        %dma_wait3A_284 = tpu.memref_squeeze %dma_wait3A_283 : memref<1x256xi32, #tpu.memory_space<vmem>> -> memref<256xi32, #tpu.memory_space<vmem>>
        %dma_wait3A_285 = arith.constant 0 : i32
        %dma_wait3A_286 = arith.constant 0 : i32
        %dma_wait3A_287 = tpu.memref_slice %arg18[%dma_wait3A_285, %dma_wait3A_286] : memref<10112x16xf32, #tpu.memory_space<vmem_shared>> -> memref<10112x16xf32, #tpu.memory_space<vmem_shared>>
        tpu.wait_indirect_dma semaphore(%arg32 : memref<!tpu.dma_semaphore, #tpu.memory_space<semaphore_mem>>) src(%arg13 : memref<256x16xf32, #tpu.memory_space<vmem>>) dst(%dma_wait3A_287 : memref<10112x16xf32, #tpu.memory_space<vmem_shared>>)
        %add3A_288 = arith.constant 8 : i32
        %add3A_289 = arith.addi %sub3A_138, %add3A_288 : i32
        %lt3A = arith.constant 80 : i32
        %lt3A_290 = arith.cmpi slt, %add3A_289, %lt3A : i32
        %convert_element_type3A_291 = arith.extui %lt3A_290 : i1 to i32
        %cond3A_292 = arith.constant 0 : i32
        %cond3A_293 = arith.cmpi ne, %convert_element_type3A_291, %cond3A_292 : i32
        scf.if %cond3A_293 {
          %add3A_294 = arith.constant 8 : i32
          %add3A_295 = arith.addi %sub3A_138, %add3A_294 : i32
          %dma_start3A_296 = arith.constant 0 : i32
          %dma_start3A_297 = tpu.memref_slice %arg6[%add3A_295, %dma_start3A_296] : memref<80x256xi32, #tpu.memory_space<vmem>> -> memref<1x256xi32, #tpu.memory_space<vmem>>
          %dma_start3A_298 = tpu.memref_squeeze %dma_start3A_297 : memref<1x256xi32, #tpu.memory_space<vmem>> -> memref<256xi32, #tpu.memory_space<vmem>>
          %dma_start3A_299 = arith.constant 0 : i32
          %dma_start3A_300 = arith.constant 0 : i32
          %dma_start3A_301 = tpu.memref_slice %arg17[%dma_start3A_299, %dma_start3A_300] : memref<10112x16xf32, #tpu.memory_space<vmem_shared>> -> memref<10112x16xf32, #tpu.memory_space<vmem_shared>>
          tpu.enqueue_indirect_dma source(%dma_start3A_301 : memref<10112x16xf32, #tpu.memory_space<vmem_shared>>) target(%arg13 : memref<256x16xf32, #tpu.memory_space<vmem>>) offsets(%dma_start3A_298 : memref<256xi32, #tpu.memory_space<vmem>>) semaphore(%arg24 : memref<!tpu.dma_semaphore, #tpu.memory_space<semaphore_mem>>)
        } else {
        }
      } else {
      }
      %mul3A_144 = arith.constant 8 : i32
      %mul3A_145 = arith.muli %mul3A_144, %scan3A_101 : i32
      %add3A_146 = arith.constant 2 : i32
      %add3A_147 = arith.addi %mul3A_145, %add3A_146 : i32
      %dma_wait3A_148 = arith.constant 0 : i32
      %dma_wait3A_149 = tpu.memref_slice %arg6[%add3A_147, %dma_wait3A_148] : memref<80x256xi32, #tpu.memory_space<vmem>> -> memref<1x256xi32, #tpu.memory_space<vmem>>
      %dma_wait3A_150 = tpu.memref_squeeze %dma_wait3A_149 : memref<1x256xi32, #tpu.memory_space<vmem>> -> memref<256xi32, #tpu.memory_space<vmem>>
      %dma_wait3A_151 = arith.constant 0 : i32
      %dma_wait3A_152 = arith.constant 0 : i32
      %dma_wait3A_153 = tpu.memref_slice %arg17[%dma_wait3A_151, %dma_wait3A_152] : memref<10112x16xf32, #tpu.memory_space<vmem_shared>> -> memref<10112x16xf32, #tpu.memory_space<vmem_shared>>
      tpu.wait_indirect_dma semaphore(%arg21 : memref<!tpu.dma_semaphore, #tpu.memory_space<semaphore_mem>>) src(%dma_wait3A_153 : memref<10112x16xf32, #tpu.memory_space<vmem_shared>>) dst(%arg10 : memref<256x16xf32, #tpu.memory_space<vmem>>)
      %dma_start3A_154 = arith.constant 0 : i32
      %dma_start3A_155 = tpu.memref_slice %arg7[%add3A_147, %dma_start3A_154] : memref<80x256xi32, #tpu.memory_space<vmem>> -> memref<1x256xi32, #tpu.memory_space<vmem>>
      %dma_start3A_156 = tpu.memref_squeeze %dma_start3A_155 : memref<1x256xi32, #tpu.memory_space<vmem>> -> memref<256xi32, #tpu.memory_space<vmem>>
      %dma_start3A_157 = arith.constant 0 : i32
      %dma_start3A_158 = arith.constant 0 : i32
      %dma_start3A_159 = tpu.memref_slice %arg18[%dma_start3A_157, %dma_start3A_158] : memref<10112x16xf32, #tpu.memory_space<vmem_shared>> -> memref<10112x16xf32, #tpu.memory_space<vmem_shared>>
      tpu.enqueue_indirect_dma source(%arg10 : memref<256x16xf32, #tpu.memory_space<vmem>>) target(%dma_start3A_159 : memref<10112x16xf32, #tpu.memory_space<vmem_shared>>) offsets(%dma_start3A_156 : memref<256xi32, #tpu.memory_space<vmem>>) semaphore(%arg29 : memref<!tpu.dma_semaphore, #tpu.memory_space<semaphore_mem>>) {add = true}
      %sub3A_160 = arith.constant 4 : i32
      %sub3A_161 = arith.subi %add3A_147, %sub3A_160 : i32
      %ge3A_162 = arith.constant 0 : i32
      %ge3A_163 = arith.cmpi sge, %sub3A_161, %ge3A_162 : i32
      %convert_element_type3A_164 = arith.extui %ge3A_163 : i1 to i32
      %cond3A_165 = arith.constant 0 : i32
      %cond3A_166 = arith.cmpi ne, %convert_element_type3A_164, %cond3A_165 : i32
      scf.if %cond3A_166 {
        %dma_wait3A_282 = arith.constant 0 : i32
        %dma_wait3A_283 = tpu.memref_slice %arg7[%sub3A_161, %dma_wait3A_282] : memref<80x256xi32, #tpu.memory_space<vmem>> -> memref<1x256xi32, #tpu.memory_space<vmem>>
        %dma_wait3A_284 = tpu.memref_squeeze %dma_wait3A_283 : memref<1x256xi32, #tpu.memory_space<vmem>> -> memref<256xi32, #tpu.memory_space<vmem>>
        %dma_wait3A_285 = arith.constant 0 : i32
        %dma_wait3A_286 = arith.constant 0 : i32
        %dma_wait3A_287 = tpu.memref_slice %arg18[%dma_wait3A_285, %dma_wait3A_286] : memref<10112x16xf32, #tpu.memory_space<vmem_shared>> -> memref<10112x16xf32, #tpu.memory_space<vmem_shared>>
        tpu.wait_indirect_dma semaphore(%arg33 : memref<!tpu.dma_semaphore, #tpu.memory_space<semaphore_mem>>) src(%arg14 : memref<256x16xf32, #tpu.memory_space<vmem>>) dst(%dma_wait3A_287 : memref<10112x16xf32, #tpu.memory_space<vmem_shared>>)
        %add3A_288 = arith.constant 8 : i32
        %add3A_289 = arith.addi %sub3A_161, %add3A_288 : i32
        %lt3A = arith.constant 80 : i32
        %lt3A_290 = arith.cmpi slt, %add3A_289, %lt3A : i32
        %convert_element_type3A_291 = arith.extui %lt3A_290 : i1 to i32
        %cond3A_292 = arith.constant 0 : i32
        %cond3A_293 = arith.cmpi ne, %convert_element_type3A_291, %cond3A_292 : i32
        scf.if %cond3A_293 {
          %add3A_294 = arith.constant 8 : i32
          %add3A_295 = arith.addi %sub3A_161, %add3A_294 : i32
          %dma_start3A_296 = arith.constant 0 : i32
          %dma_start3A_297 = tpu.memref_slice %arg6[%add3A_295, %dma_start3A_296] : memref<80x256xi32, #tpu.memory_space<vmem>> -> memref<1x256xi32, #tpu.memory_space<vmem>>
          %dma_start3A_298 = tpu.memref_squeeze %dma_start3A_297 : memref<1x256xi32, #tpu.memory_space<vmem>> -> memref<256xi32, #tpu.memory_space<vmem>>
          %dma_start3A_299 = arith.constant 0 : i32
          %dma_start3A_300 = arith.constant 0 : i32
          %dma_start3A_301 = tpu.memref_slice %arg17[%dma_start3A_299, %dma_start3A_300] : memref<10112x16xf32, #tpu.memory_space<vmem_shared>> -> memref<10112x16xf32, #tpu.memory_space<vmem_shared>>
          tpu.enqueue_indirect_dma source(%dma_start3A_301 : memref<10112x16xf32, #tpu.memory_space<vmem_shared>>) target(%arg14 : memref<256x16xf32, #tpu.memory_space<vmem>>) offsets(%dma_start3A_298 : memref<256xi32, #tpu.memory_space<vmem>>) semaphore(%arg25 : memref<!tpu.dma_semaphore, #tpu.memory_space<semaphore_mem>>)
        } else {
        }
      } else {
      }
      %mul3A_167 = arith.constant 8 : i32
      %mul3A_168 = arith.muli %mul3A_167, %scan3A_101 : i32
      %add3A_169 = arith.constant 3 : i32
      %add3A_170 = arith.addi %mul3A_168, %add3A_169 : i32
      %dma_wait3A_171 = arith.constant 0 : i32
      %dma_wait3A_172 = tpu.memref_slice %arg6[%add3A_170, %dma_wait3A_171] : memref<80x256xi32, #tpu.memory_space<vmem>> -> memref<1x256xi32, #tpu.memory_space<vmem>>
      %dma_wait3A_173 = tpu.memref_squeeze %dma_wait3A_172 : memref<1x256xi32, #tpu.memory_space<vmem>> -> memref<256xi32, #tpu.memory_space<vmem>>
      %dma_wait3A_174 = arith.constant 0 : i32
      %dma_wait3A_175 = arith.constant 0 : i32
      %dma_wait3A_176 = tpu.memref_slice %arg17[%dma_wait3A_174, %dma_wait3A_175] : memref<10112x16xf32, #tpu.memory_space<vmem_shared>> -> memref<10112x16xf32, #tpu.memory_space<vmem_shared>>
      tpu.wait_indirect_dma semaphore(%arg22 : memref<!tpu.dma_semaphore, #tpu.memory_space<semaphore_mem>>) src(%dma_wait3A_176 : memref<10112x16xf32, #tpu.memory_space<vmem_shared>>) dst(%arg11 : memref<256x16xf32, #tpu.memory_space<vmem>>)
      %dma_start3A_177 = arith.constant 0 : i32
      %dma_start3A_178 = tpu.memref_slice %arg7[%add3A_170, %dma_start3A_177] : memref<80x256xi32, #tpu.memory_space<vmem>> -> memref<1x256xi32, #tpu.memory_space<vmem>>
      %dma_start3A_179 = tpu.memref_squeeze %dma_start3A_178 : memref<1x256xi32, #tpu.memory_space<vmem>> -> memref<256xi32, #tpu.memory_space<vmem>>
      %dma_start3A_180 = arith.constant 0 : i32
      %dma_start3A_181 = arith.constant 0 : i32
      %dma_start3A_182 = tpu.memref_slice %arg18[%dma_start3A_180, %dma_start3A_181] : memref<10112x16xf32, #tpu.memory_space<vmem_shared>> -> memref<10112x16xf32, #tpu.memory_space<vmem_shared>>
      tpu.enqueue_indirect_dma source(%arg11 : memref<256x16xf32, #tpu.memory_space<vmem>>) target(%dma_start3A_182 : memref<10112x16xf32, #tpu.memory_space<vmem_shared>>) offsets(%dma_start3A_179 : memref<256xi32, #tpu.memory_space<vmem>>) semaphore(%arg30 : memref<!tpu.dma_semaphore, #tpu.memory_space<semaphore_mem>>) {add = true}
      %sub3A_183 = arith.constant 4 : i32
      %sub3A_184 = arith.subi %add3A_170, %sub3A_183 : i32
      %ge3A_185 = arith.constant 0 : i32
      %ge3A_186 = arith.cmpi sge, %sub3A_184, %ge3A_185 : i32
      %convert_element_type3A_187 = arith.extui %ge3A_186 : i1 to i32
      %cond3A_188 = arith.constant 0 : i32
      %cond3A_189 = arith.cmpi ne, %convert_element_type3A_187, %cond3A_188 : i32
      scf.if %cond3A_189 {
        %dma_wait3A_282 = arith.constant 0 : i32
        %dma_wait3A_283 = tpu.memref_slice %arg7[%sub3A_184, %dma_wait3A_282] : memref<80x256xi32, #tpu.memory_space<vmem>> -> memref<1x256xi32, #tpu.memory_space<vmem>>
        %dma_wait3A_284 = tpu.memref_squeeze %dma_wait3A_283 : memref<1x256xi32, #tpu.memory_space<vmem>> -> memref<256xi32, #tpu.memory_space<vmem>>
        %dma_wait3A_285 = arith.constant 0 : i32
        %dma_wait3A_286 = arith.constant 0 : i32
        %dma_wait3A_287 = tpu.memref_slice %arg18[%dma_wait3A_285, %dma_wait3A_286] : memref<10112x16xf32, #tpu.memory_space<vmem_shared>> -> memref<10112x16xf32, #tpu.memory_space<vmem_shared>>
        tpu.wait_indirect_dma semaphore(%arg34 : memref<!tpu.dma_semaphore, #tpu.memory_space<semaphore_mem>>) src(%arg15 : memref<256x16xf32, #tpu.memory_space<vmem>>) dst(%dma_wait3A_287 : memref<10112x16xf32, #tpu.memory_space<vmem_shared>>)
        %add3A_288 = arith.constant 8 : i32
        %add3A_289 = arith.addi %sub3A_184, %add3A_288 : i32
        %lt3A = arith.constant 80 : i32
        %lt3A_290 = arith.cmpi slt, %add3A_289, %lt3A : i32
        %convert_element_type3A_291 = arith.extui %lt3A_290 : i1 to i32
        %cond3A_292 = arith.constant 0 : i32
        %cond3A_293 = arith.cmpi ne, %convert_element_type3A_291, %cond3A_292 : i32
        scf.if %cond3A_293 {
          %add3A_294 = arith.constant 8 : i32
          %add3A_295 = arith.addi %sub3A_184, %add3A_294 : i32
          %dma_start3A_296 = arith.constant 0 : i32
          %dma_start3A_297 = tpu.memref_slice %arg6[%add3A_295, %dma_start3A_296] : memref<80x256xi32, #tpu.memory_space<vmem>> -> memref<1x256xi32, #tpu.memory_space<vmem>>
          %dma_start3A_298 = tpu.memref_squeeze %dma_start3A_297 : memref<1x256xi32, #tpu.memory_space<vmem>> -> memref<256xi32, #tpu.memory_space<vmem>>
          %dma_start3A_299 = arith.constant 0 : i32
          %dma_start3A_300 = arith.constant 0 : i32
          %dma_start3A_301 = tpu.memref_slice %arg17[%dma_start3A_299, %dma_start3A_300] : memref<10112x16xf32, #tpu.memory_space<vmem_shared>> -> memref<10112x16xf32, #tpu.memory_space<vmem_shared>>
          tpu.enqueue_indirect_dma source(%dma_start3A_301 : memref<10112x16xf32, #tpu.memory_space<vmem_shared>>) target(%arg15 : memref<256x16xf32, #tpu.memory_space<vmem>>) offsets(%dma_start3A_298 : memref<256xi32, #tpu.memory_space<vmem>>) semaphore(%arg26 : memref<!tpu.dma_semaphore, #tpu.memory_space<semaphore_mem>>)
        } else {
        }
      } else {
      }
      %mul3A_190 = arith.constant 8 : i32
      %mul3A_191 = arith.muli %mul3A_190, %scan3A_101 : i32
      %add3A_192 = arith.constant 4 : i32
      %add3A_193 = arith.addi %mul3A_191, %add3A_192 : i32
      %dma_wait3A_194 = arith.constant 0 : i32
      %dma_wait3A_195 = tpu.memref_slice %arg6[%add3A_193, %dma_wait3A_194] : memref<80x256xi32, #tpu.memory_space<vmem>> -> memref<1x256xi32, #tpu.memory_space<vmem>>
      %dma_wait3A_196 = tpu.memref_squeeze %dma_wait3A_195 : memref<1x256xi32, #tpu.memory_space<vmem>> -> memref<256xi32, #tpu.memory_space<vmem>>
      %dma_wait3A_197 = arith.constant 0 : i32
      %dma_wait3A_198 = arith.constant 0 : i32
      %dma_wait3A_199 = tpu.memref_slice %arg17[%dma_wait3A_197, %dma_wait3A_198] : memref<10112x16xf32, #tpu.memory_space<vmem_shared>> -> memref<10112x16xf32, #tpu.memory_space<vmem_shared>>
      tpu.wait_indirect_dma semaphore(%arg23 : memref<!tpu.dma_semaphore, #tpu.memory_space<semaphore_mem>>) src(%dma_wait3A_199 : memref<10112x16xf32, #tpu.memory_space<vmem_shared>>) dst(%arg12 : memref<256x16xf32, #tpu.memory_space<vmem>>)
      %dma_start3A_200 = arith.constant 0 : i32
      %dma_start3A_201 = tpu.memref_slice %arg7[%add3A_193, %dma_start3A_200] : memref<80x256xi32, #tpu.memory_space<vmem>> -> memref<1x256xi32, #tpu.memory_space<vmem>>
      %dma_start3A_202 = tpu.memref_squeeze %dma_start3A_201 : memref<1x256xi32, #tpu.memory_space<vmem>> -> memref<256xi32, #tpu.memory_space<vmem>>
      %dma_start3A_203 = arith.constant 0 : i32
      %dma_start3A_204 = arith.constant 0 : i32
      %dma_start3A_205 = tpu.memref_slice %arg18[%dma_start3A_203, %dma_start3A_204] : memref<10112x16xf32, #tpu.memory_space<vmem_shared>> -> memref<10112x16xf32, #tpu.memory_space<vmem_shared>>
      tpu.enqueue_indirect_dma source(%arg12 : memref<256x16xf32, #tpu.memory_space<vmem>>) target(%dma_start3A_205 : memref<10112x16xf32, #tpu.memory_space<vmem_shared>>) offsets(%dma_start3A_202 : memref<256xi32, #tpu.memory_space<vmem>>) semaphore(%arg31 : memref<!tpu.dma_semaphore, #tpu.memory_space<semaphore_mem>>) {add = true}
      %sub3A_206 = arith.constant 4 : i32
      %sub3A_207 = arith.subi %add3A_193, %sub3A_206 : i32
      %ge3A_208 = arith.constant 0 : i32
      %ge3A_209 = arith.cmpi sge, %sub3A_207, %ge3A_208 : i32
      %convert_element_type3A_210 = arith.extui %ge3A_209 : i1 to i32
      %cond3A_211 = arith.constant 0 : i32
      %cond3A_212 = arith.cmpi ne, %convert_element_type3A_210, %cond3A_211 : i32
      scf.if %cond3A_212 {
        %dma_wait3A_282 = arith.constant 0 : i32
        %dma_wait3A_283 = tpu.memref_slice %arg7[%sub3A_207, %dma_wait3A_282] : memref<80x256xi32, #tpu.memory_space<vmem>> -> memref<1x256xi32, #tpu.memory_space<vmem>>
        %dma_wait3A_284 = tpu.memref_squeeze %dma_wait3A_283 : memref<1x256xi32, #tpu.memory_space<vmem>> -> memref<256xi32, #tpu.memory_space<vmem>>
        %dma_wait3A_285 = arith.constant 0 : i32
        %dma_wait3A_286 = arith.constant 0 : i32
        %dma_wait3A_287 = tpu.memref_slice %arg18[%dma_wait3A_285, %dma_wait3A_286] : memref<10112x16xf32, #tpu.memory_space<vmem_shared>> -> memref<10112x16xf32, #tpu.memory_space<vmem_shared>>
        tpu.wait_indirect_dma semaphore(%arg27 : memref<!tpu.dma_semaphore, #tpu.memory_space<semaphore_mem>>) src(%arg8 : memref<256x16xf32, #tpu.memory_space<vmem>>) dst(%dma_wait3A_287 : memref<10112x16xf32, #tpu.memory_space<vmem_shared>>)
        %add3A_288 = arith.constant 8 : i32
        %add3A_289 = arith.addi %sub3A_207, %add3A_288 : i32
        %lt3A = arith.constant 80 : i32
        %lt3A_290 = arith.cmpi slt, %add3A_289, %lt3A : i32
        %convert_element_type3A_291 = arith.extui %lt3A_290 : i1 to i32
        %cond3A_292 = arith.constant 0 : i32
        %cond3A_293 = arith.cmpi ne, %convert_element_type3A_291, %cond3A_292 : i32
        scf.if %cond3A_293 {
          %add3A_294 = arith.constant 8 : i32
          %add3A_295 = arith.addi %sub3A_207, %add3A_294 : i32
          %dma_start3A_296 = arith.constant 0 : i32
          %dma_start3A_297 = tpu.memref_slice %arg6[%add3A_295, %dma_start3A_296] : memref<80x256xi32, #tpu.memory_space<vmem>> -> memref<1x256xi32, #tpu.memory_space<vmem>>
          %dma_start3A_298 = tpu.memref_squeeze %dma_start3A_297 : memref<1x256xi32, #tpu.memory_space<vmem>> -> memref<256xi32, #tpu.memory_space<vmem>>
          %dma_start3A_299 = arith.constant 0 : i32
          %dma_start3A_300 = arith.constant 0 : i32
          %dma_start3A_301 = tpu.memref_slice %arg17[%dma_start3A_299, %dma_start3A_300] : memref<10112x16xf32, #tpu.memory_space<vmem_shared>> -> memref<10112x16xf32, #tpu.memory_space<vmem_shared>>
          tpu.enqueue_indirect_dma source(%dma_start3A_301 : memref<10112x16xf32, #tpu.memory_space<vmem_shared>>) target(%arg8 : memref<256x16xf32, #tpu.memory_space<vmem>>) offsets(%dma_start3A_298 : memref<256xi32, #tpu.memory_space<vmem>>) semaphore(%arg19 : memref<!tpu.dma_semaphore, #tpu.memory_space<semaphore_mem>>)
        } else {
        }
      } else {
      }
      %mul3A_213 = arith.constant 8 : i32
      %mul3A_214 = arith.muli %mul3A_213, %scan3A_101 : i32
      %add3A_215 = arith.constant 5 : i32
      %add3A_216 = arith.addi %mul3A_214, %add3A_215 : i32
      %dma_wait3A_217 = arith.constant 0 : i32
      %dma_wait3A_218 = tpu.memref_slice %arg6[%add3A_216, %dma_wait3A_217] : memref<80x256xi32, #tpu.memory_space<vmem>> -> memref<1x256xi32, #tpu.memory_space<vmem>>
      %dma_wait3A_219 = tpu.memref_squeeze %dma_wait3A_218 : memref<1x256xi32, #tpu.memory_space<vmem>> -> memref<256xi32, #tpu.memory_space<vmem>>
      %dma_wait3A_220 = arith.constant 0 : i32
      %dma_wait3A_221 = arith.constant 0 : i32
      %dma_wait3A_222 = tpu.memref_slice %arg17[%dma_wait3A_220, %dma_wait3A_221] : memref<10112x16xf32, #tpu.memory_space<vmem_shared>> -> memref<10112x16xf32, #tpu.memory_space<vmem_shared>>
      tpu.wait_indirect_dma semaphore(%arg24 : memref<!tpu.dma_semaphore, #tpu.memory_space<semaphore_mem>>) src(%dma_wait3A_222 : memref<10112x16xf32, #tpu.memory_space<vmem_shared>>) dst(%arg13 : memref<256x16xf32, #tpu.memory_space<vmem>>)
      %dma_start3A_223 = arith.constant 0 : i32
      %dma_start3A_224 = tpu.memref_slice %arg7[%add3A_216, %dma_start3A_223] : memref<80x256xi32, #tpu.memory_space<vmem>> -> memref<1x256xi32, #tpu.memory_space<vmem>>
      %dma_start3A_225 = tpu.memref_squeeze %dma_start3A_224 : memref<1x256xi32, #tpu.memory_space<vmem>> -> memref<256xi32, #tpu.memory_space<vmem>>
      %dma_start3A_226 = arith.constant 0 : i32
      %dma_start3A_227 = arith.constant 0 : i32
      %dma_start3A_228 = tpu.memref_slice %arg18[%dma_start3A_226, %dma_start3A_227] : memref<10112x16xf32, #tpu.memory_space<vmem_shared>> -> memref<10112x16xf32, #tpu.memory_space<vmem_shared>>
      tpu.enqueue_indirect_dma source(%arg13 : memref<256x16xf32, #tpu.memory_space<vmem>>) target(%dma_start3A_228 : memref<10112x16xf32, #tpu.memory_space<vmem_shared>>) offsets(%dma_start3A_225 : memref<256xi32, #tpu.memory_space<vmem>>) semaphore(%arg32 : memref<!tpu.dma_semaphore, #tpu.memory_space<semaphore_mem>>) {add = true}
      %sub3A_229 = arith.constant 4 : i32
      %sub3A_230 = arith.subi %add3A_216, %sub3A_229 : i32
      %ge3A_231 = arith.constant 0 : i32
      %ge3A_232 = arith.cmpi sge, %sub3A_230, %ge3A_231 : i32
      %convert_element_type3A_233 = arith.extui %ge3A_232 : i1 to i32
      %cond3A_234 = arith.constant 0 : i32
      %cond3A_235 = arith.cmpi ne, %convert_element_type3A_233, %cond3A_234 : i32
      scf.if %cond3A_235 {
        %dma_wait3A_282 = arith.constant 0 : i32
        %dma_wait3A_283 = tpu.memref_slice %arg7[%sub3A_230, %dma_wait3A_282] : memref<80x256xi32, #tpu.memory_space<vmem>> -> memref<1x256xi32, #tpu.memory_space<vmem>>
        %dma_wait3A_284 = tpu.memref_squeeze %dma_wait3A_283 : memref<1x256xi32, #tpu.memory_space<vmem>> -> memref<256xi32, #tpu.memory_space<vmem>>
        %dma_wait3A_285 = arith.constant 0 : i32
        %dma_wait3A_286 = arith.constant 0 : i32
        %dma_wait3A_287 = tpu.memref_slice %arg18[%dma_wait3A_285, %dma_wait3A_286] : memref<10112x16xf32, #tpu.memory_space<vmem_shared>> -> memref<10112x16xf32, #tpu.memory_space<vmem_shared>>
        tpu.wait_indirect_dma semaphore(%arg28 : memref<!tpu.dma_semaphore, #tpu.memory_space<semaphore_mem>>) src(%arg9 : memref<256x16xf32, #tpu.memory_space<vmem>>) dst(%dma_wait3A_287 : memref<10112x16xf32, #tpu.memory_space<vmem_shared>>)
        %add3A_288 = arith.constant 8 : i32
        %add3A_289 = arith.addi %sub3A_230, %add3A_288 : i32
        %lt3A = arith.constant 80 : i32
        %lt3A_290 = arith.cmpi slt, %add3A_289, %lt3A : i32
        %convert_element_type3A_291 = arith.extui %lt3A_290 : i1 to i32
        %cond3A_292 = arith.constant 0 : i32
        %cond3A_293 = arith.cmpi ne, %convert_element_type3A_291, %cond3A_292 : i32
        scf.if %cond3A_293 {
          %add3A_294 = arith.constant 8 : i32
          %add3A_295 = arith.addi %sub3A_230, %add3A_294 : i32
          %dma_start3A_296 = arith.constant 0 : i32
          %dma_start3A_297 = tpu.memref_slice %arg6[%add3A_295, %dma_start3A_296] : memref<80x256xi32, #tpu.memory_space<vmem>> -> memref<1x256xi32, #tpu.memory_space<vmem>>
          %dma_start3A_298 = tpu.memref_squeeze %dma_start3A_297 : memref<1x256xi32, #tpu.memory_space<vmem>> -> memref<256xi32, #tpu.memory_space<vmem>>
          %dma_start3A_299 = arith.constant 0 : i32
          %dma_start3A_300 = arith.constant 0 : i32
          %dma_start3A_301 = tpu.memref_slice %arg17[%dma_start3A_299, %dma_start3A_300] : memref<10112x16xf32, #tpu.memory_space<vmem_shared>> -> memref<10112x16xf32, #tpu.memory_space<vmem_shared>>
          tpu.enqueue_indirect_dma source(%dma_start3A_301 : memref<10112x16xf32, #tpu.memory_space<vmem_shared>>) target(%arg9 : memref<256x16xf32, #tpu.memory_space<vmem>>) offsets(%dma_start3A_298 : memref<256xi32, #tpu.memory_space<vmem>>) semaphore(%arg20 : memref<!tpu.dma_semaphore, #tpu.memory_space<semaphore_mem>>)
        } else {
        }
      } else {
      }
      %mul3A_236 = arith.constant 8 : i32
      %mul3A_237 = arith.muli %mul3A_236, %scan3A_101 : i32
      %add3A_238 = arith.constant 6 : i32
      %add3A_239 = arith.addi %mul3A_237, %add3A_238 : i32
      %dma_wait3A_240 = arith.constant 0 : i32
      %dma_wait3A_241 = tpu.memref_slice %arg6[%add3A_239, %dma_wait3A_240] : memref<80x256xi32, #tpu.memory_space<vmem>> -> memref<1x256xi32, #tpu.memory_space<vmem>>
      %dma_wait3A_242 = tpu.memref_squeeze %dma_wait3A_241 : memref<1x256xi32, #tpu.memory_space<vmem>> -> memref<256xi32, #tpu.memory_space<vmem>>
      %dma_wait3A_243 = arith.constant 0 : i32
      %dma_wait3A_244 = arith.constant 0 : i32
      %dma_wait3A_245 = tpu.memref_slice %arg17[%dma_wait3A_243, %dma_wait3A_244] : memref<10112x16xf32, #tpu.memory_space<vmem_shared>> -> memref<10112x16xf32, #tpu.memory_space<vmem_shared>>
      tpu.wait_indirect_dma semaphore(%arg25 : memref<!tpu.dma_semaphore, #tpu.memory_space<semaphore_mem>>) src(%dma_wait3A_245 : memref<10112x16xf32, #tpu.memory_space<vmem_shared>>) dst(%arg14 : memref<256x16xf32, #tpu.memory_space<vmem>>)
      %dma_start3A_246 = arith.constant 0 : i32
      %dma_start3A_247 = tpu.memref_slice %arg7[%add3A_239, %dma_start3A_246] : memref<80x256xi32, #tpu.memory_space<vmem>> -> memref<1x256xi32, #tpu.memory_space<vmem>>
      %dma_start3A_248 = tpu.memref_squeeze %dma_start3A_247 : memref<1x256xi32, #tpu.memory_space<vmem>> -> memref<256xi32, #tpu.memory_space<vmem>>
      %dma_start3A_249 = arith.constant 0 : i32
      %dma_start3A_250 = arith.constant 0 : i32
      %dma_start3A_251 = tpu.memref_slice %arg18[%dma_start3A_249, %dma_start3A_250] : memref<10112x16xf32, #tpu.memory_space<vmem_shared>> -> memref<10112x16xf32, #tpu.memory_space<vmem_shared>>
      tpu.enqueue_indirect_dma source(%arg14 : memref<256x16xf32, #tpu.memory_space<vmem>>) target(%dma_start3A_251 : memref<10112x16xf32, #tpu.memory_space<vmem_shared>>) offsets(%dma_start3A_248 : memref<256xi32, #tpu.memory_space<vmem>>) semaphore(%arg33 : memref<!tpu.dma_semaphore, #tpu.memory_space<semaphore_mem>>) {add = true}
      %sub3A_252 = arith.constant 4 : i32
      %sub3A_253 = arith.subi %add3A_239, %sub3A_252 : i32
      %ge3A_254 = arith.constant 0 : i32
      %ge3A_255 = arith.cmpi sge, %sub3A_253, %ge3A_254 : i32
      %convert_element_type3A_256 = arith.extui %ge3A_255 : i1 to i32
      %cond3A_257 = arith.constant 0 : i32
      %cond3A_258 = arith.cmpi ne, %convert_element_type3A_256, %cond3A_257 : i32
      scf.if %cond3A_258 {
        %dma_wait3A_282 = arith.constant 0 : i32
        %dma_wait3A_283 = tpu.memref_slice %arg7[%sub3A_253, %dma_wait3A_282] : memref<80x256xi32, #tpu.memory_space<vmem>> -> memref<1x256xi32, #tpu.memory_space<vmem>>
        %dma_wait3A_284 = tpu.memref_squeeze %dma_wait3A_283 : memref<1x256xi32, #tpu.memory_space<vmem>> -> memref<256xi32, #tpu.memory_space<vmem>>
        %dma_wait3A_285 = arith.constant 0 : i32
        %dma_wait3A_286 = arith.constant 0 : i32
        %dma_wait3A_287 = tpu.memref_slice %arg18[%dma_wait3A_285, %dma_wait3A_286] : memref<10112x16xf32, #tpu.memory_space<vmem_shared>> -> memref<10112x16xf32, #tpu.memory_space<vmem_shared>>
        tpu.wait_indirect_dma semaphore(%arg29 : memref<!tpu.dma_semaphore, #tpu.memory_space<semaphore_mem>>) src(%arg10 : memref<256x16xf32, #tpu.memory_space<vmem>>) dst(%dma_wait3A_287 : memref<10112x16xf32, #tpu.memory_space<vmem_shared>>)
        %add3A_288 = arith.constant 8 : i32
        %add3A_289 = arith.addi %sub3A_253, %add3A_288 : i32
        %lt3A = arith.constant 80 : i32
        %lt3A_290 = arith.cmpi slt, %add3A_289, %lt3A : i32
        %convert_element_type3A_291 = arith.extui %lt3A_290 : i1 to i32
        %cond3A_292 = arith.constant 0 : i32
        %cond3A_293 = arith.cmpi ne, %convert_element_type3A_291, %cond3A_292 : i32
        scf.if %cond3A_293 {
          %add3A_294 = arith.constant 8 : i32
          %add3A_295 = arith.addi %sub3A_253, %add3A_294 : i32
          %dma_start3A_296 = arith.constant 0 : i32
          %dma_start3A_297 = tpu.memref_slice %arg6[%add3A_295, %dma_start3A_296] : memref<80x256xi32, #tpu.memory_space<vmem>> -> memref<1x256xi32, #tpu.memory_space<vmem>>
          %dma_start3A_298 = tpu.memref_squeeze %dma_start3A_297 : memref<1x256xi32, #tpu.memory_space<vmem>> -> memref<256xi32, #tpu.memory_space<vmem>>
          %dma_start3A_299 = arith.constant 0 : i32
          %dma_start3A_300 = arith.constant 0 : i32
          %dma_start3A_301 = tpu.memref_slice %arg17[%dma_start3A_299, %dma_start3A_300] : memref<10112x16xf32, #tpu.memory_space<vmem_shared>> -> memref<10112x16xf32, #tpu.memory_space<vmem_shared>>
          tpu.enqueue_indirect_dma source(%dma_start3A_301 : memref<10112x16xf32, #tpu.memory_space<vmem_shared>>) target(%arg10 : memref<256x16xf32, #tpu.memory_space<vmem>>) offsets(%dma_start3A_298 : memref<256xi32, #tpu.memory_space<vmem>>) semaphore(%arg21 : memref<!tpu.dma_semaphore, #tpu.memory_space<semaphore_mem>>)
        } else {
        }
      } else {
      }
      %mul3A_259 = arith.constant 8 : i32
      %mul3A_260 = arith.muli %mul3A_259, %scan3A_101 : i32
      %add3A_261 = arith.constant 7 : i32
      %add3A_262 = arith.addi %mul3A_260, %add3A_261 : i32
      %dma_wait3A_263 = arith.constant 0 : i32
      %dma_wait3A_264 = tpu.memref_slice %arg6[%add3A_262, %dma_wait3A_263] : memref<80x256xi32, #tpu.memory_space<vmem>> -> memref<1x256xi32, #tpu.memory_space<vmem>>
      %dma_wait3A_265 = tpu.memref_squeeze %dma_wait3A_264 : memref<1x256xi32, #tpu.memory_space<vmem>> -> memref<256xi32, #tpu.memory_space<vmem>>
      %dma_wait3A_266 = arith.constant 0 : i32
      %dma_wait3A_267 = arith.constant 0 : i32
      %dma_wait3A_268 = tpu.memref_slice %arg17[%dma_wait3A_266, %dma_wait3A_267] : memref<10112x16xf32, #tpu.memory_space<vmem_shared>> -> memref<10112x16xf32, #tpu.memory_space<vmem_shared>>
      tpu.wait_indirect_dma semaphore(%arg26 : memref<!tpu.dma_semaphore, #tpu.memory_space<semaphore_mem>>) src(%dma_wait3A_268 : memref<10112x16xf32, #tpu.memory_space<vmem_shared>>) dst(%arg15 : memref<256x16xf32, #tpu.memory_space<vmem>>)
      %dma_start3A_269 = arith.constant 0 : i32
      %dma_start3A_270 = tpu.memref_slice %arg7[%add3A_262, %dma_start3A_269] : memref<80x256xi32, #tpu.memory_space<vmem>> -> memref<1x256xi32, #tpu.memory_space<vmem>>
      %dma_start3A_271 = tpu.memref_squeeze %dma_start3A_270 : memref<1x256xi32, #tpu.memory_space<vmem>> -> memref<256xi32, #tpu.memory_space<vmem>>
      %dma_start3A_272 = arith.constant 0 : i32
      %dma_start3A_273 = arith.constant 0 : i32
      %dma_start3A_274 = tpu.memref_slice %arg18[%dma_start3A_272, %dma_start3A_273] : memref<10112x16xf32, #tpu.memory_space<vmem_shared>> -> memref<10112x16xf32, #tpu.memory_space<vmem_shared>>
      tpu.enqueue_indirect_dma source(%arg15 : memref<256x16xf32, #tpu.memory_space<vmem>>) target(%dma_start3A_274 : memref<10112x16xf32, #tpu.memory_space<vmem_shared>>) offsets(%dma_start3A_271 : memref<256xi32, #tpu.memory_space<vmem>>) semaphore(%arg34 : memref<!tpu.dma_semaphore, #tpu.memory_space<semaphore_mem>>) {add = true}
      %sub3A_275 = arith.constant 4 : i32
      %sub3A_276 = arith.subi %add3A_262, %sub3A_275 : i32
      %ge3A_277 = arith.constant 0 : i32
      %ge3A_278 = arith.cmpi sge, %sub3A_276, %ge3A_277 : i32
      %convert_element_type3A_279 = arith.extui %ge3A_278 : i1 to i32
      %cond3A_280 = arith.constant 0 : i32
      %cond3A_281 = arith.cmpi ne, %convert_element_type3A_279, %cond3A_280 : i32
      scf.if %cond3A_281 {
        %dma_wait3A_282 = arith.constant 0 : i32
        %dma_wait3A_283 = tpu.memref_slice %arg7[%sub3A_276, %dma_wait3A_282] : memref<80x256xi32, #tpu.memory_space<vmem>> -> memref<1x256xi32, #tpu.memory_space<vmem>>
        %dma_wait3A_284 = tpu.memref_squeeze %dma_wait3A_283 : memref<1x256xi32, #tpu.memory_space<vmem>> -> memref<256xi32, #tpu.memory_space<vmem>>
        %dma_wait3A_285 = arith.constant 0 : i32
        %dma_wait3A_286 = arith.constant 0 : i32
        %dma_wait3A_287 = tpu.memref_slice %arg18[%dma_wait3A_285, %dma_wait3A_286] : memref<10112x16xf32, #tpu.memory_space<vmem_shared>> -> memref<10112x16xf32, #tpu.memory_space<vmem_shared>>
        tpu.wait_indirect_dma semaphore(%arg30 : memref<!tpu.dma_semaphore, #tpu.memory_space<semaphore_mem>>) src(%arg11 : memref<256x16xf32, #tpu.memory_space<vmem>>) dst(%dma_wait3A_287 : memref<10112x16xf32, #tpu.memory_space<vmem_shared>>)
        %add3A_288 = arith.constant 8 : i32
        %add3A_289 = arith.addi %sub3A_276, %add3A_288 : i32
        %lt3A = arith.constant 80 : i32
        %lt3A_290 = arith.cmpi slt, %add3A_289, %lt3A : i32
        %convert_element_type3A_291 = arith.extui %lt3A_290 : i1 to i32
        %cond3A_292 = arith.constant 0 : i32
        %cond3A_293 = arith.cmpi ne, %convert_element_type3A_291, %cond3A_292 : i32
        scf.if %cond3A_293 {
          %add3A_294 = arith.constant 8 : i32
          %add3A_295 = arith.addi %sub3A_276, %add3A_294 : i32
          %dma_start3A_296 = arith.constant 0 : i32
          %dma_start3A_297 = tpu.memref_slice %arg6[%add3A_295, %dma_start3A_296] : memref<80x256xi32, #tpu.memory_space<vmem>> -> memref<1x256xi32, #tpu.memory_space<vmem>>
          %dma_start3A_298 = tpu.memref_squeeze %dma_start3A_297 : memref<1x256xi32, #tpu.memory_space<vmem>> -> memref<256xi32, #tpu.memory_space<vmem>>
          %dma_start3A_299 = arith.constant 0 : i32
          %dma_start3A_300 = arith.constant 0 : i32
          %dma_start3A_301 = tpu.memref_slice %arg17[%dma_start3A_299, %dma_start3A_300] : memref<10112x16xf32, #tpu.memory_space<vmem_shared>> -> memref<10112x16xf32, #tpu.memory_space<vmem_shared>>
          tpu.enqueue_indirect_dma source(%dma_start3A_301 : memref<10112x16xf32, #tpu.memory_space<vmem_shared>>) target(%arg11 : memref<256x16xf32, #tpu.memory_space<vmem>>) offsets(%dma_start3A_298 : memref<256xi32, #tpu.memory_space<vmem>>) semaphore(%arg22 : memref<!tpu.dma_semaphore, #tpu.memory_space<semaphore_mem>>)
        } else {
        }
      } else {
      }
    }
    %scan3A_72 = arith.constant 10 : i32
    %dma_wait3A = arith.constant 76 : i32
    %dma_wait3A_73 = arith.constant 0 : i32
    %dma_wait3A_74 = tpu.memref_slice %arg7[%dma_wait3A, %dma_wait3A_73] : memref<80x256xi32, #tpu.memory_space<vmem>> -> memref<1x256xi32, #tpu.memory_space<vmem>>
    %dma_wait3A_75 = tpu.memref_squeeze %dma_wait3A_74 : memref<1x256xi32, #tpu.memory_space<vmem>> -> memref<256xi32, #tpu.memory_space<vmem>>
    %dma_wait3A_76 = arith.constant 0 : i32
    %dma_wait3A_77 = arith.constant 0 : i32
    %dma_wait3A_78 = tpu.memref_slice %arg18[%dma_wait3A_76, %dma_wait3A_77] : memref<10112x16xf32, #tpu.memory_space<vmem_shared>> -> memref<10112x16xf32, #tpu.memory_space<vmem_shared>>
    tpu.wait_indirect_dma semaphore(%arg31 : memref<!tpu.dma_semaphore, #tpu.memory_space<semaphore_mem>>) src(%arg12 : memref<256x16xf32, #tpu.memory_space<vmem>>) dst(%dma_wait3A_78 : memref<10112x16xf32, #tpu.memory_space<vmem_shared>>)
    %dma_wait3A_79 = arith.constant 77 : i32
    %dma_wait3A_80 = arith.constant 0 : i32
    %dma_wait3A_81 = tpu.memref_slice %arg7[%dma_wait3A_79, %dma_wait3A_80] : memref<80x256xi32, #tpu.memory_space<vmem>> -> memref<1x256xi32, #tpu.memory_space<vmem>>
    %dma_wait3A_82 = tpu.memref_squeeze %dma_wait3A_81 : memref<1x256xi32, #tpu.memory_space<vmem>> -> memref<256xi32, #tpu.memory_space<vmem>>
    %dma_wait3A_83 = arith.constant 0 : i32
    %dma_wait3A_84 = arith.constant 0 : i32
    %dma_wait3A_85 = tpu.memref_slice %arg18[%dma_wait3A_83, %dma_wait3A_84] : memref<10112x16xf32, #tpu.memory_space<vmem_shared>> -> memref<10112x16xf32, #tpu.memory_space<vmem_shared>>
    tpu.wait_indirect_dma semaphore(%arg32 : memref<!tpu.dma_semaphore, #tpu.memory_space<semaphore_mem>>) src(%arg13 : memref<256x16xf32, #tpu.memory_space<vmem>>) dst(%dma_wait3A_85 : memref<10112x16xf32, #tpu.memory_space<vmem_shared>>)
    %dma_wait3A_86 = arith.constant 78 : i32
    %dma_wait3A_87 = arith.constant 0 : i32
    %dma_wait3A_88 = tpu.memref_slice %arg7[%dma_wait3A_86, %dma_wait3A_87] : memref<80x256xi32, #tpu.memory_space<vmem>> -> memref<1x256xi32, #tpu.memory_space<vmem>>
    %dma_wait3A_89 = tpu.memref_squeeze %dma_wait3A_88 : memref<1x256xi32, #tpu.memory_space<vmem>> -> memref<256xi32, #tpu.memory_space<vmem>>
    %dma_wait3A_90 = arith.constant 0 : i32
    %dma_wait3A_91 = arith.constant 0 : i32
    %dma_wait3A_92 = tpu.memref_slice %arg18[%dma_wait3A_90, %dma_wait3A_91] : memref<10112x16xf32, #tpu.memory_space<vmem_shared>> -> memref<10112x16xf32, #tpu.memory_space<vmem_shared>>
    tpu.wait_indirect_dma semaphore(%arg33 : memref<!tpu.dma_semaphore, #tpu.memory_space<semaphore_mem>>) src(%arg14 : memref<256x16xf32, #tpu.memory_space<vmem>>) dst(%dma_wait3A_92 : memref<10112x16xf32, #tpu.memory_space<vmem_shared>>)
    %dma_wait3A_93 = arith.constant 79 : i32
    %dma_wait3A_94 = arith.constant 0 : i32
    %dma_wait3A_95 = tpu.memref_slice %arg7[%dma_wait3A_93, %dma_wait3A_94] : memref<80x256xi32, #tpu.memory_space<vmem>> -> memref<1x256xi32, #tpu.memory_space<vmem>>
    %dma_wait3A_96 = tpu.memref_squeeze %dma_wait3A_95 : memref<1x256xi32, #tpu.memory_space<vmem>> -> memref<256xi32, #tpu.memory_space<vmem>>
    %dma_wait3A_97 = arith.constant 0 : i32
    %dma_wait3A_98 = arith.constant 0 : i32
    %dma_wait3A_99 = tpu.memref_slice %arg18[%dma_wait3A_97, %dma_wait3A_98] : memref<10112x16xf32, #tpu.memory_space<vmem_shared>> -> memref<10112x16xf32, #tpu.memory_space<vmem_shared>>
    tpu.wait_indirect_dma semaphore(%arg34 : memref<!tpu.dma_semaphore, #tpu.memory_space<semaphore_mem>>) src(%arg15 : memref<256x16xf32, #tpu.memory_space<vmem>>) dst(%dma_wait3A_99 : memref<10112x16xf32, #tpu.memory_space<vmem_shared>>)
    %barrier3A_100 = arith.constant 0 : index
    tpu.barrier barrier_id(%barrier3A_100)
    "tpu.region"() ({
      %run_scoped3A = tpu.sem_alloc : memref<!tpu.dma_semaphore, #tpu.memory_space<semaphore_mem>>
      %dma_start3A_101 = arith.constant 0 : i32
      %dma_start3A_102 = tpu.memref_slice %arg18[%mul3A_2, %dma_start3A_101] : memref<10112x16xf32, #tpu.memory_space<vmem_shared>> -> memref<632x16xf32, #tpu.memory_space<vmem_shared>>
      %dma_start3A_103 = arith.constant 0 : i32
      %dma_start3A_104 = tpu.memref_slice %arg18[%mul3A_2, %dma_start3A_103] : memref<10112x16xf32, #tpu.memory_space<vmem_shared>> -> memref<632x16xf32, #tpu.memory_space<vmem_shared>>
      tpu.enqueue_dma source(%dma_start3A_104 : memref<632x16xf32, #tpu.memory_space<vmem_shared>>) target(%arg16 : memref<632x16xf32, #tpu.memory_space<vmem>>) target_semaphore(%run_scoped3A : memref<!tpu.dma_semaphore, #tpu.memory_space<semaphore_mem>>)
      %dma_wait3A_105 = arith.constant 0 : i32
      %dma_wait3A_106 = tpu.memref_slice %arg18[%mul3A_2, %dma_wait3A_105] : memref<10112x16xf32, #tpu.memory_space<vmem_shared>> -> memref<632x16xf32, #tpu.memory_space<vmem_shared>>
      %dma_wait3A_107 = arith.constant 0 : i32
      %dma_wait3A_108 = tpu.memref_slice %arg18[%mul3A_2, %dma_wait3A_107] : memref<10112x16xf32, #tpu.memory_space<vmem_shared>> -> memref<632x16xf32, #tpu.memory_space<vmem_shared>>
      tpu.wait_dma2 semaphore(%run_scoped3A : memref<!tpu.dma_semaphore, #tpu.memory_space<semaphore_mem>>) src(%dma_wait3A_108 : memref<632x16xf32, #tpu.memory_space<vmem_shared>>) dst(%arg16 : memref<632x16xf32, #tpu.memory_space<vmem>>)
      tpu.yield
    }) : () -> ()
    "tpu.region"() ({
      %run_scoped3A = tpu.sem_alloc : memref<!tpu.dma_semaphore, #tpu.memory_space<semaphore_mem>>
      %dma_start3A_101 = arith.constant 0 : i32
      %dma_start3A_102 = tpu.memref_slice %arg5[%arg0, %mul3A_2, %dma_start3A_101] : memref<2x10112x16xf32, #tpu.memory_space<hbm>> -> memref<1x632x16xf32, #tpu.memory_space<hbm>>
      %dma_start3A_103 = tpu.memref_squeeze %dma_start3A_102 : memref<1x632x16xf32, #tpu.memory_space<hbm>> -> memref<632x16xf32, #tpu.memory_space<hbm>>
      %dma_start3A_104 = arith.constant 0 : i32
      %dma_start3A_105 = tpu.memref_slice %arg5[%arg0, %mul3A_2, %dma_start3A_104] : memref<2x10112x16xf32, #tpu.memory_space<hbm>> -> memref<1x632x16xf32, #tpu.memory_space<hbm>>
      %dma_start3A_106 = tpu.memref_squeeze %dma_start3A_105 : memref<1x632x16xf32, #tpu.memory_space<hbm>> -> memref<632x16xf32, #tpu.memory_space<hbm>>
      tpu.enqueue_dma source(%arg16 : memref<632x16xf32, #tpu.memory_space<vmem>>) target(%dma_start3A_106 : memref<632x16xf32, #tpu.memory_space<hbm>>) target_semaphore(%run_scoped3A : memref<!tpu.dma_semaphore, #tpu.memory_space<semaphore_mem>>)
      %dma_wait3A_107 = arith.constant 0 : i32
      %dma_wait3A_108 = tpu.memref_slice %arg5[%arg0, %mul3A_2, %dma_wait3A_107] : memref<2x10112x16xf32, #tpu.memory_space<hbm>> -> memref<1x632x16xf32, #tpu.memory_space<hbm>>
      %dma_wait3A_109 = tpu.memref_squeeze %dma_wait3A_108 : memref<1x632x16xf32, #tpu.memory_space<hbm>> -> memref<632x16xf32, #tpu.memory_space<hbm>>
      %dma_wait3A_110 = arith.constant 0 : i32
      %dma_wait3A_111 = tpu.memref_slice %arg5[%arg0, %mul3A_2, %dma_wait3A_110] : memref<2x10112x16xf32, #tpu.memory_space<hbm>> -> memref<1x632x16xf32, #tpu.memory_space<hbm>>
      %dma_wait3A_112 = tpu.memref_squeeze %dma_wait3A_111 : memref<1x632x16xf32, #tpu.memory_space<hbm>> -> memref<632x16xf32, #tpu.memory_space<hbm>>
      tpu.wait_dma2 semaphore(%run_scoped3A : memref<!tpu.dma_semaphore, #tpu.memory_space<semaphore_mem>>) src(%arg16 : memref<632x16xf32, #tpu.memory_space<vmem>>) dst(%dma_wait3A_112 : memref<632x16xf32, #tpu.memory_space<hbm>>)
      tpu.yield
    }) : () -> ()
    return
  }
}

#map = affine_map<(d0, d1) -> (0, 0)>
#map1 = affine_map<(d0, d1) -> (0, 0, 0)>
module attributes {stable_mosaic.version = 14 : i64} {
  func.func @_sc_pass2_body(%arg0: i32, %arg1: i32, %arg2: memref<10112x16xf32, #tpu.memory_space<hbm>>, %arg3: memref<2x10112x16xf32, #tpu.memory_space<hbm>>, %arg4: memref<10112x16xf32, #tpu.memory_space<hbm>>, %arg5: memref<2560x256xi32, #tpu.memory_space<hbm>>, %arg6: memref<2560x256xi32, #tpu.memory_space<hbm>>, %arg7: memref<2x10112x16xf32, #tpu.memory_space<hbm>>, %arg8: memref<80x256xi32, #tpu.memory_space<vmem>>, %arg9: memref<80x256xi32, #tpu.memory_space<vmem>>, %arg10: memref<256x16xf32, #tpu.memory_space<vmem>>, %arg11: memref<256x16xf32, #tpu.memory_space<vmem>>, %arg12: memref<256x16xf32, #tpu.memory_space<vmem>>, %arg13: memref<256x16xf32, #tpu.memory_space<vmem>>, %arg14: memref<256x16xf32, #tpu.memory_space<vmem>>, %arg15: memref<256x16xf32, #tpu.memory_space<vmem>>, %arg16: memref<632x16xf32, #tpu.memory_space<vmem>>, %arg17: memref<320x16xf32, #tpu.memory_space<vmem>>, %arg18: memref<320x16xf32, #tpu.memory_space<vmem>>, %arg19: memref<10112x16xf32, #tpu.memory_space<vmem_shared>>, %arg20: memref<10112x16xf32, #tpu.memory_space<vmem_shared>>, %arg21: memref<10112x16xf32, #tpu.memory_space<vmem_shared>>, %arg22: memref<!tpu.dma_semaphore, #tpu.memory_space<semaphore_mem>>, %arg23: memref<!tpu.dma_semaphore, #tpu.memory_space<semaphore_mem>>, %arg24: memref<!tpu.dma_semaphore, #tpu.memory_space<semaphore_mem>>, %arg25: memref<!tpu.dma_semaphore, #tpu.memory_space<semaphore_mem>>, %arg26: memref<!tpu.dma_semaphore, #tpu.memory_space<semaphore_mem>>, %arg27: memref<!tpu.dma_semaphore, #tpu.memory_space<semaphore_mem>>) attributes {dimension_semantics = [#tpu.dimension_semantics<core_parallel>, #tpu.dimension_semantics<subcore_parallel>], iteration_bounds = array<i64: 2, 16>, scalar_prefetch = 0 : i64, scratch_operands = 20 : i64, tpu.core_type = #tpu.core_type<sc_vector_subcore>, window_params = [{transform_indices = #map}, {transform_indices = #map1}, {transform_indices = #map}, {transform_indices = #map}, {transform_indices = #map}, {transform_indices = #map1}]} {
    %mul3A = arith.constant 16 : i32
    %mul3A_0 = arith.muli %arg0, %mul3A : i32
    %add3A = arith.addi %mul3A_0, %arg1 : i32
    %mul3A_1 = arith.constant 632 : i32
    %mul3A_2 = arith.muli %arg1, %mul3A_1 : i32
    "tpu.region"() ({
      %run_scoped3A_82 = tpu.sem_alloc : memref<!tpu.dma_semaphore, #tpu.memory_space<semaphore_mem>>
      %dma_start3A_83 = arith.constant 0 : i32
      %dma_start3A_84 = tpu.memref_slice %arg2[%mul3A_2, %dma_start3A_83] : memref<10112x16xf32, #tpu.memory_space<hbm>> -> memref<632x16xf32, #tpu.memory_space<hbm>>
      %dma_start3A_85 = arith.constant 0 : i32
      %dma_start3A_86 = tpu.memref_slice %arg2[%mul3A_2, %dma_start3A_85] : memref<10112x16xf32, #tpu.memory_space<hbm>> -> memref<632x16xf32, #tpu.memory_space<hbm>>
      tpu.enqueue_dma source(%dma_start3A_86 : memref<632x16xf32, #tpu.memory_space<hbm>>) target(%arg16 : memref<632x16xf32, #tpu.memory_space<vmem>>) target_semaphore(%run_scoped3A_82 : memref<!tpu.dma_semaphore, #tpu.memory_space<semaphore_mem>>)
      %dma_wait3A_87 = arith.constant 0 : i32
      %dma_wait3A_88 = tpu.memref_slice %arg2[%mul3A_2, %dma_wait3A_87] : memref<10112x16xf32, #tpu.memory_space<hbm>> -> memref<632x16xf32, #tpu.memory_space<hbm>>
      %dma_wait3A_89 = arith.constant 0 : i32
      %dma_wait3A_90 = tpu.memref_slice %arg2[%mul3A_2, %dma_wait3A_89] : memref<10112x16xf32, #tpu.memory_space<hbm>> -> memref<632x16xf32, #tpu.memory_space<hbm>>
      tpu.wait_dma2 semaphore(%run_scoped3A_82 : memref<!tpu.dma_semaphore, #tpu.memory_space<semaphore_mem>>) src(%dma_wait3A_90 : memref<632x16xf32, #tpu.memory_space<hbm>>) dst(%arg16 : memref<632x16xf32, #tpu.memory_space<vmem>>)
      tpu.yield
    }) : () -> ()
    %add3A_3 = arith.constant 0 : i32
    %add3A_4 = arith.addi %mul3A_2, %add3A_3 : i32
    %run_scoped3A = arith.constant 0 : i32
    "tpu.region"() ({
      %run_scoped3A_82 = tpu.sem_alloc : memref<!tpu.dma_semaphore, #tpu.memory_space<semaphore_mem>>
      %dma_start3A_83 = arith.constant 0 : i32
      %dma_start3A_84 = arith.constant 0 : i32
      %dma_start3A_85 = tpu.memref_slice %arg17[%dma_start3A_83, %dma_start3A_84] : memref<320x16xf32, #tpu.memory_space<vmem>> -> memref<320x16xf32, #tpu.memory_space<vmem>>
      %dma_start3A_86 = arith.constant 0 : i32
      %dma_start3A_87 = tpu.memref_slice %arg3[%run_scoped3A, %add3A_4, %dma_start3A_86] : memref<2x10112x16xf32, #tpu.memory_space<hbm>> -> memref<1x320x16xf32, #tpu.memory_space<hbm>>
      %dma_start3A_88 = tpu.memref_squeeze %dma_start3A_87 : memref<1x320x16xf32, #tpu.memory_space<hbm>> -> memref<320x16xf32, #tpu.memory_space<hbm>>
      %dma_start3A_89 = arith.constant 0 : i32
      %dma_start3A_90 = arith.constant 0 : i32
      %dma_start3A_91 = tpu.memref_slice %arg17[%dma_start3A_89, %dma_start3A_90] : memref<320x16xf32, #tpu.memory_space<vmem>> -> memref<320x16xf32, #tpu.memory_space<vmem>>
      %dma_start3A_92 = arith.constant 0 : i32
      %dma_start3A_93 = tpu.memref_slice %arg3[%run_scoped3A, %add3A_4, %dma_start3A_92] : memref<2x10112x16xf32, #tpu.memory_space<hbm>> -> memref<1x320x16xf32, #tpu.memory_space<hbm>>
      %dma_start3A_94 = tpu.memref_squeeze %dma_start3A_93 : memref<1x320x16xf32, #tpu.memory_space<hbm>> -> memref<320x16xf32, #tpu.memory_space<hbm>>
      tpu.enqueue_dma source(%dma_start3A_94 : memref<320x16xf32, #tpu.memory_space<hbm>>) target(%dma_start3A_91 : memref<320x16xf32, #tpu.memory_space<vmem>>) target_semaphore(%run_scoped3A_82 : memref<!tpu.dma_semaphore, #tpu.memory_space<semaphore_mem>>)
      %dma_wait3A_95 = arith.constant 0 : i32
      %dma_wait3A_96 = arith.constant 0 : i32
      %dma_wait3A_97 = tpu.memref_slice %arg17[%dma_wait3A_95, %dma_wait3A_96] : memref<320x16xf32, #tpu.memory_space<vmem>> -> memref<320x16xf32, #tpu.memory_space<vmem>>
      %dma_wait3A_98 = arith.constant 0 : i32
      %dma_wait3A_99 = tpu.memref_slice %arg3[%run_scoped3A, %add3A_4, %dma_wait3A_98] : memref<2x10112x16xf32, #tpu.memory_space<hbm>> -> memref<1x320x16xf32, #tpu.memory_space<hbm>>
      %dma_wait3A_100 = tpu.memref_squeeze %dma_wait3A_99 : memref<1x320x16xf32, #tpu.memory_space<hbm>> -> memref<320x16xf32, #tpu.memory_space<hbm>>
      %dma_wait3A_101 = arith.constant 0 : i32
      %dma_wait3A_102 = arith.constant 0 : i32
      %dma_wait3A_103 = tpu.memref_slice %arg17[%dma_wait3A_101, %dma_wait3A_102] : memref<320x16xf32, #tpu.memory_space<vmem>> -> memref<320x16xf32, #tpu.memory_space<vmem>>
      %dma_wait3A_104 = arith.constant 0 : i32
      %dma_wait3A_105 = tpu.memref_slice %arg3[%run_scoped3A, %add3A_4, %dma_wait3A_104] : memref<2x10112x16xf32, #tpu.memory_space<hbm>> -> memref<1x320x16xf32, #tpu.memory_space<hbm>>
      %dma_wait3A_106 = tpu.memref_squeeze %dma_wait3A_105 : memref<1x320x16xf32, #tpu.memory_space<hbm>> -> memref<320x16xf32, #tpu.memory_space<hbm>>
      tpu.wait_dma2 semaphore(%run_scoped3A_82 : memref<!tpu.dma_semaphore, #tpu.memory_space<semaphore_mem>>) src(%dma_wait3A_106 : memref<320x16xf32, #tpu.memory_space<hbm>>) dst(%dma_wait3A_103 : memref<320x16xf32, #tpu.memory_space<vmem>>)
      tpu.yield
    }) : () -> ()
    %add3A_5 = arith.constant 0 : i32
    %add3A_6 = arith.addi %mul3A_2, %add3A_5 : i32
    %run_scoped3A_7 = arith.constant 1 : i32
    "tpu.region"() ({
      %run_scoped3A_82 = tpu.sem_alloc : memref<!tpu.dma_semaphore, #tpu.memory_space<semaphore_mem>>
      %dma_start3A_83 = arith.constant 0 : i32
      %dma_start3A_84 = arith.constant 0 : i32
      %dma_start3A_85 = tpu.memref_slice %arg18[%dma_start3A_83, %dma_start3A_84] : memref<320x16xf32, #tpu.memory_space<vmem>> -> memref<320x16xf32, #tpu.memory_space<vmem>>
      %dma_start3A_86 = arith.constant 0 : i32
      %dma_start3A_87 = tpu.memref_slice %arg3[%run_scoped3A_7, %add3A_6, %dma_start3A_86] : memref<2x10112x16xf32, #tpu.memory_space<hbm>> -> memref<1x320x16xf32, #tpu.memory_space<hbm>>
      %dma_start3A_88 = tpu.memref_squeeze %dma_start3A_87 : memref<1x320x16xf32, #tpu.memory_space<hbm>> -> memref<320x16xf32, #tpu.memory_space<hbm>>
      %dma_start3A_89 = arith.constant 0 : i32
      %dma_start3A_90 = arith.constant 0 : i32
      %dma_start3A_91 = tpu.memref_slice %arg18[%dma_start3A_89, %dma_start3A_90] : memref<320x16xf32, #tpu.memory_space<vmem>> -> memref<320x16xf32, #tpu.memory_space<vmem>>
      %dma_start3A_92 = arith.constant 0 : i32
      %dma_start3A_93 = tpu.memref_slice %arg3[%run_scoped3A_7, %add3A_6, %dma_start3A_92] : memref<2x10112x16xf32, #tpu.memory_space<hbm>> -> memref<1x320x16xf32, #tpu.memory_space<hbm>>
      %dma_start3A_94 = tpu.memref_squeeze %dma_start3A_93 : memref<1x320x16xf32, #tpu.memory_space<hbm>> -> memref<320x16xf32, #tpu.memory_space<hbm>>
      tpu.enqueue_dma source(%dma_start3A_94 : memref<320x16xf32, #tpu.memory_space<hbm>>) target(%dma_start3A_91 : memref<320x16xf32, #tpu.memory_space<vmem>>) target_semaphore(%run_scoped3A_82 : memref<!tpu.dma_semaphore, #tpu.memory_space<semaphore_mem>>)
      %dma_wait3A_95 = arith.constant 0 : i32
      %dma_wait3A_96 = arith.constant 0 : i32
      %dma_wait3A_97 = tpu.memref_slice %arg18[%dma_wait3A_95, %dma_wait3A_96] : memref<320x16xf32, #tpu.memory_space<vmem>> -> memref<320x16xf32, #tpu.memory_space<vmem>>
      %dma_wait3A_98 = arith.constant 0 : i32
      %dma_wait3A_99 = tpu.memref_slice %arg3[%run_scoped3A_7, %add3A_6, %dma_wait3A_98] : memref<2x10112x16xf32, #tpu.memory_space<hbm>> -> memref<1x320x16xf32, #tpu.memory_space<hbm>>
      %dma_wait3A_100 = tpu.memref_squeeze %dma_wait3A_99 : memref<1x320x16xf32, #tpu.memory_space<hbm>> -> memref<320x16xf32, #tpu.memory_space<hbm>>
      %dma_wait3A_101 = arith.constant 0 : i32
      %dma_wait3A_102 = arith.constant 0 : i32
      %dma_wait3A_103 = tpu.memref_slice %arg18[%dma_wait3A_101, %dma_wait3A_102] : memref<320x16xf32, #tpu.memory_space<vmem>> -> memref<320x16xf32, #tpu.memory_space<vmem>>
      %dma_wait3A_104 = arith.constant 0 : i32
      %dma_wait3A_105 = tpu.memref_slice %arg3[%run_scoped3A_7, %add3A_6, %dma_wait3A_104] : memref<2x10112x16xf32, #tpu.memory_space<hbm>> -> memref<1x320x16xf32, #tpu.memory_space<hbm>>
      %dma_wait3A_106 = tpu.memref_squeeze %dma_wait3A_105 : memref<1x320x16xf32, #tpu.memory_space<hbm>> -> memref<320x16xf32, #tpu.memory_space<hbm>>
      tpu.wait_dma2 semaphore(%run_scoped3A_82 : memref<!tpu.dma_semaphore, #tpu.memory_space<semaphore_mem>>) src(%dma_wait3A_106 : memref<320x16xf32, #tpu.memory_space<hbm>>) dst(%dma_wait3A_103 : memref<320x16xf32, #tpu.memory_space<vmem>>)
      tpu.yield
    }) : () -> ()
    %scan3A = arith.constant 0 : i32
    %scan3A_8 = arith.constant 0 : i32
    %scan3A_9 = arith.constant 320 : i32
    %scan3A_10 = arith.addi %scan3A_8, %scan3A_9 : i32
    %scan3A_11 = arith.constant 1 : i32
    scf.for %scan3A_82 = %scan3A_8 to %scan3A_10 step %scan3A_11  : i32 {
      %add3A_83 = arith.constant 0 : i32
      %add3A_84 = arith.addi %add3A_83, %scan3A_82 : i32
      %get3A = arith.index_cast %add3A_84 : i32 to index
      %get3A_85 = arith.constant 0 : index
      %get3A_86 = tpu.vector_load %arg16[%get3A, %get3A_85] {strides = array<i32>} : memref<632x16xf32, #tpu.memory_space<vmem>>, vector<16xf32>,
      %get3A_87 = arith.index_cast %scan3A_82 : i32 to index
      %get3A_88 = arith.constant 0 : index
      %get3A_89 = tpu.vector_load %arg17[%get3A_87, %get3A_88] {strides = array<i32>} : memref<320x16xf32, #tpu.memory_space<vmem>>, vector<16xf32>,
      %add3A_90 = arith.addf %get3A_86, %get3A_89 : vector<16xf32>
      %get3A_91 = arith.index_cast %scan3A_82 : i32 to index
      %get3A_92 = arith.constant 0 : index
      %get3A_93 = tpu.vector_load %arg18[%get3A_91, %get3A_92] {strides = array<i32>} : memref<320x16xf32, #tpu.memory_space<vmem>>, vector<16xf32>,
      %add3A_94 = arith.addf %add3A_90, %get3A_93 : vector<16xf32>
      %reduce_max3A = arith.constant true
      %reduce_max3A_95 = vector.broadcast %reduce_max3A : i1 to vector<16xi1>
      %reduce_max3A_96 = tpu.scan <max>, %add3A_94 masked %reduce_max3A_95 : vector<16xf32>, vector<16xi1> -> vector<16xf32>
      %reduce_max3A_97 = vector.extract %reduce_max3A_96[15] : f32 from vector<16xf32>
      %broadcast_in_dim3A = vector.broadcast %reduce_max3A_97 : f32 to vector<16xf32>
      %sub3A = arith.subf %add3A_94, %broadcast_in_dim3A : vector<16xf32>
      %exp3A = math.exp %sub3A : vector<16xf32>
      %add3A_98 = arith.constant 0 : i32
      %add3A_99 = arith.addi %add3A_98, %scan3A_82 : i32
      %swap3A = arith.index_cast %add3A_99 : i32 to index
      %swap3A_100 = arith.constant 0 : index
      %swap3A_101 = tpu.vector_load %arg16[%swap3A, %swap3A_100] {strides = array<i32>} : memref<632x16xf32, #tpu.memory_space<vmem>>, vector<16xf32>,
      tpu.vector_store %arg16[%swap3A, %swap3A_100], %exp3A {strides = array<i32>} : memref<632x16xf32, #tpu.memory_space<vmem>>, vector<16xf32>,
    }
    %scan3A_12 = arith.constant 320 : i32
    %add3A_13 = arith.constant 320 : i32
    %add3A_14 = arith.addi %mul3A_2, %add3A_13 : i32
    %run_scoped3A_15 = arith.constant 0 : i32
    "tpu.region"() ({
      %run_scoped3A_82 = tpu.sem_alloc : memref<!tpu.dma_semaphore, #tpu.memory_space<semaphore_mem>>
      %dma_start3A_83 = arith.constant 0 : i32
      %dma_start3A_84 = arith.constant 0 : i32
      %dma_start3A_85 = tpu.memref_slice %arg17[%dma_start3A_83, %dma_start3A_84] : memref<320x16xf32, #tpu.memory_space<vmem>> -> memref<312x16xf32, #tpu.memory_space<vmem>>
      %dma_start3A_86 = arith.constant 0 : i32
      %dma_start3A_87 = tpu.memref_slice %arg3[%run_scoped3A_15, %add3A_14, %dma_start3A_86] : memref<2x10112x16xf32, #tpu.memory_space<hbm>> -> memref<1x312x16xf32, #tpu.memory_space<hbm>>
      %dma_start3A_88 = tpu.memref_squeeze %dma_start3A_87 : memref<1x312x16xf32, #tpu.memory_space<hbm>> -> memref<312x16xf32, #tpu.memory_space<hbm>>
      %dma_start3A_89 = arith.constant 0 : i32
      %dma_start3A_90 = arith.constant 0 : i32
      %dma_start3A_91 = tpu.memref_slice %arg17[%dma_start3A_89, %dma_start3A_90] : memref<320x16xf32, #tpu.memory_space<vmem>> -> memref<312x16xf32, #tpu.memory_space<vmem>>
      %dma_start3A_92 = arith.constant 0 : i32
      %dma_start3A_93 = tpu.memref_slice %arg3[%run_scoped3A_15, %add3A_14, %dma_start3A_92] : memref<2x10112x16xf32, #tpu.memory_space<hbm>> -> memref<1x312x16xf32, #tpu.memory_space<hbm>>
      %dma_start3A_94 = tpu.memref_squeeze %dma_start3A_93 : memref<1x312x16xf32, #tpu.memory_space<hbm>> -> memref<312x16xf32, #tpu.memory_space<hbm>>
      tpu.enqueue_dma source(%dma_start3A_94 : memref<312x16xf32, #tpu.memory_space<hbm>>) target(%dma_start3A_91 : memref<312x16xf32, #tpu.memory_space<vmem>>) target_semaphore(%run_scoped3A_82 : memref<!tpu.dma_semaphore, #tpu.memory_space<semaphore_mem>>)
      %dma_wait3A_95 = arith.constant 0 : i32
      %dma_wait3A_96 = arith.constant 0 : i32
      %dma_wait3A_97 = tpu.memref_slice %arg17[%dma_wait3A_95, %dma_wait3A_96] : memref<320x16xf32, #tpu.memory_space<vmem>> -> memref<312x16xf32, #tpu.memory_space<vmem>>
      %dma_wait3A_98 = arith.constant 0 : i32
      %dma_wait3A_99 = tpu.memref_slice %arg3[%run_scoped3A_15, %add3A_14, %dma_wait3A_98] : memref<2x10112x16xf32, #tpu.memory_space<hbm>> -> memref<1x312x16xf32, #tpu.memory_space<hbm>>
      %dma_wait3A_100 = tpu.memref_squeeze %dma_wait3A_99 : memref<1x312x16xf32, #tpu.memory_space<hbm>> -> memref<312x16xf32, #tpu.memory_space<hbm>>
      %dma_wait3A_101 = arith.constant 0 : i32
      %dma_wait3A_102 = arith.constant 0 : i32
      %dma_wait3A_103 = tpu.memref_slice %arg17[%dma_wait3A_101, %dma_wait3A_102] : memref<320x16xf32, #tpu.memory_space<vmem>> -> memref<312x16xf32, #tpu.memory_space<vmem>>
      %dma_wait3A_104 = arith.constant 0 : i32
      %dma_wait3A_105 = tpu.memref_slice %arg3[%run_scoped3A_15, %add3A_14, %dma_wait3A_104] : memref<2x10112x16xf32, #tpu.memory_space<hbm>> -> memref<1x312x16xf32, #tpu.memory_space<hbm>>
      %dma_wait3A_106 = tpu.memref_squeeze %dma_wait3A_105 : memref<1x312x16xf32, #tpu.memory_space<hbm>> -> memref<312x16xf32, #tpu.memory_space<hbm>>
      tpu.wait_dma2 semaphore(%run_scoped3A_82 : memref<!tpu.dma_semaphore, #tpu.memory_space<semaphore_mem>>) src(%dma_wait3A_106 : memref<312x16xf32, #tpu.memory_space<hbm>>) dst(%dma_wait3A_103 : memref<312x16xf32, #tpu.memory_space<vmem>>)
      tpu.yield
    }) : () -> ()
    %add3A_16 = arith.constant 320 : i32
    %add3A_17 = arith.addi %mul3A_2, %add3A_16 : i32
    %run_scoped3A_18 = arith.constant 1 : i32
    "tpu.region"() ({
      %run_scoped3A_82 = tpu.sem_alloc : memref<!tpu.dma_semaphore, #tpu.memory_space<semaphore_mem>>
      %dma_start3A_83 = arith.constant 0 : i32
      %dma_start3A_84 = arith.constant 0 : i32
      %dma_start3A_85 = tpu.memref_slice %arg18[%dma_start3A_83, %dma_start3A_84] : memref<320x16xf32, #tpu.memory_space<vmem>> -> memref<312x16xf32, #tpu.memory_space<vmem>>
      %dma_start3A_86 = arith.constant 0 : i32
      %dma_start3A_87 = tpu.memref_slice %arg3[%run_scoped3A_18, %add3A_17, %dma_start3A_86] : memref<2x10112x16xf32, #tpu.memory_space<hbm>> -> memref<1x312x16xf32, #tpu.memory_space<hbm>>
      %dma_start3A_88 = tpu.memref_squeeze %dma_start3A_87 : memref<1x312x16xf32, #tpu.memory_space<hbm>> -> memref<312x16xf32, #tpu.memory_space<hbm>>
      %dma_start3A_89 = arith.constant 0 : i32
      %dma_start3A_90 = arith.constant 0 : i32
      %dma_start3A_91 = tpu.memref_slice %arg18[%dma_start3A_89, %dma_start3A_90] : memref<320x16xf32, #tpu.memory_space<vmem>> -> memref<312x16xf32, #tpu.memory_space<vmem>>
      %dma_start3A_92 = arith.constant 0 : i32
      %dma_start3A_93 = tpu.memref_slice %arg3[%run_scoped3A_18, %add3A_17, %dma_start3A_92] : memref<2x10112x16xf32, #tpu.memory_space<hbm>> -> memref<1x312x16xf32, #tpu.memory_space<hbm>>
      %dma_start3A_94 = tpu.memref_squeeze %dma_start3A_93 : memref<1x312x16xf32, #tpu.memory_space<hbm>> -> memref<312x16xf32, #tpu.memory_space<hbm>>
      tpu.enqueue_dma source(%dma_start3A_94 : memref<312x16xf32, #tpu.memory_space<hbm>>) target(%dma_start3A_91 : memref<312x16xf32, #tpu.memory_space<vmem>>) target_semaphore(%run_scoped3A_82 : memref<!tpu.dma_semaphore, #tpu.memory_space<semaphore_mem>>)
      %dma_wait3A_95 = arith.constant 0 : i32
      %dma_wait3A_96 = arith.constant 0 : i32
      %dma_wait3A_97 = tpu.memref_slice %arg18[%dma_wait3A_95, %dma_wait3A_96] : memref<320x16xf32, #tpu.memory_space<vmem>> -> memref<312x16xf32, #tpu.memory_space<vmem>>
      %dma_wait3A_98 = arith.constant 0 : i32
      %dma_wait3A_99 = tpu.memref_slice %arg3[%run_scoped3A_18, %add3A_17, %dma_wait3A_98] : memref<2x10112x16xf32, #tpu.memory_space<hbm>> -> memref<1x312x16xf32, #tpu.memory_space<hbm>>
      %dma_wait3A_100 = tpu.memref_squeeze %dma_wait3A_99 : memref<1x312x16xf32, #tpu.memory_space<hbm>> -> memref<312x16xf32, #tpu.memory_space<hbm>>
      %dma_wait3A_101 = arith.constant 0 : i32
      %dma_wait3A_102 = arith.constant 0 : i32
      %dma_wait3A_103 = tpu.memref_slice %arg18[%dma_wait3A_101, %dma_wait3A_102] : memref<320x16xf32, #tpu.memory_space<vmem>> -> memref<312x16xf32, #tpu.memory_space<vmem>>
      %dma_wait3A_104 = arith.constant 0 : i32
      %dma_wait3A_105 = tpu.memref_slice %arg3[%run_scoped3A_18, %add3A_17, %dma_wait3A_104] : memref<2x10112x16xf32, #tpu.memory_space<hbm>> -> memref<1x312x16xf32, #tpu.memory_space<hbm>>
      %dma_wait3A_106 = tpu.memref_squeeze %dma_wait3A_105 : memref<1x312x16xf32, #tpu.memory_space<hbm>> -> memref<312x16xf32, #tpu.memory_space<hbm>>
      tpu.wait_dma2 semaphore(%run_scoped3A_82 : memref<!tpu.dma_semaphore, #tpu.memory_space<semaphore_mem>>) src(%dma_wait3A_106 : memref<312x16xf32, #tpu.memory_space<hbm>>) dst(%dma_wait3A_103 : memref<312x16xf32, #tpu.memory_space<vmem>>)
      tpu.yield
    }) : () -> ()
    %scan3A_19 = arith.constant 0 : i32
    %scan3A_20 = arith.constant 0 : i32
    %scan3A_21 = arith.constant 312 : i32
    %scan3A_22 = arith.addi %scan3A_20, %scan3A_21 : i32
    %scan3A_23 = arith.constant 1 : i32
    scf.for %scan3A_82 = %scan3A_20 to %scan3A_22 step %scan3A_23  : i32 {
      %add3A_83 = arith.constant 320 : i32
      %add3A_84 = arith.addi %add3A_83, %scan3A_82 : i32
      %get3A = arith.index_cast %add3A_84 : i32 to index
      %get3A_85 = arith.constant 0 : index
      %get3A_86 = tpu.vector_load %arg16[%get3A, %get3A_85] {strides = array<i32>} : memref<632x16xf32, #tpu.memory_space<vmem>>, vector<16xf32>,
      %get3A_87 = arith.index_cast %scan3A_82 : i32 to index
      %get3A_88 = arith.constant 0 : index
      %get3A_89 = tpu.vector_load %arg17[%get3A_87, %get3A_88] {strides = array<i32>} : memref<320x16xf32, #tpu.memory_space<vmem>>, vector<16xf32>,
      %add3A_90 = arith.addf %get3A_86, %get3A_89 : vector<16xf32>
      %get3A_91 = arith.index_cast %scan3A_82 : i32 to index
      %get3A_92 = arith.constant 0 : index
      %get3A_93 = tpu.vector_load %arg18[%get3A_91, %get3A_92] {strides = array<i32>} : memref<320x16xf32, #tpu.memory_space<vmem>>, vector<16xf32>,
      %add3A_94 = arith.addf %add3A_90, %get3A_93 : vector<16xf32>
      %reduce_max3A = arith.constant true
      %reduce_max3A_95 = vector.broadcast %reduce_max3A : i1 to vector<16xi1>
      %reduce_max3A_96 = tpu.scan <max>, %add3A_94 masked %reduce_max3A_95 : vector<16xf32>, vector<16xi1> -> vector<16xf32>
      %reduce_max3A_97 = vector.extract %reduce_max3A_96[15] : f32 from vector<16xf32>
      %broadcast_in_dim3A = vector.broadcast %reduce_max3A_97 : f32 to vector<16xf32>
      %sub3A = arith.subf %add3A_94, %broadcast_in_dim3A : vector<16xf32>
      %exp3A = math.exp %sub3A : vector<16xf32>
      %add3A_98 = arith.constant 320 : i32
      %add3A_99 = arith.addi %add3A_98, %scan3A_82 : i32
      %swap3A = arith.index_cast %add3A_99 : i32 to index
      %swap3A_100 = arith.constant 0 : index
      %swap3A_101 = tpu.vector_load %arg16[%swap3A, %swap3A_100] {strides = array<i32>} : memref<632x16xf32, #tpu.memory_space<vmem>>, vector<16xf32>,
      tpu.vector_store %arg16[%swap3A, %swap3A_100], %exp3A {strides = array<i32>} : memref<632x16xf32, #tpu.memory_space<vmem>>, vector<16xf32>,
    }
    %scan3A_24 = arith.constant 312 : i32
    "tpu.region"() ({
      %run_scoped3A_82 = tpu.sem_alloc : memref<!tpu.dma_semaphore, #tpu.memory_space<semaphore_mem>>
      %dma_start3A_83 = arith.constant 0 : i32
      %dma_start3A_84 = tpu.memref_slice %arg19[%mul3A_2, %dma_start3A_83] : memref<10112x16xf32, #tpu.memory_space<vmem_shared>> -> memref<632x16xf32, #tpu.memory_space<vmem_shared>>
      %dma_start3A_85 = arith.constant 0 : i32
      %dma_start3A_86 = tpu.memref_slice %arg19[%mul3A_2, %dma_start3A_85] : memref<10112x16xf32, #tpu.memory_space<vmem_shared>> -> memref<632x16xf32, #tpu.memory_space<vmem_shared>>
      tpu.enqueue_dma source(%arg16 : memref<632x16xf32, #tpu.memory_space<vmem>>) target(%dma_start3A_86 : memref<632x16xf32, #tpu.memory_space<vmem_shared>>) target_semaphore(%run_scoped3A_82 : memref<!tpu.dma_semaphore, #tpu.memory_space<semaphore_mem>>)
      %dma_wait3A_87 = arith.constant 0 : i32
      %dma_wait3A_88 = tpu.memref_slice %arg19[%mul3A_2, %dma_wait3A_87] : memref<10112x16xf32, #tpu.memory_space<vmem_shared>> -> memref<632x16xf32, #tpu.memory_space<vmem_shared>>
      %dma_wait3A_89 = arith.constant 0 : i32
      %dma_wait3A_90 = tpu.memref_slice %arg19[%mul3A_2, %dma_wait3A_89] : memref<10112x16xf32, #tpu.memory_space<vmem_shared>> -> memref<632x16xf32, #tpu.memory_space<vmem_shared>>
      tpu.wait_dma2 semaphore(%run_scoped3A_82 : memref<!tpu.dma_semaphore, #tpu.memory_space<semaphore_mem>>) src(%arg16 : memref<632x16xf32, #tpu.memory_space<vmem>>) dst(%dma_wait3A_90 : memref<632x16xf32, #tpu.memory_space<vmem_shared>>)
      tpu.yield
    }) : () -> ()
    "tpu.region"() ({
      %run_scoped3A_82 = tpu.sem_alloc : memref<!tpu.dma_semaphore, #tpu.memory_space<semaphore_mem>>
      %dma_start3A_83 = arith.constant 0 : i32
      %dma_start3A_84 = tpu.memref_slice %arg4[%mul3A_2, %dma_start3A_83] : memref<10112x16xf32, #tpu.memory_space<hbm>> -> memref<632x16xf32, #tpu.memory_space<hbm>>
      %dma_start3A_85 = arith.constant 0 : i32
      %dma_start3A_86 = tpu.memref_slice %arg4[%mul3A_2, %dma_start3A_85] : memref<10112x16xf32, #tpu.memory_space<hbm>> -> memref<632x16xf32, #tpu.memory_space<hbm>>
      tpu.enqueue_dma source(%dma_start3A_86 : memref<632x16xf32, #tpu.memory_space<hbm>>) target(%arg16 : memref<632x16xf32, #tpu.memory_space<vmem>>) target_semaphore(%run_scoped3A_82 : memref<!tpu.dma_semaphore, #tpu.memory_space<semaphore_mem>>)
      %dma_wait3A_87 = arith.constant 0 : i32
      %dma_wait3A_88 = tpu.memref_slice %arg4[%mul3A_2, %dma_wait3A_87] : memref<10112x16xf32, #tpu.memory_space<hbm>> -> memref<632x16xf32, #tpu.memory_space<hbm>>
      %dma_wait3A_89 = arith.constant 0 : i32
      %dma_wait3A_90 = tpu.memref_slice %arg4[%mul3A_2, %dma_wait3A_89] : memref<10112x16xf32, #tpu.memory_space<hbm>> -> memref<632x16xf32, #tpu.memory_space<hbm>>
      tpu.wait_dma2 semaphore(%run_scoped3A_82 : memref<!tpu.dma_semaphore, #tpu.memory_space<semaphore_mem>>) src(%dma_wait3A_90 : memref<632x16xf32, #tpu.memory_space<hbm>>) dst(%arg16 : memref<632x16xf32, #tpu.memory_space<vmem>>)
      tpu.yield
    }) : () -> ()
    "tpu.region"() ({
      %run_scoped3A_82 = tpu.sem_alloc : memref<!tpu.dma_semaphore, #tpu.memory_space<semaphore_mem>>
      %dma_start3A_83 = arith.constant 0 : i32
      %dma_start3A_84 = tpu.memref_slice %arg20[%mul3A_2, %dma_start3A_83] : memref<10112x16xf32, #tpu.memory_space<vmem_shared>> -> memref<632x16xf32, #tpu.memory_space<vmem_shared>>
      %dma_start3A_85 = arith.constant 0 : i32
      %dma_start3A_86 = tpu.memref_slice %arg20[%mul3A_2, %dma_start3A_85] : memref<10112x16xf32, #tpu.memory_space<vmem_shared>> -> memref<632x16xf32, #tpu.memory_space<vmem_shared>>
      tpu.enqueue_dma source(%arg16 : memref<632x16xf32, #tpu.memory_space<vmem>>) target(%dma_start3A_86 : memref<632x16xf32, #tpu.memory_space<vmem_shared>>) target_semaphore(%run_scoped3A_82 : memref<!tpu.dma_semaphore, #tpu.memory_space<semaphore_mem>>)
      %dma_wait3A_87 = arith.constant 0 : i32
      %dma_wait3A_88 = tpu.memref_slice %arg20[%mul3A_2, %dma_wait3A_87] : memref<10112x16xf32, #tpu.memory_space<vmem_shared>> -> memref<632x16xf32, #tpu.memory_space<vmem_shared>>
      %dma_wait3A_89 = arith.constant 0 : i32
      %dma_wait3A_90 = tpu.memref_slice %arg20[%mul3A_2, %dma_wait3A_89] : memref<10112x16xf32, #tpu.memory_space<vmem_shared>> -> memref<632x16xf32, #tpu.memory_space<vmem_shared>>
      tpu.wait_dma2 semaphore(%run_scoped3A_82 : memref<!tpu.dma_semaphore, #tpu.memory_space<semaphore_mem>>) src(%arg16 : memref<632x16xf32, #tpu.memory_space<vmem>>) dst(%dma_wait3A_90 : memref<632x16xf32, #tpu.memory_space<vmem_shared>>)
      tpu.yield
    }) : () -> ()
    %scan3A_25 = arith.constant 0 : i32
    %scan3A_26 = arith.constant 0 : i32
    %scan3A_27 = arith.constant 632 : i32
    %scan3A_28 = arith.addi %scan3A_26, %scan3A_27 : i32
    %scan3A_29 = arith.constant 1 : i32
    scf.for %scan3A_82 = %scan3A_26 to %scan3A_28 step %scan3A_29  : i32 {
      %broadcast_in_dim3A = arith.constant 0.000000e+00 : f32
      %broadcast_in_dim3A_83 = vector.broadcast %broadcast_in_dim3A : f32 to vector<16xf32>
      %swap3A = arith.index_cast %scan3A_82 : i32 to index
      %swap3A_84 = arith.constant 0 : index
      %swap3A_85 = tpu.vector_load %arg16[%swap3A, %swap3A_84] {strides = array<i32>} : memref<632x16xf32, #tpu.memory_space<vmem>>, vector<16xf32>,
      tpu.vector_store %arg16[%swap3A, %swap3A_84], %broadcast_in_dim3A_83 {strides = array<i32>} : memref<632x16xf32, #tpu.memory_space<vmem>>, vector<16xf32>,
    }
    %scan3A_30 = arith.constant 632 : i32
    "tpu.region"() ({
      %run_scoped3A_82 = tpu.sem_alloc : memref<!tpu.dma_semaphore, #tpu.memory_space<semaphore_mem>>
      %dma_start3A_83 = arith.constant 0 : i32
      %dma_start3A_84 = tpu.memref_slice %arg21[%mul3A_2, %dma_start3A_83] : memref<10112x16xf32, #tpu.memory_space<vmem_shared>> -> memref<632x16xf32, #tpu.memory_space<vmem_shared>>
      %dma_start3A_85 = arith.constant 0 : i32
      %dma_start3A_86 = tpu.memref_slice %arg21[%mul3A_2, %dma_start3A_85] : memref<10112x16xf32, #tpu.memory_space<vmem_shared>> -> memref<632x16xf32, #tpu.memory_space<vmem_shared>>
      tpu.enqueue_dma source(%arg16 : memref<632x16xf32, #tpu.memory_space<vmem>>) target(%dma_start3A_86 : memref<632x16xf32, #tpu.memory_space<vmem_shared>>) target_semaphore(%run_scoped3A_82 : memref<!tpu.dma_semaphore, #tpu.memory_space<semaphore_mem>>)
      %dma_wait3A_87 = arith.constant 0 : i32
      %dma_wait3A_88 = tpu.memref_slice %arg21[%mul3A_2, %dma_wait3A_87] : memref<10112x16xf32, #tpu.memory_space<vmem_shared>> -> memref<632x16xf32, #tpu.memory_space<vmem_shared>>
      %dma_wait3A_89 = arith.constant 0 : i32
      %dma_wait3A_90 = tpu.memref_slice %arg21[%mul3A_2, %dma_wait3A_89] : memref<10112x16xf32, #tpu.memory_space<vmem_shared>> -> memref<632x16xf32, #tpu.memory_space<vmem_shared>>
      tpu.wait_dma2 semaphore(%run_scoped3A_82 : memref<!tpu.dma_semaphore, #tpu.memory_space<semaphore_mem>>) src(%arg16 : memref<632x16xf32, #tpu.memory_space<vmem>>) dst(%dma_wait3A_90 : memref<632x16xf32, #tpu.memory_space<vmem_shared>>)
      tpu.yield
    }) : () -> ()
    %mul3A_31 = arith.constant 80 : i32
    %mul3A_32 = arith.muli %add3A, %mul3A_31 : i32
    "tpu.region"() ({
      %run_scoped3A_82 = tpu.sem_alloc : memref<!tpu.dma_semaphore, #tpu.memory_space<semaphore_mem>>
      %dma_start3A_83 = arith.constant 0 : i32
      %dma_start3A_84 = tpu.memref_slice %arg5[%mul3A_32, %dma_start3A_83] : memref<2560x256xi32, #tpu.memory_space<hbm>> -> memref<80x256xi32, #tpu.memory_space<hbm>>
      %dma_start3A_85 = arith.constant 0 : i32
      %dma_start3A_86 = tpu.memref_slice %arg5[%mul3A_32, %dma_start3A_85] : memref<2560x256xi32, #tpu.memory_space<hbm>> -> memref<80x256xi32, #tpu.memory_space<hbm>>
      tpu.enqueue_dma source(%dma_start3A_86 : memref<80x256xi32, #tpu.memory_space<hbm>>) target(%arg8 : memref<80x256xi32, #tpu.memory_space<vmem>>) target_semaphore(%run_scoped3A_82 : memref<!tpu.dma_semaphore, #tpu.memory_space<semaphore_mem>>)
      %dma_wait3A_87 = arith.constant 0 : i32
      %dma_wait3A_88 = tpu.memref_slice %arg5[%mul3A_32, %dma_wait3A_87] : memref<2560x256xi32, #tpu.memory_space<hbm>> -> memref<80x256xi32, #tpu.memory_space<hbm>>
      %dma_wait3A_89 = arith.constant 0 : i32
      %dma_wait3A_90 = tpu.memref_slice %arg5[%mul3A_32, %dma_wait3A_89] : memref<2560x256xi32, #tpu.memory_space<hbm>> -> memref<80x256xi32, #tpu.memory_space<hbm>>
      tpu.wait_dma2 semaphore(%run_scoped3A_82 : memref<!tpu.dma_semaphore, #tpu.memory_space<semaphore_mem>>) src(%dma_wait3A_90 : memref<80x256xi32, #tpu.memory_space<hbm>>) dst(%arg8 : memref<80x256xi32, #tpu.memory_space<vmem>>)
      tpu.yield
    }) : () -> ()
    %mul3A_33 = arith.constant 80 : i32
    %mul3A_34 = arith.muli %add3A, %mul3A_33 : i32
    "tpu.region"() ({
      %run_scoped3A_82 = tpu.sem_alloc : memref<!tpu.dma_semaphore, #tpu.memory_space<semaphore_mem>>
      %dma_start3A_83 = arith.constant 0 : i32
      %dma_start3A_84 = tpu.memref_slice %arg6[%mul3A_34, %dma_start3A_83] : memref<2560x256xi32, #tpu.memory_space<hbm>> -> memref<80x256xi32, #tpu.memory_space<hbm>>
      %dma_start3A_85 = arith.constant 0 : i32
      %dma_start3A_86 = tpu.memref_slice %arg6[%mul3A_34, %dma_start3A_85] : memref<2560x256xi32, #tpu.memory_space<hbm>> -> memref<80x256xi32, #tpu.memory_space<hbm>>
      tpu.enqueue_dma source(%dma_start3A_86 : memref<80x256xi32, #tpu.memory_space<hbm>>) target(%arg9 : memref<80x256xi32, #tpu.memory_space<vmem>>) target_semaphore(%run_scoped3A_82 : memref<!tpu.dma_semaphore, #tpu.memory_space<semaphore_mem>>)
      %dma_wait3A_87 = arith.constant 0 : i32
      %dma_wait3A_88 = tpu.memref_slice %arg6[%mul3A_34, %dma_wait3A_87] : memref<2560x256xi32, #tpu.memory_space<hbm>> -> memref<80x256xi32, #tpu.memory_space<hbm>>
      %dma_wait3A_89 = arith.constant 0 : i32
      %dma_wait3A_90 = tpu.memref_slice %arg6[%mul3A_34, %dma_wait3A_89] : memref<2560x256xi32, #tpu.memory_space<hbm>> -> memref<80x256xi32, #tpu.memory_space<hbm>>
      tpu.wait_dma2 semaphore(%run_scoped3A_82 : memref<!tpu.dma_semaphore, #tpu.memory_space<semaphore_mem>>) src(%dma_wait3A_90 : memref<80x256xi32, #tpu.memory_space<hbm>>) dst(%arg9 : memref<80x256xi32, #tpu.memory_space<vmem>>)
      tpu.yield
    }) : () -> ()
    %barrier3A = arith.constant 0 : index
    tpu.barrier barrier_id(%barrier3A)
    %dma_start3A = arith.constant 0 : i32
    %dma_start3A_35 = arith.constant 0 : i32
    %dma_start3A_36 = tpu.memref_slice %arg8[%dma_start3A, %dma_start3A_35] : memref<80x256xi32, #tpu.memory_space<vmem>> -> memref<1x256xi32, #tpu.memory_space<vmem>>
    %dma_start3A_37 = tpu.memref_squeeze %dma_start3A_36 : memref<1x256xi32, #tpu.memory_space<vmem>> -> memref<256xi32, #tpu.memory_space<vmem>>
    %dma_start3A_38 = arith.constant 0 : i32
    %dma_start3A_39 = arith.constant 0 : i32
    %dma_start3A_40 = tpu.memref_slice %arg19[%dma_start3A_38, %dma_start3A_39] : memref<10112x16xf32, #tpu.memory_space<vmem_shared>> -> memref<10112x16xf32, #tpu.memory_space<vmem_shared>>
    tpu.enqueue_indirect_dma source(%dma_start3A_40 : memref<10112x16xf32, #tpu.memory_space<vmem_shared>>) target(%arg10 : memref<256x16xf32, #tpu.memory_space<vmem>>) offsets(%dma_start3A_37 : memref<256xi32, #tpu.memory_space<vmem>>) semaphore(%arg22 : memref<!tpu.dma_semaphore, #tpu.memory_space<semaphore_mem>>)
    %dma_start3A_41 = arith.constant 0 : i32
    %dma_start3A_42 = arith.constant 0 : i32
    %dma_start3A_43 = tpu.memref_slice %arg9[%dma_start3A_41, %dma_start3A_42] : memref<80x256xi32, #tpu.memory_space<vmem>> -> memref<1x256xi32, #tpu.memory_space<vmem>>
    %dma_start3A_44 = tpu.memref_squeeze %dma_start3A_43 : memref<1x256xi32, #tpu.memory_space<vmem>> -> memref<256xi32, #tpu.memory_space<vmem>>
    %dma_start3A_45 = arith.constant 0 : i32
    %dma_start3A_46 = arith.constant 0 : i32
    %dma_start3A_47 = tpu.memref_slice %arg20[%dma_start3A_45, %dma_start3A_46] : memref<10112x16xf32, #tpu.memory_space<vmem_shared>> -> memref<10112x16xf32, #tpu.memory_space<vmem_shared>>
    tpu.enqueue_indirect_dma source(%dma_start3A_47 : memref<10112x16xf32, #tpu.memory_space<vmem_shared>>) target(%arg12 : memref<256x16xf32, #tpu.memory_space<vmem>>) offsets(%dma_start3A_44 : memref<256xi32, #tpu.memory_space<vmem>>) semaphore(%arg24 : memref<!tpu.dma_semaphore, #tpu.memory_space<semaphore_mem>>)
    %dma_start3A_48 = arith.constant 1 : i32
    %dma_start3A_49 = arith.constant 0 : i32
    %dma_start3A_50 = tpu.memref_slice %arg8[%dma_start3A_48, %dma_start3A_49] : memref<80x256xi32, #tpu.memory_space<vmem>> -> memref<1x256xi32, #tpu.memory_space<vmem>>
    %dma_start3A_51 = tpu.memref_squeeze %dma_start3A_50 : memref<1x256xi32, #tpu.memory_space<vmem>> -> memref<256xi32, #tpu.memory_space<vmem>>
    %dma_start3A_52 = arith.constant 0 : i32
    %dma_start3A_53 = arith.constant 0 : i32
    %dma_start3A_54 = tpu.memref_slice %arg19[%dma_start3A_52, %dma_start3A_53] : memref<10112x16xf32, #tpu.memory_space<vmem_shared>> -> memref<10112x16xf32, #tpu.memory_space<vmem_shared>>
    tpu.enqueue_indirect_dma source(%dma_start3A_54 : memref<10112x16xf32, #tpu.memory_space<vmem_shared>>) target(%arg11 : memref<256x16xf32, #tpu.memory_space<vmem>>) offsets(%dma_start3A_51 : memref<256xi32, #tpu.memory_space<vmem>>) semaphore(%arg23 : memref<!tpu.dma_semaphore, #tpu.memory_space<semaphore_mem>>)
    %dma_start3A_55 = arith.constant 1 : i32
    %dma_start3A_56 = arith.constant 0 : i32
    %dma_start3A_57 = tpu.memref_slice %arg9[%dma_start3A_55, %dma_start3A_56] : memref<80x256xi32, #tpu.memory_space<vmem>> -> memref<1x256xi32, #tpu.memory_space<vmem>>
    %dma_start3A_58 = tpu.memref_squeeze %dma_start3A_57 : memref<1x256xi32, #tpu.memory_space<vmem>> -> memref<256xi32, #tpu.memory_space<vmem>>
    %dma_start3A_59 = arith.constant 0 : i32
    %dma_start3A_60 = arith.constant 0 : i32
    %dma_start3A_61 = tpu.memref_slice %arg20[%dma_start3A_59, %dma_start3A_60] : memref<10112x16xf32, #tpu.memory_space<vmem_shared>> -> memref<10112x16xf32, #tpu.memory_space<vmem_shared>>
    tpu.enqueue_indirect_dma source(%dma_start3A_61 : memref<10112x16xf32, #tpu.memory_space<vmem_shared>>) target(%arg13 : memref<256x16xf32, #tpu.memory_space<vmem>>) offsets(%dma_start3A_58 : memref<256xi32, #tpu.memory_space<vmem>>) semaphore(%arg25 : memref<!tpu.dma_semaphore, #tpu.memory_space<semaphore_mem>>)
    %scan3A_62 = arith.constant 0 : i32
    %scan3A_63 = arith.constant 0 : i32
    %scan3A_64 = arith.constant 40 : i32
    %scan3A_65 = arith.addi %scan3A_63, %scan3A_64 : i32
    %scan3A_66 = arith.constant 1 : i32
    scf.for %scan3A_82 = %scan3A_63 to %scan3A_65 step %scan3A_66  : i32 {
      %mul3A_83 = arith.constant 2 : i32
      %mul3A_84 = arith.muli %mul3A_83, %scan3A_82 : i32
      %mul3A_85 = arith.constant 2 : i32
      %mul3A_86 = arith.muli %mul3A_85, %scan3A_82 : i32
      %add3A_87 = arith.constant 1 : i32
      %add3A_88 = arith.addi %mul3A_86, %add3A_87 : i32
      %dma_wait3A_89 = arith.constant 0 : i32
      %dma_wait3A_90 = tpu.memref_slice %arg8[%mul3A_84, %dma_wait3A_89] : memref<80x256xi32, #tpu.memory_space<vmem>> -> memref<1x256xi32, #tpu.memory_space<vmem>>
      %dma_wait3A_91 = tpu.memref_squeeze %dma_wait3A_90 : memref<1x256xi32, #tpu.memory_space<vmem>> -> memref<256xi32, #tpu.memory_space<vmem>>
      %dma_wait3A_92 = arith.constant 0 : i32
      %dma_wait3A_93 = arith.constant 0 : i32
      %dma_wait3A_94 = tpu.memref_slice %arg19[%dma_wait3A_92, %dma_wait3A_93] : memref<10112x16xf32, #tpu.memory_space<vmem_shared>> -> memref<10112x16xf32, #tpu.memory_space<vmem_shared>>
      tpu.wait_indirect_dma semaphore(%arg22 : memref<!tpu.dma_semaphore, #tpu.memory_space<semaphore_mem>>) src(%dma_wait3A_94 : memref<10112x16xf32, #tpu.memory_space<vmem_shared>>) dst(%arg10 : memref<256x16xf32, #tpu.memory_space<vmem>>)
      %dma_wait3A_95 = arith.constant 0 : i32
      %dma_wait3A_96 = tpu.memref_slice %arg9[%mul3A_84, %dma_wait3A_95] : memref<80x256xi32, #tpu.memory_space<vmem>> -> memref<1x256xi32, #tpu.memory_space<vmem>>
      %dma_wait3A_97 = tpu.memref_squeeze %dma_wait3A_96 : memref<1x256xi32, #tpu.memory_space<vmem>> -> memref<256xi32, #tpu.memory_space<vmem>>
      %dma_wait3A_98 = arith.constant 0 : i32
      %dma_wait3A_99 = arith.constant 0 : i32
      %dma_wait3A_100 = tpu.memref_slice %arg20[%dma_wait3A_98, %dma_wait3A_99] : memref<10112x16xf32, #tpu.memory_space<vmem_shared>> -> memref<10112x16xf32, #tpu.memory_space<vmem_shared>>
      tpu.wait_indirect_dma semaphore(%arg24 : memref<!tpu.dma_semaphore, #tpu.memory_space<semaphore_mem>>) src(%dma_wait3A_100 : memref<10112x16xf32, #tpu.memory_space<vmem_shared>>) dst(%arg12 : memref<256x16xf32, #tpu.memory_space<vmem>>)
      %ge3A = arith.constant 2 : i32
      %ge3A_101 = arith.cmpi sge, %mul3A_84, %ge3A : i32
      %convert_element_type3A = arith.extui %ge3A_101 : i1 to i32
      %cond3A = arith.constant 0 : i32
      %cond3A_102 = arith.cmpi ne, %convert_element_type3A, %cond3A : i32
      scf.if %cond3A_102 {
        %sub3A = arith.constant 2 : i32
        %sub3A_157 = arith.subi %mul3A_84, %sub3A : i32
        %dma_wait3A_158 = arith.constant 0 : i32
        %dma_wait3A_159 = tpu.memref_slice %arg9[%sub3A_157, %dma_wait3A_158] : memref<80x256xi32, #tpu.memory_space<vmem>> -> memref<1x256xi32, #tpu.memory_space<vmem>>
        %dma_wait3A_160 = tpu.memref_squeeze %dma_wait3A_159 : memref<1x256xi32, #tpu.memory_space<vmem>> -> memref<256xi32, #tpu.memory_space<vmem>>
        %dma_wait3A_161 = arith.constant 0 : i32
        %dma_wait3A_162 = arith.constant 0 : i32
        %dma_wait3A_163 = tpu.memref_slice %arg21[%dma_wait3A_161, %dma_wait3A_162] : memref<10112x16xf32, #tpu.memory_space<vmem_shared>> -> memref<10112x16xf32, #tpu.memory_space<vmem_shared>>
        tpu.wait_indirect_dma semaphore(%arg26 : memref<!tpu.dma_semaphore, #tpu.memory_space<semaphore_mem>>) src(%arg14 : memref<256x16xf32, #tpu.memory_space<vmem>>) dst(%dma_wait3A_163 : memref<10112x16xf32, #tpu.memory_space<vmem_shared>>)
      } else {
      }
      %scan3A_103 = arith.constant 0 : i32
      %scan3A_104 = arith.constant 0 : i32
      %scan3A_105 = arith.constant 32 : i32
      %scan3A_106 = arith.addi %scan3A_104, %scan3A_105 : i32
      %scan3A_107 = arith.constant 1 : i32
      scf.for %scan3A_157 = %scan3A_104 to %scan3A_106 step %scan3A_107  : i32 {
        %mul3A_158 = arith.constant 8 : i32
        %mul3A_159 = arith.muli %scan3A_157, %mul3A_158 : i32
        %add3A_160 = arith.constant 0 : i32
        %add3A_161 = arith.addi %mul3A_159, %add3A_160 : i32
        %get3A = arith.index_cast %add3A_161 : i32 to index
        %get3A_162 = arith.constant 0 : index
        %get3A_163 = tpu.vector_load %arg10[%get3A, %get3A_162] {strides = array<i32>} : memref<256x16xf32, #tpu.memory_space<vmem>>, vector<16xf32>,
        %get3A_164 = arith.index_cast %add3A_161 : i32 to index
        %get3A_165 = arith.constant 0 : index
        %get3A_166 = tpu.vector_load %arg12[%get3A_164, %get3A_165] {strides = array<i32>} : memref<256x16xf32, #tpu.memory_space<vmem>>, vector<16xf32>,
        %mul3A_167 = arith.mulf %get3A_163, %get3A_166 : vector<16xf32>
        %mul3A_168 = arith.constant 1.71828187 : f32
        %mul3A_169 = vector.broadcast %mul3A_168 : f32 to vector<16xf32>
        %mul3A_170 = arith.mulf %mul3A_169, %mul3A_167 : vector<16xf32>
        %reduce_sum3A = arith.constant true
        %reduce_sum3A_171 = vector.broadcast %reduce_sum3A : i1 to vector<16xi1>
        %reduce_sum3A_172 = tpu.scan <sum>, %mul3A_167 masked %reduce_sum3A_171 : vector<16xf32>, vector<16xi1> -> vector<16xf32>
        %reduce_sum3A_173 = vector.extract %reduce_sum3A_172[15] : f32 from vector<16xf32>
        %broadcast_in_dim3A = vector.broadcast %reduce_sum3A_173 : f32 to vector<16xf32>
        %add3A_174 = arith.addf %broadcast_in_dim3A, %broadcast_in_dim3A : vector<16xf32>
        %add3A_175 = arith.addf %mul3A_170, %add3A_174 : vector<16xf32>
        %div3A = arith.constant 1.000000e+00 : f32
        %div3A_176 = vector.broadcast %div3A : f32 to vector<16xf32>
        %div3A_177 = arith.divf %div3A_176, %add3A_175 : vector<16xf32>
        %mul3A_178 = arith.mulf %add3A_175, %div3A_177 : vector<16xf32>
        %sub3A = arith.constant 2.000000e+00 : f32
        %sub3A_179 = vector.broadcast %sub3A : f32 to vector<16xf32>
        %sub3A_180 = arith.subf %sub3A_179, %mul3A_178 : vector<16xf32>
        %mul3A_181 = arith.mulf %div3A_177, %sub3A_180 : vector<16xf32>
        %mul3A_182 = arith.mulf %mul3A_170, %mul3A_181 : vector<16xf32>
        %mul3A_183 = arith.mulf %mul3A_182, %mul3A_182 : vector<16xf32>
        %mul3A_184 = arith.constant 0.181818187 : f32
        %mul3A_185 = vector.broadcast %mul3A_184 : f32 to vector<16xf32>
        %mul3A_186 = arith.mulf %mul3A_185, %mul3A_183 : vector<16xf32>
        %add3A_187 = arith.constant 0.222222224 : f32
        %add3A_188 = vector.broadcast %add3A_187 : f32 to vector<16xf32>
        %add3A_189 = arith.addf %mul3A_186, %add3A_188 : vector<16xf32>
        %mul3A_190 = arith.mulf %add3A_189, %mul3A_183 : vector<16xf32>
        %add3A_191 = arith.constant 0.285714298 : f32
        %add3A_192 = vector.broadcast %add3A_191 : f32 to vector<16xf32>
        %add3A_193 = arith.addf %mul3A_190, %add3A_192 : vector<16xf32>
        %mul3A_194 = arith.mulf %add3A_193, %mul3A_183 : vector<16xf32>
        %add3A_195 = arith.constant 4.000000e-01 : f32
        %add3A_196 = vector.broadcast %add3A_195 : f32 to vector<16xf32>
        %add3A_197 = arith.addf %mul3A_194, %add3A_196 : vector<16xf32>
        %mul3A_198 = arith.mulf %add3A_197, %mul3A_183 : vector<16xf32>
        %add3A_199 = arith.constant 0.666666686 : f32
        %add3A_200 = vector.broadcast %add3A_199 : f32 to vector<16xf32>
        %add3A_201 = arith.addf %mul3A_198, %add3A_200 : vector<16xf32>
        %mul3A_202 = arith.mulf %add3A_201, %mul3A_183 : vector<16xf32>
        %add3A_203 = arith.constant 2.000000e+00 : f32
        %add3A_204 = vector.broadcast %add3A_203 : f32 to vector<16xf32>
        %add3A_205 = arith.addf %mul3A_202, %add3A_204 : vector<16xf32>
        %mul3A_206 = arith.mulf %mul3A_182, %add3A_205 : vector<16xf32>
        %swap3A = arith.index_cast %add3A_161 : i32 to index
        %swap3A_207 = arith.constant 0 : index
        %swap3A_208 = tpu.vector_load %arg14[%swap3A, %swap3A_207] {strides = array<i32>} : memref<256x16xf32, #tpu.memory_space<vmem>>, vector<16xf32>,
        tpu.vector_store %arg14[%swap3A, %swap3A_207], %mul3A_206 {strides = array<i32>} : memref<256x16xf32, #tpu.memory_space<vmem>>, vector<16xf32>,
        %mul3A_209 = arith.constant 8 : i32
        %mul3A_210 = arith.muli %scan3A_157, %mul3A_209 : i32
        %add3A_211 = arith.constant 1 : i32
        %add3A_212 = arith.addi %mul3A_210, %add3A_211 : i32
        %get3A_213 = arith.index_cast %add3A_212 : i32 to index
        %get3A_214 = arith.constant 0 : index
        %get3A_215 = tpu.vector_load %arg10[%get3A_213, %get3A_214] {strides = array<i32>} : memref<256x16xf32, #tpu.memory_space<vmem>>, vector<16xf32>,
        %get3A_216 = arith.index_cast %add3A_212 : i32 to index
        %get3A_217 = arith.constant 0 : index
        %get3A_218 = tpu.vector_load %arg12[%get3A_216, %get3A_217] {strides = array<i32>} : memref<256x16xf32, #tpu.memory_space<vmem>>, vector<16xf32>,
        %mul3A_219 = arith.mulf %get3A_215, %get3A_218 : vector<16xf32>
        %mul3A_220 = arith.constant 1.71828187 : f32
        %mul3A_221 = vector.broadcast %mul3A_220 : f32 to vector<16xf32>
        %mul3A_222 = arith.mulf %mul3A_221, %mul3A_219 : vector<16xf32>
        %reduce_sum3A_223 = arith.constant true
        %reduce_sum3A_224 = vector.broadcast %reduce_sum3A_223 : i1 to vector<16xi1>
        %reduce_sum3A_225 = tpu.scan <sum>, %mul3A_219 masked %reduce_sum3A_224 : vector<16xf32>, vector<16xi1> -> vector<16xf32>
        %reduce_sum3A_226 = vector.extract %reduce_sum3A_225[15] : f32 from vector<16xf32>
        %broadcast_in_dim3A_227 = vector.broadcast %reduce_sum3A_226 : f32 to vector<16xf32>
        %add3A_228 = arith.addf %broadcast_in_dim3A_227, %broadcast_in_dim3A_227 : vector<16xf32>
        %add3A_229 = arith.addf %mul3A_222, %add3A_228 : vector<16xf32>
        %div3A_230 = arith.constant 1.000000e+00 : f32
        %div3A_231 = vector.broadcast %div3A_230 : f32 to vector<16xf32>
        %div3A_232 = arith.divf %div3A_231, %add3A_229 : vector<16xf32>
        %mul3A_233 = arith.mulf %add3A_229, %div3A_232 : vector<16xf32>
        %sub3A_234 = arith.constant 2.000000e+00 : f32
        %sub3A_235 = vector.broadcast %sub3A_234 : f32 to vector<16xf32>
        %sub3A_236 = arith.subf %sub3A_235, %mul3A_233 : vector<16xf32>
        %mul3A_237 = arith.mulf %div3A_232, %sub3A_236 : vector<16xf32>
        %mul3A_238 = arith.mulf %mul3A_222, %mul3A_237 : vector<16xf32>
        %mul3A_239 = arith.mulf %mul3A_238, %mul3A_238 : vector<16xf32>
        %mul3A_240 = arith.constant 0.181818187 : f32
        %mul3A_241 = vector.broadcast %mul3A_240 : f32 to vector<16xf32>
        %mul3A_242 = arith.mulf %mul3A_241, %mul3A_239 : vector<16xf32>
        %add3A_243 = arith.constant 0.222222224 : f32
        %add3A_244 = vector.broadcast %add3A_243 : f32 to vector<16xf32>
        %add3A_245 = arith.addf %mul3A_242, %add3A_244 : vector<16xf32>
        %mul3A_246 = arith.mulf %add3A_245, %mul3A_239 : vector<16xf32>
        %add3A_247 = arith.constant 0.285714298 : f32
        %add3A_248 = vector.broadcast %add3A_247 : f32 to vector<16xf32>
        %add3A_249 = arith.addf %mul3A_246, %add3A_248 : vector<16xf32>
        %mul3A_250 = arith.mulf %add3A_249, %mul3A_239 : vector<16xf32>
        %add3A_251 = arith.constant 4.000000e-01 : f32
        %add3A_252 = vector.broadcast %add3A_251 : f32 to vector<16xf32>
        %add3A_253 = arith.addf %mul3A_250, %add3A_252 : vector<16xf32>
        %mul3A_254 = arith.mulf %add3A_253, %mul3A_239 : vector<16xf32>
        %add3A_255 = arith.constant 0.666666686 : f32
        %add3A_256 = vector.broadcast %add3A_255 : f32 to vector<16xf32>
        %add3A_257 = arith.addf %mul3A_254, %add3A_256 : vector<16xf32>
        %mul3A_258 = arith.mulf %add3A_257, %mul3A_239 : vector<16xf32>
        %add3A_259 = arith.constant 2.000000e+00 : f32
        %add3A_260 = vector.broadcast %add3A_259 : f32 to vector<16xf32>
        %add3A_261 = arith.addf %mul3A_258, %add3A_260 : vector<16xf32>
        %mul3A_262 = arith.mulf %mul3A_238, %add3A_261 : vector<16xf32>
        %swap3A_263 = arith.index_cast %add3A_212 : i32 to index
        %swap3A_264 = arith.constant 0 : index
        %swap3A_265 = tpu.vector_load %arg14[%swap3A_263, %swap3A_264] {strides = array<i32>} : memref<256x16xf32, #tpu.memory_space<vmem>>, vector<16xf32>,
        tpu.vector_store %arg14[%swap3A_263, %swap3A_264], %mul3A_262 {strides = array<i32>} : memref<256x16xf32, #tpu.memory_space<vmem>>, vector<16xf32>,
        %mul3A_266 = arith.constant 8 : i32
        %mul3A_267 = arith.muli %scan3A_157, %mul3A_266 : i32
        %add3A_268 = arith.constant 2 : i32
        %add3A_269 = arith.addi %mul3A_267, %add3A_268 : i32
        %get3A_270 = arith.index_cast %add3A_269 : i32 to index
        %get3A_271 = arith.constant 0 : index
        %get3A_272 = tpu.vector_load %arg10[%get3A_270, %get3A_271] {strides = array<i32>} : memref<256x16xf32, #tpu.memory_space<vmem>>, vector<16xf32>,
        %get3A_273 = arith.index_cast %add3A_269 : i32 to index
        %get3A_274 = arith.constant 0 : index
        %get3A_275 = tpu.vector_load %arg12[%get3A_273, %get3A_274] {strides = array<i32>} : memref<256x16xf32, #tpu.memory_space<vmem>>, vector<16xf32>,
        %mul3A_276 = arith.mulf %get3A_272, %get3A_275 : vector<16xf32>
        %mul3A_277 = arith.constant 1.71828187 : f32
        %mul3A_278 = vector.broadcast %mul3A_277 : f32 to vector<16xf32>
        %mul3A_279 = arith.mulf %mul3A_278, %mul3A_276 : vector<16xf32>
        %reduce_sum3A_280 = arith.constant true
        %reduce_sum3A_281 = vector.broadcast %reduce_sum3A_280 : i1 to vector<16xi1>
        %reduce_sum3A_282 = tpu.scan <sum>, %mul3A_276 masked %reduce_sum3A_281 : vector<16xf32>, vector<16xi1> -> vector<16xf32>
        %reduce_sum3A_283 = vector.extract %reduce_sum3A_282[15] : f32 from vector<16xf32>
        %broadcast_in_dim3A_284 = vector.broadcast %reduce_sum3A_283 : f32 to vector<16xf32>
        %add3A_285 = arith.addf %broadcast_in_dim3A_284, %broadcast_in_dim3A_284 : vector<16xf32>
        %add3A_286 = arith.addf %mul3A_279, %add3A_285 : vector<16xf32>
        %div3A_287 = arith.constant 1.000000e+00 : f32
        %div3A_288 = vector.broadcast %div3A_287 : f32 to vector<16xf32>
        %div3A_289 = arith.divf %div3A_288, %add3A_286 : vector<16xf32>
        %mul3A_290 = arith.mulf %add3A_286, %div3A_289 : vector<16xf32>
        %sub3A_291 = arith.constant 2.000000e+00 : f32
        %sub3A_292 = vector.broadcast %sub3A_291 : f32 to vector<16xf32>
        %sub3A_293 = arith.subf %sub3A_292, %mul3A_290 : vector<16xf32>
        %mul3A_294 = arith.mulf %div3A_289, %sub3A_293 : vector<16xf32>
        %mul3A_295 = arith.mulf %mul3A_279, %mul3A_294 : vector<16xf32>
        %mul3A_296 = arith.mulf %mul3A_295, %mul3A_295 : vector<16xf32>
        %mul3A_297 = arith.constant 0.181818187 : f32
        %mul3A_298 = vector.broadcast %mul3A_297 : f32 to vector<16xf32>
        %mul3A_299 = arith.mulf %mul3A_298, %mul3A_296 : vector<16xf32>
        %add3A_300 = arith.constant 0.222222224 : f32
        %add3A_301 = vector.broadcast %add3A_300 : f32 to vector<16xf32>
        %add3A_302 = arith.addf %mul3A_299, %add3A_301 : vector<16xf32>
        %mul3A_303 = arith.mulf %add3A_302, %mul3A_296 : vector<16xf32>
        %add3A_304 = arith.constant 0.285714298 : f32
        %add3A_305 = vector.broadcast %add3A_304 : f32 to vector<16xf32>
        %add3A_306 = arith.addf %mul3A_303, %add3A_305 : vector<16xf32>
        %mul3A_307 = arith.mulf %add3A_306, %mul3A_296 : vector<16xf32>
        %add3A_308 = arith.constant 4.000000e-01 : f32
        %add3A_309 = vector.broadcast %add3A_308 : f32 to vector<16xf32>
        %add3A_310 = arith.addf %mul3A_307, %add3A_309 : vector<16xf32>
        %mul3A_311 = arith.mulf %add3A_310, %mul3A_296 : vector<16xf32>
        %add3A_312 = arith.constant 0.666666686 : f32
        %add3A_313 = vector.broadcast %add3A_312 : f32 to vector<16xf32>
        %add3A_314 = arith.addf %mul3A_311, %add3A_313 : vector<16xf32>
        %mul3A_315 = arith.mulf %add3A_314, %mul3A_296 : vector<16xf32>
        %add3A_316 = arith.constant 2.000000e+00 : f32
        %add3A_317 = vector.broadcast %add3A_316 : f32 to vector<16xf32>
        %add3A_318 = arith.addf %mul3A_315, %add3A_317 : vector<16xf32>
        %mul3A_319 = arith.mulf %mul3A_295, %add3A_318 : vector<16xf32>
        %swap3A_320 = arith.index_cast %add3A_269 : i32 to index
        %swap3A_321 = arith.constant 0 : index
        %swap3A_322 = tpu.vector_load %arg14[%swap3A_320, %swap3A_321] {strides = array<i32>} : memref<256x16xf32, #tpu.memory_space<vmem>>, vector<16xf32>,
        tpu.vector_store %arg14[%swap3A_320, %swap3A_321], %mul3A_319 {strides = array<i32>} : memref<256x16xf32, #tpu.memory_space<vmem>>, vector<16xf32>,
        %mul3A_323 = arith.constant 8 : i32
        %mul3A_324 = arith.muli %scan3A_157, %mul3A_323 : i32
        %add3A_325 = arith.constant 3 : i32
        %add3A_326 = arith.addi %mul3A_324, %add3A_325 : i32
        %get3A_327 = arith.index_cast %add3A_326 : i32 to index
        %get3A_328 = arith.constant 0 : index
        %get3A_329 = tpu.vector_load %arg10[%get3A_327, %get3A_328] {strides = array<i32>} : memref<256x16xf32, #tpu.memory_space<vmem>>, vector<16xf32>,
        %get3A_330 = arith.index_cast %add3A_326 : i32 to index
        %get3A_331 = arith.constant 0 : index
        %get3A_332 = tpu.vector_load %arg12[%get3A_330, %get3A_331] {strides = array<i32>} : memref<256x16xf32, #tpu.memory_space<vmem>>, vector<16xf32>,
        %mul3A_333 = arith.mulf %get3A_329, %get3A_332 : vector<16xf32>
        %mul3A_334 = arith.constant 1.71828187 : f32
        %mul3A_335 = vector.broadcast %mul3A_334 : f32 to vector<16xf32>
        %mul3A_336 = arith.mulf %mul3A_335, %mul3A_333 : vector<16xf32>
        %reduce_sum3A_337 = arith.constant true
        %reduce_sum3A_338 = vector.broadcast %reduce_sum3A_337 : i1 to vector<16xi1>
        %reduce_sum3A_339 = tpu.scan <sum>, %mul3A_333 masked %reduce_sum3A_338 : vector<16xf32>, vector<16xi1> -> vector<16xf32>
        %reduce_sum3A_340 = vector.extract %reduce_sum3A_339[15] : f32 from vector<16xf32>
        %broadcast_in_dim3A_341 = vector.broadcast %reduce_sum3A_340 : f32 to vector<16xf32>
        %add3A_342 = arith.addf %broadcast_in_dim3A_341, %broadcast_in_dim3A_341 : vector<16xf32>
        %add3A_343 = arith.addf %mul3A_336, %add3A_342 : vector<16xf32>
        %div3A_344 = arith.constant 1.000000e+00 : f32
        %div3A_345 = vector.broadcast %div3A_344 : f32 to vector<16xf32>
        %div3A_346 = arith.divf %div3A_345, %add3A_343 : vector<16xf32>
        %mul3A_347 = arith.mulf %add3A_343, %div3A_346 : vector<16xf32>
        %sub3A_348 = arith.constant 2.000000e+00 : f32
        %sub3A_349 = vector.broadcast %sub3A_348 : f32 to vector<16xf32>
        %sub3A_350 = arith.subf %sub3A_349, %mul3A_347 : vector<16xf32>
        %mul3A_351 = arith.mulf %div3A_346, %sub3A_350 : vector<16xf32>
        %mul3A_352 = arith.mulf %mul3A_336, %mul3A_351 : vector<16xf32>
        %mul3A_353 = arith.mulf %mul3A_352, %mul3A_352 : vector<16xf32>
        %mul3A_354 = arith.constant 0.181818187 : f32
        %mul3A_355 = vector.broadcast %mul3A_354 : f32 to vector<16xf32>
        %mul3A_356 = arith.mulf %mul3A_355, %mul3A_353 : vector<16xf32>
        %add3A_357 = arith.constant 0.222222224 : f32
        %add3A_358 = vector.broadcast %add3A_357 : f32 to vector<16xf32>
        %add3A_359 = arith.addf %mul3A_356, %add3A_358 : vector<16xf32>
        %mul3A_360 = arith.mulf %add3A_359, %mul3A_353 : vector<16xf32>
        %add3A_361 = arith.constant 0.285714298 : f32
        %add3A_362 = vector.broadcast %add3A_361 : f32 to vector<16xf32>
        %add3A_363 = arith.addf %mul3A_360, %add3A_362 : vector<16xf32>
        %mul3A_364 = arith.mulf %add3A_363, %mul3A_353 : vector<16xf32>
        %add3A_365 = arith.constant 4.000000e-01 : f32
        %add3A_366 = vector.broadcast %add3A_365 : f32 to vector<16xf32>
        %add3A_367 = arith.addf %mul3A_364, %add3A_366 : vector<16xf32>
        %mul3A_368 = arith.mulf %add3A_367, %mul3A_353 : vector<16xf32>
        %add3A_369 = arith.constant 0.666666686 : f32
        %add3A_370 = vector.broadcast %add3A_369 : f32 to vector<16xf32>
        %add3A_371 = arith.addf %mul3A_368, %add3A_370 : vector<16xf32>
        %mul3A_372 = arith.mulf %add3A_371, %mul3A_353 : vector<16xf32>
        %add3A_373 = arith.constant 2.000000e+00 : f32
        %add3A_374 = vector.broadcast %add3A_373 : f32 to vector<16xf32>
        %add3A_375 = arith.addf %mul3A_372, %add3A_374 : vector<16xf32>
        %mul3A_376 = arith.mulf %mul3A_352, %add3A_375 : vector<16xf32>
        %swap3A_377 = arith.index_cast %add3A_326 : i32 to index
        %swap3A_378 = arith.constant 0 : index
        %swap3A_379 = tpu.vector_load %arg14[%swap3A_377, %swap3A_378] {strides = array<i32>} : memref<256x16xf32, #tpu.memory_space<vmem>>, vector<16xf32>,
        tpu.vector_store %arg14[%swap3A_377, %swap3A_378], %mul3A_376 {strides = array<i32>} : memref<256x16xf32, #tpu.memory_space<vmem>>, vector<16xf32>,
        %mul3A_380 = arith.constant 8 : i32
        %mul3A_381 = arith.muli %scan3A_157, %mul3A_380 : i32
        %add3A_382 = arith.constant 4 : i32
        %add3A_383 = arith.addi %mul3A_381, %add3A_382 : i32
        %get3A_384 = arith.index_cast %add3A_383 : i32 to index
        %get3A_385 = arith.constant 0 : index
        %get3A_386 = tpu.vector_load %arg10[%get3A_384, %get3A_385] {strides = array<i32>} : memref<256x16xf32, #tpu.memory_space<vmem>>, vector<16xf32>,
        %get3A_387 = arith.index_cast %add3A_383 : i32 to index
        %get3A_388 = arith.constant 0 : index
        %get3A_389 = tpu.vector_load %arg12[%get3A_387, %get3A_388] {strides = array<i32>} : memref<256x16xf32, #tpu.memory_space<vmem>>, vector<16xf32>,
        %mul3A_390 = arith.mulf %get3A_386, %get3A_389 : vector<16xf32>
        %mul3A_391 = arith.constant 1.71828187 : f32
        %mul3A_392 = vector.broadcast %mul3A_391 : f32 to vector<16xf32>
        %mul3A_393 = arith.mulf %mul3A_392, %mul3A_390 : vector<16xf32>
        %reduce_sum3A_394 = arith.constant true
        %reduce_sum3A_395 = vector.broadcast %reduce_sum3A_394 : i1 to vector<16xi1>
        %reduce_sum3A_396 = tpu.scan <sum>, %mul3A_390 masked %reduce_sum3A_395 : vector<16xf32>, vector<16xi1> -> vector<16xf32>
        %reduce_sum3A_397 = vector.extract %reduce_sum3A_396[15] : f32 from vector<16xf32>
        %broadcast_in_dim3A_398 = vector.broadcast %reduce_sum3A_397 : f32 to vector<16xf32>
        %add3A_399 = arith.addf %broadcast_in_dim3A_398, %broadcast_in_dim3A_398 : vector<16xf32>
        %add3A_400 = arith.addf %mul3A_393, %add3A_399 : vector<16xf32>
        %div3A_401 = arith.constant 1.000000e+00 : f32
        %div3A_402 = vector.broadcast %div3A_401 : f32 to vector<16xf32>
        %div3A_403 = arith.divf %div3A_402, %add3A_400 : vector<16xf32>
        %mul3A_404 = arith.mulf %add3A_400, %div3A_403 : vector<16xf32>
        %sub3A_405 = arith.constant 2.000000e+00 : f32
        %sub3A_406 = vector.broadcast %sub3A_405 : f32 to vector<16xf32>
        %sub3A_407 = arith.subf %sub3A_406, %mul3A_404 : vector<16xf32>
        %mul3A_408 = arith.mulf %div3A_403, %sub3A_407 : vector<16xf32>
        %mul3A_409 = arith.mulf %mul3A_393, %mul3A_408 : vector<16xf32>
        %mul3A_410 = arith.mulf %mul3A_409, %mul3A_409 : vector<16xf32>
        %mul3A_411 = arith.constant 0.181818187 : f32
        %mul3A_412 = vector.broadcast %mul3A_411 : f32 to vector<16xf32>
        %mul3A_413 = arith.mulf %mul3A_412, %mul3A_410 : vector<16xf32>
        %add3A_414 = arith.constant 0.222222224 : f32
        %add3A_415 = vector.broadcast %add3A_414 : f32 to vector<16xf32>
        %add3A_416 = arith.addf %mul3A_413, %add3A_415 : vector<16xf32>
        %mul3A_417 = arith.mulf %add3A_416, %mul3A_410 : vector<16xf32>
        %add3A_418 = arith.constant 0.285714298 : f32
        %add3A_419 = vector.broadcast %add3A_418 : f32 to vector<16xf32>
        %add3A_420 = arith.addf %mul3A_417, %add3A_419 : vector<16xf32>
        %mul3A_421 = arith.mulf %add3A_420, %mul3A_410 : vector<16xf32>
        %add3A_422 = arith.constant 4.000000e-01 : f32
        %add3A_423 = vector.broadcast %add3A_422 : f32 to vector<16xf32>
        %add3A_424 = arith.addf %mul3A_421, %add3A_423 : vector<16xf32>
        %mul3A_425 = arith.mulf %add3A_424, %mul3A_410 : vector<16xf32>
        %add3A_426 = arith.constant 0.666666686 : f32
        %add3A_427 = vector.broadcast %add3A_426 : f32 to vector<16xf32>
        %add3A_428 = arith.addf %mul3A_425, %add3A_427 : vector<16xf32>
        %mul3A_429 = arith.mulf %add3A_428, %mul3A_410 : vector<16xf32>
        %add3A_430 = arith.constant 2.000000e+00 : f32
        %add3A_431 = vector.broadcast %add3A_430 : f32 to vector<16xf32>
        %add3A_432 = arith.addf %mul3A_429, %add3A_431 : vector<16xf32>
        %mul3A_433 = arith.mulf %mul3A_409, %add3A_432 : vector<16xf32>
        %swap3A_434 = arith.index_cast %add3A_383 : i32 to index
        %swap3A_435 = arith.constant 0 : index
        %swap3A_436 = tpu.vector_load %arg14[%swap3A_434, %swap3A_435] {strides = array<i32>} : memref<256x16xf32, #tpu.memory_space<vmem>>, vector<16xf32>,
        tpu.vector_store %arg14[%swap3A_434, %swap3A_435], %mul3A_433 {strides = array<i32>} : memref<256x16xf32, #tpu.memory_space<vmem>>, vector<16xf32>,
        %mul3A_437 = arith.constant 8 : i32
        %mul3A_438 = arith.muli %scan3A_157, %mul3A_437 : i32
        %add3A_439 = arith.constant 5 : i32
        %add3A_440 = arith.addi %mul3A_438, %add3A_439 : i32
        %get3A_441 = arith.index_cast %add3A_440 : i32 to index
        %get3A_442 = arith.constant 0 : index
        %get3A_443 = tpu.vector_load %arg10[%get3A_441, %get3A_442] {strides = array<i32>} : memref<256x16xf32, #tpu.memory_space<vmem>>, vector<16xf32>,
        %get3A_444 = arith.index_cast %add3A_440 : i32 to index
        %get3A_445 = arith.constant 0 : index
        %get3A_446 = tpu.vector_load %arg12[%get3A_444, %get3A_445] {strides = array<i32>} : memref<256x16xf32, #tpu.memory_space<vmem>>, vector<16xf32>,
        %mul3A_447 = arith.mulf %get3A_443, %get3A_446 : vector<16xf32>
        %mul3A_448 = arith.constant 1.71828187 : f32
        %mul3A_449 = vector.broadcast %mul3A_448 : f32 to vector<16xf32>
        %mul3A_450 = arith.mulf %mul3A_449, %mul3A_447 : vector<16xf32>
        %reduce_sum3A_451 = arith.constant true
        %reduce_sum3A_452 = vector.broadcast %reduce_sum3A_451 : i1 to vector<16xi1>
        %reduce_sum3A_453 = tpu.scan <sum>, %mul3A_447 masked %reduce_sum3A_452 : vector<16xf32>, vector<16xi1> -> vector<16xf32>
        %reduce_sum3A_454 = vector.extract %reduce_sum3A_453[15] : f32 from vector<16xf32>
        %broadcast_in_dim3A_455 = vector.broadcast %reduce_sum3A_454 : f32 to vector<16xf32>
        %add3A_456 = arith.addf %broadcast_in_dim3A_455, %broadcast_in_dim3A_455 : vector<16xf32>
        %add3A_457 = arith.addf %mul3A_450, %add3A_456 : vector<16xf32>
        %div3A_458 = arith.constant 1.000000e+00 : f32
        %div3A_459 = vector.broadcast %div3A_458 : f32 to vector<16xf32>
        %div3A_460 = arith.divf %div3A_459, %add3A_457 : vector<16xf32>
        %mul3A_461 = arith.mulf %add3A_457, %div3A_460 : vector<16xf32>
        %sub3A_462 = arith.constant 2.000000e+00 : f32
        %sub3A_463 = vector.broadcast %sub3A_462 : f32 to vector<16xf32>
        %sub3A_464 = arith.subf %sub3A_463, %mul3A_461 : vector<16xf32>
        %mul3A_465 = arith.mulf %div3A_460, %sub3A_464 : vector<16xf32>
        %mul3A_466 = arith.mulf %mul3A_450, %mul3A_465 : vector<16xf32>
        %mul3A_467 = arith.mulf %mul3A_466, %mul3A_466 : vector<16xf32>
        %mul3A_468 = arith.constant 0.181818187 : f32
        %mul3A_469 = vector.broadcast %mul3A_468 : f32 to vector<16xf32>
        %mul3A_470 = arith.mulf %mul3A_469, %mul3A_467 : vector<16xf32>
        %add3A_471 = arith.constant 0.222222224 : f32
        %add3A_472 = vector.broadcast %add3A_471 : f32 to vector<16xf32>
        %add3A_473 = arith.addf %mul3A_470, %add3A_472 : vector<16xf32>
        %mul3A_474 = arith.mulf %add3A_473, %mul3A_467 : vector<16xf32>
        %add3A_475 = arith.constant 0.285714298 : f32
        %add3A_476 = vector.broadcast %add3A_475 : f32 to vector<16xf32>
        %add3A_477 = arith.addf %mul3A_474, %add3A_476 : vector<16xf32>
        %mul3A_478 = arith.mulf %add3A_477, %mul3A_467 : vector<16xf32>
        %add3A_479 = arith.constant 4.000000e-01 : f32
        %add3A_480 = vector.broadcast %add3A_479 : f32 to vector<16xf32>
        %add3A_481 = arith.addf %mul3A_478, %add3A_480 : vector<16xf32>
        %mul3A_482 = arith.mulf %add3A_481, %mul3A_467 : vector<16xf32>
        %add3A_483 = arith.constant 0.666666686 : f32
        %add3A_484 = vector.broadcast %add3A_483 : f32 to vector<16xf32>
        %add3A_485 = arith.addf %mul3A_482, %add3A_484 : vector<16xf32>
        %mul3A_486 = arith.mulf %add3A_485, %mul3A_467 : vector<16xf32>
        %add3A_487 = arith.constant 2.000000e+00 : f32
        %add3A_488 = vector.broadcast %add3A_487 : f32 to vector<16xf32>
        %add3A_489 = arith.addf %mul3A_486, %add3A_488 : vector<16xf32>
        %mul3A_490 = arith.mulf %mul3A_466, %add3A_489 : vector<16xf32>
        %swap3A_491 = arith.index_cast %add3A_440 : i32 to index
        %swap3A_492 = arith.constant 0 : index
        %swap3A_493 = tpu.vector_load %arg14[%swap3A_491, %swap3A_492] {strides = array<i32>} : memref<256x16xf32, #tpu.memory_space<vmem>>, vector<16xf32>,
        tpu.vector_store %arg14[%swap3A_491, %swap3A_492], %mul3A_490 {strides = array<i32>} : memref<256x16xf32, #tpu.memory_space<vmem>>, vector<16xf32>,
        %mul3A_494 = arith.constant 8 : i32
        %mul3A_495 = arith.muli %scan3A_157, %mul3A_494 : i32
        %add3A_496 = arith.constant 6 : i32
        %add3A_497 = arith.addi %mul3A_495, %add3A_496 : i32
        %get3A_498 = arith.index_cast %add3A_497 : i32 to index
        %get3A_499 = arith.constant 0 : index
        %get3A_500 = tpu.vector_load %arg10[%get3A_498, %get3A_499] {strides = array<i32>} : memref<256x16xf32, #tpu.memory_space<vmem>>, vector<16xf32>,
        %get3A_501 = arith.index_cast %add3A_497 : i32 to index
        %get3A_502 = arith.constant 0 : index
        %get3A_503 = tpu.vector_load %arg12[%get3A_501, %get3A_502] {strides = array<i32>} : memref<256x16xf32, #tpu.memory_space<vmem>>, vector<16xf32>,
        %mul3A_504 = arith.mulf %get3A_500, %get3A_503 : vector<16xf32>
        %mul3A_505 = arith.constant 1.71828187 : f32
        %mul3A_506 = vector.broadcast %mul3A_505 : f32 to vector<16xf32>
        %mul3A_507 = arith.mulf %mul3A_506, %mul3A_504 : vector<16xf32>
        %reduce_sum3A_508 = arith.constant true
        %reduce_sum3A_509 = vector.broadcast %reduce_sum3A_508 : i1 to vector<16xi1>
        %reduce_sum3A_510 = tpu.scan <sum>, %mul3A_504 masked %reduce_sum3A_509 : vector<16xf32>, vector<16xi1> -> vector<16xf32>
        %reduce_sum3A_511 = vector.extract %reduce_sum3A_510[15] : f32 from vector<16xf32>
        %broadcast_in_dim3A_512 = vector.broadcast %reduce_sum3A_511 : f32 to vector<16xf32>
        %add3A_513 = arith.addf %broadcast_in_dim3A_512, %broadcast_in_dim3A_512 : vector<16xf32>
        %add3A_514 = arith.addf %mul3A_507, %add3A_513 : vector<16xf32>
        %div3A_515 = arith.constant 1.000000e+00 : f32
        %div3A_516 = vector.broadcast %div3A_515 : f32 to vector<16xf32>
        %div3A_517 = arith.divf %div3A_516, %add3A_514 : vector<16xf32>
        %mul3A_518 = arith.mulf %add3A_514, %div3A_517 : vector<16xf32>
        %sub3A_519 = arith.constant 2.000000e+00 : f32
        %sub3A_520 = vector.broadcast %sub3A_519 : f32 to vector<16xf32>
        %sub3A_521 = arith.subf %sub3A_520, %mul3A_518 : vector<16xf32>
        %mul3A_522 = arith.mulf %div3A_517, %sub3A_521 : vector<16xf32>
        %mul3A_523 = arith.mulf %mul3A_507, %mul3A_522 : vector<16xf32>
        %mul3A_524 = arith.mulf %mul3A_523, %mul3A_523 : vector<16xf32>
        %mul3A_525 = arith.constant 0.181818187 : f32
        %mul3A_526 = vector.broadcast %mul3A_525 : f32 to vector<16xf32>
        %mul3A_527 = arith.mulf %mul3A_526, %mul3A_524 : vector<16xf32>
        %add3A_528 = arith.constant 0.222222224 : f32
        %add3A_529 = vector.broadcast %add3A_528 : f32 to vector<16xf32>
        %add3A_530 = arith.addf %mul3A_527, %add3A_529 : vector<16xf32>
        %mul3A_531 = arith.mulf %add3A_530, %mul3A_524 : vector<16xf32>
        %add3A_532 = arith.constant 0.285714298 : f32
        %add3A_533 = vector.broadcast %add3A_532 : f32 to vector<16xf32>
        %add3A_534 = arith.addf %mul3A_531, %add3A_533 : vector<16xf32>
        %mul3A_535 = arith.mulf %add3A_534, %mul3A_524 : vector<16xf32>
        %add3A_536 = arith.constant 4.000000e-01 : f32
        %add3A_537 = vector.broadcast %add3A_536 : f32 to vector<16xf32>
        %add3A_538 = arith.addf %mul3A_535, %add3A_537 : vector<16xf32>
        %mul3A_539 = arith.mulf %add3A_538, %mul3A_524 : vector<16xf32>
        %add3A_540 = arith.constant 0.666666686 : f32
        %add3A_541 = vector.broadcast %add3A_540 : f32 to vector<16xf32>
        %add3A_542 = arith.addf %mul3A_539, %add3A_541 : vector<16xf32>
        %mul3A_543 = arith.mulf %add3A_542, %mul3A_524 : vector<16xf32>
        %add3A_544 = arith.constant 2.000000e+00 : f32
        %add3A_545 = vector.broadcast %add3A_544 : f32 to vector<16xf32>
        %add3A_546 = arith.addf %mul3A_543, %add3A_545 : vector<16xf32>
        %mul3A_547 = arith.mulf %mul3A_523, %add3A_546 : vector<16xf32>
        %swap3A_548 = arith.index_cast %add3A_497 : i32 to index
        %swap3A_549 = arith.constant 0 : index
        %swap3A_550 = tpu.vector_load %arg14[%swap3A_548, %swap3A_549] {strides = array<i32>} : memref<256x16xf32, #tpu.memory_space<vmem>>, vector<16xf32>,
        tpu.vector_store %arg14[%swap3A_548, %swap3A_549], %mul3A_547 {strides = array<i32>} : memref<256x16xf32, #tpu.memory_space<vmem>>, vector<16xf32>,
        %mul3A_551 = arith.constant 8 : i32
        %mul3A_552 = arith.muli %scan3A_157, %mul3A_551 : i32
        %add3A_553 = arith.constant 7 : i32
        %add3A_554 = arith.addi %mul3A_552, %add3A_553 : i32
        %get3A_555 = arith.index_cast %add3A_554 : i32 to index
        %get3A_556 = arith.constant 0 : index
        %get3A_557 = tpu.vector_load %arg10[%get3A_555, %get3A_556] {strides = array<i32>} : memref<256x16xf32, #tpu.memory_space<vmem>>, vector<16xf32>,
        %get3A_558 = arith.index_cast %add3A_554 : i32 to index
        %get3A_559 = arith.constant 0 : index
        %get3A_560 = tpu.vector_load %arg12[%get3A_558, %get3A_559] {strides = array<i32>} : memref<256x16xf32, #tpu.memory_space<vmem>>, vector<16xf32>,
        %mul3A_561 = arith.mulf %get3A_557, %get3A_560 : vector<16xf32>
        %mul3A_562 = arith.constant 1.71828187 : f32
        %mul3A_563 = vector.broadcast %mul3A_562 : f32 to vector<16xf32>
        %mul3A_564 = arith.mulf %mul3A_563, %mul3A_561 : vector<16xf32>
        %reduce_sum3A_565 = arith.constant true
        %reduce_sum3A_566 = vector.broadcast %reduce_sum3A_565 : i1 to vector<16xi1>
        %reduce_sum3A_567 = tpu.scan <sum>, %mul3A_561 masked %reduce_sum3A_566 : vector<16xf32>, vector<16xi1> -> vector<16xf32>
        %reduce_sum3A_568 = vector.extract %reduce_sum3A_567[15] : f32 from vector<16xf32>
        %broadcast_in_dim3A_569 = vector.broadcast %reduce_sum3A_568 : f32 to vector<16xf32>
        %add3A_570 = arith.addf %broadcast_in_dim3A_569, %broadcast_in_dim3A_569 : vector<16xf32>
        %add3A_571 = arith.addf %mul3A_564, %add3A_570 : vector<16xf32>
        %div3A_572 = arith.constant 1.000000e+00 : f32
        %div3A_573 = vector.broadcast %div3A_572 : f32 to vector<16xf32>
        %div3A_574 = arith.divf %div3A_573, %add3A_571 : vector<16xf32>
        %mul3A_575 = arith.mulf %add3A_571, %div3A_574 : vector<16xf32>
        %sub3A_576 = arith.constant 2.000000e+00 : f32
        %sub3A_577 = vector.broadcast %sub3A_576 : f32 to vector<16xf32>
        %sub3A_578 = arith.subf %sub3A_577, %mul3A_575 : vector<16xf32>
        %mul3A_579 = arith.mulf %div3A_574, %sub3A_578 : vector<16xf32>
        %mul3A_580 = arith.mulf %mul3A_564, %mul3A_579 : vector<16xf32>
        %mul3A_581 = arith.mulf %mul3A_580, %mul3A_580 : vector<16xf32>
        %mul3A_582 = arith.constant 0.181818187 : f32
        %mul3A_583 = vector.broadcast %mul3A_582 : f32 to vector<16xf32>
        %mul3A_584 = arith.mulf %mul3A_583, %mul3A_581 : vector<16xf32>
        %add3A_585 = arith.constant 0.222222224 : f32
        %add3A_586 = vector.broadcast %add3A_585 : f32 to vector<16xf32>
        %add3A_587 = arith.addf %mul3A_584, %add3A_586 : vector<16xf32>
        %mul3A_588 = arith.mulf %add3A_587, %mul3A_581 : vector<16xf32>
        %add3A_589 = arith.constant 0.285714298 : f32
        %add3A_590 = vector.broadcast %add3A_589 : f32 to vector<16xf32>
        %add3A_591 = arith.addf %mul3A_588, %add3A_590 : vector<16xf32>
        %mul3A_592 = arith.mulf %add3A_591, %mul3A_581 : vector<16xf32>
        %add3A_593 = arith.constant 4.000000e-01 : f32
        %add3A_594 = vector.broadcast %add3A_593 : f32 to vector<16xf32>
        %add3A_595 = arith.addf %mul3A_592, %add3A_594 : vector<16xf32>
        %mul3A_596 = arith.mulf %add3A_595, %mul3A_581 : vector<16xf32>
        %add3A_597 = arith.constant 0.666666686 : f32
        %add3A_598 = vector.broadcast %add3A_597 : f32 to vector<16xf32>
        %add3A_599 = arith.addf %mul3A_596, %add3A_598 : vector<16xf32>
        %mul3A_600 = arith.mulf %add3A_599, %mul3A_581 : vector<16xf32>
        %add3A_601 = arith.constant 2.000000e+00 : f32
        %add3A_602 = vector.broadcast %add3A_601 : f32 to vector<16xf32>
        %add3A_603 = arith.addf %mul3A_600, %add3A_602 : vector<16xf32>
        %mul3A_604 = arith.mulf %mul3A_580, %add3A_603 : vector<16xf32>
        %swap3A_605 = arith.index_cast %add3A_554 : i32 to index
        %swap3A_606 = arith.constant 0 : index
        %swap3A_607 = tpu.vector_load %arg14[%swap3A_605, %swap3A_606] {strides = array<i32>} : memref<256x16xf32, #tpu.memory_space<vmem>>, vector<16xf32>,
        tpu.vector_store %arg14[%swap3A_605, %swap3A_606], %mul3A_604 {strides = array<i32>} : memref<256x16xf32, #tpu.memory_space<vmem>>, vector<16xf32>,
      }
      %scan3A_108 = arith.constant 32 : i32
      %dma_start3A_109 = arith.constant 0 : i32
      %dma_start3A_110 = tpu.memref_slice %arg9[%mul3A_84, %dma_start3A_109] : memref<80x256xi32, #tpu.memory_space<vmem>> -> memref<1x256xi32, #tpu.memory_space<vmem>>
      %dma_start3A_111 = tpu.memref_squeeze %dma_start3A_110 : memref<1x256xi32, #tpu.memory_space<vmem>> -> memref<256xi32, #tpu.memory_space<vmem>>
      %dma_start3A_112 = arith.constant 0 : i32
      %dma_start3A_113 = arith.constant 0 : i32
      %dma_start3A_114 = tpu.memref_slice %arg21[%dma_start3A_112, %dma_start3A_113] : memref<10112x16xf32, #tpu.memory_space<vmem_shared>> -> memref<10112x16xf32, #tpu.memory_space<vmem_shared>>
      tpu.enqueue_indirect_dma source(%arg14 : memref<256x16xf32, #tpu.memory_space<vmem>>) target(%dma_start3A_114 : memref<10112x16xf32, #tpu.memory_space<vmem_shared>>) offsets(%dma_start3A_111 : memref<256xi32, #tpu.memory_space<vmem>>) semaphore(%arg26 : memref<!tpu.dma_semaphore, #tpu.memory_space<semaphore_mem>>) {add = true}
      %add3A_115 = arith.constant 2 : i32
      %add3A_116 = arith.addi %mul3A_84, %add3A_115 : i32
      %lt3A = arith.constant 80 : i32
      %lt3A_117 = arith.cmpi slt, %add3A_116, %lt3A : i32
      %convert_element_type3A_118 = arith.extui %lt3A_117 : i1 to i32
      %cond3A_119 = arith.constant 0 : i32
      %cond3A_120 = arith.cmpi ne, %convert_element_type3A_118, %cond3A_119 : i32
      scf.if %cond3A_120 {
        %add3A_157 = arith.constant 2 : i32
        %add3A_158 = arith.addi %mul3A_84, %add3A_157 : i32
        %dma_start3A_159 = arith.constant 0 : i32
        %dma_start3A_160 = tpu.memref_slice %arg8[%add3A_158, %dma_start3A_159] : memref<80x256xi32, #tpu.memory_space<vmem>> -> memref<1x256xi32, #tpu.memory_space<vmem>>
        %dma_start3A_161 = tpu.memref_squeeze %dma_start3A_160 : memref<1x256xi32, #tpu.memory_space<vmem>> -> memref<256xi32, #tpu.memory_space<vmem>>
        %dma_start3A_162 = arith.constant 0 : i32
        %dma_start3A_163 = arith.constant 0 : i32
        %dma_start3A_164 = tpu.memref_slice %arg19[%dma_start3A_162, %dma_start3A_163] : memref<10112x16xf32, #tpu.memory_space<vmem_shared>> -> memref<10112x16xf32, #tpu.memory_space<vmem_shared>>
        tpu.enqueue_indirect_dma source(%dma_start3A_164 : memref<10112x16xf32, #tpu.memory_space<vmem_shared>>) target(%arg10 : memref<256x16xf32, #tpu.memory_space<vmem>>) offsets(%dma_start3A_161 : memref<256xi32, #tpu.memory_space<vmem>>) semaphore(%arg22 : memref<!tpu.dma_semaphore, #tpu.memory_space<semaphore_mem>>)
        %dma_start3A_165 = arith.constant 0 : i32
        %dma_start3A_166 = tpu.memref_slice %arg9[%add3A_158, %dma_start3A_165] : memref<80x256xi32, #tpu.memory_space<vmem>> -> memref<1x256xi32, #tpu.memory_space<vmem>>
        %dma_start3A_167 = tpu.memref_squeeze %dma_start3A_166 : memref<1x256xi32, #tpu.memory_space<vmem>> -> memref<256xi32, #tpu.memory_space<vmem>>
        %dma_start3A_168 = arith.constant 0 : i32
        %dma_start3A_169 = arith.constant 0 : i32
        %dma_start3A_170 = tpu.memref_slice %arg20[%dma_start3A_168, %dma_start3A_169] : memref<10112x16xf32, #tpu.memory_space<vmem_shared>> -> memref<10112x16xf32, #tpu.memory_space<vmem_shared>>
        tpu.enqueue_indirect_dma source(%dma_start3A_170 : memref<10112x16xf32, #tpu.memory_space<vmem_shared>>) target(%arg12 : memref<256x16xf32, #tpu.memory_space<vmem>>) offsets(%dma_start3A_167 : memref<256xi32, #tpu.memory_space<vmem>>) semaphore(%arg24 : memref<!tpu.dma_semaphore, #tpu.memory_space<semaphore_mem>>)
      } else {
      }
      %dma_wait3A_121 = arith.constant 0 : i32
      %dma_wait3A_122 = tpu.memref_slice %arg8[%add3A_88, %dma_wait3A_121] : memref<80x256xi32, #tpu.memory_space<vmem>> -> memref<1x256xi32, #tpu.memory_space<vmem>>
      %dma_wait3A_123 = tpu.memref_squeeze %dma_wait3A_122 : memref<1x256xi32, #tpu.memory_space<vmem>> -> memref<256xi32, #tpu.memory_space<vmem>>
      %dma_wait3A_124 = arith.constant 0 : i32
      %dma_wait3A_125 = arith.constant 0 : i32
      %dma_wait3A_126 = tpu.memref_slice %arg19[%dma_wait3A_124, %dma_wait3A_125] : memref<10112x16xf32, #tpu.memory_space<vmem_shared>> -> memref<10112x16xf32, #tpu.memory_space<vmem_shared>>
      tpu.wait_indirect_dma semaphore(%arg23 : memref<!tpu.dma_semaphore, #tpu.memory_space<semaphore_mem>>) src(%dma_wait3A_126 : memref<10112x16xf32, #tpu.memory_space<vmem_shared>>) dst(%arg11 : memref<256x16xf32, #tpu.memory_space<vmem>>)
      %dma_wait3A_127 = arith.constant 0 : i32
      %dma_wait3A_128 = tpu.memref_slice %arg9[%add3A_88, %dma_wait3A_127] : memref<80x256xi32, #tpu.memory_space<vmem>> -> memref<1x256xi32, #tpu.memory_space<vmem>>
      %dma_wait3A_129 = tpu.memref_squeeze %dma_wait3A_128 : memref<1x256xi32, #tpu.memory_space<vmem>> -> memref<256xi32, #tpu.memory_space<vmem>>
      %dma_wait3A_130 = arith.constant 0 : i32
      %dma_wait3A_131 = arith.constant 0 : i32
      %dma_wait3A_132 = tpu.memref_slice %arg20[%dma_wait3A_130, %dma_wait3A_131] : memref<10112x16xf32, #tpu.memory_space<vmem_shared>> -> memref<10112x16xf32, #tpu.memory_space<vmem_shared>>
      tpu.wait_indirect_dma semaphore(%arg25 : memref<!tpu.dma_semaphore, #tpu.memory_space<semaphore_mem>>) src(%dma_wait3A_132 : memref<10112x16xf32, #tpu.memory_space<vmem_shared>>) dst(%arg13 : memref<256x16xf32, #tpu.memory_space<vmem>>)
      %ge3A_133 = arith.constant 2 : i32
      %ge3A_134 = arith.cmpi sge, %add3A_88, %ge3A_133 : i32
      %convert_element_type3A_135 = arith.extui %ge3A_134 : i1 to i32
      %cond3A_136 = arith.constant 0 : i32
      %cond3A_137 = arith.cmpi ne, %convert_element_type3A_135, %cond3A_136 : i32
      scf.if %cond3A_137 {
        %sub3A = arith.constant 2 : i32
        %sub3A_157 = arith.subi %add3A_88, %sub3A : i32
        %dma_wait3A_158 = arith.constant 0 : i32
        %dma_wait3A_159 = tpu.memref_slice %arg9[%sub3A_157, %dma_wait3A_158] : memref<80x256xi32, #tpu.memory_space<vmem>> -> memref<1x256xi32, #tpu.memory_space<vmem>>
        %dma_wait3A_160 = tpu.memref_squeeze %dma_wait3A_159 : memref<1x256xi32, #tpu.memory_space<vmem>> -> memref<256xi32, #tpu.memory_space<vmem>>
        %dma_wait3A_161 = arith.constant 0 : i32
        %dma_wait3A_162 = arith.constant 0 : i32
        %dma_wait3A_163 = tpu.memref_slice %arg21[%dma_wait3A_161, %dma_wait3A_162] : memref<10112x16xf32, #tpu.memory_space<vmem_shared>> -> memref<10112x16xf32, #tpu.memory_space<vmem_shared>>
        tpu.wait_indirect_dma semaphore(%arg27 : memref<!tpu.dma_semaphore, #tpu.memory_space<semaphore_mem>>) src(%arg15 : memref<256x16xf32, #tpu.memory_space<vmem>>) dst(%dma_wait3A_163 : memref<10112x16xf32, #tpu.memory_space<vmem_shared>>)
      } else {
      }
      %scan3A_138 = arith.constant 0 : i32
      %scan3A_139 = arith.constant 0 : i32
      %scan3A_140 = arith.constant 32 : i32
      %scan3A_141 = arith.addi %scan3A_139, %scan3A_140 : i32
      %scan3A_142 = arith.constant 1 : i32
      scf.for %scan3A_157 = %scan3A_139 to %scan3A_141 step %scan3A_142  : i32 {
        %mul3A_158 = arith.constant 8 : i32
        %mul3A_159 = arith.muli %scan3A_157, %mul3A_158 : i32
        %add3A_160 = arith.constant 0 : i32
        %add3A_161 = arith.addi %mul3A_159, %add3A_160 : i32
        %get3A = arith.index_cast %add3A_161 : i32 to index
        %get3A_162 = arith.constant 0 : index
        %get3A_163 = tpu.vector_load %arg11[%get3A, %get3A_162] {strides = array<i32>} : memref<256x16xf32, #tpu.memory_space<vmem>>, vector<16xf32>,
        %get3A_164 = arith.index_cast %add3A_161 : i32 to index
        %get3A_165 = arith.constant 0 : index
        %get3A_166 = tpu.vector_load %arg13[%get3A_164, %get3A_165] {strides = array<i32>} : memref<256x16xf32, #tpu.memory_space<vmem>>, vector<16xf32>,
        %mul3A_167 = arith.mulf %get3A_163, %get3A_166 : vector<16xf32>
        %mul3A_168 = arith.constant 1.71828187 : f32
        %mul3A_169 = vector.broadcast %mul3A_168 : f32 to vector<16xf32>
        %mul3A_170 = arith.mulf %mul3A_169, %mul3A_167 : vector<16xf32>
        %reduce_sum3A = arith.constant true
        %reduce_sum3A_171 = vector.broadcast %reduce_sum3A : i1 to vector<16xi1>
        %reduce_sum3A_172 = tpu.scan <sum>, %mul3A_167 masked %reduce_sum3A_171 : vector<16xf32>, vector<16xi1> -> vector<16xf32>
        %reduce_sum3A_173 = vector.extract %reduce_sum3A_172[15] : f32 from vector<16xf32>
        %broadcast_in_dim3A = vector.broadcast %reduce_sum3A_173 : f32 to vector<16xf32>
        %add3A_174 = arith.addf %broadcast_in_dim3A, %broadcast_in_dim3A : vector<16xf32>
        %add3A_175 = arith.addf %mul3A_170, %add3A_174 : vector<16xf32>
        %div3A = arith.constant 1.000000e+00 : f32
        %div3A_176 = vector.broadcast %div3A : f32 to vector<16xf32>
        %div3A_177 = arith.divf %div3A_176, %add3A_175 : vector<16xf32>
        %mul3A_178 = arith.mulf %add3A_175, %div3A_177 : vector<16xf32>
        %sub3A = arith.constant 2.000000e+00 : f32
        %sub3A_179 = vector.broadcast %sub3A : f32 to vector<16xf32>
        %sub3A_180 = arith.subf %sub3A_179, %mul3A_178 : vector<16xf32>
        %mul3A_181 = arith.mulf %div3A_177, %sub3A_180 : vector<16xf32>
        %mul3A_182 = arith.mulf %mul3A_170, %mul3A_181 : vector<16xf32>
        %mul3A_183 = arith.mulf %mul3A_182, %mul3A_182 : vector<16xf32>
        %mul3A_184 = arith.constant 0.181818187 : f32
        %mul3A_185 = vector.broadcast %mul3A_184 : f32 to vector<16xf32>
        %mul3A_186 = arith.mulf %mul3A_185, %mul3A_183 : vector<16xf32>
        %add3A_187 = arith.constant 0.222222224 : f32
        %add3A_188 = vector.broadcast %add3A_187 : f32 to vector<16xf32>
        %add3A_189 = arith.addf %mul3A_186, %add3A_188 : vector<16xf32>
        %mul3A_190 = arith.mulf %add3A_189, %mul3A_183 : vector<16xf32>
        %add3A_191 = arith.constant 0.285714298 : f32
        %add3A_192 = vector.broadcast %add3A_191 : f32 to vector<16xf32>
        %add3A_193 = arith.addf %mul3A_190, %add3A_192 : vector<16xf32>
        %mul3A_194 = arith.mulf %add3A_193, %mul3A_183 : vector<16xf32>
        %add3A_195 = arith.constant 4.000000e-01 : f32
        %add3A_196 = vector.broadcast %add3A_195 : f32 to vector<16xf32>
        %add3A_197 = arith.addf %mul3A_194, %add3A_196 : vector<16xf32>
        %mul3A_198 = arith.mulf %add3A_197, %mul3A_183 : vector<16xf32>
        %add3A_199 = arith.constant 0.666666686 : f32
        %add3A_200 = vector.broadcast %add3A_199 : f32 to vector<16xf32>
        %add3A_201 = arith.addf %mul3A_198, %add3A_200 : vector<16xf32>
        %mul3A_202 = arith.mulf %add3A_201, %mul3A_183 : vector<16xf32>
        %add3A_203 = arith.constant 2.000000e+00 : f32
        %add3A_204 = vector.broadcast %add3A_203 : f32 to vector<16xf32>
        %add3A_205 = arith.addf %mul3A_202, %add3A_204 : vector<16xf32>
        %mul3A_206 = arith.mulf %mul3A_182, %add3A_205 : vector<16xf32>
        %swap3A = arith.index_cast %add3A_161 : i32 to index
        %swap3A_207 = arith.constant 0 : index
        %swap3A_208 = tpu.vector_load %arg15[%swap3A, %swap3A_207] {strides = array<i32>} : memref<256x16xf32, #tpu.memory_space<vmem>>, vector<16xf32>,
        tpu.vector_store %arg15[%swap3A, %swap3A_207], %mul3A_206 {strides = array<i32>} : memref<256x16xf32, #tpu.memory_space<vmem>>, vector<16xf32>,
        %mul3A_209 = arith.constant 8 : i32
        %mul3A_210 = arith.muli %scan3A_157, %mul3A_209 : i32
        %add3A_211 = arith.constant 1 : i32
        %add3A_212 = arith.addi %mul3A_210, %add3A_211 : i32
        %get3A_213 = arith.index_cast %add3A_212 : i32 to index
        %get3A_214 = arith.constant 0 : index
        %get3A_215 = tpu.vector_load %arg11[%get3A_213, %get3A_214] {strides = array<i32>} : memref<256x16xf32, #tpu.memory_space<vmem>>, vector<16xf32>,
        %get3A_216 = arith.index_cast %add3A_212 : i32 to index
        %get3A_217 = arith.constant 0 : index
        %get3A_218 = tpu.vector_load %arg13[%get3A_216, %get3A_217] {strides = array<i32>} : memref<256x16xf32, #tpu.memory_space<vmem>>, vector<16xf32>,
        %mul3A_219 = arith.mulf %get3A_215, %get3A_218 : vector<16xf32>
        %mul3A_220 = arith.constant 1.71828187 : f32
        %mul3A_221 = vector.broadcast %mul3A_220 : f32 to vector<16xf32>
        %mul3A_222 = arith.mulf %mul3A_221, %mul3A_219 : vector<16xf32>
        %reduce_sum3A_223 = arith.constant true
        %reduce_sum3A_224 = vector.broadcast %reduce_sum3A_223 : i1 to vector<16xi1>
        %reduce_sum3A_225 = tpu.scan <sum>, %mul3A_219 masked %reduce_sum3A_224 : vector<16xf32>, vector<16xi1> -> vector<16xf32>
        %reduce_sum3A_226 = vector.extract %reduce_sum3A_225[15] : f32 from vector<16xf32>
        %broadcast_in_dim3A_227 = vector.broadcast %reduce_sum3A_226 : f32 to vector<16xf32>
        %add3A_228 = arith.addf %broadcast_in_dim3A_227, %broadcast_in_dim3A_227 : vector<16xf32>
        %add3A_229 = arith.addf %mul3A_222, %add3A_228 : vector<16xf32>
        %div3A_230 = arith.constant 1.000000e+00 : f32
        %div3A_231 = vector.broadcast %div3A_230 : f32 to vector<16xf32>
        %div3A_232 = arith.divf %div3A_231, %add3A_229 : vector<16xf32>
        %mul3A_233 = arith.mulf %add3A_229, %div3A_232 : vector<16xf32>
        %sub3A_234 = arith.constant 2.000000e+00 : f32
        %sub3A_235 = vector.broadcast %sub3A_234 : f32 to vector<16xf32>
        %sub3A_236 = arith.subf %sub3A_235, %mul3A_233 : vector<16xf32>
        %mul3A_237 = arith.mulf %div3A_232, %sub3A_236 : vector<16xf32>
        %mul3A_238 = arith.mulf %mul3A_222, %mul3A_237 : vector<16xf32>
        %mul3A_239 = arith.mulf %mul3A_238, %mul3A_238 : vector<16xf32>
        %mul3A_240 = arith.constant 0.181818187 : f32
        %mul3A_241 = vector.broadcast %mul3A_240 : f32 to vector<16xf32>
        %mul3A_242 = arith.mulf %mul3A_241, %mul3A_239 : vector<16xf32>
        %add3A_243 = arith.constant 0.222222224 : f32
        %add3A_244 = vector.broadcast %add3A_243 : f32 to vector<16xf32>
        %add3A_245 = arith.addf %mul3A_242, %add3A_244 : vector<16xf32>
        %mul3A_246 = arith.mulf %add3A_245, %mul3A_239 : vector<16xf32>
        %add3A_247 = arith.constant 0.285714298 : f32
        %add3A_248 = vector.broadcast %add3A_247 : f32 to vector<16xf32>
        %add3A_249 = arith.addf %mul3A_246, %add3A_248 : vector<16xf32>
        %mul3A_250 = arith.mulf %add3A_249, %mul3A_239 : vector<16xf32>
        %add3A_251 = arith.constant 4.000000e-01 : f32
        %add3A_252 = vector.broadcast %add3A_251 : f32 to vector<16xf32>
        %add3A_253 = arith.addf %mul3A_250, %add3A_252 : vector<16xf32>
        %mul3A_254 = arith.mulf %add3A_253, %mul3A_239 : vector<16xf32>
        %add3A_255 = arith.constant 0.666666686 : f32
        %add3A_256 = vector.broadcast %add3A_255 : f32 to vector<16xf32>
        %add3A_257 = arith.addf %mul3A_254, %add3A_256 : vector<16xf32>
        %mul3A_258 = arith.mulf %add3A_257, %mul3A_239 : vector<16xf32>
        %add3A_259 = arith.constant 2.000000e+00 : f32
        %add3A_260 = vector.broadcast %add3A_259 : f32 to vector<16xf32>
        %add3A_261 = arith.addf %mul3A_258, %add3A_260 : vector<16xf32>
        %mul3A_262 = arith.mulf %mul3A_238, %add3A_261 : vector<16xf32>
        %swap3A_263 = arith.index_cast %add3A_212 : i32 to index
        %swap3A_264 = arith.constant 0 : index
        %swap3A_265 = tpu.vector_load %arg15[%swap3A_263, %swap3A_264] {strides = array<i32>} : memref<256x16xf32, #tpu.memory_space<vmem>>, vector<16xf32>,
        tpu.vector_store %arg15[%swap3A_263, %swap3A_264], %mul3A_262 {strides = array<i32>} : memref<256x16xf32, #tpu.memory_space<vmem>>, vector<16xf32>,
        %mul3A_266 = arith.constant 8 : i32
        %mul3A_267 = arith.muli %scan3A_157, %mul3A_266 : i32
        %add3A_268 = arith.constant 2 : i32
        %add3A_269 = arith.addi %mul3A_267, %add3A_268 : i32
        %get3A_270 = arith.index_cast %add3A_269 : i32 to index
        %get3A_271 = arith.constant 0 : index
        %get3A_272 = tpu.vector_load %arg11[%get3A_270, %get3A_271] {strides = array<i32>} : memref<256x16xf32, #tpu.memory_space<vmem>>, vector<16xf32>,
        %get3A_273 = arith.index_cast %add3A_269 : i32 to index
        %get3A_274 = arith.constant 0 : index
        %get3A_275 = tpu.vector_load %arg13[%get3A_273, %get3A_274] {strides = array<i32>} : memref<256x16xf32, #tpu.memory_space<vmem>>, vector<16xf32>,
        %mul3A_276 = arith.mulf %get3A_272, %get3A_275 : vector<16xf32>
        %mul3A_277 = arith.constant 1.71828187 : f32
        %mul3A_278 = vector.broadcast %mul3A_277 : f32 to vector<16xf32>
        %mul3A_279 = arith.mulf %mul3A_278, %mul3A_276 : vector<16xf32>
        %reduce_sum3A_280 = arith.constant true
        %reduce_sum3A_281 = vector.broadcast %reduce_sum3A_280 : i1 to vector<16xi1>
        %reduce_sum3A_282 = tpu.scan <sum>, %mul3A_276 masked %reduce_sum3A_281 : vector<16xf32>, vector<16xi1> -> vector<16xf32>
        %reduce_sum3A_283 = vector.extract %reduce_sum3A_282[15] : f32 from vector<16xf32>
        %broadcast_in_dim3A_284 = vector.broadcast %reduce_sum3A_283 : f32 to vector<16xf32>
        %add3A_285 = arith.addf %broadcast_in_dim3A_284, %broadcast_in_dim3A_284 : vector<16xf32>
        %add3A_286 = arith.addf %mul3A_279, %add3A_285 : vector<16xf32>
        %div3A_287 = arith.constant 1.000000e+00 : f32
        %div3A_288 = vector.broadcast %div3A_287 : f32 to vector<16xf32>
        %div3A_289 = arith.divf %div3A_288, %add3A_286 : vector<16xf32>
        %mul3A_290 = arith.mulf %add3A_286, %div3A_289 : vector<16xf32>
        %sub3A_291 = arith.constant 2.000000e+00 : f32
        %sub3A_292 = vector.broadcast %sub3A_291 : f32 to vector<16xf32>
        %sub3A_293 = arith.subf %sub3A_292, %mul3A_290 : vector<16xf32>
        %mul3A_294 = arith.mulf %div3A_289, %sub3A_293 : vector<16xf32>
        %mul3A_295 = arith.mulf %mul3A_279, %mul3A_294 : vector<16xf32>
        %mul3A_296 = arith.mulf %mul3A_295, %mul3A_295 : vector<16xf32>
        %mul3A_297 = arith.constant 0.181818187 : f32
        %mul3A_298 = vector.broadcast %mul3A_297 : f32 to vector<16xf32>
        %mul3A_299 = arith.mulf %mul3A_298, %mul3A_296 : vector<16xf32>
        %add3A_300 = arith.constant 0.222222224 : f32
        %add3A_301 = vector.broadcast %add3A_300 : f32 to vector<16xf32>
        %add3A_302 = arith.addf %mul3A_299, %add3A_301 : vector<16xf32>
        %mul3A_303 = arith.mulf %add3A_302, %mul3A_296 : vector<16xf32>
        %add3A_304 = arith.constant 0.285714298 : f32
        %add3A_305 = vector.broadcast %add3A_304 : f32 to vector<16xf32>
        %add3A_306 = arith.addf %mul3A_303, %add3A_305 : vector<16xf32>
        %mul3A_307 = arith.mulf %add3A_306, %mul3A_296 : vector<16xf32>
        %add3A_308 = arith.constant 4.000000e-01 : f32
        %add3A_309 = vector.broadcast %add3A_308 : f32 to vector<16xf32>
        %add3A_310 = arith.addf %mul3A_307, %add3A_309 : vector<16xf32>
        %mul3A_311 = arith.mulf %add3A_310, %mul3A_296 : vector<16xf32>
        %add3A_312 = arith.constant 0.666666686 : f32
        %add3A_313 = vector.broadcast %add3A_312 : f32 to vector<16xf32>
        %add3A_314 = arith.addf %mul3A_311, %add3A_313 : vector<16xf32>
        %mul3A_315 = arith.mulf %add3A_314, %mul3A_296 : vector<16xf32>
        %add3A_316 = arith.constant 2.000000e+00 : f32
        %add3A_317 = vector.broadcast %add3A_316 : f32 to vector<16xf32>
        %add3A_318 = arith.addf %mul3A_315, %add3A_317 : vector<16xf32>
        %mul3A_319 = arith.mulf %mul3A_295, %add3A_318 : vector<16xf32>
        %swap3A_320 = arith.index_cast %add3A_269 : i32 to index
        %swap3A_321 = arith.constant 0 : index
        %swap3A_322 = tpu.vector_load %arg15[%swap3A_320, %swap3A_321] {strides = array<i32>} : memref<256x16xf32, #tpu.memory_space<vmem>>, vector<16xf32>,
        tpu.vector_store %arg15[%swap3A_320, %swap3A_321], %mul3A_319 {strides = array<i32>} : memref<256x16xf32, #tpu.memory_space<vmem>>, vector<16xf32>,
        %mul3A_323 = arith.constant 8 : i32
        %mul3A_324 = arith.muli %scan3A_157, %mul3A_323 : i32
        %add3A_325 = arith.constant 3 : i32
        %add3A_326 = arith.addi %mul3A_324, %add3A_325 : i32
        %get3A_327 = arith.index_cast %add3A_326 : i32 to index
        %get3A_328 = arith.constant 0 : index
        %get3A_329 = tpu.vector_load %arg11[%get3A_327, %get3A_328] {strides = array<i32>} : memref<256x16xf32, #tpu.memory_space<vmem>>, vector<16xf32>,
        %get3A_330 = arith.index_cast %add3A_326 : i32 to index
        %get3A_331 = arith.constant 0 : index
        %get3A_332 = tpu.vector_load %arg13[%get3A_330, %get3A_331] {strides = array<i32>} : memref<256x16xf32, #tpu.memory_space<vmem>>, vector<16xf32>,
        %mul3A_333 = arith.mulf %get3A_329, %get3A_332 : vector<16xf32>
        %mul3A_334 = arith.constant 1.71828187 : f32
        %mul3A_335 = vector.broadcast %mul3A_334 : f32 to vector<16xf32>
        %mul3A_336 = arith.mulf %mul3A_335, %mul3A_333 : vector<16xf32>
        %reduce_sum3A_337 = arith.constant true
        %reduce_sum3A_338 = vector.broadcast %reduce_sum3A_337 : i1 to vector<16xi1>
        %reduce_sum3A_339 = tpu.scan <sum>, %mul3A_333 masked %reduce_sum3A_338 : vector<16xf32>, vector<16xi1> -> vector<16xf32>
        %reduce_sum3A_340 = vector.extract %reduce_sum3A_339[15] : f32 from vector<16xf32>
        %broadcast_in_dim3A_341 = vector.broadcast %reduce_sum3A_340 : f32 to vector<16xf32>
        %add3A_342 = arith.addf %broadcast_in_dim3A_341, %broadcast_in_dim3A_341 : vector<16xf32>
        %add3A_343 = arith.addf %mul3A_336, %add3A_342 : vector<16xf32>
        %div3A_344 = arith.constant 1.000000e+00 : f32
        %div3A_345 = vector.broadcast %div3A_344 : f32 to vector<16xf32>
        %div3A_346 = arith.divf %div3A_345, %add3A_343 : vector<16xf32>
        %mul3A_347 = arith.mulf %add3A_343, %div3A_346 : vector<16xf32>
        %sub3A_348 = arith.constant 2.000000e+00 : f32
        %sub3A_349 = vector.broadcast %sub3A_348 : f32 to vector<16xf32>
        %sub3A_350 = arith.subf %sub3A_349, %mul3A_347 : vector<16xf32>
        %mul3A_351 = arith.mulf %div3A_346, %sub3A_350 : vector<16xf32>
        %mul3A_352 = arith.mulf %mul3A_336, %mul3A_351 : vector<16xf32>
        %mul3A_353 = arith.mulf %mul3A_352, %mul3A_352 : vector<16xf32>
        %mul3A_354 = arith.constant 0.181818187 : f32
        %mul3A_355 = vector.broadcast %mul3A_354 : f32 to vector<16xf32>
        %mul3A_356 = arith.mulf %mul3A_355, %mul3A_353 : vector<16xf32>
        %add3A_357 = arith.constant 0.222222224 : f32
        %add3A_358 = vector.broadcast %add3A_357 : f32 to vector<16xf32>
        %add3A_359 = arith.addf %mul3A_356, %add3A_358 : vector<16xf32>
        %mul3A_360 = arith.mulf %add3A_359, %mul3A_353 : vector<16xf32>
        %add3A_361 = arith.constant 0.285714298 : f32
        %add3A_362 = vector.broadcast %add3A_361 : f32 to vector<16xf32>
        %add3A_363 = arith.addf %mul3A_360, %add3A_362 : vector<16xf32>
        %mul3A_364 = arith.mulf %add3A_363, %mul3A_353 : vector<16xf32>
        %add3A_365 = arith.constant 4.000000e-01 : f32
        %add3A_366 = vector.broadcast %add3A_365 : f32 to vector<16xf32>
        %add3A_367 = arith.addf %mul3A_364, %add3A_366 : vector<16xf32>
        %mul3A_368 = arith.mulf %add3A_367, %mul3A_353 : vector<16xf32>
        %add3A_369 = arith.constant 0.666666686 : f32
        %add3A_370 = vector.broadcast %add3A_369 : f32 to vector<16xf32>
        %add3A_371 = arith.addf %mul3A_368, %add3A_370 : vector<16xf32>
        %mul3A_372 = arith.mulf %add3A_371, %mul3A_353 : vector<16xf32>
        %add3A_373 = arith.constant 2.000000e+00 : f32
        %add3A_374 = vector.broadcast %add3A_373 : f32 to vector<16xf32>
        %add3A_375 = arith.addf %mul3A_372, %add3A_374 : vector<16xf32>
        %mul3A_376 = arith.mulf %mul3A_352, %add3A_375 : vector<16xf32>
        %swap3A_377 = arith.index_cast %add3A_326 : i32 to index
        %swap3A_378 = arith.constant 0 : index
        %swap3A_379 = tpu.vector_load %arg15[%swap3A_377, %swap3A_378] {strides = array<i32>} : memref<256x16xf32, #tpu.memory_space<vmem>>, vector<16xf32>,
        tpu.vector_store %arg15[%swap3A_377, %swap3A_378], %mul3A_376 {strides = array<i32>} : memref<256x16xf32, #tpu.memory_space<vmem>>, vector<16xf32>,
        %mul3A_380 = arith.constant 8 : i32
        %mul3A_381 = arith.muli %scan3A_157, %mul3A_380 : i32
        %add3A_382 = arith.constant 4 : i32
        %add3A_383 = arith.addi %mul3A_381, %add3A_382 : i32
        %get3A_384 = arith.index_cast %add3A_383 : i32 to index
        %get3A_385 = arith.constant 0 : index
        %get3A_386 = tpu.vector_load %arg11[%get3A_384, %get3A_385] {strides = array<i32>} : memref<256x16xf32, #tpu.memory_space<vmem>>, vector<16xf32>,
        %get3A_387 = arith.index_cast %add3A_383 : i32 to index
        %get3A_388 = arith.constant 0 : index
        %get3A_389 = tpu.vector_load %arg13[%get3A_387, %get3A_388] {strides = array<i32>} : memref<256x16xf32, #tpu.memory_space<vmem>>, vector<16xf32>,
        %mul3A_390 = arith.mulf %get3A_386, %get3A_389 : vector<16xf32>
        %mul3A_391 = arith.constant 1.71828187 : f32
        %mul3A_392 = vector.broadcast %mul3A_391 : f32 to vector<16xf32>
        %mul3A_393 = arith.mulf %mul3A_392, %mul3A_390 : vector<16xf32>
        %reduce_sum3A_394 = arith.constant true
        %reduce_sum3A_395 = vector.broadcast %reduce_sum3A_394 : i1 to vector<16xi1>
        %reduce_sum3A_396 = tpu.scan <sum>, %mul3A_390 masked %reduce_sum3A_395 : vector<16xf32>, vector<16xi1> -> vector<16xf32>
        %reduce_sum3A_397 = vector.extract %reduce_sum3A_396[15] : f32 from vector<16xf32>
        %broadcast_in_dim3A_398 = vector.broadcast %reduce_sum3A_397 : f32 to vector<16xf32>
        %add3A_399 = arith.addf %broadcast_in_dim3A_398, %broadcast_in_dim3A_398 : vector<16xf32>
        %add3A_400 = arith.addf %mul3A_393, %add3A_399 : vector<16xf32>
        %div3A_401 = arith.constant 1.000000e+00 : f32
        %div3A_402 = vector.broadcast %div3A_401 : f32 to vector<16xf32>
        %div3A_403 = arith.divf %div3A_402, %add3A_400 : vector<16xf32>
        %mul3A_404 = arith.mulf %add3A_400, %div3A_403 : vector<16xf32>
        %sub3A_405 = arith.constant 2.000000e+00 : f32
        %sub3A_406 = vector.broadcast %sub3A_405 : f32 to vector<16xf32>
        %sub3A_407 = arith.subf %sub3A_406, %mul3A_404 : vector<16xf32>
        %mul3A_408 = arith.mulf %div3A_403, %sub3A_407 : vector<16xf32>
        %mul3A_409 = arith.mulf %mul3A_393, %mul3A_408 : vector<16xf32>
        %mul3A_410 = arith.mulf %mul3A_409, %mul3A_409 : vector<16xf32>
        %mul3A_411 = arith.constant 0.181818187 : f32
        %mul3A_412 = vector.broadcast %mul3A_411 : f32 to vector<16xf32>
        %mul3A_413 = arith.mulf %mul3A_412, %mul3A_410 : vector<16xf32>
        %add3A_414 = arith.constant 0.222222224 : f32
        %add3A_415 = vector.broadcast %add3A_414 : f32 to vector<16xf32>
        %add3A_416 = arith.addf %mul3A_413, %add3A_415 : vector<16xf32>
        %mul3A_417 = arith.mulf %add3A_416, %mul3A_410 : vector<16xf32>
        %add3A_418 = arith.constant 0.285714298 : f32
        %add3A_419 = vector.broadcast %add3A_418 : f32 to vector<16xf32>
        %add3A_420 = arith.addf %mul3A_417, %add3A_419 : vector<16xf32>
        %mul3A_421 = arith.mulf %add3A_420, %mul3A_410 : vector<16xf32>
        %add3A_422 = arith.constant 4.000000e-01 : f32
        %add3A_423 = vector.broadcast %add3A_422 : f32 to vector<16xf32>
        %add3A_424 = arith.addf %mul3A_421, %add3A_423 : vector<16xf32>
        %mul3A_425 = arith.mulf %add3A_424, %mul3A_410 : vector<16xf32>
        %add3A_426 = arith.constant 0.666666686 : f32
        %add3A_427 = vector.broadcast %add3A_426 : f32 to vector<16xf32>
        %add3A_428 = arith.addf %mul3A_425, %add3A_427 : vector<16xf32>
        %mul3A_429 = arith.mulf %add3A_428, %mul3A_410 : vector<16xf32>
        %add3A_430 = arith.constant 2.000000e+00 : f32
        %add3A_431 = vector.broadcast %add3A_430 : f32 to vector<16xf32>
        %add3A_432 = arith.addf %mul3A_429, %add3A_431 : vector<16xf32>
        %mul3A_433 = arith.mulf %mul3A_409, %add3A_432 : vector<16xf32>
        %swap3A_434 = arith.index_cast %add3A_383 : i32 to index
        %swap3A_435 = arith.constant 0 : index
        %swap3A_436 = tpu.vector_load %arg15[%swap3A_434, %swap3A_435] {strides = array<i32>} : memref<256x16xf32, #tpu.memory_space<vmem>>, vector<16xf32>,
        tpu.vector_store %arg15[%swap3A_434, %swap3A_435], %mul3A_433 {strides = array<i32>} : memref<256x16xf32, #tpu.memory_space<vmem>>, vector<16xf32>,
        %mul3A_437 = arith.constant 8 : i32
        %mul3A_438 = arith.muli %scan3A_157, %mul3A_437 : i32
        %add3A_439 = arith.constant 5 : i32
        %add3A_440 = arith.addi %mul3A_438, %add3A_439 : i32
        %get3A_441 = arith.index_cast %add3A_440 : i32 to index
        %get3A_442 = arith.constant 0 : index
        %get3A_443 = tpu.vector_load %arg11[%get3A_441, %get3A_442] {strides = array<i32>} : memref<256x16xf32, #tpu.memory_space<vmem>>, vector<16xf32>,
        %get3A_444 = arith.index_cast %add3A_440 : i32 to index
        %get3A_445 = arith.constant 0 : index
        %get3A_446 = tpu.vector_load %arg13[%get3A_444, %get3A_445] {strides = array<i32>} : memref<256x16xf32, #tpu.memory_space<vmem>>, vector<16xf32>,
        %mul3A_447 = arith.mulf %get3A_443, %get3A_446 : vector<16xf32>
        %mul3A_448 = arith.constant 1.71828187 : f32
        %mul3A_449 = vector.broadcast %mul3A_448 : f32 to vector<16xf32>
        %mul3A_450 = arith.mulf %mul3A_449, %mul3A_447 : vector<16xf32>
        %reduce_sum3A_451 = arith.constant true
        %reduce_sum3A_452 = vector.broadcast %reduce_sum3A_451 : i1 to vector<16xi1>
        %reduce_sum3A_453 = tpu.scan <sum>, %mul3A_447 masked %reduce_sum3A_452 : vector<16xf32>, vector<16xi1> -> vector<16xf32>
        %reduce_sum3A_454 = vector.extract %reduce_sum3A_453[15] : f32 from vector<16xf32>
        %broadcast_in_dim3A_455 = vector.broadcast %reduce_sum3A_454 : f32 to vector<16xf32>
        %add3A_456 = arith.addf %broadcast_in_dim3A_455, %broadcast_in_dim3A_455 : vector<16xf32>
        %add3A_457 = arith.addf %mul3A_450, %add3A_456 : vector<16xf32>
        %div3A_458 = arith.constant 1.000000e+00 : f32
        %div3A_459 = vector.broadcast %div3A_458 : f32 to vector<16xf32>
        %div3A_460 = arith.divf %div3A_459, %add3A_457 : vector<16xf32>
        %mul3A_461 = arith.mulf %add3A_457, %div3A_460 : vector<16xf32>
        %sub3A_462 = arith.constant 2.000000e+00 : f32
        %sub3A_463 = vector.broadcast %sub3A_462 : f32 to vector<16xf32>
        %sub3A_464 = arith.subf %sub3A_463, %mul3A_461 : vector<16xf32>
        %mul3A_465 = arith.mulf %div3A_460, %sub3A_464 : vector<16xf32>
        %mul3A_466 = arith.mulf %mul3A_450, %mul3A_465 : vector<16xf32>
        %mul3A_467 = arith.mulf %mul3A_466, %mul3A_466 : vector<16xf32>
        %mul3A_468 = arith.constant 0.181818187 : f32
        %mul3A_469 = vector.broadcast %mul3A_468 : f32 to vector<16xf32>
        %mul3A_470 = arith.mulf %mul3A_469, %mul3A_467 : vector<16xf32>
        %add3A_471 = arith.constant 0.222222224 : f32
        %add3A_472 = vector.broadcast %add3A_471 : f32 to vector<16xf32>
        %add3A_473 = arith.addf %mul3A_470, %add3A_472 : vector<16xf32>
        %mul3A_474 = arith.mulf %add3A_473, %mul3A_467 : vector<16xf32>
        %add3A_475 = arith.constant 0.285714298 : f32
        %add3A_476 = vector.broadcast %add3A_475 : f32 to vector<16xf32>
        %add3A_477 = arith.addf %mul3A_474, %add3A_476 : vector<16xf32>
        %mul3A_478 = arith.mulf %add3A_477, %mul3A_467 : vector<16xf32>
        %add3A_479 = arith.constant 4.000000e-01 : f32
        %add3A_480 = vector.broadcast %add3A_479 : f32 to vector<16xf32>
        %add3A_481 = arith.addf %mul3A_478, %add3A_480 : vector<16xf32>
        %mul3A_482 = arith.mulf %add3A_481, %mul3A_467 : vector<16xf32>
        %add3A_483 = arith.constant 0.666666686 : f32
        %add3A_484 = vector.broadcast %add3A_483 : f32 to vector<16xf32>
        %add3A_485 = arith.addf %mul3A_482, %add3A_484 : vector<16xf32>
        %mul3A_486 = arith.mulf %add3A_485, %mul3A_467 : vector<16xf32>
        %add3A_487 = arith.constant 2.000000e+00 : f32
        %add3A_488 = vector.broadcast %add3A_487 : f32 to vector<16xf32>
        %add3A_489 = arith.addf %mul3A_486, %add3A_488 : vector<16xf32>
        %mul3A_490 = arith.mulf %mul3A_466, %add3A_489 : vector<16xf32>
        %swap3A_491 = arith.index_cast %add3A_440 : i32 to index
        %swap3A_492 = arith.constant 0 : index
        %swap3A_493 = tpu.vector_load %arg15[%swap3A_491, %swap3A_492] {strides = array<i32>} : memref<256x16xf32, #tpu.memory_space<vmem>>, vector<16xf32>,
        tpu.vector_store %arg15[%swap3A_491, %swap3A_492], %mul3A_490 {strides = array<i32>} : memref<256x16xf32, #tpu.memory_space<vmem>>, vector<16xf32>,
        %mul3A_494 = arith.constant 8 : i32
        %mul3A_495 = arith.muli %scan3A_157, %mul3A_494 : i32
        %add3A_496 = arith.constant 6 : i32
        %add3A_497 = arith.addi %mul3A_495, %add3A_496 : i32
        %get3A_498 = arith.index_cast %add3A_497 : i32 to index
        %get3A_499 = arith.constant 0 : index
        %get3A_500 = tpu.vector_load %arg11[%get3A_498, %get3A_499] {strides = array<i32>} : memref<256x16xf32, #tpu.memory_space<vmem>>, vector<16xf32>,
        %get3A_501 = arith.index_cast %add3A_497 : i32 to index
        %get3A_502 = arith.constant 0 : index
        %get3A_503 = tpu.vector_load %arg13[%get3A_501, %get3A_502] {strides = array<i32>} : memref<256x16xf32, #tpu.memory_space<vmem>>, vector<16xf32>,
        %mul3A_504 = arith.mulf %get3A_500, %get3A_503 : vector<16xf32>
        %mul3A_505 = arith.constant 1.71828187 : f32
        %mul3A_506 = vector.broadcast %mul3A_505 : f32 to vector<16xf32>
        %mul3A_507 = arith.mulf %mul3A_506, %mul3A_504 : vector<16xf32>
        %reduce_sum3A_508 = arith.constant true
        %reduce_sum3A_509 = vector.broadcast %reduce_sum3A_508 : i1 to vector<16xi1>
        %reduce_sum3A_510 = tpu.scan <sum>, %mul3A_504 masked %reduce_sum3A_509 : vector<16xf32>, vector<16xi1> -> vector<16xf32>
        %reduce_sum3A_511 = vector.extract %reduce_sum3A_510[15] : f32 from vector<16xf32>
        %broadcast_in_dim3A_512 = vector.broadcast %reduce_sum3A_511 : f32 to vector<16xf32>
        %add3A_513 = arith.addf %broadcast_in_dim3A_512, %broadcast_in_dim3A_512 : vector<16xf32>
        %add3A_514 = arith.addf %mul3A_507, %add3A_513 : vector<16xf32>
        %div3A_515 = arith.constant 1.000000e+00 : f32
        %div3A_516 = vector.broadcast %div3A_515 : f32 to vector<16xf32>
        %div3A_517 = arith.divf %div3A_516, %add3A_514 : vector<16xf32>
        %mul3A_518 = arith.mulf %add3A_514, %div3A_517 : vector<16xf32>
        %sub3A_519 = arith.constant 2.000000e+00 : f32
        %sub3A_520 = vector.broadcast %sub3A_519 : f32 to vector<16xf32>
        %sub3A_521 = arith.subf %sub3A_520, %mul3A_518 : vector<16xf32>
        %mul3A_522 = arith.mulf %div3A_517, %sub3A_521 : vector<16xf32>
        %mul3A_523 = arith.mulf %mul3A_507, %mul3A_522 : vector<16xf32>
        %mul3A_524 = arith.mulf %mul3A_523, %mul3A_523 : vector<16xf32>
        %mul3A_525 = arith.constant 0.181818187 : f32
        %mul3A_526 = vector.broadcast %mul3A_525 : f32 to vector<16xf32>
        %mul3A_527 = arith.mulf %mul3A_526, %mul3A_524 : vector<16xf32>
        %add3A_528 = arith.constant 0.222222224 : f32
        %add3A_529 = vector.broadcast %add3A_528 : f32 to vector<16xf32>
        %add3A_530 = arith.addf %mul3A_527, %add3A_529 : vector<16xf32>
        %mul3A_531 = arith.mulf %add3A_530, %mul3A_524 : vector<16xf32>
        %add3A_532 = arith.constant 0.285714298 : f32
        %add3A_533 = vector.broadcast %add3A_532 : f32 to vector<16xf32>
        %add3A_534 = arith.addf %mul3A_531, %add3A_533 : vector<16xf32>
        %mul3A_535 = arith.mulf %add3A_534, %mul3A_524 : vector<16xf32>
        %add3A_536 = arith.constant 4.000000e-01 : f32
        %add3A_537 = vector.broadcast %add3A_536 : f32 to vector<16xf32>
        %add3A_538 = arith.addf %mul3A_535, %add3A_537 : vector<16xf32>
        %mul3A_539 = arith.mulf %add3A_538, %mul3A_524 : vector<16xf32>
        %add3A_540 = arith.constant 0.666666686 : f32
        %add3A_541 = vector.broadcast %add3A_540 : f32 to vector<16xf32>
        %add3A_542 = arith.addf %mul3A_539, %add3A_541 : vector<16xf32>
        %mul3A_543 = arith.mulf %add3A_542, %mul3A_524 : vector<16xf32>
        %add3A_544 = arith.constant 2.000000e+00 : f32
        %add3A_545 = vector.broadcast %add3A_544 : f32 to vector<16xf32>
        %add3A_546 = arith.addf %mul3A_543, %add3A_545 : vector<16xf32>
        %mul3A_547 = arith.mulf %mul3A_523, %add3A_546 : vector<16xf32>
        %swap3A_548 = arith.index_cast %add3A_497 : i32 to index
        %swap3A_549 = arith.constant 0 : index
        %swap3A_550 = tpu.vector_load %arg15[%swap3A_548, %swap3A_549] {strides = array<i32>} : memref<256x16xf32, #tpu.memory_space<vmem>>, vector<16xf32>,
        tpu.vector_store %arg15[%swap3A_548, %swap3A_549], %mul3A_547 {strides = array<i32>} : memref<256x16xf32, #tpu.memory_space<vmem>>, vector<16xf32>,
        %mul3A_551 = arith.constant 8 : i32
        %mul3A_552 = arith.muli %scan3A_157, %mul3A_551 : i32
        %add3A_553 = arith.constant 7 : i32
        %add3A_554 = arith.addi %mul3A_552, %add3A_553 : i32
        %get3A_555 = arith.index_cast %add3A_554 : i32 to index
        %get3A_556 = arith.constant 0 : index
        %get3A_557 = tpu.vector_load %arg11[%get3A_555, %get3A_556] {strides = array<i32>} : memref<256x16xf32, #tpu.memory_space<vmem>>, vector<16xf32>,
        %get3A_558 = arith.index_cast %add3A_554 : i32 to index
        %get3A_559 = arith.constant 0 : index
        %get3A_560 = tpu.vector_load %arg13[%get3A_558, %get3A_559] {strides = array<i32>} : memref<256x16xf32, #tpu.memory_space<vmem>>, vector<16xf32>,
        %mul3A_561 = arith.mulf %get3A_557, %get3A_560 : vector<16xf32>
        %mul3A_562 = arith.constant 1.71828187 : f32
        %mul3A_563 = vector.broadcast %mul3A_562 : f32 to vector<16xf32>
        %mul3A_564 = arith.mulf %mul3A_563, %mul3A_561 : vector<16xf32>
        %reduce_sum3A_565 = arith.constant true
        %reduce_sum3A_566 = vector.broadcast %reduce_sum3A_565 : i1 to vector<16xi1>
        %reduce_sum3A_567 = tpu.scan <sum>, %mul3A_561 masked %reduce_sum3A_566 : vector<16xf32>, vector<16xi1> -> vector<16xf32>
        %reduce_sum3A_568 = vector.extract %reduce_sum3A_567[15] : f32 from vector<16xf32>
        %broadcast_in_dim3A_569 = vector.broadcast %reduce_sum3A_568 : f32 to vector<16xf32>
        %add3A_570 = arith.addf %broadcast_in_dim3A_569, %broadcast_in_dim3A_569 : vector<16xf32>
        %add3A_571 = arith.addf %mul3A_564, %add3A_570 : vector<16xf32>
        %div3A_572 = arith.constant 1.000000e+00 : f32
        %div3A_573 = vector.broadcast %div3A_572 : f32 to vector<16xf32>
        %div3A_574 = arith.divf %div3A_573, %add3A_571 : vector<16xf32>
        %mul3A_575 = arith.mulf %add3A_571, %div3A_574 : vector<16xf32>
        %sub3A_576 = arith.constant 2.000000e+00 : f32
        %sub3A_577 = vector.broadcast %sub3A_576 : f32 to vector<16xf32>
        %sub3A_578 = arith.subf %sub3A_577, %mul3A_575 : vector<16xf32>
        %mul3A_579 = arith.mulf %div3A_574, %sub3A_578 : vector<16xf32>
        %mul3A_580 = arith.mulf %mul3A_564, %mul3A_579 : vector<16xf32>
        %mul3A_581 = arith.mulf %mul3A_580, %mul3A_580 : vector<16xf32>
        %mul3A_582 = arith.constant 0.181818187 : f32
        %mul3A_583 = vector.broadcast %mul3A_582 : f32 to vector<16xf32>
        %mul3A_584 = arith.mulf %mul3A_583, %mul3A_581 : vector<16xf32>
        %add3A_585 = arith.constant 0.222222224 : f32
        %add3A_586 = vector.broadcast %add3A_585 : f32 to vector<16xf32>
        %add3A_587 = arith.addf %mul3A_584, %add3A_586 : vector<16xf32>
        %mul3A_588 = arith.mulf %add3A_587, %mul3A_581 : vector<16xf32>
        %add3A_589 = arith.constant 0.285714298 : f32
        %add3A_590 = vector.broadcast %add3A_589 : f32 to vector<16xf32>
        %add3A_591 = arith.addf %mul3A_588, %add3A_590 : vector<16xf32>
        %mul3A_592 = arith.mulf %add3A_591, %mul3A_581 : vector<16xf32>
        %add3A_593 = arith.constant 4.000000e-01 : f32
        %add3A_594 = vector.broadcast %add3A_593 : f32 to vector<16xf32>
        %add3A_595 = arith.addf %mul3A_592, %add3A_594 : vector<16xf32>
        %mul3A_596 = arith.mulf %add3A_595, %mul3A_581 : vector<16xf32>
        %add3A_597 = arith.constant 0.666666686 : f32
        %add3A_598 = vector.broadcast %add3A_597 : f32 to vector<16xf32>
        %add3A_599 = arith.addf %mul3A_596, %add3A_598 : vector<16xf32>
        %mul3A_600 = arith.mulf %add3A_599, %mul3A_581 : vector<16xf32>
        %add3A_601 = arith.constant 2.000000e+00 : f32
        %add3A_602 = vector.broadcast %add3A_601 : f32 to vector<16xf32>
        %add3A_603 = arith.addf %mul3A_600, %add3A_602 : vector<16xf32>
        %mul3A_604 = arith.mulf %mul3A_580, %add3A_603 : vector<16xf32>
        %swap3A_605 = arith.index_cast %add3A_554 : i32 to index
        %swap3A_606 = arith.constant 0 : index
        %swap3A_607 = tpu.vector_load %arg15[%swap3A_605, %swap3A_606] {strides = array<i32>} : memref<256x16xf32, #tpu.memory_space<vmem>>, vector<16xf32>,
        tpu.vector_store %arg15[%swap3A_605, %swap3A_606], %mul3A_604 {strides = array<i32>} : memref<256x16xf32, #tpu.memory_space<vmem>>, vector<16xf32>,
      }
      %scan3A_143 = arith.constant 32 : i32
      %dma_start3A_144 = arith.constant 0 : i32
      %dma_start3A_145 = tpu.memref_slice %arg9[%add3A_88, %dma_start3A_144] : memref<80x256xi32, #tpu.memory_space<vmem>> -> memref<1x256xi32, #tpu.memory_space<vmem>>
      %dma_start3A_146 = tpu.memref_squeeze %dma_start3A_145 : memref<1x256xi32, #tpu.memory_space<vmem>> -> memref<256xi32, #tpu.memory_space<vmem>>
      %dma_start3A_147 = arith.constant 0 : i32
      %dma_start3A_148 = arith.constant 0 : i32
      %dma_start3A_149 = tpu.memref_slice %arg21[%dma_start3A_147, %dma_start3A_148] : memref<10112x16xf32, #tpu.memory_space<vmem_shared>> -> memref<10112x16xf32, #tpu.memory_space<vmem_shared>>
      tpu.enqueue_indirect_dma source(%arg15 : memref<256x16xf32, #tpu.memory_space<vmem>>) target(%dma_start3A_149 : memref<10112x16xf32, #tpu.memory_space<vmem_shared>>) offsets(%dma_start3A_146 : memref<256xi32, #tpu.memory_space<vmem>>) semaphore(%arg27 : memref<!tpu.dma_semaphore, #tpu.memory_space<semaphore_mem>>) {add = true}
      %add3A_150 = arith.constant 2 : i32
      %add3A_151 = arith.addi %add3A_88, %add3A_150 : i32
      %lt3A_152 = arith.constant 80 : i32
      %lt3A_153 = arith.cmpi slt, %add3A_151, %lt3A_152 : i32
      %convert_element_type3A_154 = arith.extui %lt3A_153 : i1 to i32
      %cond3A_155 = arith.constant 0 : i32
      %cond3A_156 = arith.cmpi ne, %convert_element_type3A_154, %cond3A_155 : i32
      scf.if %cond3A_156 {
        %add3A_157 = arith.constant 2 : i32
        %add3A_158 = arith.addi %add3A_88, %add3A_157 : i32
        %dma_start3A_159 = arith.constant 0 : i32
        %dma_start3A_160 = tpu.memref_slice %arg8[%add3A_158, %dma_start3A_159] : memref<80x256xi32, #tpu.memory_space<vmem>> -> memref<1x256xi32, #tpu.memory_space<vmem>>
        %dma_start3A_161 = tpu.memref_squeeze %dma_start3A_160 : memref<1x256xi32, #tpu.memory_space<vmem>> -> memref<256xi32, #tpu.memory_space<vmem>>
        %dma_start3A_162 = arith.constant 0 : i32
        %dma_start3A_163 = arith.constant 0 : i32
        %dma_start3A_164 = tpu.memref_slice %arg19[%dma_start3A_162, %dma_start3A_163] : memref<10112x16xf32, #tpu.memory_space<vmem_shared>> -> memref<10112x16xf32, #tpu.memory_space<vmem_shared>>
        tpu.enqueue_indirect_dma source(%dma_start3A_164 : memref<10112x16xf32, #tpu.memory_space<vmem_shared>>) target(%arg11 : memref<256x16xf32, #tpu.memory_space<vmem>>) offsets(%dma_start3A_161 : memref<256xi32, #tpu.memory_space<vmem>>) semaphore(%arg23 : memref<!tpu.dma_semaphore, #tpu.memory_space<semaphore_mem>>)
        %dma_start3A_165 = arith.constant 0 : i32
        %dma_start3A_166 = tpu.memref_slice %arg9[%add3A_158, %dma_start3A_165] : memref<80x256xi32, #tpu.memory_space<vmem>> -> memref<1x256xi32, #tpu.memory_space<vmem>>
        %dma_start3A_167 = tpu.memref_squeeze %dma_start3A_166 : memref<1x256xi32, #tpu.memory_space<vmem>> -> memref<256xi32, #tpu.memory_space<vmem>>
        %dma_start3A_168 = arith.constant 0 : i32
        %dma_start3A_169 = arith.constant 0 : i32
        %dma_start3A_170 = tpu.memref_slice %arg20[%dma_start3A_168, %dma_start3A_169] : memref<10112x16xf32, #tpu.memory_space<vmem_shared>> -> memref<10112x16xf32, #tpu.memory_space<vmem_shared>>
        tpu.enqueue_indirect_dma source(%dma_start3A_170 : memref<10112x16xf32, #tpu.memory_space<vmem_shared>>) target(%arg13 : memref<256x16xf32, #tpu.memory_space<vmem>>) offsets(%dma_start3A_167 : memref<256xi32, #tpu.memory_space<vmem>>) semaphore(%arg25 : memref<!tpu.dma_semaphore, #tpu.memory_space<semaphore_mem>>)
      } else {
      }
    }
    %scan3A_67 = arith.constant 40 : i32
    %dma_wait3A = arith.constant 78 : i32
    %dma_wait3A_68 = arith.constant 0 : i32
    %dma_wait3A_69 = tpu.memref_slice %arg9[%dma_wait3A, %dma_wait3A_68] : memref<80x256xi32, #tpu.memory_space<vmem>> -> memref<1x256xi32, #tpu.memory_space<vmem>>
    %dma_wait3A_70 = tpu.memref_squeeze %dma_wait3A_69 : memref<1x256xi32, #tpu.memory_space<vmem>> -> memref<256xi32, #tpu.memory_space<vmem>>
    %dma_wait3A_71 = arith.constant 0 : i32
    %dma_wait3A_72 = arith.constant 0 : i32
    %dma_wait3A_73 = tpu.memref_slice %arg21[%dma_wait3A_71, %dma_wait3A_72] : memref<10112x16xf32, #tpu.memory_space<vmem_shared>> -> memref<10112x16xf32, #tpu.memory_space<vmem_shared>>
    tpu.wait_indirect_dma semaphore(%arg26 : memref<!tpu.dma_semaphore, #tpu.memory_space<semaphore_mem>>) src(%arg14 : memref<256x16xf32, #tpu.memory_space<vmem>>) dst(%dma_wait3A_73 : memref<10112x16xf32, #tpu.memory_space<vmem_shared>>)
    %dma_wait3A_74 = arith.constant 79 : i32
    %dma_wait3A_75 = arith.constant 0 : i32
    %dma_wait3A_76 = tpu.memref_slice %arg9[%dma_wait3A_74, %dma_wait3A_75] : memref<80x256xi32, #tpu.memory_space<vmem>> -> memref<1x256xi32, #tpu.memory_space<vmem>>
    %dma_wait3A_77 = tpu.memref_squeeze %dma_wait3A_76 : memref<1x256xi32, #tpu.memory_space<vmem>> -> memref<256xi32, #tpu.memory_space<vmem>>
    %dma_wait3A_78 = arith.constant 0 : i32
    %dma_wait3A_79 = arith.constant 0 : i32
    %dma_wait3A_80 = tpu.memref_slice %arg21[%dma_wait3A_78, %dma_wait3A_79] : memref<10112x16xf32, #tpu.memory_space<vmem_shared>> -> memref<10112x16xf32, #tpu.memory_space<vmem_shared>>
    tpu.wait_indirect_dma semaphore(%arg27 : memref<!tpu.dma_semaphore, #tpu.memory_space<semaphore_mem>>) src(%arg15 : memref<256x16xf32, #tpu.memory_space<vmem>>) dst(%dma_wait3A_80 : memref<10112x16xf32, #tpu.memory_space<vmem_shared>>)
    %barrier3A_81 = arith.constant 0 : index
    tpu.barrier barrier_id(%barrier3A_81)
    "tpu.region"() ({
      %run_scoped3A_82 = tpu.sem_alloc : memref<!tpu.dma_semaphore, #tpu.memory_space<semaphore_mem>>
      %dma_start3A_83 = arith.constant 0 : i32
      %dma_start3A_84 = tpu.memref_slice %arg21[%mul3A_2, %dma_start3A_83] : memref<10112x16xf32, #tpu.memory_space<vmem_shared>> -> memref<632x16xf32, #tpu.memory_space<vmem_shared>>
      %dma_start3A_85 = arith.constant 0 : i32
      %dma_start3A_86 = tpu.memref_slice %arg21[%mul3A_2, %dma_start3A_85] : memref<10112x16xf32, #tpu.memory_space<vmem_shared>> -> memref<632x16xf32, #tpu.memory_space<vmem_shared>>
      tpu.enqueue_dma source(%dma_start3A_86 : memref<632x16xf32, #tpu.memory_space<vmem_shared>>) target(%arg16 : memref<632x16xf32, #tpu.memory_space<vmem>>) target_semaphore(%run_scoped3A_82 : memref<!tpu.dma_semaphore, #tpu.memory_space<semaphore_mem>>)
      %dma_wait3A_87 = arith.constant 0 : i32
      %dma_wait3A_88 = tpu.memref_slice %arg21[%mul3A_2, %dma_wait3A_87] : memref<10112x16xf32, #tpu.memory_space<vmem_shared>> -> memref<632x16xf32, #tpu.memory_space<vmem_shared>>
      %dma_wait3A_89 = arith.constant 0 : i32
      %dma_wait3A_90 = tpu.memref_slice %arg21[%mul3A_2, %dma_wait3A_89] : memref<10112x16xf32, #tpu.memory_space<vmem_shared>> -> memref<632x16xf32, #tpu.memory_space<vmem_shared>>
      tpu.wait_dma2 semaphore(%run_scoped3A_82 : memref<!tpu.dma_semaphore, #tpu.memory_space<semaphore_mem>>) src(%dma_wait3A_90 : memref<632x16xf32, #tpu.memory_space<vmem_shared>>) dst(%arg16 : memref<632x16xf32, #tpu.memory_space<vmem>>)
      tpu.yield
    }) : () -> ()
    "tpu.region"() ({
      %run_scoped3A_82 = tpu.sem_alloc : memref<!tpu.dma_semaphore, #tpu.memory_space<semaphore_mem>>
      %dma_start3A_83 = arith.constant 0 : i32
      %dma_start3A_84 = tpu.memref_slice %arg7[%arg0, %mul3A_2, %dma_start3A_83] : memref<2x10112x16xf32, #tpu.memory_space<hbm>> -> memref<1x632x16xf32, #tpu.memory_space<hbm>>
      %dma_start3A_85 = tpu.memref_squeeze %dma_start3A_84 : memref<1x632x16xf32, #tpu.memory_space<hbm>> -> memref<632x16xf32, #tpu.memory_space<hbm>>
      %dma_start3A_86 = arith.constant 0 : i32
      %dma_start3A_87 = tpu.memref_slice %arg7[%arg0, %mul3A_2, %dma_start3A_86] : memref<2x10112x16xf32, #tpu.memory_space<hbm>> -> memref<1x632x16xf32, #tpu.memory_space<hbm>>
      %dma_start3A_88 = tpu.memref_squeeze %dma_start3A_87 : memref<1x632x16xf32, #tpu.memory_space<hbm>> -> memref<632x16xf32, #tpu.memory_space<hbm>>
      tpu.enqueue_dma source(%arg16 : memref<632x16xf32, #tpu.memory_space<vmem>>) target(%dma_start3A_88 : memref<632x16xf32, #tpu.memory_space<hbm>>) target_semaphore(%run_scoped3A_82 : memref<!tpu.dma_semaphore, #tpu.memory_space<semaphore_mem>>)
      %dma_wait3A_89 = arith.constant 0 : i32
      %dma_wait3A_90 = tpu.memref_slice %arg7[%arg0, %mul3A_2, %dma_wait3A_89] : memref<2x10112x16xf32, #tpu.memory_space<hbm>> -> memref<1x632x16xf32, #tpu.memory_space<hbm>>
      %dma_wait3A_91 = tpu.memref_squeeze %dma_wait3A_90 : memref<1x632x16xf32, #tpu.memory_space<hbm>> -> memref<632x16xf32, #tpu.memory_space<hbm>>
      %dma_wait3A_92 = arith.constant 0 : i32
      %dma_wait3A_93 = tpu.memref_slice %arg7[%arg0, %mul3A_2, %dma_wait3A_92] : memref<2x10112x16xf32, #tpu.memory_space<hbm>> -> memref<1x632x16xf32, #tpu.memory_space<hbm>>
      %dma_wait3A_94 = tpu.memref_squeeze %dma_wait3A_93 : memref<1x632x16xf32, #tpu.memory_space<hbm>> -> memref<632x16xf32, #tpu.memory_space<hbm>>
      tpu.wait_dma2 semaphore(%run_scoped3A_82 : memref<!tpu.dma_semaphore, #tpu.memory_space<semaphore_mem>>) src(%arg16 : memref<632x16xf32, #tpu.memory_space<vmem>>) dst(%dma_wait3A_94 : memref<632x16xf32, #tpu.memory_space<hbm>>)
      tpu.yield
    }) : () -> ()
    return
  }
}

module attributes {stable_mosaic.version = 14 : i64} {
  func.func @_node_stage_body(%arg0: i32, %arg1: memref<1264x128xf32, #tpu.memory_space<vmem>>, %arg2: memref<128x16xf32, #tpu.memory_space<vmem>>, %arg3: memref<1x16xf32, #tpu.memory_space<vmem>>, %arg4: memref<1264x16xf32, #tpu.memory_space<vmem>>, %arg5: memref<1264x16xf32, #tpu.memory_space<vmem>>, %arg6: memref<1264x16xf32, #tpu.memory_space<vmem>>, %arg7: memref<1264x16xf32, #tpu.memory_space<vmem>>) attributes {dimension_semantics = [#tpu.dimension_semantics<arbitrary>], iteration_bounds = array<i64: 8>, scalar_prefetch = 0 : i64, scratch_operands = 0 : i64, tpu.core_type = #tpu.core_type<tc>, window_params = [{transform_indices = @transform_0, window_bounds = array<i64: 1264, 128>}, {pipeline_mode = #tpu.pipeline_mode<synchronous>, transform_indices = @transform_1, window_bounds = array<i64: 128, 16>}, {pipeline_mode = #tpu.pipeline_mode<synchronous>, transform_indices = @transform_2, window_bounds = array<i64: 1, 16>}, {transform_indices = @transform_3, window_bounds = array<i64: 1264, 16>}, {transform_indices = @transform_4, window_bounds = array<i64: 1264, 16>}, {transform_indices = @transform_5, window_bounds = array<i64: 1264, 16>}, {transform_indices = @transform_6, window_bounds = array<i64: 1264, 16>}]} {
    %get3A = arith.constant 0 : index
    %get3A_0 = arith.constant 0 : index
    %get3A_1 = vector.load %arg1[%get3A, %get3A_0] : memref<1264x128xf32, #tpu.memory_space<vmem>>, vector<1264x128xf32>
    %get3A_2 = arith.constant 0 : index
    %get3A_3 = arith.constant 0 : index
    %get3A_4 = vector.load %arg2[%get3A_2, %get3A_3] : memref<128x16xf32, #tpu.memory_space<vmem>>, vector<128x16xf32>
    %dot_general3A = arith.constant dense<0.000000e+00> : vector<1264x16xf32>
    %dot_general3A_5 = tpu.matmul %get3A_1, %get3A_4, %dot_general3A {dimension_numbers = #tpu.dot_dimension_numbers<[1], [0], [0], [1], [0, 0, 1, 1], [], []>, transpose_lhs_hint = false} : vector<1264x128xf32>, vector<128x16xf32>, vector<1264x16xf32> -> vector<1264x16xf32>
    %get3A_6 = arith.constant 0 : index
    %get3A_7 = arith.constant 0 : index
    %get3A_8 = vector.load %arg3[%get3A_6, %get3A_7] : memref<1x16xf32, #tpu.memory_space<vmem>>, vector<1x16xf32>
    %add3A = vector.broadcast %get3A_8 : vector<1x16xf32> to vector<1264x16xf32>
    %add3A_9 = arith.addf %dot_general3A_5, %add3A : vector<1264x16xf32>
    %reduce_max3A = arith.constant dense<0xFF800000> : vector<1264xf32>
    %reduce_max3A_10 = vector.multi_reduction <maximumf>, %add3A_9, %reduce_max3A [1] : vector<1264x16xf32> to vector<1264xf32>
    %broadcast_in_dim3A = vector.shape_cast %reduce_max3A_10 : vector<1264xf32> to vector<1264x1xf32>
    %sub3A = vector.broadcast %broadcast_in_dim3A : vector<1264x1xf32> to vector<1264x16xf32>
    %sub3A_11 = arith.subf %add3A_9, %sub3A : vector<1264x16xf32>
    %exp3A = math.exp %sub3A_11 : vector<1264x16xf32>
    %reduce_sum3A = arith.constant dense<0.000000e+00> : vector<1264xf32>
    %reduce_sum3A_12 = vector.multi_reduction <add>, %exp3A, %reduce_sum3A [1] : vector<1264x16xf32> to vector<1264xf32>
    %broadcast_in_dim3A_13 = vector.shape_cast %reduce_sum3A_12 : vector<1264xf32> to vector<1264x1xf32>
    %div3A = vector.broadcast %broadcast_in_dim3A_13 : vector<1264x1xf32> to vector<1264x16xf32>
    %div3A_14 = arith.divf %exp3A, %div3A : vector<1264x16xf32>
    %swap3A = arith.constant 0 : index
    %swap3A_15 = arith.constant 0 : index
    %swap3A_16 = vector.load %arg4[%swap3A, %swap3A_15] : memref<1264x16xf32, #tpu.memory_space<vmem>>, vector<1264x16xf32>
    tpu.vector_store %arg4[%swap3A, %swap3A_15], %div3A_14 {strides = array<i32>} : memref<1264x16xf32, #tpu.memory_space<vmem>>, vector<1264x16xf32>,
    %sub3A_17 = vector.broadcast %broadcast_in_dim3A : vector<1264x1xf32> to vector<1264x16xf32>
    %sub3A_18 = arith.subf %add3A_9, %sub3A_17 : vector<1264x16xf32>
    %log3A = math.log %broadcast_in_dim3A_13 : vector<1264x1xf32>
    %sub3A_19 = vector.broadcast %log3A : vector<1264x1xf32> to vector<1264x16xf32>
    %sub3A_20 = arith.subf %sub3A_18, %sub3A_19 : vector<1264x16xf32>
    %max3A = arith.constant -23.0258503 : f32
    %max3A_21 = vector.broadcast %max3A : f32 to vector<1264x16xf32>
    %max3A_22 = arith.maximumf %sub3A_20, %max3A_21 : vector<1264x16xf32>
    %swap3A_23 = arith.constant 0 : index
    %swap3A_24 = arith.constant 0 : index
    %swap3A_25 = vector.load %arg5[%swap3A_23, %swap3A_24] : memref<1264x16xf32, #tpu.memory_space<vmem>>, vector<1264x16xf32>
    tpu.vector_store %arg5[%swap3A_23, %swap3A_24], %max3A_22 {strides = array<i32>} : memref<1264x16xf32, #tpu.memory_space<vmem>>, vector<1264x16xf32>,
    %mul3A = arith.constant 1.71828187 : f32
    %mul3A_26 = vector.broadcast %mul3A : f32 to vector<1264x16xf32>
    %mul3A_27 = arith.mulf %mul3A_26, %div3A_14 : vector<1264x16xf32>
    %add3A_28 = arith.constant 1.000000e+00 : f32
    %add3A_29 = vector.broadcast %add3A_28 : f32 to vector<1264x16xf32>
    %add3A_30 = arith.addf %mul3A_27, %add3A_29 : vector<1264x16xf32>
    %log3A_31 = math.log %add3A_30 : vector<1264x16xf32>
    %swap3A_32 = arith.constant 0 : index
    %swap3A_33 = arith.constant 0 : index
    %swap3A_34 = vector.load %arg6[%swap3A_32, %swap3A_33] : memref<1264x16xf32, #tpu.memory_space<vmem>>, vector<1264x16xf32>
    tpu.vector_store %arg6[%swap3A_32, %swap3A_33], %log3A_31 {strides = array<i32>} : memref<1264x16xf32, #tpu.memory_space<vmem>>, vector<1264x16xf32>,
    %div3A_35 = arith.constant 1.000000e+00 : f32
    %div3A_36 = vector.broadcast %div3A_35 : f32 to vector<1264x16xf32>
    %div3A_37 = arith.divf %div3A_36, %add3A_30 : vector<1264x16xf32>
    %swap3A_38 = arith.constant 0 : index
    %swap3A_39 = arith.constant 0 : index
    %swap3A_40 = vector.load %arg7[%swap3A_38, %swap3A_39] : memref<1264x16xf32, #tpu.memory_space<vmem>>, vector<1264x16xf32>
    tpu.vector_store %arg7[%swap3A_38, %swap3A_39], %div3A_37 {strides = array<i32>} : memref<1264x16xf32, #tpu.memory_space<vmem>>, vector<1264x16xf32>,
    return
  }
  func.func @transform_0(%arg0: i32) -> (i32, i32) {
    %c0_i32 = arith.constant 0 : i32
    %c0_i32_0 = arith.constant 0 : i32
    return %arg0, %c0_i32 : i32, i32
  }
  func.func @transform_1(%arg0: i32) -> (i32, i32) {
    %c0_i32 = arith.constant 0 : i32
    %c0_i32_0 = arith.constant 0 : i32
    %c0_i32_1 = arith.constant 0 : i32
    return %c0_i32, %c0_i32_0 : i32, i32
  }
  func.func @transform_2(%arg0: i32) -> (i32, i32) {
    %c0_i32 = arith.constant 0 : i32
    %c0_i32_0 = arith.constant 0 : i32
    %c0_i32_1 = arith.constant 0 : i32
    return %c0_i32, %c0_i32_0 : i32, i32
  }
  func.func @transform_3(%arg0: i32) -> (i32, i32) {
    %c0_i32 = arith.constant 0 : i32
    %c0_i32_0 = arith.constant 0 : i32
    return %arg0, %c0_i32 : i32, i32
  }
  func.func @transform_4(%arg0: i32) -> (i32, i32) {
    %c0_i32 = arith.constant 0 : i32
    %c0_i32_0 = arith.constant 0 : i32
    return %arg0, %c0_i32 : i32, i32
  }
  func.func @transform_5(%arg0: i32) -> (i32, i32) {
    %c0_i32 = arith.constant 0 : i32
    %c0_i32_0 = arith.constant 0 : i32
    return %arg0, %c0_i32 : i32, i32
  }
  func.func @transform_6(%arg0: i32) -> (i32, i32) {
    %c0_i32 = arith.constant 0 : i32
    %c0_i32_0 = arith.constant 0 : i32
    return %arg0, %c0_i32 : i32, i32
  }
}

module attributes {stable_mosaic.version = 14 : i64} {
  func.func @_final_body(%arg0: i32, %arg1: memref<1264x16xf32, #tpu.memory_space<vmem>>, %arg2: memref<2x1264x16xf32, #tpu.memory_space<vmem>>, %arg3: memref<1264x16xf32, #tpu.memory_space<vmem>>) attributes {dimension_semantics = [#tpu.dimension_semantics<arbitrary>], iteration_bounds = array<i64: 8>, scalar_prefetch = 0 : i64, scratch_operands = 0 : i64, tpu.core_type = #tpu.core_type<tc>, window_params = [{transform_indices = @transform_0, window_bounds = array<i64: 1264, 16>}, {transform_indices = @transform_1, window_bounds = array<i64: 2, 1264, 16>}, {transform_indices = @transform_2, window_bounds = array<i64: 1264, 16>}]} {
    %get3A = arith.constant 0 : index
    %get3A_0 = arith.constant 0 : index
    %get3A_1 = vector.load %arg1[%get3A, %get3A_0] : memref<1264x16xf32, #tpu.memory_space<vmem>>, vector<1264x16xf32>
    %get3A_2 = arith.constant 0 : index
    %get3A_3 = arith.constant 0 : index
    %get3A_4 = arith.constant 0 : index
    %get3A_5 = vector.load %arg2[%get3A_2, %get3A_3, %get3A_4] : memref<2x1264x16xf32, #tpu.memory_space<vmem>>, vector<1x1264x16xf32>
    %get3A_6 = vector.shape_cast %get3A_5 : vector<1x1264x16xf32> to vector<1264x16xf32>
    %add3A = arith.addf %get3A_1, %get3A_6 : vector<1264x16xf32>
    %get3A_7 = arith.constant 1 : index
    %get3A_8 = arith.constant 0 : index
    %get3A_9 = arith.constant 0 : index
    %get3A_10 = vector.load %arg2[%get3A_7, %get3A_8, %get3A_9] : memref<2x1264x16xf32, #tpu.memory_space<vmem>>, vector<1x1264x16xf32>
    %get3A_11 = vector.shape_cast %get3A_10 : vector<1x1264x16xf32> to vector<1264x16xf32>
    %add3A_12 = arith.addf %add3A, %get3A_11 : vector<1264x16xf32>
    %reduce_max3A = arith.constant dense<0xFF800000> : vector<1264xf32>
    %reduce_max3A_13 = vector.multi_reduction <maximumf>, %add3A_12, %reduce_max3A [1] : vector<1264x16xf32> to vector<1264xf32>
    %broadcast_in_dim3A = vector.shape_cast %reduce_max3A_13 : vector<1264xf32> to vector<1264x1xf32>
    %sub3A = vector.broadcast %broadcast_in_dim3A : vector<1264x1xf32> to vector<1264x16xf32>
    %sub3A_14 = arith.subf %add3A_12, %sub3A : vector<1264x16xf32>
    %exp3A = math.exp %sub3A_14 : vector<1264x16xf32>
    %reduce_sum3A = arith.constant dense<0.000000e+00> : vector<1264xf32>
    %reduce_sum3A_15 = vector.multi_reduction <add>, %exp3A, %reduce_sum3A [1] : vector<1264x16xf32> to vector<1264xf32>
    %broadcast_in_dim3A_16 = vector.shape_cast %reduce_sum3A_15 : vector<1264xf32> to vector<1264x1xf32>
    %div3A = vector.broadcast %broadcast_in_dim3A_16 : vector<1264x1xf32> to vector<1264x16xf32>
    %div3A_17 = arith.divf %exp3A, %div3A : vector<1264x16xf32>
    %swap3A = arith.constant 0 : index
    %swap3A_18 = arith.constant 0 : index
    %swap3A_19 = vector.load %arg3[%swap3A, %swap3A_18] : memref<1264x16xf32, #tpu.memory_space<vmem>>, vector<1264x16xf32>
    tpu.vector_store %arg3[%swap3A, %swap3A_18], %div3A_17 {strides = array<i32>} : memref<1264x16xf32, #tpu.memory_space<vmem>>, vector<1264x16xf32>,
    return
  }
  func.func @transform_0(%arg0: i32) -> (i32, i32) {
    %c0_i32 = arith.constant 0 : i32
    %c0_i32_0 = arith.constant 0 : i32
    return %arg0, %c0_i32 : i32, i32
  }
  func.func @transform_1(%arg0: i32) -> (i32, i32, i32) {
    %c0_i32 = arith.constant 0 : i32
    %c0_i32_0 = arith.constant 0 : i32
    %c0_i32_1 = arith.constant 0 : i32
    return %c0_i32, %arg0, %c0_i32_0 : i32, i32, i32
  }
  func.func @transform_2(%arg0: i32) -> (i32, i32) {
    %c0_i32 = arith.constant 0 : i32
    %c0_i32_0 = arith.constant 0 : i32
    return %arg0, %c0_i32 : i32, i32
  }
}

</mosaic_0001>

<sc_bundles>
// kernel: kernel.6.cloned.1.call-start
scs
__scs_entry_jumppad:
0x0: {  	(pc) =	sbr.rel $0x88, $3  }
0x1: {  	(tag) =	ssettag $0x0;
	lr =	simm.s32 $0x1  }
0x2: {  	[smem:$0x3F9C] =	sst lr;
	_ =	strace $0xD0000000  }
0x3: {  	_ = 	snop  }
0x4: {  	_ = 	snop  }
0x5: {  	_ = 	snop  }
0x6: {  	_ = 	snop  }
0x7: {  	_ = 	snop  }
__scs_overlays_trampoline_lowered:
0x8: {  	[smem:$0x3FAB] =	sst s0  }
0x9: {  	[smem:$0x3FAC] =	sst s1  }
0xa: {  	[smem:$0x3FAD] =	sst s2  }
0xb: {  	[smem:$0x3FAE] =	sst s3  }
0xc: {  	[smem:$0x3FAF] =	sst s4  }
0xd: {  	[smem:$0x3FB0] =	sst s5  }
0xe: {  	[smem:$0x3FB1] =	sst s6  }
0xf: {  	[smem:$0x3FB2] =	sst s7  }
0x10: {  	[smem:$0x3FB3] =	sst s8  }
0x11: {  	[smem:$0x3FB4] =	sst s9;
	s0 =	simm.s32 @!p0 $0x0  }
0x12: {  	s1 =	sld [smem:$0x3F9A];
	s0 =	simm.s32 @p0 $0x1  }
0x13: {  	[smem:$0x3FB5] =	sst s0;
	s0 =	simm.s32 @!p1 $0x0  }
0x14: {  	s2 =	sld [smem:$0x3F99];
	s0 =	simm.s32 @p1 $0x1  }
0x15: {  	[smem:$0x3FB6] =	sst s0;
	s0 =	simm.s32 @!p2 $0x0  }
0x16: {  	s3 =	sld [smem:$0x3FDB];
	s0 =	simm.s32 @p2 $0x1  }
0x17: {  	s4 =	simm.s32 $0x1BF5;
	[smem:$0x3FB8] =	sst s0  }
0x18: {  	s0 =	sld [smem:$0x3F9B];
	_ =	swait.ge [sflag:s4], $0x0  }
0x19: {  	s7 =	sld [smem:$0x3F9C]  }
0x1a: {  	s8 =	sadd.s32 $0xFFFFE003, lr  }
0x1b: {  	s9 =	sadd.s32 $0xFFFFFEF7, lr;
	s5 =	simm.s32 $0xFFFFFFFF;
	p2 =	slt.u32 s8, $0xFFFFF086  }
0x1c: {  	p1 =	slt.u32 s9, $0xF7A;
	s5 =	simm.s32 @!p2 $0x0  }
0x1d: {  	s5 =	simm.s32 @p1 $0x1;
	p0 =	seq.s32 s7, s2  }
0x1e: {  	s7 =	smul.u32 @!p0 $0xF7A, s2;
	p2 =	seq.s32 @!p0 s5, $0x0  }
0x1f: {  	s9 =	smul.u32 $0xF7A, s1;
	s8 =	simm.s32 @!p0 $0x1BF5;
	p2 =	por !p2, p0  }
0x20: {  	[sflag:s8] =	ssyncset.s32 @!p0 $0xFFFFF086;
	s6 =	sadd.s32 @!p0 s3, s7;
	s7 =	simm.s32 @!p0 $0x108  }
0x21: {  	s3 =	sadd.s32 s3, s9;
	s6 =	sadd.s32 @!p0 $0x88, s6;
	s7 =	simm.s32 @p2 $0x1082  }
0x22: {  	[simem:s7], [sflag:s8] =	dma.local @!p0 [hbm:s6], $0xF7A  }
0x23: {  	s9 =	sor.u32 $0xD0000000, s2;
	s6 =	simm.s32 $0x108;
	_ =	swait.ge @!p0 [sflag:s8], $0x0  }
0x24: {  	s3 =	sadd.s32 $0x88, s3;
	s6 =	simm.s32 @!p1 $0x1082;
	[sflag:s4] =	ssyncset.s32 $0xFFFFF086  }
0x25: {  	[simem:s6], [sflag:s4] =	dma.local [hbm:s3], $0xF7A  }
0x26: {  	[smem:$0x3F9C] =	sst s1;
	(tag) =	ssettag s2;
	_ =	strace s9  }
0x27: {  	s1 =	sld [smem:$0x3FAC]  }
0x28: {  	s2 =	sld [smem:$0x3FAD]  }
0x29: {  	s4 =	sld [smem:$0x3FAF]  }
0x2a: {  	p0 =	seq.s32 s5, $0x0;
	s5 =	sld [smem:$0x3FB0]  }
0x2b: {  	s6 =	sld [smem:$0x3FB1]  }
0x2c: {  	s7 =	sld [smem:$0x3FB2]  }
0x2d: {  	s3 =	simm.s32 $0x108;
	s8 =	sld [smem:$0x3FB3]  }
0x2e: {  	s3 =	simm.s32 @!p0 $0x1082;
	s9 =	sld [smem:$0x3FB4]  }
0x2f: {  	lr =	sadd.s32 s0, s3;
	s0 =	sld [smem:$0x3FAB]  }
0x30: {  	s3 =	sld [smem:$0x3FAE]  }
0x31: {  	[smem:$0x3FB7] =	sst s10  }
0x32: {  	s10 =	sld [smem:$0x3FB5];
	_ =	sdelay $0x3  }
0x33: {  	p0 =	seq.s32 s10, $0x1;
	s10 =	sld [smem:$0x3FB7];
	_ =	sdelay $0x3  }
0x34: {  	[smem:$0x3FB7] =	sst s10  }
0x35: {  	s10 =	sld [smem:$0x3FB6];
	_ =	sdelay $0x3  }
0x36: {  	p1 =	seq.s32 s10, $0x1;
	s10 =	sld [smem:$0x3FB7];
	_ =	sdelay $0x3  }
0x37: {  	[smem:$0x3FB7] =	sst s10  }
0x38: {  	s10 =	sld [smem:$0x3FB8]  }
0x39: {  	_ = 	snop;
	(pc) =	sbr.ind lr, $3  }
0x3a: {  	_ = 	snop  }
0x3b: {  	_ = 	snop  }
0x3c: {  	p2 =	seq.s32 s10, $0x1;
	s10 =	sld [smem:$0x3FB7]  }
0x3d: {  	_ =	shalt  }
0x3e: {  	_ =	shalt  }
0x3f: {  	_ =	shalt  }
0x40: {  	_ =	shalt  }
0x41: {  	_ =	shalt  }
0x42: {  	_ =	shalt  }
0x43: {  	_ =	shalt  }
0x44: {  	_ =	shalt  }
0x45: {  	_ =	shalt  }
0x46: {  	_ =	shalt  }
0x47: {  	_ =	shalt  }
0x48: {  	_ =	shalt  }
0x49: {  	_ =	shalt  }
0x4a: {  	_ =	shalt  }
0x4b: {  	_ =	shalt  }
0x4c: {  	_ =	shalt  }
0x4d: {  	_ =	shalt  }
0x4e: {  	_ =	shalt  }
0x4f: {  	_ =	shalt  }
0x50: {  	_ =	shalt  }
0x51: {  	_ =	shalt  }
0x52: {  	_ =	shalt  }
0x53: {  	_ =	shalt  }
0x54: {  	_ =	shalt  }
0x55: {  	_ =	shalt  }
0x56: {  	_ =	shalt  }
0x57: {  	_ =	shalt  }
0x58: {  	_ =	shalt  }
0x59: {  	_ =	shalt  }
0x5a: {  	_ =	shalt  }
0x5b: {  	_ =	shalt  }
0x5c: {  	_ =	shalt  }
0x5d: {  	_ =	shalt  }
0x5e: {  	_ =	shalt  }
0x5f: {  	_ =	shalt  }
0x60: {  	_ =	shalt  }
0x61: {  	_ =	shalt  }
0x62: {  	_ =	shalt  }
0x63: {  	_ =	shalt  }
0x64: {  	_ =	shalt  }
0x65: {  	_ =	shalt  }
0x66: {  	_ =	shalt  }
0x67: {  	_ =	shalt  }
0x68: {  	_ =	shalt  }
0x69: {  	_ =	shalt  }
0x6a: {  	_ =	shalt  }
0x6b: {  	_ =	shalt  }
0x6c: {  	_ =	shalt  }
0x6d: {  	_ =	shalt  }
0x6e: {  	_ =	shalt  }
0x6f: {  	_ =	shalt  }
0x70: {  	_ =	shalt  }
0x71: {  	_ =	shalt  }
0x72: {  	_ =	shalt  }
0x73: {  	_ =	shalt  }
0x74: {  	_ =	shalt  }
0x75: {  	_ =	shalt  }
0x76: {  	_ =	shalt  }
0x77: {  	_ =	shalt  }
0x78: {  	_ =	shalt  }
0x79: {  	_ =	shalt  }
0x7a: {  	_ =	shalt  }
0x7b: {  	_ =	shalt  }
0x7c: {  	_ =	shalt  }
0x7d: {  	_ =	shalt  }
0x7e: {  	_ =	shalt  }
0x7f: {  	_ =	shalt  }
0x80: {  	_ =	shalt  }
0x81: {  	_ =	shalt  }
0x82: {  	_ =	shalt  }
0x83: {  	_ =	shalt  }
0x84: {  	_ =	shalt  }
0x85: {  	_ =	shalt  }
0x86: {  	_ =	shalt  }
0x87: {  	_ =	shalt  }
.Lfunc_end0:
.L_simem_size_0:
called_computation_lowered:
.L_overlay_start_0:
0x88: {  	s2 =	sld [smem:$0x3FD9]  }
0x89: {  	s3 =	sld [smem:$0x3FFE];
	_ =	sdelay $0x1  }
0x8a: {  	s1 =	srdreg.scid  }
0x8b: {  	s0 =	sand.u32 $0x1, s1  }
0x8c: {  	s14 =	sshll.u32 s0, $0xA;
	s2 =	sadd.s32 s3, s2  }
0x8d: {  	s2 =	sadd.s32 s2, s14  }
0x8e: {  	[smem:$0x3FC3] =	sst s2  }
0x8f: {  	_ = 	snop  }
0x90: {  	s2 =	sld [smem:$0x3FD0];
	_ =	sdelay $0x2  }
0x91: {  	s15 =	simm.s32 $0xA;
	s4 =	simm.s32 $0x10  }
0x92: {  	[smem:s4], [sflag:s15] =	dma.local [hbm:s2], $0x1  }
0x93: {  	_ =	swait.eq [sflag:s15], $0x1  }
0x94: {  	[sflag:s15] =	ssyncset.done $0x0  }
0x95: {  	[sflag:s15] =	ssyncadd.s32 $0xFFFFFFFF  }
0x96: {  	s16 =	sld [smem:$0x10];
	(tm) =	ssettm $0x1  }
0x97: {  	s17 =	sld [smem:$0x3FFB];
	_ =	sdelay $0x3  }
0x98: {  	_ =	strace s17  }
0x99: {  	s3 =	sld [smem:$0x3FFC];
	_ =	sdelay $0x3  }
0x9a: {  	_ =	strace s3  }
0x9b: {  	s3 =	sld [smem:$0x3FFD];
	_ =	sdelay $0x3  }
0x9c: {  	_ =	strace s3  }
0x9d: {  	_ =	strace $0x8FFFFFFF  }
0x9e: {  	s18 =	sld [smem:$0x3FDB];
	_ =	sdelay $0x1  }
0x9f: {  	s19 =	simm.s32 $_scs_section_size  }
0xa0: {  	s5 =	simm.s32 $_size__tile_overlayer_lowered;
	s6 =	simm.s32 $_tile_overlayer_lowered  }
0xa1: {  	s22 =	simm.s32 $0x1BFF;
	s21 =	sshll.u32 s6, $0x1;
	s3 =	sadd.s32 s19, s18  }
0xa2: {  	s7 =	simm.s32 $0x0;
	s20 =	sshll.u32 s5, $0x1;
	s5 =	sadd.s32 s21, s3  }
0xa3: {  	[timem:s7], [sflag:s22] =	dma.local [hbm:s5], s20  }
0xa4: {  	_ =	swait.ge [sflag:s22], s20  }
0xa5: {  	s4 =	ssub.s32 $0x0, s20;
	[sflag:s22] =	ssyncset.done $0x0  }
0xa6: {  	[sflag:s22] =	ssyncadd.s32 s4;
	_ =	sdelay $0x1  }
0xa7: {  	s23 =	simm.s32 $0x1B8B  }
0xa8: {  	_ =	swait.ge [sflag:s23], $0x1  }
0xa9: {  	[sflag:s23] =	ssyncset.done $0x0  }
0xaa: {  	s25 =	simm.s32 $0x1B8E;
	s24 =	sld [smem:$0x3FFE];
	[sflag:s23] =	ssyncadd.s32 $0xFFFFFFFF  }
0xab: {  	s26 =	simm.s32 $execute0_lowered;
	[smem:$0x3FD2] =	sst s25  }
0xac: {  	s5 =	sshll.u32 s26, $0x1;
	_ =	strace $0x80000046;
	[dreg:$0x1] =	wrdreg $0xFFFFFFFF  }
0xad: {  	s28 =	simm.s32 $_size_execute0_lowered;
	s3 =	sadd.s32 s3, s5;
	[dreg:$0x0] =	wrdreg $0x0  }
0xae: {  	s5 =	sshll.u32 s28, $0x1;
	[dreg:$0x2] =	wrdreg s3  }
0xaf: {  	[dreg:$0x3] =	wrdreg s5  }
0xb0: {  	[dreg:$0x4] =	wrdreg $0xC0  }
0xb1: {  	_ =	task [dreg:s7], $0x5FFFF  }
0xb2: {  	[dreg:$0x1] =	wrdreg $0xFFFFFFFF  }
0xb3: {  	[dreg:$0x0] =	wrdreg $0x60  }
0xb4: {  	[dreg:$0x2] =	wrdreg s16  }
0xb5: {  	[dreg:$0x3] =	wrdreg s24  }
0xb6: {  	[dreg:$0x4] =	wrdreg $0x147800  }
0xb7: {  	[dreg:$0x5] =	wrdreg $0x16F000  }
0xb8: {  	[dreg:$0x6] =	wrdreg $0x9  }
0xb9: {  	_ =	task.clear_ibuf [dreg:s7], $0x7FFFF;
	_ =	strace $0x90000046  }
0xba: {  	s29 =	simm.s32 $0x9;
	_ =	strace $0x80000048  }
0xbb: {  	_ =	swait.ge [sflag:s29], $0x1  }
0xbc: {  	[sflag:s29] =	ssyncadd.s32 $0xFFFFFFFF  }
0xbd: {  	_ =	strace $0x90000048  }
0xbe: {  	_ =	sfence  }
0xbf: {  	s30 =	sld [smem:$0x0];
	_ =	sdelay $0x2  }
0xc0: {  	s31 =	sshll.u32 s1, $0xD;
	s1 =	sshrl.u32 s1, $0x2  }
0xc1: {  	s3 =	sand.u32 $0x4000, s31;
	s1 =	sadd.s32 s1, s30  }
0xc2: {  	s0 =	sor.u32 s3, s0;
	s1 =	sshll.u32 s1, $0x11  }
0xc3: {  	s0 =	sor.u32 s1, s0  }
0xc4: {  	s0 =	sadd.s32 $0x8F2B, s0  }
0xc5: {  	[sflag:s0] =	ssyncadd.remote.s32 $0x1  }
0xc6: {  	_ =	sfence.sel $0xFFFF  }
0xc7: {  	[dreg:$0x0] =	wrdreg $0xFFFFFFFF;
	(pc) =	sbr.abs _section_cstart, $3  }
0xc8: {  	[dreg:$0x1] =	wrdreg $0xFFFFFFFF  }
0xc9: {  	_ =	task.clear_ibuf [dreg:s7], $0x2FFFF;
	_ =	strace $0x9FFFFFFF  }
0xca: {  	(tm) =	ssettm $0x7FFFFFFF  }
0xcb: {  	_ =	shalt  }
tec
execute0_lowered:
.L_overlay_start_1:
0x0: {  	(tag) =	ssettag $0x1  }
0x1: {  	s0 =	rddreg [dreg:$0x0]  }
0x2: {  	s1 =	rddreg [dreg:$0x1]  }
0x3: {  	s2 =	rddreg [dreg:$0x2];
	s4 =	srdreg.scid  }
0x4: {  	s3 =	rddreg [dreg:$0x3];
	s7 =	stileid.u32  }
0x5: {  	s9 =	simm.s32 $0x0;
	s12 =	simm.s32 $0x12000;
	s13 =	simm.s32 $0x11  }
0x6: {  	s15 =	simm.s32 $0x100;
	s16 =	simm.s32 $0xA000;
	s19 =	simm.s32 $0xC000  }
0x7: {  	s28 =	simm.s32 $0x10000;
	s30 =	simm.s32 $0x11000;
	s31 =	simm.s32 $0x1  }
0x8: {  	s14 =	simm.s32 $0x9;
	s17 =	simm.s32 $0x7;
	s18 =	simm.s32 $0xB  }
0x9: {  	s29 =	simm.s32 $0x10;
	s4 =	sand.u32 $0x1, s4;
	s6 =	smul.u32 $0x2780, s7  }
0xa: {  	[smem:$0x7FF] =	sst s9;
	s5 =	sshll.u32 s4, $0x4;
	s20 =	smul.u32 $0x27800, s4  }
0xb: {  	_ =	strace $0x80000047;
	s4 =	ssub.s32 $0x2, s4;
	s5 =	sor.u32 s7, s5  }
0xc: {  	s21 =	sshrl.u32 s4, $0x1;
	s8 =	sshrl.u32 s6, $0x3;
	s22 =	sadd.s32 s6, s2  }
0xd: {  	s5 =	smul.u32 $0xA00, s5;
	s7 =	sadd.s32 s6, s20;
	s4 =	ssub.s32 s4, s21  }
0xe: {  	s0 =	sadd.s32 s0, s8;
	[dreg:$0x6] =	wrdreg s22;
	s21 =	simm.s32 $0xD000  }
0xf: {  	s20 =	simm.s32 $0x8;
	s22 =	simm.s32 $0xC;
	s7 =	sshrl.u32 s7, $0x3  }
0x10: {  	[dreg:$0x5] =	wrdreg s0;
	s26 =	smax.u32 s4, $0x1;
	s0 =	simm.s32 $0x3  }
.Ltmp0:
0x11: {  	s4 =	simm.s32 $0x0;
	s5 =	sadd.s32 s5, s1;
	(pc) =	sbr.rel .LBB2_1-.Ltmp0, $4  }
0x12: {  	s1 =	sadd.s32 s7, s1;
	[dreg:$0xa] =	wrdreg s26;
	s23 =	sadd.s32 $0x15000, s5  }
0x13: {  	s7 =	sadd.s32 s6, s3;
	s24 =	sadd.s32 $0x1000, s5;
	[dreg:$0x7] =	wrdreg s23  }
0x14: {  	s26 =	simm.s32 $0xF;
	s25 =	sadd.s32 $0x29000, s1;
	[dreg:$0x8] =	wrdreg s24  }
0x15: {  	v0 =	vimm.f32 $0.0e+00;
	s1 =	simm.s32 $0x5;
	[dreg:$0x9] =	wrdreg s25;
	s23 =	simm.s32 $0xE000  }
.LBB2_6:
0x16: {  	_ =	swait.ge [sflag:s20], $0x1000  }
0x17: {  	[sflag:s20] =	ssyncset.done $0x0  }
0x18: {  	[sflag:s20] =	ssyncadd.s32 $0xFFFFF000  }
0x19: {  	[spmem:s3] =	stream.indirect.scatter.add.f32 [tilespmem:s30], [sflag:$0x10], $0x10, s8, s15, $0xb8;
	[tilespmem:$0x19680] =	vst v63  }
0x1a: {  	_ =	swait.ge [sflag:s22], $0x1000  }
0x1b: {  	[sflag:s22] =	ssyncset.done $0x0  }
0x1c: {  	s5 =	simm.s32 $0xD;
	[sflag:s22] =	ssyncadd.s32 $0xFFFFF000  }
0x1d: {  	_ =	swait.ge [sflag:s5], $0x1000  }
0x1e: {  	[sflag:s5] =	ssyncset.done $0x0  }
0x1f: {  	s11 =	simm.s32 $0xE;
	[sflag:s5] =	ssyncadd.s32 $0xFFFFF000  }
0x20: {  	_ =	swait.ge [sflag:s11], $0x1000  }
0x21: {  	[sflag:s11] =	ssyncset.done $0x0  }
0x22: {  	[sflag:s11] =	ssyncadd.s32 $0xFFFFF000  }
0x23: {  	_ =	swait.ge [sflag:s26], $0x1000  }
0x24: {  	[sflag:s26] =	ssyncset.done $0x0  }
0x25: {  	[sflag:s26] =	ssyncadd.s32 $0xFFFFF000  }
0x26: {  	_ =	swait.ge [sflag:s29], $0x1000  }
0x27: {  	[sflag:s29] =	ssyncset.done $0x0  }
0x28: {  	[sflag:s29] =	ssyncadd.s32 $0xFFFFF000  }
0x29: {  	[bflag:$0x0] =	sbarrier.arrive $0xFFFF  }
0x2a: {  	[tilespmem:s12], [sflag:$0x11] =	stream.linear.gather [spmem:s7], $0x2780, $0x38;
	[tilespmem:$0x19680] =	vst v63  }
0x2b: {  	_ =	swait.ge [sflag:s13], $0x2780  }
0x2c: {  	[sflag:s13] =	ssyncset.done $0x0  }
0x2d: {  	s9 =	simm.s32 $0x0;
	s24 =	rddreg [dreg:$0x9];
	[sflag:s13] =	ssyncadd.s32 $0xFFFFD880  }
0x2e: {  	[hbm4b:s24+s9] =	stream.linear.scatter [tilespmem:s12], [sflag:$0x11], $0x2780, $0x38;
	[tilespmem:$0x19680] =	vst v63  }
0x2f: {  	_ =	swait.ge [sflag:s13], $0x2780  }
0x30: {  	s4 =	sadd.s32 $0x1, s4;
	s25 =	rddreg [dreg:$0xa]  }
0x31: {  	p0 =	sne.s32 s4, s25  }
.Ltmp1:
0x32: {  	_ = 	snop;
	(pc) =	sbr.rel @!p0 .LBB2_7-.Ltmp1, $3  }
0x33: {  	_ =	sdelay $0x1  }
0x34: {  	[sflag:s13] =	ssyncset.done $0x0  }
0x35: {  	[sflag:s13] =	ssyncadd.s32 $0xFFFFD880  }
.LBB2_1:
0x36: {  	s5 =	rddreg [dreg:$0x5]  }
0x37: {  	[tilespmem:s12], [sflag:$0x11] =	stream.linear.gather [hbm4b:s5+s9], $0x2780, $0x38;
	[tilespmem:$0x19680] =	vst v63  }
0x38: {  	_ =	swait.ge [sflag:s13], $0x2780  }
0x39: {  	[sflag:s13] =	ssyncset.done $0x0  }
0x3a: {  	s25 =	rddreg [dreg:$0x6];
	[sflag:s13] =	ssyncadd.s32 $0xFFFFD880  }
0x3b: {  	[spmem:s25] =	stream.linear.scatter [tilespmem:s12], [sflag:$0x11], $0x2780, $0x38;
	[tilespmem:$0x19680] =	vst v63  }
0x3c: {  	_ =	swait.ge [sflag:s13], $0x2780  }
0x3d: {  	[sflag:s13] =	ssyncset.done $0x0  }
0x3e: {  	s6 =	simm.s32 $0x0;
	s5 =	simm.s32 $0x40;
	[sflag:s13] =	ssyncadd.s32 $0xFFFFD880  }
.LBB2_2:
0x3f: {  	p0 =	sne.s32 s5, $0x9DC0;
	[tilespmem:s6+$0x12000] =	vst v0;
	s6 =	smov.u32 s5;
	s5 =	sadd.s32 $0x40, s5  }
.Ltmp2:
0x40: {  	(pc) =	sbr.rel @p0 .LBB2_2-.Ltmp2, $2  }
0x41: {  	_ =	sdelay $0x2  }
0x42: {  	s6 =	sshra.s32 s6, $0x2  }
0x43: {  	[tilespmem:s6+$0x12000] =	vst v0  }
0x44: {  	[spmem:s7] =	stream.linear.scatter [tilespmem:s12], [sflag:$0x11], $0x2780, $0x38;
	[tilespmem:$0x19680] =	vst v63  }
0x45: {  	_ =	swait.ge [sflag:s13], $0x2780  }
0x46: {  	[sflag:s13] =	ssyncset.done $0x0  }
0x47: {  	s5 =	simm.s32 $0x0;
	s10 =	rddreg [dreg:$0x7];
	[sflag:s13] =	ssyncadd.s32 $0xFFFFD880  }
0x48: {  	[tilespmem:s5], [sflag:$0x11] =	stream.linear.gather [hbm4b:s10+s5], $0x5000, $0x38;
	[tilespmem:$0x19680] =	vst v63  }
0x49: {  	_ =	swait.ge [sflag:s13], $0x5000  }
0x4a: {  	[sflag:s13] =	ssyncset.done $0x0  }
0x4b: {  	s8 =	simm.s32 $0x5000;
	s11 =	rddreg [dreg:$0x8];
	[sflag:s13] =	ssyncadd.s32 $0xFFFFB000  }
0x4c: {  	[tilespmem:s8], [sflag:$0x11] =	stream.linear.gather [hbm4b:s11+s5], $0x5000, $0x38;
	[tilespmem:$0x19680] =	vst v63  }
0x4d: {  	_ =	swait.ge [sflag:s13], $0x5000  }
0x4e: {  	[sflag:s13] =	ssyncset.done $0x0  }
0x4f: {  	[sflag:s13] =	ssyncadd.s32 $0xFFFFB000  }
0x50: {  	[bflag:$0x0] =	sbarrier.arrive $0xFFFF  }
0x51: {  	[tilespmem:s16], [sflag:$0x1] =	stream.indirect.gather [spmem:s2], $0x10, s5, s15, $0xb8;
	[tilespmem:$0x19680] =	vst v63  }
0x52: {  	s24 =	simm.s32 $0xB000  }
0x53: {  	[tilespmem:s24], [sflag:$0x2] =	stream.indirect.gather [spmem:s2], $0x10, s15, s15, $0xb8;
	[tilespmem:$0x19680] =	vst v63  }
0x54: {  	s25 =	simm.s32 $0x200  }
0x55: {  	[tilespmem:s19], [sflag:$0x3] =	stream.indirect.gather [spmem:s2], $0x10, s25, s15, $0xb8;
	[tilespmem:$0x19680] =	vst v63  }
0x56: {  	s8 =	simm.s32 $0x300  }
0x57: {  	[tilespmem:s21], [sflag:$0x4] =	stream.indirect.gather [spmem:s2], $0x10, s8, s15, $0xb8;
	[tilespmem:$0x19680] =	vst v63  }
0x58: {  	s9 =	simm.s32 $0x400  }
0x59: {  	[tilespmem:s23], [sflag:$0x5] =	stream.indirect.gather [spmem:s2], $0x10, s9, s15, $0xb8;
	[tilespmem:$0x19680] =	vst v63  }
0x5a: {  	s10 =	simm.s32 $0x500;
	s11 =	simm.s32 $0xF000  }
0x5b: {  	[tilespmem:s11], [sflag:$0x6] =	stream.indirect.gather [spmem:s2], $0x10, s10, s15, $0xb8;
	[tilespmem:$0x19680] =	vst v63  }
0x5c: {  	s24 =	simm.s32 $0x600  }
0x5d: {  	[tilespmem:s28], [sflag:$0x7] =	stream.indirect.gather [spmem:s2], $0x10, s24, s15, $0xb8;
	[tilespmem:$0x19680] =	vst v63  }
0x5e: {  	s25 =	simm.s32 $0x700  }
0x5f: {  	[tilespmem:s30], [sflag:$0x8] =	stream.indirect.gather [spmem:s2], $0x10, s25, s15, $0xb8;
	[tilespmem:$0x19680] =	vst v63  }
.LBB2_4:
0x60: {  	_ =	swait.ge [sflag:s31], $0x1000  }
0x61: {  	s6 =	sshra.s32 s5, $0x2;
	[sflag:s31] =	ssyncset.done $0x0  }
0x62: {  	p0 =	seq.s32 s5, $0x0;
	s8 =	sadd.s32 $0x5000, s6;
	[sflag:s31] =	ssyncadd.s32 $0xFFFFF000  }
0x63: {  	[spmem:s3] =	stream.indirect.scatter.add.f32 [tilespmem:s16], [sflag:$0x9], $0x10, s8, s15, $0xb8;
	[tilespmem:$0x19680] =	vst v63  }
0x64: {  	s8 =	simm.s32 @p0 $0x2  }
0x65: {  	_ =	swait.ge @p0 [sflag:s8], $0x1000  }
0x66: {  	[sflag:s8] =	ssyncset.done @p0 $0x0  }
0x67: {  	[sflag:s8] =	ssyncadd.s32 @p0 $0xFFFFF000;
	s8 =	sshra.s32 @p0 s5, $0x2  }
0x68: {  	s10 =	simm.s32 @p0 $0x100;
	s11 =	simm.s32 @p0 $0xB000;
	s9 =	sadd.s32 @p0 $0x5100, s8  }
0x69: {  	[spmem:s3] =	stream.indirect.scatter.add.f32 @p0 [tilespmem:s11], [sflag:$0xA], $0x10, s9, s10, $0xb8;
	[tilespmem:$0x19680] =	vst v63  }
0x6a: {  	s9 =	simm.s32 @!p0 $0xD  }
0x6b: {  	_ =	swait.ge @!p0 [sflag:s9], $0x1000  }
0x6c: {  	[sflag:s9] =	ssyncset.done @!p0 $0x0  }
0x6d: {  	[sflag:s9] =	ssyncadd.s32 @!p0 $0xFFFFF000;
	s9 =	sshra.s32 @!p0 s5, $0x2  }
0x6e: {  	s24 =	simm.s32 @!p0 $0x100;
	s25 =	simm.s32 @!p0 $0xE000;
	s11 =	sadd.s32 @!p0 $0x400, s9  }
0x6f: {  	[tilespmem:s25], [sflag:$0x5] =	stream.indirect.gather @!p0 [spmem:s2], $0x10, s11, s24, $0xb8;
	[tilespmem:$0x19680] =	vst v63  }
0x70: {  	s11 =	simm.s32 @!p0 $0x2  }
0x71: {  	_ =	swait.ge @!p0 [sflag:s11], $0x1000  }
0x72: {  	[sflag:s11] =	ssyncset.done @!p0 $0x0  }
0x73: {  	s25 =	simm.s32 @!p0 $0xB000;
	[sflag:s11] =	ssyncadd.s32 @!p0 $0xFFFFF000;
	s11 =	sadd.s32 @!p0 $0x5100, s9  }
0x74: {  	[spmem:s3] =	stream.indirect.scatter.add.f32 @!p0 [tilespmem:s25], [sflag:$0xA], $0x10, s11, s24, $0xb8;
	[tilespmem:$0x19680] =	vst v63  }
0x75: {  	s11 =	simm.s32 @!p0 $0xE  }
0x76: {  	_ =	swait.ge @!p0 [sflag:s11], $0x1000  }
0x77: {  	[sflag:s11] =	ssyncset.done @!p0 $0x0  }
0x78: {  	s25 =	simm.s32 @!p0 $0xF000;
	[sflag:s11] =	ssyncadd.s32 @!p0 $0xFFFFF000;
	s11 =	sadd.s32 @!p0 $0x500, s9  }
0x79: {  	[tilespmem:s25], [sflag:$0x6] =	stream.indirect.gather @!p0 [spmem:s2], $0x10, s11, s24, $0xb8;
	[tilespmem:$0x19680] =	vst v63  }
0x7a: {  	_ =	swait.ge [sflag:s0], $0x1000  }
0x7b: {  	[sflag:s0] =	ssyncset.done $0x0  }
0x7c: {  	s25 =	sadd.s32 $0x5200, s6;
	s11 =	simm.s32 @p0 $0x4;
	[sflag:s0] =	ssyncadd.s32 $0xFFFFF000  }
0x7d: {  	[spmem:s3] =	stream.indirect.scatter.add.f32 [tilespmem:s19], [sflag:$0xB], $0x10, s25, s15, $0xb8;
	[tilespmem:$0x19680] =	vst v63  }
0x7e: {  	_ =	swait.ge @p0 [sflag:s11], $0x1000  }
0x7f: {  	[sflag:s11] =	ssyncset.done @p0 $0x0  }
0x80: {  	s8 =	sadd.s32 @p0 $0x5300, s8;
	[sflag:s11] =	ssyncadd.s32 @p0 $0xFFFFF000;
	s11 =	simm.s32 @p0 $0xD000  }
0x81: {  	[spmem:s3] =	stream.indirect.scatter.add.f32 @p0 [tilespmem:s11], [sflag:$0xC], $0x10, s8, s10, $0xb8;
	[tilespmem:$0x19680] =	vst v63  }
0x82: {  	s8 =	simm.s32 @!p0 $0xF  }
0x83: {  	_ =	swait.ge @!p0 [sflag:s8], $0x1000  }
0x84: {  	[sflag:s8] =	ssyncset.done @!p0 $0x0  }
0x85: {  	s10 =	simm.s32 @!p0 $0x10000;
	[sflag:s8] =	ssyncadd.s32 @!p0 $0xFFFFF000;
	s8 =	sadd.s32 @!p0 $0x600, s9  }
0x86: {  	[tilespmem:s10], [sflag:$0x7] =	stream.indirect.gather @!p0 [spmem:s2], $0x10, s8, s24, $0xb8;
	[tilespmem:$0x19680] =	vst v63  }
0x87: {  	s8 =	simm.s32 @!p0 $0x4  }
0x88: {  	_ =	swait.ge @!p0 [sflag:s8], $0x1000  }
0x89: {  	[sflag:s8] =	ssyncset.done @!p0 $0x0  }
0x8a: {  	s10 =	simm.s32 @!p0 $0xD000;
	[sflag:s8] =	ssyncadd.s32 @!p0 $0xFFFFF000;
	s8 =	sadd.s32 @!p0 $0x5300, s9  }
0x8b: {  	[spmem:s3] =	stream.indirect.scatter.add.f32 @!p0 [tilespmem:s10], [sflag:$0xC], $0x10, s8, s24, $0xb8;
	[tilespmem:$0x19680] =	vst v63  }
0x8c: {  	s8 =	simm.s32 @!p0 $0x10  }
0x8d: {  	_ =	swait.ge @!p0 [sflag:s8], $0x1000  }
0x8e: {  	[sflag:s8] =	ssyncset.done @!p0 $0x0  }
0x8f: {  	[sflag:s8] =	ssyncadd.s32 @!p0 $0xFFFFF000;
	s8 =	sadd.s32 @!p0 $0x700, s9;
	s9 =	simm.s32 @!p0 $0x11000  }
0x90: {  	[tilespmem:s9], [sflag:$0x8] =	stream.indirect.gather @!p0 [spmem:s2], $0x10, s8, s24, $0xb8;
	[tilespmem:$0x19680] =	vst v63  }
0x91: {  	_ =	swait.ge [sflag:s1], $0x1000  }
0x92: {  	[sflag:s1] =	ssyncset.done $0x0  }
0x93: {  	s24 =	sadd.s32 $0x5400, s6;
	[sflag:s1] =	ssyncadd.s32 $0xFFFFF000  }
0x94: {  	[spmem:s3] =	stream.indirect.scatter.add.f32 [tilespmem:s23], [sflag:$0xD], $0x10, s24, s15, $0xb8;
	[tilespmem:$0x19680] =	vst v63  }
0x95: {  	_ =	swait.ge [sflag:s14], $0x1000  }
0x96: {  	p0 =	seq.s32 s5, $0x12000;
	[sflag:s14] =	ssyncset.done $0x0  }
0x97: {  	s8 =	simm.s32 @p0 $0x6;
	[sflag:s14] =	ssyncadd.s32 $0xFFFFF000  }
0x98: {  	_ =	swait.ge @p0 [sflag:s8], $0x1000  }
0x99: {  	[sflag:s8] =	ssyncset.done @p0 $0x0  }
0x9a: {  	[sflag:s8] =	ssyncadd.s32 @p0 $0xFFFFF000;
	s8 =	sshra.s32 @p0 s5, $0x2  }
0x9b: {  	s9 =	simm.s32 @p0 $0x100;
	s10 =	simm.s32 @p0 $0xF000;
	s8 =	sadd.s32 @p0 $0x5500, s8  }
0x9c: {  	[spmem:s3] =	stream.indirect.scatter.add.f32 @p0 [tilespmem:s10], [sflag:$0xE], $0x10, s8, s9, $0xb8;
	[tilespmem:$0x19680] =	vst v63  }
0x9d: {  	s8 =	simm.s32 @p0 $0xA  }
0x9e: {  	_ =	swait.ge @p0 [sflag:s8], $0x1000  }
0x9f: {  	[sflag:s8] =	ssyncset.done @p0 $0x0  }
0xa0: {  	[sflag:s8] =	ssyncadd.s32 @p0 $0xFFFFF000;
	s8 =	sshra.s32 @!p0 s5, $0x2  }
0xa1: {  	s11 =	simm.s32 @!p0 $0xA000;
	s10 =	simm.s32 @!p0 $0x100;
	s9 =	sadd.s32 @!p0 $0x800, s8  }
0xa2: {  	[tilespmem:s11], [sflag:$0x1] =	stream.indirect.gather @!p0 [spmem:s2], $0x10, s9, s10, $0xb8;
	[tilespmem:$0x19680] =	vst v63  }
0xa3: {  	s9 =	simm.s32 @!p0 $0x6  }
0xa4: {  	_ =	swait.ge @!p0 [sflag:s9], $0x1000  }
0xa5: {  	[sflag:s9] =	ssyncset.done @!p0 $0x0  }
0xa6: {  	s11 =	simm.s32 @!p0 $0xF000;
	[sflag:s9] =	ssyncadd.s32 @!p0 $0xFFFFF000;
	s9 =	sadd.s32 @!p0 $0x5500, s8  }
0xa7: {  	[spmem:s3] =	stream.indirect.scatter.add.f32 @!p0 [tilespmem:s11], [sflag:$0xE], $0x10, s9, s10, $0xb8;
	[tilespmem:$0x19680] =	vst v63  }
0xa8: {  	s9 =	simm.s32 @!p0 $0xA  }
0xa9: {  	_ =	swait.ge @!p0 [sflag:s9], $0x1000  }
0xaa: {  	[sflag:s9] =	ssyncset.done @!p0 $0x0  }
0xab: {  	s8 =	sadd.s32 @!p0 $0x900, s8;
	[sflag:s9] =	ssyncadd.s32 @!p0 $0xFFFFF000;
	s9 =	simm.s32 @!p0 $0xB000  }
0xac: {  	[tilespmem:s9], [sflag:$0x2] =	stream.indirect.gather @!p0 [spmem:s2], $0x10, s8, s10, $0xb8;
	[tilespmem:$0x19680] =	vst v63  }
0xad: {  	_ =	swait.ge [sflag:s17], $0x1000  }
0xae: {  	[sflag:s17] =	ssyncset.done $0x0  }
.Ltmp3:
0xaf: {  	s25 =	sadd.s32 $0x5600, s6;
	[sflag:s17] =	ssyncadd.s32 $0xFFFFF000;
	(pc) =	sbr.rel @p0 .LBB2_6-.Ltmp3, $4  }
0xb0: {  	[spmem:s3] =	stream.indirect.scatter.add.f32 [tilespmem:s28], [sflag:$0xF], $0x10, s25, s15, $0xb8;
	[tilespmem:$0x19680] =	vst v63  }
0xb1: {  	_ =	swait.ge [sflag:s18], $0x1000  }
0xb2: {  	[sflag:s18] =	ssyncset.done $0x0  }
0xb3: {  	s8 =	sadd.s32 $0x5700, s6;
	[sflag:s18] =	ssyncadd.s32 $0xFFFFF000  }
0xb4: {  	s9 =	sadd.s32 $0xA00, s6  }
0xb5: {  	[tilespmem:s19], [sflag:$0x3] =	stream.indirect.gather [spmem:s2], $0x10, s9, s15, $0xb8;
	[tilespmem:$0x19680] =	vst v63  }
0xb6: {  	_ =	swait.ge [sflag:s20], $0x1000  }
0xb7: {  	[sflag:s20] =	ssyncset.done $0x0  }
0xb8: {  	[sflag:s20] =	ssyncadd.s32 $0xFFFFF000  }
0xb9: {  	[spmem:s3] =	stream.indirect.scatter.add.f32 [tilespmem:s30], [sflag:$0x10], $0x10, s8, s15, $0xb8;
	[tilespmem:$0x19680] =	vst v63  }
.Ltmp4:
0xba: {  	_ = 	snop;
	(pc) =	sbr.rel .LBB2_4-.Ltmp4, $4  }
0xbb: {  	_ =	swait.ge [sflag:s22], $0x1000  }
0xbc: {  	[sflag:s22] =	ssyncset.done $0x0  }
0xbd: {  	s25 =	sadd.s32 $0xB00, s6;
	s5 =	sadd.s32 $0x2000, s5;
	[sflag:s22] =	ssyncadd.s32 $0xFFFFF000  }
0xbe: {  	[tilespmem:s21], [sflag:$0x4] =	stream.indirect.gather [spmem:s2], $0x10, s25, s15, $0xb8;
	[tilespmem:$0x19680] =	vst v63  }
.LBB2_7:
0xbf: {  	_ =	sfence.sel $0x180000  }
0xc0: {  	[bflag:$0x0] =	sbarrier.arrive $0xFFFF  }
0xc1: {  	_ =	strace $0x90000047  }
0xc2: {  	s0 =	stileid.u32;
	[bflag:$0x2] =	sbarrier.arrive $0xFFFF  }
0xc3: {  	p0 =	sne.s32 s0, $0x0;
	s0 =	rddreg [dreg:$0x4]  }
0xc4: {  	s0 =	sadd.s32 @!p0 $0x100000, s0  }
0xc5: {  	[sflag:s0] =	ssyncadd.tile.s32 @!p0 $0x1;
	_ =	shalt  }
.Lfunc_end2:
_tile_overlayer_lowered:
.L_overlay_start_2:
0xc6: {  	(tag) =	ssettag $0x2  }
0xc7: {  	s0 =	rddreg [dreg:$0x0];
	s2 =	stileid.u32  }
0xc8: {  	s1 =	rddreg [dreg:$0x1];
	p0 =	sne.s32 s2, $0x0  }
0xc9: {  	s3 =	rddreg [dreg:$0x2];
	[bflag:$0x3] =	sbarrier.arrive $0xFFFF;
	s2 =	simm.s32 @!p0 $0x1C11  }
0xca: {  	[timem:s3], [sflag:s2] =	dma.local @!p0 [hbm:s0], s1  }
0xcb: {  	s0 =	simm.s32 @!p0 $0x11  }
0xcc: {  	_ =	swait.ge @!p0 [sflag:s0], s1  }
0xcd: {  	s1 =	ssub.s32 @!p0 $0x0, s1;
	[sflag:s0] =	ssyncset.done @!p0 $0x0  }
0xce: {  	[sflag:s0] =	ssyncadd.s32 @!p0 s1  }
0xcf: {  	[bflag:$0x3] =	sbarrier.arrive $0xFFFF  }
0xd0: {  	_ =	shalt  }

// kernel: kernel.9.cloned.1.call-start
scs
__scs_entry_jumppad:
0x0: {  	(pc) =	sbr.rel $0x88, $3  }
0x1: {  	(tag) =	ssettag $0x0;
	lr =	simm.s32 $0x1  }
0x2: {  	[smem:$0x3F9C] =	sst lr;
	_ =	strace $0xD0000000  }
0x3: {  	_ = 	snop  }
0x4: {  	_ = 	snop  }
0x5: {  	_ = 	snop  }
0x6: {  	_ = 	snop  }
0x7: {  	_ = 	snop  }
__scs_overlays_trampoline_lowered:
0x8: {  	[smem:$0x3FAB] =	sst s0  }
0x9: {  	[smem:$0x3FAC] =	sst s1  }
0xa: {  	[smem:$0x3FAD] =	sst s2  }
0xb: {  	[smem:$0x3FAE] =	sst s3  }
0xc: {  	[smem:$0x3FAF] =	sst s4  }
0xd: {  	[smem:$0x3FB0] =	sst s5  }
0xe: {  	[smem:$0x3FB1] =	sst s6  }
0xf: {  	[smem:$0x3FB2] =	sst s7  }
0x10: {  	[smem:$0x3FB3] =	sst s8  }
0x11: {  	[smem:$0x3FB4] =	sst s9;
	s0 =	simm.s32 @!p0 $0x0  }
0x12: {  	s1 =	sld [smem:$0x3F9A];
	s0 =	simm.s32 @p0 $0x1  }
0x13: {  	[smem:$0x3FB5] =	sst s0;
	s0 =	simm.s32 @!p1 $0x0  }
0x14: {  	s2 =	sld [smem:$0x3F99];
	s0 =	simm.s32 @p1 $0x1  }
0x15: {  	[smem:$0x3FB6] =	sst s0;
	s0 =	simm.s32 @!p2 $0x0  }
0x16: {  	s3 =	sld [smem:$0x3FDB];
	s0 =	simm.s32 @p2 $0x1  }
0x17: {  	s4 =	simm.s32 $0x1BF5;
	[smem:$0x3FB8] =	sst s0  }
0x18: {  	s0 =	sld [smem:$0x3F9B];
	_ =	swait.ge [sflag:s4], $0x0  }
0x19: {  	s7 =	sld [smem:$0x3F9C]  }
0x1a: {  	s8 =	sadd.s32 $0xFFFFE003, lr  }
0x1b: {  	s9 =	sadd.s32 $0xFFFFFEF7, lr;
	s5 =	simm.s32 $0xFFFFFFFF;
	p2 =	slt.u32 s8, $0xFFFFF086  }
0x1c: {  	p1 =	slt.u32 s9, $0xF7A;
	s5 =	simm.s32 @!p2 $0x0  }
0x1d: {  	s5 =	simm.s32 @p1 $0x1;
	p0 =	seq.s32 s7, s2  }
0x1e: {  	s7 =	smul.u32 @!p0 $0xF7A, s2;
	p2 =	seq.s32 @!p0 s5, $0x0  }
0x1f: {  	s9 =	smul.u32 $0xF7A, s1;
	s8 =	simm.s32 @!p0 $0x1BF5;
	p2 =	por !p2, p0  }
0x20: {  	[sflag:s8] =	ssyncset.s32 @!p0 $0xFFFFF086;
	s6 =	sadd.s32 @!p0 s3, s7;
	s7 =	simm.s32 @!p0 $0x108  }
0x21: {  	s3 =	sadd.s32 s3, s9;
	s6 =	sadd.s32 @!p0 $0x88, s6;
	s7 =	simm.s32 @p2 $0x1082  }
0x22: {  	[simem:s7], [sflag:s8] =	dma.local @!p0 [hbm:s6], $0xF7A  }
0x23: {  	s9 =	sor.u32 $0xD0000000, s2;
	s6 =	simm.s32 $0x108;
	_ =	swait.ge @!p0 [sflag:s8], $0x0  }
0x24: {  	s3 =	sadd.s32 $0x88, s3;
	s6 =	simm.s32 @!p1 $0x1082;
	[sflag:s4] =	ssyncset.s32 $0xFFFFF086  }
0x25: {  	[simem:s6], [sflag:s4] =	dma.local [hbm:s3], $0xF7A  }
0x26: {  	[smem:$0x3F9C] =	sst s1;
	(tag) =	ssettag s2;
	_ =	strace s9  }
0x27: {  	s1 =	sld [smem:$0x3FAC]  }
0x28: {  	s2 =	sld [smem:$0x3FAD]  }
0x29: {  	s4 =	sld [smem:$0x3FAF]  }
0x2a: {  	p0 =	seq.s32 s5, $0x0;
	s5 =	sld [smem:$0x3FB0]  }
0x2b: {  	s6 =	sld [smem:$0x3FB1]  }
0x2c: {  	s7 =	sld [smem:$0x3FB2]  }
0x2d: {  	s3 =	simm.s32 $0x108;
	s8 =	sld [smem:$0x3FB3]  }
0x2e: {  	s3 =	simm.s32 @!p0 $0x1082;
	s9 =	sld [smem:$0x3FB4]  }
0x2f: {  	lr =	sadd.s32 s0, s3;
	s0 =	sld [smem:$0x3FAB]  }
0x30: {  	s3 =	sld [smem:$0x3FAE]  }
0x31: {  	[smem:$0x3FB7] =	sst s10  }
0x32: {  	s10 =	sld [smem:$0x3FB5];
	_ =	sdelay $0x3  }
0x33: {  	p0 =	seq.s32 s10, $0x1;
	s10 =	sld [smem:$0x3FB7];
	_ =	sdelay $0x3  }
0x34: {  	[smem:$0x3FB7] =	sst s10  }
0x35: {  	s10 =	sld [smem:$0x3FB6];
	_ =	sdelay $0x3  }
0x36: {  	p1 =	seq.s32 s10, $0x1;
	s10 =	sld [smem:$0x3FB7];
	_ =	sdelay $0x3  }
0x37: {  	[smem:$0x3FB7] =	sst s10  }
0x38: {  	s10 =	sld [smem:$0x3FB8]  }
0x39: {  	_ = 	snop;
	(pc) =	sbr.ind lr, $3  }
0x3a: {  	_ = 	snop  }
0x3b: {  	_ = 	snop  }
0x3c: {  	p2 =	seq.s32 s10, $0x1;
	s10 =	sld [smem:$0x3FB7]  }
0x3d: {  	_ =	shalt  }
0x3e: {  	_ =	shalt  }
0x3f: {  	_ =	shalt  }
0x40: {  	_ =	shalt  }
0x41: {  	_ =	shalt  }
0x42: {  	_ =	shalt  }
0x43: {  	_ =	shalt  }
0x44: {  	_ =	shalt  }
0x45: {  	_ =	shalt  }
0x46: {  	_ =	shalt  }
0x47: {  	_ =	shalt  }
0x48: {  	_ =	shalt  }
0x49: {  	_ =	shalt  }
0x4a: {  	_ =	shalt  }
0x4b: {  	_ =	shalt  }
0x4c: {  	_ =	shalt  }
0x4d: {  	_ =	shalt  }
0x4e: {  	_ =	shalt  }
0x4f: {  	_ =	shalt  }
0x50: {  	_ =	shalt  }
0x51: {  	_ =	shalt  }
0x52: {  	_ =	shalt  }
0x53: {  	_ =	shalt  }
0x54: {  	_ =	shalt  }
0x55: {  	_ =	shalt  }
0x56: {  	_ =	shalt  }
0x57: {  	_ =	shalt  }
0x58: {  	_ =	shalt  }
0x59: {  	_ =	shalt  }
0x5a: {  	_ =	shalt  }
0x5b: {  	_ =	shalt  }
0x5c: {  	_ =	shalt  }
0x5d: {  	_ =	shalt  }
0x5e: {  	_ =	shalt  }
0x5f: {  	_ =	shalt  }
0x60: {  	_ =	shalt  }
0x61: {  	_ =	shalt  }
0x62: {  	_ =	shalt  }
0x63: {  	_ =	shalt  }
0x64: {  	_ =	shalt  }
0x65: {  	_ =	shalt  }
0x66: {  	_ =	shalt  }
0x67: {  	_ =	shalt  }
0x68: {  	_ =	shalt  }
0x69: {  	_ =	shalt  }
0x6a: {  	_ =	shalt  }
0x6b: {  	_ =	shalt  }
0x6c: {  	_ =	shalt  }
0x6d: {  	_ =	shalt  }
0x6e: {  	_ =	shalt  }
0x6f: {  	_ =	shalt  }
0x70: {  	_ =	shalt  }
0x71: {  	_ =	shalt  }
0x72: {  	_ =	shalt  }
0x73: {  	_ =	shalt  }
0x74: {  	_ =	shalt  }
0x75: {  	_ =	shalt  }
0x76: {  	_ =	shalt  }
0x77: {  	_ =	shalt  }
0x78: {  	_ =	shalt  }
0x79: {  	_ =	shalt  }
0x7a: {  	_ =	shalt  }
0x7b: {  	_ =	shalt  }
0x7c: {  	_ =	shalt  }
0x7d: {  	_ =	shalt  }
0x7e: {  	_ =	shalt  }
0x7f: {  	_ =	shalt  }
0x80: {  	_ =	shalt  }
0x81: {  	_ =	shalt  }
0x82: {  	_ =	shalt  }
0x83: {  	_ =	shalt  }
0x84: {  	_ =	shalt  }
0x85: {  	_ =	shalt  }
0x86: {  	_ =	shalt  }
0x87: {  	_ =	shalt  }
.Lfunc_end0:
.L_simem_size_0:
called_computation.1_lowered:
.L_overlay_start_0:
0x88: {  	s2 =	sld [smem:$0x3FD9]  }
0x89: {  	s3 =	sld [smem:$0x3FFE];
	_ =	sdelay $0x1  }
0x8a: {  	s1 =	srdreg.scid  }
0x8b: {  	s0 =	sand.u32 $0x1, s1  }
0x8c: {  	s14 =	sshll.u32 s0, $0xA;
	s2 =	sadd.s32 s3, s2  }
0x8d: {  	s2 =	sadd.s32 s2, s14  }
0x8e: {  	[smem:$0x3FC3] =	sst s2  }
0x8f: {  	_ = 	snop  }
0x90: {  	s2 =	sld [smem:$0x3FD0];
	_ =	sdelay $0x2  }
0x91: {  	s15 =	simm.s32 $0xA;
	s4 =	simm.s32 $0x10  }
0x92: {  	[smem:s4], [sflag:s15] =	dma.local [hbm:s2], $0x1  }
0x93: {  	_ =	swait.eq [sflag:s15], $0x1  }
0x94: {  	[sflag:s15] =	ssyncset.done $0x0  }
0x95: {  	[sflag:s15] =	ssyncadd.s32 $0xFFFFFFFF  }
0x96: {  	s16 =	sld [smem:$0x11];
	(tm) =	ssettm $0x1  }
0x97: {  	s17 =	sld [smem:$0x3FFB];
	_ =	sdelay $0x3  }
0x98: {  	_ =	strace s17  }
0x99: {  	s3 =	sld [smem:$0x3FFC];
	_ =	sdelay $0x3  }
0x9a: {  	_ =	strace s3  }
0x9b: {  	s3 =	sld [smem:$0x3FFD];
	_ =	sdelay $0x3  }
0x9c: {  	_ =	strace s3  }
0x9d: {  	_ =	strace $0x8FFFFFFF  }
0x9e: {  	s18 =	sld [smem:$0x3FDB];
	_ =	sdelay $0x1  }
0x9f: {  	s19 =	simm.s32 $_scs_section_size  }
0xa0: {  	s5 =	simm.s32 $_size__tile_overlayer_lowered;
	s6 =	simm.s32 $_tile_overlayer_lowered  }
0xa1: {  	s22 =	simm.s32 $0x1BFF;
	s21 =	sshll.u32 s6, $0x1;
	s3 =	sadd.s32 s19, s18  }
0xa2: {  	s7 =	simm.s32 $0x0;
	s20 =	sshll.u32 s5, $0x1;
	s5 =	sadd.s32 s21, s3  }
0xa3: {  	[timem:s7], [sflag:s22] =	dma.local [hbm:s5], s20  }
0xa4: {  	_ =	swait.ge [sflag:s22], s20  }
0xa5: {  	s4 =	ssub.s32 $0x0, s20;
	[sflag:s22] =	ssyncset.done $0x0  }
0xa6: {  	[sflag:s22] =	ssyncadd.s32 s4;
	_ =	sdelay $0x1  }
0xa7: {  	s23 =	simm.s32 $0x1B8B  }
0xa8: {  	_ =	swait.ge [sflag:s23], $0x1  }
0xa9: {  	[sflag:s23] =	ssyncset.done $0x0  }
0xaa: {  	s25 =	simm.s32 $0x1B8E;
	s24 =	sld [smem:$0x3FFE];
	[sflag:s23] =	ssyncadd.s32 $0xFFFFFFFF  }
0xab: {  	s26 =	simm.s32 $execute0_lowered;
	[smem:$0x3FD2] =	sst s25  }
0xac: {  	s5 =	sshll.u32 s26, $0x1;
	_ =	strace $0x80000049;
	[dreg:$0x1] =	wrdreg $0xFFFFFFFF  }
0xad: {  	s28 =	simm.s32 $_size_execute0_lowered;
	s3 =	sadd.s32 s3, s5;
	[dreg:$0x0] =	wrdreg $0x0  }
0xae: {  	s5 =	sshll.u32 s28, $0x1;
	[dreg:$0x2] =	wrdreg s3  }
0xaf: {  	[dreg:$0x3] =	wrdreg s5  }
0xb0: {  	[dreg:$0x4] =	wrdreg $0xC0  }
0xb1: {  	_ =	task [dreg:s7], $0x5FFFF  }
0xb2: {  	[dreg:$0x1] =	wrdreg $0xFFFFFFFF  }
0xb3: {  	[dreg:$0x0] =	wrdreg $0x60  }
0xb4: {  	[dreg:$0x2] =	wrdreg s16  }
0xb5: {  	[dreg:$0x3] =	wrdreg s24  }
0xb6: {  	[dreg:$0x4] =	wrdreg $0x14F800  }
0xb7: {  	[dreg:$0x5] =	wrdreg $0x177000  }
0xb8: {  	[dreg:$0x6] =	wrdreg $0x19E800  }
0xb9: {  	[dreg:$0x7] =	wrdreg $0x9  }
0xba: {  	_ =	task.clear_ibuf [dreg:s7], $0x8FFFF;
	_ =	strace $0x90000049  }
0xbb: {  	s29 =	simm.s32 $0x9;
	_ =	strace $0x8000004B  }
0xbc: {  	_ =	swait.ge [sflag:s29], $0x1  }
0xbd: {  	[sflag:s29] =	ssyncadd.s32 $0xFFFFFFFF  }
0xbe: {  	_ =	strace $0x9000004B  }
0xbf: {  	_ =	sfence  }
0xc0: {  	s30 =	sld [smem:$0x0];
	_ =	sdelay $0x2  }
0xc1: {  	s31 =	sshll.u32 s1, $0xD;
	s1 =	sshrl.u32 s1, $0x2  }
0xc2: {  	s3 =	sand.u32 $0x4000, s31;
	s1 =	sadd.s32 s1, s30  }
0xc3: {  	s0 =	sor.u32 s3, s0;
	s1 =	sshll.u32 s1, $0x11  }
0xc4: {  	s0 =	sor.u32 s1, s0  }
0xc5: {  	s0 =	sadd.s32 $0x8F2B, s0  }
0xc6: {  	[sflag:s0] =	ssyncadd.remote.s32 $0x1  }
0xc7: {  	_ =	sfence.sel $0xFFFF  }
0xc8: {  	[dreg:$0x0] =	wrdreg $0xFFFFFFFF;
	(pc) =	sbr.abs _section_cstart, $3  }
0xc9: {  	[dreg:$0x1] =	wrdreg $0xFFFFFFFF  }
0xca: {  	_ =	task.clear_ibuf [dreg:s7], $0x2FFFF;
	_ =	strace $0x9FFFFFFF  }
0xcb: {  	(tm) =	ssettm $0x7FFFFFFF  }
tec
execute0_lowered:
.L_overlay_start_1:
0x0: {  	(tag) =	ssettag $0x1  }
0x1: {  	s0 =	rddreg [dreg:$0x0]  }
0x2: {  	s1 =	rddreg [dreg:$0x1]  }
0x3: {  	s2 =	rddreg [dreg:$0x2]  }
0x4: {  	s3 =	rddreg [dreg:$0x3]  }
0x5: {  	s4 =	rddreg [dreg:$0x4]  }
0x6: {  	s11 =	stileid.u32;
	s6 =	srdreg.scid;
	s5 =	simm.s32 $0x0  }
0x7: {  	s19 =	simm.s32 $0x10000;
	s28 =	simm.s32 $0xB000;
	s30 =	simm.s32 $0xD000  }
0x8: {  	s31 =	simm.s32 $0x1;
	s29 =	simm.s32 $0xF000;
	s6 =	sand.u32 $0x1, s6  }
0x9: {  	s7 =	smul.u32 $0x2780, s11;
	[smem:$0x7FF] =	sst s5;
	s8 =	sshll.u32 s6, $0x4  }
0xa: {  	s9 =	smul.u32 $0x27800, s6;
	_ =	strace $0x8000004A;
	s6 =	ssub.s32 $0x2, s6  }
0xb: {  	s10 =	sshrl.u32 s7, $0x3;
	s8 =	sor.u32 s11, s8;
	s12 =	sshrl.u32 s6, $0x1  }
0xc: {  	s25 =	sadd.s32 s7, s2;
	s13 =	sadd.s32 s7, s3;
	s14 =	sadd.s32 s7, s4  }
0xd: {  	s8 =	smul.u32 $0xA00, s8;
	s9 =	sadd.s32 s7, s9;
	s20 =	sadd.s32 s10, s1  }
0xe: {  	s6 =	ssub.s32 s6, s12;
	s0 =	sadd.s32 s0, s10;
	[dreg:$0xb] =	wrdreg s25  }
0xf: {  	s10 =	simm.s32 $0x13B80;
	s25 =	simm.s32 $0x2;
	s9 =	sshrl.u32 s9, $0x3  }
0x10: {  	[dreg:$0x6] =	wrdreg s0;
	s21 =	sadd.s32 $0x29000, s20;
	s22 =	sadd.s32 $0x2DF00, s20  }
0x11: {  	s23 =	sadd.s32 $0x29280, s20;
	s24 =	sadd.s32 $0x2E180, s20;
	[dreg:$0x7] =	wrdreg s21  }
0x12: {  	s26 =	sadd.s32 $0x32E00, s20;
	s18 =	smax.u32 s6, $0x1;
	[dreg:$0x8] =	wrdreg s22  }
0x13: {  	s20 =	simm.s32 $0x7;
	s0 =	simm.s32 $0x3;
	[dreg:$0x9] =	wrdreg s23  }
.Ltmp0:
0x14: {  	s8 =	sadd.s32 s8, s1;
	[dreg:$0xa] =	wrdreg s24;
	(pc) =	sbr.rel .LBB2_1-.Ltmp0, $4  }
0x15: {  	s1 =	sadd.s32 s9, s1;
	[dreg:$0xc] =	wrdreg s26;
	s9 =	simm.s32 $0x12780  }
0x16: {  	s24 =	simm.s32 $0x100;
	s26 =	simm.s32 $0x4;
	s21 =	simm.s32 $0x5  }
0x17: {  	s22 =	simm.s32 $0x6;
	s23 =	simm.s32 $0x0;
	s15 =	sadd.s32 $0x15000, s8  }
0x18: {  	v0 =	vimm.f32 $0.0e+00;
	s16 =	sadd.s32 $0x1000, s8;
	s17 =	sadd.s32 $0x37E00, s1;
	s1 =	simm.s32 $0xE000  }
.LBB2_14:
0x19: {  	_ =	swait.ge [sflag:s21], $0x1000  }
0x1a: {  	[sflag:s21] =	ssyncset.done $0x0  }
0x1b: {  	[sflag:s21] =	ssyncadd.s32 $0xFFFFF000  }
0x1c: {  	_ =	swait.ge [sflag:s22], $0x1000  }
0x1d: {  	[sflag:s22] =	ssyncset.done $0x0  }
0x1e: {  	[sflag:s22] =	ssyncadd.s32 $0xFFFFF000  }
0x1f: {  	[bflag:$0x0] =	sbarrier.arrive $0xFFFF  }
0x20: {  	[tilespmem:s19], [sflag:$0x7] =	stream.linear.gather [spmem:s14], $0x2780, $0x38;
	[tilespmem:$0x1C600] =	vst v63  }
0x21: {  	s23 =	sadd.s32 $0x1, s23;
	_ =	swait.ge [sflag:s20], $0x2780  }
0x22: {  	p0 =	sne.s32 s23, s18;
	[sflag:s20] =	ssyncset.done $0x0  }
.Ltmp1:
0x23: {  	[sflag:s20] =	ssyncadd.s32 $0xFFFFD880;
	(pc) =	sbr.rel @!p0 .LBB2_15-.Ltmp1, $4  }
0x24: {  	[hbm4b:s17+s5] =	stream.linear.scatter [tilespmem:s19], [sflag:$0x7], $0x2780, $0x38;
	[tilespmem:$0x1C600] =	vst v63  }
0x25: {  	_ =	swait.ge [sflag:s20], $0x2780  }
0x26: {  	[sflag:s20] =	ssyncset.done $0x0  }
0x27: {  	s9 =	simm.s32 $0x12780;
	s10 =	simm.s32 $0x13B80;
	[sflag:s20] =	ssyncadd.s32 $0xFFFFD880  }
.LBB2_1:
0x28: {  	s6 =	rddreg [dreg:$0x6]  }
0x29: {  	[tilespmem:s19], [sflag:$0x7] =	stream.linear.gather [hbm4b:s6+s5], $0x2780, $0x38;
	[tilespmem:$0x1C600] =	vst v63  }
0x2a: {  	_ =	swait.ge [sflag:s20], $0x2780  }
0x2b: {  	[sflag:s20] =	ssyncset.done $0x0  }
0x2c: {  	s11 =	rddreg [dreg:$0x7];
	[sflag:s20] =	ssyncadd.s32 $0xFFFFD880  }
0x2d: {  	[tilespmem:s9], [sflag:$0x7] =	stream.linear.gather [hbm4b:s11+s5], $0x1400, $0x38;
	[tilespmem:$0x1C600] =	vst v63  }
0x2e: {  	_ =	swait.ge [sflag:s20], $0x1400  }
0x2f: {  	[sflag:s20] =	ssyncset.done $0x0  }
0x30: {  	s12 =	rddreg [dreg:$0x8];
	[sflag:s20] =	ssyncadd.s32 $0xFFFFEC00  }
0x31: {  	[tilespmem:s10], [sflag:$0x7] =	stream.linear.gather [hbm4b:s12+s5], $0x1400, $0x38;
	[tilespmem:$0x1C600] =	vst v63  }
0x32: {  	_ =	swait.ge [sflag:s20], $0x1400  }
0x33: {  	[sflag:s20] =	ssyncset.done $0x0  }
0x34: {  	s6 =	simm.s32 $0x0;
	[sflag:s20] =	ssyncadd.s32 $0xFFFFEC00  }
0x35: {  	s7 =	simm.s32 $0x40;
	v1 =	vld [tilespmem:s6+$0x12780]  }
.LBB2_2:
0x36: {  	p0 =	sne.s32 s7, $0x4FC0;
	v2 =	vld [tilespmem:s6+$0x10000];
	_ =	sdelay $0x1  }
0x37: {  	v3 =	vld [tilespmem:s6+$0x13B80];
	_ =	sdelay $0x2  }
0x38: {  	v1 =	vadd.f32 v1, v2;
	_ =	sdelay $0x1  }
0x39: {  	v1 =	vadd.f32 v3, v1;
	_ =	sdelay $0x1  }
0x3a: {  	(xrf0) =	vmax.scan.msk.f32 $0xffff, v1;
	_ =	sdelay $0x5  }
0x3b: {  	v2, _, _ =	vpop (xrf0)  }
0x3c: {  	v2 =	vbroadcast v2, $0xF;
	_ =	sdelay $0x1  }
0x3d: {  	v1 =	vsub.f32 v1, v2;
	_ =	sdelay $0x1  }
0x3e: {  	v1 =	vmul.f32 $1.442695020e+00, v1;
	_ =	sdelay $0x1  }
0x3f: {  	(erf) = vpow2.f32 v1;
	_ =	sdelay $0x5  }
.Ltmp2:
0x40: {  	(pc) =	sbr.rel @p0 .LBB2_2-.Ltmp2, $3  }
0x41: {  	_ =	sdelay $0x1  }
0x42: {  	s8 =	sshra.s32 s7, $0x2;
	v2 =	vpop (erf)  }
0x43: {  	s7 =	sadd.s32 $0x40, s7;
	v1 =	vld [tilespmem:s8+$0x12780];
	[tilespmem:s6+$0x10000] =	vst v2;
	s6 =	smov.u32 s8  }
0x44: {  	v2 =	vld [tilespmem:s6+$0x10000];
	_ =	sdelay $0x1  }
0x45: {  	v3 =	vld [tilespmem:s6+$0x13B80];
	_ =	sdelay $0x2  }
0x46: {  	v1 =	vadd.f32 v1, v2;
	_ =	sdelay $0x1  }
0x47: {  	v1 =	vadd.f32 v3, v1;
	_ =	sdelay $0x1  }
0x48: {  	(xrf0) =	vmax.scan.msk.f32 $0xffff, v1;
	_ =	sdelay $0x5  }
0x49: {  	v2, _, _ =	vpop (xrf0)  }
0x4a: {  	v2 =	vbroadcast v2, $0xF;
	_ =	sdelay $0x1  }
0x4b: {  	v1 =	vsub.f32 v1, v2;
	_ =	sdelay $0x1  }
0x4c: {  	v1 =	vmul.f32 $1.442695020e+00, v1;
	_ =	sdelay $0x1  }
0x4d: {  	(erf) = vpow2.f32 v1;
	_ =	sdelay $0x8  }
0x4e: {  	v1 =	vpop (erf)  }
0x4f: {  	s11 =	simm.s32 $0x0;
	s7 =	rddreg [dreg:$0x9];
	[tilespmem:s6+$0x10000] =	vst v1  }
0x50: {  	[tilespmem:s9], [sflag:$0x7] =	stream.linear.gather [hbm4b:s7+s11], $0x1380, $0x38;
	[tilespmem:$0x1C600] =	vst v63  }
0x51: {  	_ =	swait.ge [sflag:s20], $0x1380  }
0x52: {  	[sflag:s20] =	ssyncset.done $0x0  }
0x53: {  	s12 =	rddreg [dreg:$0xa];
	[sflag:s20] =	ssyncadd.s32 $0xFFFFEC80  }
0x54: {  	[tilespmem:s10], [sflag:$0x7] =	stream.linear.gather [hbm4b:s12+s11], $0x1380, $0x38;
	[tilespmem:$0x1C600] =	vst v63  }
0x55: {  	_ =	swait.ge [sflag:s20], $0x1380  }
0x56: {  	[sflag:s20] =	ssyncset.done $0x0  }
0x57: {  	s6 =	simm.s32 $0x0;
	[sflag:s20] =	ssyncadd.s32 $0xFFFFEC80  }
0x58: {  	s7 =	simm.s32 $0x40;
	v1 =	vld [tilespmem:s6+$0x12780]  }
.LBB2_4:
0x59: {  	p0 =	sne.s32 s7, $0x4DC0;
	v2 =	vld [tilespmem:s6+$0x11400];
	_ =	sdelay $0x1  }
0x5a: {  	v3 =	vld [tilespmem:s6+$0x13B80];
	_ =	sdelay $0x2  }
0x5b: {  	v1 =	vadd.f32 v1, v2;
	_ =	sdelay $0x1  }
0x5c: {  	v1 =	vadd.f32 v3, v1;
	_ =	sdelay $0x1  }
0x5d: {  	(xrf0) =	vmax.scan.msk.f32 $0xffff, v1;
	_ =	sdelay $0x5  }
0x5e: {  	v2, _, _ =	vpop (xrf0)  }
0x5f: {  	v2 =	vbroadcast v2, $0xF;
	_ =	sdelay $0x1  }
0x60: {  	v1 =	vsub.f32 v1, v2;
	_ =	sdelay $0x1  }
0x61: {  	v1 =	vmul.f32 $1.442695020e+00, v1;
	_ =	sdelay $0x1  }
0x62: {  	(erf) = vpow2.f32 v1;
	_ =	sdelay $0x5  }
.Ltmp3:
0x63: {  	(pc) =	sbr.rel @p0 .LBB2_4-.Ltmp3, $3  }
0x64: {  	_ =	sdelay $0x1  }
0x65: {  	s8 =	sshra.s32 s7, $0x2;
	v2 =	vpop (erf)  }
0x66: {  	s7 =	sadd.s32 $0x40, s7;
	v1 =	vld [tilespmem:s8+$0x12780];
	[tilespmem:s6+$0x11400] =	vst v2;
	s6 =	smov.u32 s8  }
0x67: {  	v2 =	vld [tilespmem:s6+$0x11400];
	_ =	sdelay $0x1  }
0x68: {  	v3 =	vld [tilespmem:s6+$0x13B80];
	_ =	sdelay $0x2  }
0x69: {  	v1 =	vadd.f32 v1, v2;
	_ =	sdelay $0x1  }
0x6a: {  	v1 =	vadd.f32 v3, v1;
	_ =	sdelay $0x1  }
0x6b: {  	(xrf0) =	vmax.scan.msk.f32 $0xffff, v1;
	_ =	sdelay $0x5  }
0x6c: {  	v2, _, _ =	vpop (xrf0)  }
0x6d: {  	v2 =	vbroadcast v2, $0xF;
	_ =	sdelay $0x1  }
0x6e: {  	v1 =	vsub.f32 v1, v2;
	_ =	sdelay $0x1  }
0x6f: {  	v1 =	vmul.f32 $1.442695020e+00, v1;
	_ =	sdelay $0x1  }
0x70: {  	(erf) = vpow2.f32 v1;
	_ =	sdelay $0x8  }
0x71: {  	v1 =	vpop (erf)  }
0x72: {  	s11 =	rddreg [dreg:$0xb];
	[tilespmem:s6+$0x11400] =	vst v1  }
0x73: {  	[spmem:s11] =	stream.linear.scatter [tilespmem:s19], [sflag:$0x7], $0x2780, $0x38;
	[tilespmem:$0x1C600] =	vst v63  }
0x74: {  	_ =	swait.ge [sflag:s20], $0x2780  }
0x75: {  	[sflag:s20] =	ssyncset.done $0x0  }
0x76: {  	s12 =	simm.s32 $0x0;
	s7 =	rddreg [dreg:$0xc];
	[sflag:s20] =	ssyncadd.s32 $0xFFFFD880  }
0x77: {  	[tilespmem:s19], [sflag:$0x7] =	stream.linear.gather [hbm4b:s7+s12], $0x2780, $0x38;
	[tilespmem:$0x1C600] =	vst v63  }
0x78: {  	_ =	swait.ge [sflag:s20], $0x2780  }
0x79: {  	[sflag:s20] =	ssyncset.done $0x0  }
0x7a: {  	[sflag:s20] =	ssyncadd.s32 $0xFFFFD880  }
0x7b: {  	[spmem:s13] =	stream.linear.scatter [tilespmem:s19], [sflag:$0x7], $0x2780, $0x38;
	[tilespmem:$0x1C600] =	vst v63  }
0x7c: {  	_ =	swait.ge [sflag:s20], $0x2780  }
0x7d: {  	[sflag:s20] =	ssyncset.done $0x0  }
0x7e: {  	s6 =	simm.s32 $0x40;
	s7 =	simm.s32 $0x0;
	[sflag:s20] =	ssyncadd.s32 $0xFFFFD880  }
.LBB2_6:
0x7f: {  	p0 =	sne.s32 s6, $0x9DC0;
	[tilespmem:s7+$0x10000] =	vst v0;
	s7 =	smov.u32 s6;
	s6 =	sadd.s32 $0x40, s6  }
.Ltmp4:
0x80: {  	(pc) =	sbr.rel @p0 .LBB2_6-.Ltmp4, $2  }
0x81: {  	_ =	sdelay $0x2  }
0x82: {  	s7 =	sshra.s32 s7, $0x2  }
0x83: {  	[tilespmem:s7+$0x10000] =	vst v0  }
0x84: {  	[spmem:s14] =	stream.linear.scatter [tilespmem:s19], [sflag:$0x7], $0x2780, $0x38;
	[tilespmem:$0x1C600] =	vst v63  }
0x85: {  	_ =	swait.ge [sflag:s20], $0x2780  }
0x86: {  	[sflag:s20] =	ssyncset.done $0x0  }
0x87: {  	s6 =	simm.s32 $0x0;
	[sflag:s20] =	ssyncadd.s32 $0xFFFFD880  }
0x88: {  	[tilespmem:s6], [sflag:$0x7] =	stream.linear.gather [hbm4b:s15+s6], $0x5000, $0x38;
	[tilespmem:$0x1C600] =	vst v63  }
0x89: {  	_ =	swait.ge [sflag:s20], $0x5000  }
0x8a: {  	[sflag:s20] =	ssyncset.done $0x0  }
0x8b: {  	s10 =	simm.s32 $0x5000;
	[sflag:s20] =	ssyncadd.s32 $0xFFFFB000  }
0x8c: {  	[tilespmem:s10], [sflag:$0x7] =	stream.linear.gather [hbm4b:s16+s6], $0x5000, $0x38;
	[tilespmem:$0x1C600] =	vst v63  }
0x8d: {  	_ =	swait.ge [sflag:s20], $0x5000  }
0x8e: {  	[sflag:s20] =	ssyncset.done $0x0  }
0x8f: {  	[sflag:s20] =	ssyncadd.s32 $0xFFFFB000  }
0x90: {  	s8 =	simm.s32 $0xA000;
	[bflag:$0x0] =	sbarrier.arrive $0xFFFF  }
0x91: {  	[tilespmem:s8], [sflag:$0x1] =	stream.indirect.gather [spmem:s2], $0x10, s6, s24, $0xb8;
	[tilespmem:$0x1C600] =	vst v63  }
0x92: {  	s11 =	simm.s32 $0xC000  }
0x93: {  	[tilespmem:s11], [sflag:$0x3] =	stream.indirect.gather [spmem:s3], $0x10, s10, s24, $0xb8;
	[tilespmem:$0x1C600] =	vst v63  }
0x94: {  	_ = 	snop  }
0x95: {  	[tilespmem:s28], [sflag:$0x2] =	stream.indirect.gather [spmem:s2], $0x10, s24, s24, $0xb8;
	[tilespmem:$0x1C600] =	vst v63  }
0x96: {  	s12 =	simm.s32 $0x5100  }
0x97: {  	[tilespmem:s30], [sflag:$0x4] =	stream.indirect.gather [spmem:s3], $0x10, s12, s24, $0xb8;
	[tilespmem:$0x1C600] =	vst v63  }
.LBB2_8:
0x98: {  	_ =	swait.ge [sflag:s31], $0x1000  }
0x99: {  	[sflag:s31] =	ssyncset.done $0x0  }
0x9a: {  	[sflag:s31] =	ssyncadd.s32 $0xFFFFF000  }
0x9b: {  	_ =	swait.ge [sflag:s0], $0x1000  }
0x9c: {  	p0 =	seq.s32 s6, $0x0;
	[sflag:s0] =	ssyncset.done $0x0  }
0x9d: {  	s7 =	simm.s32 @!p0 $0x5;
	[sflag:s0] =	ssyncadd.s32 $0xFFFFF000  }
0x9e: {  	_ =	swait.ge @!p0 [sflag:s7], $0x1000  }
0x9f: {  	[sflag:s7] =	ssyncset.done @!p0 $0x0  }
0xa0: {  	s8 =	simm.s32 $0x0;
	[sflag:s7] =	ssyncadd.s32 @!p0 $0xFFFFF000  }
0xa1: {  	v1 =	vld [tilespmem:s8+$0xC030]  }
0xa2: {  	v2 =	vld [tilespmem:s8+$0xC000]  }
0xa3: {  	v3 =	vld [tilespmem:s8+$0xA000]  }
0xa4: {  	v4 =	vld [tilespmem:s8+$0xA030]  }
0xa5: {  	v5 =	vld [tilespmem:s8+$0xC060]  }
0xa6: {  	v6 =	vld [tilespmem:s8+$0xA060];
	_ =	sdelay $0x2  }
0xa7: {  	v2 =	vmul.f32 v2, v3  }
0xa8: {  	v1 =	vmul.f32 v1, v4  }
0xa9: {  	v3 =	vmul.f32 v5, v6;
	(xrf2) =	vadd.scan.msk.f32 $0xffff, v2  }
0xaa: {  	(xrf2) =	vadd.scan.msk.f32 $0xffff, v1  }
0xab: {  	(xrf2) =	vadd.scan.msk.f32 $0xffff, v3  }
0xac: {  	v4 =	vld [tilespmem:s8+$0xC020]  }
0xad: {  	v5 =	vld [tilespmem:s8+$0xA020];
	_ =	sdelay $0x4  }
0xae: {  	v4 =	vmul.f32 v4, v5  }
0xaf: {  	v6, _, _ =	vpop (xrf2)  }
0xb0: {  	(xrf2) =	vadd.scan.msk.f32 $0xffff, v4;
	v5 =	vadd.f32 v6, v6;
	v6, _, _ =	vpop (xrf2)  }
0xb1: {  	v6 =	vadd.f32 v6, v6;
	v7, _, _ =	vpop (xrf2)  }
0xb2: {  	v8 =	vmul.f32 $1.718281870e+00, v2;
	v2 =	vbroadcast v5, $0xF;
	v5 =	vadd.f32 v7, v7  }
0xb3: {  	v9 =	vmul.f32 $1.718281870e+00, v1;
	v1 =	vbroadcast v6, $0xF  }
0xb4: {  	v11 =	vld [tilespmem:s8+$0xA010];
	v3 =	vmul.f32 $1.718281870e+00, v3;
	v2 =	vadd.f32 v2, v8;
	v5 =	vbroadcast v5, $0xF  }
0xb5: {  	v6 =	vld [tilespmem:s8+$0xC010];
	v1 =	vadd.f32 v1, v9  }
0xb6: {  	(erf) = vrcp.f32 v2;
	v5 =	vadd.f32 v5, v3  }
0xb7: {  	v10 =	vld [tilespmem:s8+$0xA050];
	(erf) = vrcp.f32 v1  }
0xb8: {  	v7 =	vld [tilespmem:s8+$0xC050];
	(erf) = vrcp.f32 v5  }
0xb9: {  	v12 =	vld [tilespmem:s8+$0xC040]  }
0xba: {  	v13 =	vld [tilespmem:s8+$0xA040];
	v6 =	vmul.f32 v6, v11;
	v11, _, _ =	vpop (xrf2)  }
0xbb: {  	v11 =	vadd.f32 v11, v11;
	_ =	sdelay $0x1  }
0xbc: {  	v7 =	vmul.f32 v7, v10;
	v10 =	vbroadcast v11, $0xF;
	_ =	sdelay $0x1  }
0xbd: {  	v12 =	vmul.f32 v12, v13;
	v4 =	vmul.f32 $1.718281870e+00, v4;
	v11 =	vpop (erf)  }
0xbe: {  	(xrf2) =	vadd.scan.msk.f32 $0xffff, v6;
	v13 =	vpop (erf)  }
0xbf: {  	(xrf2) =	vadd.scan.msk.f32 $0xffff, v12;
	v14 =	vadd.f32 v10, v4;
	v10 =	vpop (erf)  }
0xc0: {  	(xrf2) =	vadd.scan.msk.f32 $0xffff, v7;
	v5 =	vmul.f32 v10, v5;
	_ =	sdelay $0x1  }
0xc1: {  	v5 =	vsub.f32 $2.000000000e+00, v5  }
0xc2: {  	v15 =	vld [tilespmem:s8+$0xC070];
	(erf) = vrcp.f32 v14  }
0xc3: {  	v16 =	vld [tilespmem:s8+$0xA070];
	v5 =	vmul.f32 v5, v10;
	_ =	sdelay $0x1  }
0xc4: {  	v5 =	vmul.f32 v5, v3;
	_ =	sdelay $0x1  }
0xc5: {  	v10, _, _ =	vpop (xrf2);
	v17 =	vmul.f32 v5, v5  }
0xc6: {  	v15 =	vmul.f32 v15, v16;
	v18 =	vmul.f32 $1.718281870e+00, v7;
	v16, _, _ =	vpop (xrf2);
	v3 =	vadd.f32 v10, v10  }
0xc7: {  	v10 =	vmul.f32 $1.718281870e+00, v6;
	v6, _, _ =	vpop (xrf2);
	v7 =	vadd.f32 v16, v16;
	v19 =	vmul.f32 $1.818181870e-01, v17  }
0xc8: {  	v12 =	vmul.f32 $1.718281870e+00, v12;
	v6 =	vadd.f32 v6, v6  }
0xc9: {  	s9 =	simm.s32 $0x80;
	v16 =	vpop (erf);
	v3 =	vbroadcast v3, $0xF;
	v7 =	vbroadcast v7, $0xF;
	v19 =	vadd.f32 $2.222222240e-01, v19  }
0xca: {  	v20 =	vld [tilespmem:s9+$0xC010];
	v14 =	vmul.f32 v16, v14;
	v6 =	vbroadcast v6, $0xF  }
0xcb: {  	v21 =	vld [tilespmem:s9+$0xC030];
	(xrf2) =	vadd.scan.msk.f32 $0xffff, v15;
	v3 =	vadd.f32 v3, v10;
	v23 =	vadd.f32 v7, v12;
	v7 =	vmul.f32 v19, v17  }
0xcc: {  	v22 =	vld [tilespmem:s9+$0xC000];
	v24 =	vmul.f32 v11, v2;
	v1 =	vmul.f32 v13, v1;
	v14 =	vsub.f32 $2.000000000e+00, v14  }
0xcd: {  	v25 =	vld [tilespmem:s9+$0xC060];
	v6 =	vadd.f32 v6, v18;
	(erf) = vrcp.f32 v3;
	v7 =	vadd.f32 $2.857142980e-01, v7  }
0xce: {  	v14 =	vmul.f32 v14, v16;
	(erf) = vrcp.f32 v23;
	v19 =	vld [tilespmem:s9+$0xA000]  }
0xcf: {  	v1 =	vsub.f32 $2.000000000e+00, v1;
	v16 =	vld [tilespmem:s9+$0xA030];
	(erf) = vrcp.f32 v6;
	v26 =	vmul.f32 v7, v17  }
0xd0: {  	v24 =	vsub.f32 $2.000000000e+00, v24;
	v2 =	vmul.f32 v14, v4;
	v4 =	vld [tilespmem:s9+$0xA060]  }
0xd1: {  	v27 =	vld [tilespmem:s9+$0xC050];
	v13 =	vmul.f32 v1, v13;
	v1 =	vadd.f32 $4.000000060e-01, v26  }
0xd2: {  	v32 =	vmul.f32 $1.718281870e+00, v15;
	v11 =	vmul.f32 v24, v11;
	v14 =	vld [tilespmem:s9+$0xC020]  }
0xd3: {  	v19 =	vmul.f32 v22, v19;
	v22 =	vld [tilespmem:s9+$0xA020];
	v30 =	vmul.f32 v1, v17  }
0xd4: {  	v15 =	vld [tilespmem:s9+$0xC040];
	v16 =	vmul.f32 v21, v16;
	v7 =	vmul.f32 v2, v2  }
0xd5: {  	v21, _, _ =	vpop (xrf2);
	v25 =	vmul.f32 v25, v4;
	v26 =	vld [tilespmem:s9+$0xA050];
	(xrf2) =	vadd.scan.msk.f32 $0xffff, v19  }
0xd6: {  	v24 =	vmul.f32 $1.818181870e-01, v7;
	v28 =	vpop (erf);
	(xrf2) =	vadd.scan.msk.f32 $0xffff, v16;
	v1 =	vmul.f32 v11, v8;
	v8 =	vld [tilespmem:s9+$0xA040]  }
0xd7: {  	v29 =	vld [tilespmem:s9+$0xA010];
	v4 =	vadd.f32 v21, v21;
	(xrf2) =	vadd.scan.msk.f32 $0xffff, v25;
	v11 =	vadd.f32 $6.666666860e-01, v30;
	v30 =	vpop (erf)  }
0xd8: {  	v31 =	vmul.f32 v28, v3;
	v3 =	vadd.f32 $2.222222240e-01, v24;
	v14 =	vmul.f32 v14, v22;
	v22 =	vpop (erf)  }
0xd9: {  	v24 =	vbroadcast v4, $0xF;
	v6 =	vmul.f32 v22, v6  }
0xda: {  	v4 =	vmul.f32 v3, v7;
	v26 =	vmul.f32 v27, v26  }
0xdb: {  	v21 =	vld [tilespmem:s9+$0xC070];
	v11 =	vmul.f32 v11, v17;
	v27 =	vmul.f32 v15, v8;
	v8 =	vsub.f32 $2.000000000e+00, v6  }
0xdc: {  	v20 =	vmul.f32 v20, v29;
	v17 =	vld [tilespmem:s9+$0xA070];
	(xrf2) =	vadd.scan.msk.f32 $0xffff, v14;
	v6 =	vmul.f32 $1.718281870e+00, v16;
	v16 =	vadd.f32 $2.857142980e-01, v4  }
0xdd: {  	v37 =	vmul.f32 $1.718281870e+00, v25;
	v3 =	vmul.f32 v1, v1;
	v11 =	vadd.f32 $2.000000000e+00, v11  }
0xde: {  	v23 =	vmul.f32 v30, v23;
	v4 =	vmul.f32 v13, v9;
	v13 =	vadd.f32 v24, v32  }
0xdf: {  	v35 =	vmul.f32 v11, v5;
	v5 =	vmul.f32 v8, v22;
	v8, _, _ =	vpop (xrf2)  }
0xe0: {  	v9 =	vmul.f32 v16, v7;
	(erf) = vrcp.f32 v13;
	(xrf2) =	vadd.scan.msk.f32 $0xffff, v20;
	v16, _, _ =	vpop (xrf2)  }
0xe1: {  	v24 =	vmul.f32 $1.818181870e-01, v3;
	v15 =	vmul.f32 v21, v17;
	v17, _, _ =	vpop (xrf2)  }
0xe2: {  	v5 =	vmul.f32 v5, v18;
	v8 =	vadd.f32 v8, v8;
	(xrf2) =	vadd.scan.msk.f32 $0xffff, v27;
	v17 =	vadd.f32 v17, v17  }
0xe3: {  	v21 =	vmul.f32 $1.718281870e+00, v19;
	v11 =	vmul.f32 v4, v4;
	v16 =	vadd.f32 v16, v16  }
0xe4: {  	v36 =	vmul.f32 v5, v5;
	v8 =	vbroadcast v8, $0xF  }
0xe5: {  	v18 =	vadd.f32 $4.000000060e-01, v9;
	v9 =	vmul.f32 $1.718281870e+00, v26;
	v16 =	vbroadcast v16, $0xF  }
0xe6: {  	v19 =	vmul.f32 $1.818181870e-01, v36;
	v22 =	vadd.f32 v8, v21;
	v8 =	vbroadcast v17, $0xF;
	v17, _, _ =	vpop (xrf2)  }
0xe7: {  	(xrf2) =	vadd.scan.msk.f32 $0xffff, v26;
	v26 =	vmul.f32 $1.718281870e+00, v14;
	v16 =	vadd.f32 v16, v6;
	v17 =	vadd.f32 v17, v17  }
0xe8: {  	(erf) = vrcp.f32 v22;
	v25 =	vadd.f32 v8, v37;
	v8 =	vadd.f32 $2.222222240e-01, v19  }
0xe9: {  	v14 =	vbroadcast v17, $0xF;
	v17 =	vmul.f32 v18, v7;
	v18 =	vpop (erf)  }
0xea: {  	v23 =	vsub.f32 $2.000000000e+00, v23;
	(erf) = vrcp.f32 v16;
	v8 =	vmul.f32 v8, v36;
	v19, _, _ =	vpop (xrf2)  }
0xeb: {  	(erf) = vrcp.f32 v25;
	v13 =	vmul.f32 v18, v13;
	v19 =	vadd.f32 v19, v19  }
0xec: {  	v29 =	vadd.f32 $2.857142980e-01, v8;
	v8 =	vmul.f32 $1.718281870e+00, v20;
	v20, _, _ =	vpop (xrf2);
	v34 =	vadd.f32 v14, v26  }
0xed: {  	v38 =	vmul.f32 $1.818181870e-01, v11;
	v14 =	vsub.f32 $2.000000000e+00, v31;
	v20 =	vadd.f32 v20, v20  }
0xee: {  	v13 =	vsub.f32 $2.000000000e+00, v13;
	v19 =	vbroadcast v19, $0xF;
	(erf) = vrcp.f32 v34  }
0xef: {  	(xrf2) =	vadd.scan.msk.f32 $0xffff, v15;
	v14 =	vmul.f32 v14, v28;
	v28 =	vmul.f32 v29, v36  }
0xf0: {  	v20 =	vbroadcast v20, $0xF;
	v13 =	vmul.f32 v13, v18;
	v29 =	vadd.f32 v19, v8  }
0xf1: {  	v18 =	vmul.f32 v23, v30;
	v23, _, _ =	vpop (xrf2);
	v14 =	vmul.f32 v14, v10  }
0xf2: {  	v39 =	vpop (erf);
	v10 =	vmul.f32 $1.718281870e+00, v27;
	(erf) = vrcp.f32 v29  }
0xf3: {  	v28 =	vadd.f32 $4.000000060e-01, v28;
	v27 =	vpop (erf);
	v18 =	vmul.f32 v18, v12;
	v13 =	vmul.f32 v13, v32  }
0xf4: {  	v30 =	vadd.f32 v23, v23;
	v22 =	vmul.f32 v39, v22;
	v19 =	vmul.f32 v14, v14;
	v31 =	vpop (erf)  }
0xf5: {  	v12 =	vadd.f32 v20, v10;
	v16 =	vmul.f32 v27, v16;
	v25 =	vmul.f32 v31, v25  }
0xf6: {  	v33 =	vadd.f32 $6.666666860e-01, v17;
	v30 =	vbroadcast v30, $0xF;
	v28 =	vmul.f32 v28, v36  }
0xf7: {  	v20 =	vmul.f32 v13, v13;
	v62 =	vsub.f32 $2.000000000e+00, v22;
	(erf) = vrcp.f32 v12  }
0xf8: {  	v23 =	vmul.f32 v18, v18;
	v28 =	vadd.f32 $6.666666860e-01, v28;
	v17 =	vsub.f32 $2.000000000e+00, v25;
	v40 =	vpop (erf)  }
0xf9: {  	v16 =	vsub.f32 $2.000000000e+00, v16;
	v61 =	vmul.f32 $1.818181870e-01, v20;
	v25, _, _ =	vpop (xrf2);
	v41 =	vmul.f32 v40, v34  }
0xfa: {  	v28 =	vmul.f32 v28, v36;
	v17 =	vmul.f32 v17, v31;
	v32 =	vadd.f32 v25, v25  }
0xfb: {  	v25 =	vmul.f32 v16, v27;
	v16 =	vadd.f32 $2.222222240e-01, v38;
	v31 =	vsub.f32 $2.000000000e+00, v41  }
0xfc: {  	v27 =	vmul.f32 v17, v37;
	v17 =	vmul.f32 $1.818181870e-01, v19  }
0xfd: {  	v36 =	vmul.f32 v62, v39;
	v60 =	vmul.f32 v31, v40  }
0xfe: {  	s10 =	simm.s32 $0x400;
	v30 =	vadd.f32 v30, v9;
	v63 =	vmul.f32 v16, v11;
	v31 =	vmul.f32 v27, v27  }
0xff: {  	s7 =	sshll.u32 s6, $0x9;
	[tilespmem:s8+$0xE060] =	vst v35;
	v34 =	vmul.f32 $1.818181870e-01, v23;
	v16 =	vpop (erf);
	v22 =	vmul.f32 v60, v26;
	v26 =	vadd.f32 $2.222222240e-01, v61  }
0x100: {  	v37 =	vadd.f32 $2.222222240e-01, v17;
	v35 =	vadd.f32 $2.857142980e-01, v63;
	v17 =	vpop (erf);
	v38 =	vmul.f32 $1.818181870e-01, v31  }
.LBB2_9:
0x101: {  	s11 =	sshra.s32 s10, $0x2;
	p1 =	sne.s32 s10, $0x3E00;
	s10 =	sadd.s32 $0x200, s10;
	v29 =	vmul.f32 v16, v29;
	v39 =	vadd.f32 $2.222222240e-01, v24;
	v24 =	vmul.f32 v26, v20  }
0x102: {  	v33 =	vmul.f32 v33, v7;
	v7 =	vmul.f32 v22, v22;
	v40 =	vld [tilespmem:s11+$0xC010];
	v26 =	vadd.f32 $2.222222240e-01, v38  }
0x103: {  	v37 =	vmul.f32 v37, v19;
	v38 =	vld [tilespmem:s11+$0xC070];
	(erf) = vrcp.f32 v30;
	v41 =	vadd.f32 $2.857142980e-01, v24  }
0x104: {  	v34 =	vadd.f32 $2.222222240e-01, v34;
	v43 =	vmul.f32 $1.818181870e-01, v7;
	v42 =	vld [tilespmem:s11+$0xC030];
	v26 =	vmul.f32 v26, v31  }
0x105: {  	v24 =	vmul.f32 v36, v21;
	v21 =	vmul.f32 v39, v3;
	v36 =	vadd.f32 $2.857142980e-01, v37;
	v44 =	vld [tilespmem:s11+$0xC000]  }
0x106: {  	v35 =	vmul.f32 v35, v11;
	v34 =	vmul.f32 v34, v23;
	v37 =	vld [tilespmem:s11+$0xC020];
	v39 =	vadd.f32 $2.857142980e-01, v26  }
0x107: {  	v26 =	vmul.f32 $1.718281870e+00, v15;
	v15 =	vadd.f32 $2.857142980e-01, v21;
	v21 =	vmul.f32 v36, v19;
	v45 =	vld [tilespmem:s11+$0xC050]  }
0x108: {  	v35 =	vadd.f32 $4.000000060e-01, v35;
	v34 =	vadd.f32 $2.857142980e-01, v34;
	v36 =	vld [tilespmem:s11+$0xA000];
	v39 =	vmul.f32 v39, v31  }
0x109: {  	v32 =	vbroadcast v32, $0xF;
	v43 =	vadd.f32 $2.222222240e-01, v43;
	v21 =	vadd.f32 $4.000000060e-01, v21;
	v46 =	vld [tilespmem:s11+$0xA050]  }
0x10a: {  	v35 =	vmul.f32 v35, v11;
	v34 =	vmul.f32 v34, v23;
	v47 =	vld [tilespmem:s11+$0xA010];
	v39 =	vadd.f32 $4.000000060e-01, v39  }
0x10b: {  	v33 =	vadd.f32 $2.000000000e+00, v33;
	v15 =	vmul.f32 v15, v3;
	v21 =	vmul.f32 v21, v19;
	v48 =	vld [tilespmem:s11+$0xA030]  }
0x10c: {  	v43 =	vmul.f32 v43, v7;
	v34 =	vadd.f32 $4.000000060e-01, v34;
	v49 =	vld [tilespmem:s11+$0xC040];
	v39 =	vmul.f32 v39, v31;
	v50 =	vpop (erf)  }
0x10d: {  	v33 =	vmul.f32 v33, v2;
	v2 =	vmovc v22;
	v21 =	vadd.f32 $6.666666860e-01, v21;
	v36 =	vmul.f32 v44, v36;
	v44 =	vld [tilespmem:s11+$0xC060]  }
0x10e: {  	v34 =	vmul.f32 v34, v23;
	v51 =	vld [tilespmem:s11+$0xA040];
	v45 =	vmul.f32 v45, v46;
	v39 =	vadd.f32 $6.666666860e-01, v39  }
0x10f: {  	v15 =	vadd.f32 $4.000000060e-01, v15;
	v46 =	vmul.f32 v50, v30;
	v22 =	vmul.f32 v40, v47;
	v40 =	vld [tilespmem:s11+$0xA020];
	[tilespmem:s8+$0xE020] =	vst v33  }
0x110: {  	v33 =	vld [tilespmem:s11+$0xA060];
	(xrf2) =	vadd.scan.msk.f32 $0xffff, v36;
	v30 =	vmul.f32 v39, v31;
	v31 =	vadd.f32 $6.666666860e-01, v35;
	v35 =	vmul.f32 v41, v20  }
0x111: {  	v15 =	vmul.f32 v15, v3;
	v34 =	vadd.f32 $6.666666860e-01, v34;
	v39 =	vmul.f32 v42, v48  }
0x112: {  	v41 =	vmul.f32 v24, v24;
	v42 =	vadd.f32 $2.000000000e+00, v30;
	v35 =	vadd.f32 $4.000000060e-01, v35  }
0x113: {  	v48 =	vadd.f32 $6.666666860e-01, v15;
	v11 =	vmul.f32 v31, v11;
	v30 =	vmul.f32 v49, v51;
	v47 =	vld [tilespmem:s11+$0xA070];
	(xrf2) =	vadd.scan.msk.f32 $0xffff, v39  }
0x114: {  	v15 =	vmul.f32 v34, v23;
	v31 =	vmul.f32 v37, v40;
	v37 =	vadd.f32 $2.857142980e-01, v43  }
0x115: {  	v34 =	vadd.f32 $2.000000000e+00, v11;
	v23 =	vmul.f32 v44, v33;
	v33 =	vsub.f32 $2.000000000e+00, v46  }
0x116: {  	v11 =	vmul.f32 $1.718281870e+00, v39;
	v27 =	vmul.f32 v42, v27;
	v39 =	vadd.f32 $2.000000000e+00, v15  }
0x117: {  	v25 =	vmul.f32 v25, v6;
	v35 =	vmul.f32 v35, v20;
	(xrf2) =	vadd.scan.msk.f32 $0xffff, v23  }
0x118: {  	v6 =	vmovc v11;
	v15 =	vmul.f32 v38, v47;
	[tilespmem:s9+$0xE060] =	vst v27;
	v27 =	vmul.f32 v48, v3;
	v3 =	vmov v41  }
0x119: {  	v11 =	vmul.f32 v25, v25;
	v33 =	vmul.f32 v33, v50;
	v38 =	vadd.f32 $2.000000000e+00, v28  }
0x11a: {  	v32 =	vadd.f32 v32, v26;
	v37 =	vmul.f32 v37, v7;
	v41 =	vmul.f32 v34, v4;
	v28, _, _ =	vpop (xrf2);
	(xrf2) =	vadd.scan.msk.f32 $0xffff, v31  }
0x11b: {  	v19 =	vmul.f32 v21, v19;
	v4 =	vmovc v25;
	v33 =	vmul.f32 v33, v9;
	v40 =	vadd.f32 v28, v28  }
0x11c: {  	v21 =	vmul.f32 $1.718281870e+00, v36;
	v18 =	vmul.f32 v39, v18;
	v25 =	vadd.f32 $4.000000060e-01, v37;
	[tilespmem:s8+$0xE030] =	vst v41  }
0x11d: {  	v35 =	vadd.f32 $6.666666860e-01, v35;
	v9 =	vmul.f32 $1.718281870e+00, v45;
	v28 =	vmul.f32 v33, v33;
	v34, _, _ =	vpop (xrf2)  }
0x11e: {  	v37 =	vadd.f32 $2.000000000e+00, v19;
	v36 =	vbroadcast v40, $0xF;
	v34 =	vadd.f32 v34, v34;
	[tilespmem:s8+$0xE040] =	vst v18  }
0x11f: {  	v20 =	vmul.f32 v35, v20;
	v18 =	vadd.f32 $2.000000000e+00, v27;
	(xrf2) =	vadd.scan.msk.f32 $0xffff, v22;
	(erf) = vrcp.f32 v32  }
0x120: {  	v14 =	vmul.f32 v37, v14;
	v27 =	vadd.f32 v36, v21;
	v34 =	vbroadcast v34, $0xF  }
0x121: {  	v37 =	vadd.f32 $2.000000000e+00, v20;
	v35 =	vmul.f32 $1.818181870e-01, v28;
	v36 =	vmul.f32 v38, v5;
	v19, _, _ =	vpop (xrf2)  }
0x122: {  	v18 =	vmul.f32 v18, v1;
	v1 =	vmovc v24;
	v19 =	vadd.f32 v19, v19;
	(erf) = vrcp.f32 v27;
	(xrf2) =	vadd.scan.msk.f32 $0xffff, v30  }
0x123: {  	v13 =	vmul.f32 v37, v13;
	v5 =	vmovc v33;
	v24 =	vmul.f32 $1.818181870e-01, v3;
	v34 =	vadd.f32 v34, v6;
	[tilespmem:s8+$0xE050] =	vst v36  }
0x124: {  	v36 =	vmul.f32 $1.718281870e+00, v23;
	v23 =	vadd.f32 $2.222222240e-01, v35;
	v19 =	vbroadcast v19, $0xF;
	v20, _, _ =	vpop (xrf2);
	[tilespmem:s8+$0xE000] =	vst v18  }
0x125: {  	v18 =	vadd.f32 v20, v20;
	(erf) = vrcp.f32 v34;
	(xrf2) =	vadd.scan.msk.f32 $0xffff, v45;
	[tilespmem:s8+$0xE070] =	vst v13  }
0x126: {  	v25 =	vmul.f32 v25, v7;
	v35 =	vmul.f32 $1.818181870e-01, v11;
	v20 =	vadd.f32 v19, v36;
	[tilespmem:s8+$0xE010] =	vst v14;
	s8 =	smov.u32 s9;
	s9 =	smov.u32 s11  }
0x127: {  	v38 =	vmul.f32 $1.718281870e+00, v31;
	v33 =	vbroadcast v18, $0xF  }
0x128: {  	v14 =	vsub.f32 $2.000000000e+00, v29;
	v18 =	vmul.f32 v23, v28;
	(erf) = vrcp.f32 v20;
	(xrf2) =	vadd.scan.msk.f32 $0xffff, v15;
	v19 =	vpop (erf)  }
0x129: {  	v12 =	vmul.f32 v17, v12;
	v31 =	vadd.f32 v33, v38;
	v13, _, _ =	vpop (xrf2);
	v29 =	vmul.f32 v19, v32  }
0x12a: {  	v14 =	vmul.f32 v14, v16;
	v16 =	vadd.f32 $2.857142980e-01, v18;
	v13 =	vadd.f32 v13, v13  }
0x12b: {  	v18 =	vmul.f32 $1.718281870e+00, v22;
	v39 =	vpop (erf);
	(erf) = vrcp.f32 v31;
	v22 =	vsub.f32 $2.000000000e+00, v29  }
0x12c: {  	v12 =	vsub.f32 $2.000000000e+00, v12;
	v16 =	vmul.f32 v16, v28;
	v13 =	vbroadcast v13, $0xF;
	v23, _, _ =	vpop (xrf2)  }
0x12d: {  	v14 =	vmul.f32 v14, v8;
	v8 =	vmovc v18;
	v23 =	vadd.f32 v23, v23;
	v22 =	vmul.f32 v22, v19  }
0x12e: {  	v12 =	vmul.f32 v12, v17;
	v29 =	vadd.f32 v13, v8;
	v13 =	vmul.f32 $1.718281870e+00, v30;
	v37 =	vpop (erf)  }
0x12f: {  	v19 =	vmul.f32 v14, v14;
	v16 =	vadd.f32 $4.000000060e-01, v16;
	v23 =	vbroadcast v23, $0xF;
	v18, _, _ =	vpop (xrf2)  }
0x130: {  	v30 =	vadd.f32 v18, v18;
	(erf) = vrcp.f32 v29;
	v18 =	vmul.f32 v12, v10;
	v10 =	vmovc v13  }
0x131: {  	v32 =	vmul.f32 v37, v34;
	v13 =	vmul.f32 v22, v26;
	v12 =	vadd.f32 v23, v10;
	v17 =	vpop (erf)  }
0x132: {  	v33 =	vadd.f32 $6.666666860e-01, v25;
	v22 =	vmul.f32 v17, v20;
	v26, _, _ =	vpop (xrf2);
	v23 =	vmul.f32 v18, v18  }
0x133: {  	v25 =	vsub.f32 $2.000000000e+00, v32;
	v20 =	vmul.f32 v13, v13;
	(erf) = vrcp.f32 v12  }
0x134: {  	v16 =	vmul.f32 v16, v28;
	v30 =	vbroadcast v30, $0xF;
	v22 =	vsub.f32 $2.000000000e+00, v22;
	v40 =	vpop (erf)  }
0x135: {  	v32 =	vadd.f32 v26, v26;
	v34 =	vmul.f32 $1.818181870e-01, v23;
	v31 =	vmul.f32 v40, v31  }
0x136: {  	v26 =	vadd.f32 $6.666666860e-01, v16;
	v30 =	vadd.f32 v30, v9;
	v17 =	vmul.f32 v22, v17  }
0x137: {  	v41 =	vmul.f32 v39, v27;
	v25 =	vmul.f32 v25, v37;
	v22 =	vsub.f32 $2.000000000e+00, v31  }
.Ltmp5:
0x138: {  	v35 =	vadd.f32 $2.222222240e-01, v35;
	v27 =	vmul.f32 v17, v36;
	v17 =	vmul.f32 $1.818181870e-01, v19;
	(pc) =	sbr.rel @p1 .LBB2_9-.Ltmp5, $4  }
0x139: {  	v36 =	vsub.f32 $2.000000000e+00, v41;
	v22 =	vmul.f32 v22, v40;
	v16 =	vpop (erf);
	v40 =	vmul.f32 $1.818181870e-01, v20  }
0x13a: {  	v35 =	vmul.f32 v35, v11;
	v31 =	vmul.f32 v27, v27;
	v37 =	vadd.f32 $2.222222240e-01, v17  }
0x13b: {  	v28 =	vmul.f32 v26, v28;
	v22 =	vmul.f32 v22, v38;
	v26 =	vadd.f32 $2.222222240e-01, v40  }
0x13c: {  	v35 =	vadd.f32 $2.857142980e-01, v35;
	v36 =	vmul.f32 v36, v39;
	v38 =	vmul.f32 $1.818181870e-01, v31;
	v17 =	vpop (erf)  }
0x13d: {  	v29 =	vmul.f32 v16, v29  }
0x13e: {  	v39 =	vmul.f32 v26, v20;
	v26 =	vmul.f32 v22, v22  }
0x13f: {  	v33 =	vmul.f32 v33, v7;
	(erf) = vrcp.f32 v30  }
0x140: {  	v24 =	vadd.f32 $2.222222240e-01, v24;
	v37 =	vmul.f32 v37, v19;
	v15 =	vmul.f32 $1.718281870e+00, v15  }
0x141: {  	v34 =	vadd.f32 $2.222222240e-01, v34;
	v32 =	vbroadcast v32, $0xF;
	v6 =	vmul.f32 v25, v6  }
0x142: {  	v28 =	vadd.f32 $2.000000000e+00, v28;
	v12 =	vmul.f32 v17, v12;
	v7 =	vmul.f32 v36, v21  }
0x143: {  	v38 =	vadd.f32 $2.222222240e-01, v38;
	v35 =	vmul.f32 v35, v11;
	v40 =	vmul.f32 $1.818181870e-01, v26  }
0x144: {  	v21 =	vmul.f32 v24, v3;
	v24 =	vadd.f32 $2.857142980e-01, v37;
	v44 =	vadd.f32 $2.857142980e-01, v39  }
0x145: {  	v34 =	vmul.f32 v34, v23;
	v33 =	vadd.f32 $2.000000000e+00, v33;
	v32 =	vadd.f32 v32, v15  }
0x146: {  	v12 =	vsub.f32 $2.000000000e+00, v12;
	v5 =	vmul.f32 v28, v5;
	v38 =	vmul.f32 v38, v31  }
0x147: {  	v35 =	vadd.f32 $4.000000060e-01, v35;
	v50 =	vmul.f32 v7, v7;
	v24 =	vmul.f32 v24, v19  }
0x148: {  	v34 =	vadd.f32 $2.857142980e-01, v34;
	v2 =	vmul.f32 v33, v2;
	v49 =	vmul.f32 v44, v20  }
0x149: {  	v21 =	vadd.f32 $2.857142980e-01, v21;
	(erf) = vrcp.f32 v32;
	v12 =	vmul.f32 v12, v17  }
0x14a: {  	v45 =	vadd.f32 $2.222222240e-01, v40;
	v35 =	vmul.f32 v35, v11;
	v17 =	vmul.f32 $1.818181870e-01, v50  }
0x14b: {  	v43 =	vadd.f32 $2.857142980e-01, v38;
	v34 =	vmul.f32 v34, v23;
	v21 =	vmul.f32 v21, v3  }
0x14c: {  	v24 =	vadd.f32 $4.000000060e-01, v24;
	v38 =	vmul.f32 v45, v26;
	v10 =	vmul.f32 v12, v10  }
0x14d: {  	v36 =	vmul.f32 v43, v31;
	v48 =	vadd.f32 $6.666666860e-01, v35;
	v35 =	vadd.f32 $4.000000060e-01, v49  }
0x14e: {  	v17 =	vadd.f32 $2.222222240e-01, v17;
	v24 =	vmul.f32 v24, v19;
	v34 =	vadd.f32 $4.000000060e-01, v34  }
0x14f: {  	v21 =	vadd.f32 $4.000000060e-01, v21;
	v51 =	vadd.f32 $2.857142980e-01, v38;
	v11 =	vmul.f32 v48, v11  }
0x150: {  	v36 =	vadd.f32 $4.000000060e-01, v36;
	v25 =	vmul.f32 v35, v20;
	v17 =	vmul.f32 v17, v50  }
0x151: {  	v46 =	vpop (erf);
	v24 =	vadd.f32 $6.666666860e-01, v24;
	v47 =	vmul.f32 v34, v23;
	v21 =	vmul.f32 v21, v3  }
0x152: {  	v30 =	vmul.f32 v46, v30;
	v11 =	vadd.f32 $2.000000000e+00, v11;
	v17 =	vadd.f32 $2.857142980e-01, v17  }
0x153: {  	v36 =	vmul.f32 v36, v31;
	v33 =	vadd.f32 $6.666666860e-01, v47;
	v21 =	vadd.f32 $6.666666860e-01, v21  }
0x154: {  	v30 =	vsub.f32 $2.000000000e+00, v30;
	v19 =	vmul.f32 v24, v19;
	v24 =	vmul.f32 v51, v26  }
0x155: {  	v36 =	vadd.f32 $6.666666860e-01, v36;
	v4 =	vmul.f32 v11, v4;
	v17 =	vmul.f32 v17, v50  }
0x156: {  	v11 =	vadd.f32 $6.666666860e-01, v25;
	v23 =	vmul.f32 v33, v23;
	v30 =	vmul.f32 v30, v46  }
0x157: {  	v3 =	vmul.f32 v21, v3;
	v21 =	vmul.f32 v6, v6;
	v19 =	vadd.f32 $2.000000000e+00, v19  }
0x158: {  	v31 =	vmul.f32 v36, v31;
	v11 =	vmul.f32 v11, v20;
	v23 =	vadd.f32 $2.000000000e+00, v23  }
0x159: {  	v20 =	vpop (erf);
	v9 =	vmul.f32 v30, v9;
	v3 =	vadd.f32 $2.000000000e+00, v3;
	v14 =	vmul.f32 v19, v14  }
0x15a: {  	v31 =	vadd.f32 $2.000000000e+00, v31;
	v18 =	vmul.f32 v23, v18;
	v23 =	vmul.f32 v20, v32  }
0x15b: {  	v25 =	vmul.f32 v9, v9;
	v1 =	vmul.f32 v3, v1;
	v3 =	vsub.f32 $2.000000000e+00, v29  }
0x15c: {  	v11 =	vadd.f32 $2.000000000e+00, v11;
	v27 =	vmul.f32 v31, v27;
	v23 =	vsub.f32 $2.000000000e+00, v23  }
0x15d: {  	v19 =	vmul.f32 $1.818181870e-01, v25;
	v3 =	vmul.f32 v3, v16  }
0x15e: {  	v11 =	vmul.f32 v11, v13;
	v16 =	vmul.f32 v23, v20  }
0x15f: {  	v19 =	vadd.f32 $2.222222240e-01, v19;
	v3 =	vmul.f32 v3, v8;
	v8 =	vmul.f32 v10, v10  }
0x160: {  	v17 =	vadd.f32 $4.000000060e-01, v17;
	v20 =	vmul.f32 $1.818181870e-01, v21;
	v15 =	vmul.f32 v16, v15  }
0x161: {  	[tilespmem:s8+$0xE020] =	vst v2;
	v12 =	vmul.f32 v19, v25;
	v19 =	vadd.f32 $4.000000060e-01, v24;
	v16 =	vmul.f32 v3, v3  }
0x162: {  	[tilespmem:s9+$0xE060] =	vst v27;
	v23 =	vmul.f32 $1.818181870e-01, v8;
	v20 =	vadd.f32 $2.222222240e-01, v20;
	v24 =	vmul.f32 v15, v15  }
0x163: {  	[tilespmem:s8+$0xE030] =	vst v4;
	v4 =	vmul.f32 v17, v50;
	v13 =	vmul.f32 $1.818181870e-01, v16  }
0x164: {  	v23 =	vadd.f32 $2.222222240e-01, v23;
	v20 =	vmul.f32 v20, v21;
	v28 =	vmul.f32 $1.818181870e-01, v24  }
0x165: {  	v4 =	vadd.f32 $6.666666860e-01, v4;
	v19 =	vmul.f32 v19, v26;
	v13 =	vadd.f32 $2.222222240e-01, v13  }
0x166: {  	v23 =	vmul.f32 v23, v8;
	v20 =	vadd.f32 $2.857142980e-01, v20;
	v28 =	vadd.f32 $2.222222240e-01, v28  }
0x167: {  	v12 =	vadd.f32 $2.857142980e-01, v12;
	v4 =	vmul.f32 v4, v50;
	v13 =	vmul.f32 v13, v16  }
0x168: {  	v23 =	vadd.f32 $2.857142980e-01, v23;
	v20 =	vmul.f32 v20, v21;
	v28 =	vmul.f32 v28, v24  }
0x169: {  	v12 =	vmul.f32 v12, v25;
	v19 =	vadd.f32 $6.666666860e-01, v19;
	v13 =	vadd.f32 $2.857142980e-01, v13  }
0x16a: {  	v23 =	vmul.f32 v23, v8;
	v20 =	vadd.f32 $4.000000060e-01, v20;
	v28 =	vadd.f32 $2.857142980e-01, v28  }
0x16b: {  	v4 =	vadd.f32 $2.000000000e+00, v4;
	v12 =	vadd.f32 $4.000000060e-01, v12;
	v13 =	vmul.f32 v13, v16  }
0x16c: {  	v23 =	vadd.f32 $4.000000060e-01, v23;
	v20 =	vmul.f32 v20, v21;
	v28 =	vmul.f32 v28, v24  }
0x16d: {  	v19 =	vmul.f32 v19, v26;
	v12 =	vmul.f32 v12, v25;
	v2 =	vadd.f32 $4.000000060e-01, v13  }
0x16e: {  	v13 =	vmul.f32 v23, v8;
	v20 =	vadd.f32 $6.666666860e-01, v20;
	v23 =	vadd.f32 $4.000000060e-01, v28  }
0x16f: {  	[tilespmem:s8+$0xE040] =	vst v18;
	v17 =	vadd.f32 $2.000000000e+00, v19;
	v12 =	vadd.f32 $6.666666860e-01, v12;
	v2 =	vmul.f32 v2, v16  }
0x170: {  	[tilespmem:s8+$0xE050] =	vst v5;
	v13 =	vadd.f32 $6.666666860e-01, v13;
	v18 =	vmul.f32 v20, v21;
	v19 =	vmul.f32 v23, v24  }
0x171: {  	[tilespmem:s8+$0xE000] =	vst v1;
	v4 =	vmul.f32 v4, v7;
	v1 =	vmul.f32 v12, v25;
	v2 =	vadd.f32 $6.666666860e-01, v2  }
0x172: {  	[tilespmem:s8+$0xE070] =	vst v11;
	v5 =	vmul.f32 v13, v8;
	v8 =	vadd.f32 $2.000000000e+00, v18;
	v12 =	vadd.f32 $6.666666860e-01, v19  }
0x173: {  	[tilespmem:s8+$0xE010] =	vst v14;
	v11 =	vmul.f32 v17, v22;
	v1 =	vadd.f32 $2.000000000e+00, v1;
	v2 =	vmul.f32 v2, v16  }
0x174: {  	[tilespmem:s9+$0xE000] =	vst v4;
	v5 =	vadd.f32 $2.000000000e+00, v5;
	v6 =	vmul.f32 v8, v6;
	v8 =	vmul.f32 v12, v24  }
0x175: {  	[tilespmem:s9+$0xE020] =	vst v11;
	v1 =	vmul.f32 v1, v9;
	v2 =	vadd.f32 $2.000000000e+00, v2  }
0x176: {  	v5 =	vmul.f32 v5, v10;
	[tilespmem:s9+$0xE030] =	vst v6;
	v6 =	vadd.f32 $2.000000000e+00, v8  }
0x177: {  	[tilespmem:s9+$0xE050] =	vst v1;
	v2 =	vmul.f32 v2, v3  }
0x178: {  	[tilespmem:s9+$0xE040] =	vst v5;
	v1 =	vmul.f32 v6, v15  }
0x179: {  	s8 =	sand.u32 $0x3FFFFE00, s7;
	[tilespmem:s9+$0xE010] =	vst v2  }
0x17a: {  	p1 =	seq.s32 s6, $0x27;
	s12 =	sadd.s32 $0x5000, s8;
	[tilespmem:s9+$0xE070] =	vst v1  }
0x17b: {  	[spmem:s4] =	stream.indirect.scatter.add.f32 [tilespmem:s1], [sflag:$0x5], $0x10, s12, s24, $0xb8;
	[tilespmem:$0x1C600] =	vst v63  }
0x17c: {  	s10 =	simm.s32 @!p1 $0x100;
	s11 =	simm.s32 @!p1 $0xA000;
	s9 =	sadd.s32 @!p1 $0x200, s7  }
0x17d: {  	[tilespmem:s11], [sflag:$0x1] =	stream.indirect.gather @!p1 [spmem:s2], $0x10, s9, s10, $0xb8;
	[tilespmem:$0x1C600] =	vst v63  }
0x17e: {  	s9 =	sadd.s32 @!p1 $0x5200, s7;
	s11 =	simm.s32 @!p1 $0xC000  }
0x17f: {  	[tilespmem:s11], [sflag:$0x3] =	stream.indirect.gather @!p1 [spmem:s3], $0x10, s9, s10, $0xb8;
	[tilespmem:$0x1C600] =	vst v63  }
0x180: {  	_ =	swait.ge [sflag:s25], $0x1000  }
0x181: {  	[sflag:s25] =	ssyncset.done $0x0  }
0x182: {  	[sflag:s25] =	ssyncadd.s32 $0xFFFFF000  }
0x183: {  	_ =	swait.ge [sflag:s26], $0x1000  }
0x184: {  	[sflag:s26] =	ssyncset.done $0x0  }
0x185: {  	s9 =	simm.s32 @!p0 $0x6;
	[sflag:s26] =	ssyncadd.s32 $0xFFFFF000  }
0x186: {  	_ =	swait.ge @!p0 [sflag:s9], $0x1000  }
0x187: {  	[sflag:s9] =	ssyncset.done @!p0 $0x0  }
0x188: {  	[sflag:s9] =	ssyncadd.s32 @!p0 $0xFFFFF000;
	s9 =	simm.s32 $0x0  }
0x189: {  	v1 =	vld [tilespmem:s9+$0xD030]  }
0x18a: {  	v2 =	vld [tilespmem:s9+$0xD000]  }
0x18b: {  	v3 =	vld [tilespmem:s9+$0xB000]  }
0x18c: {  	v4 =	vld [tilespmem:s9+$0xB030]  }
0x18d: {  	v5 =	vld [tilespmem:s9+$0xD060]  }
0x18e: {  	v6 =	vld [tilespmem:s9+$0xB060];
	_ =	sdelay $0x2  }
0x18f: {  	v2 =	vmul.f32 v2, v3  }
0x190: {  	v1 =	vmul.f32 v1, v4  }
0x191: {  	v3 =	vmul.f32 v5, v6;
	(xrf2) =	vadd.scan.msk.f32 $0xffff, v2  }
0x192: {  	(xrf2) =	vadd.scan.msk.f32 $0xffff, v1  }
0x193: {  	(xrf2) =	vadd.scan.msk.f32 $0xffff, v3  }
0x194: {  	v4 =	vld [tilespmem:s9+$0xD020]  }
0x195: {  	v5 =	vld [tilespmem:s9+$0xB020];
	_ =	sdelay $0x4  }
0x196: {  	v4 =	vmul.f32 v4, v5  }
0x197: {  	v6, _, _ =	vpop (xrf2)  }
0x198: {  	(xrf2) =	vadd.scan.msk.f32 $0xffff, v4;
	v5 =	vadd.f32 v6, v6;
	v6, _, _ =	vpop (xrf2)  }
0x199: {  	v6 =	vadd.f32 v6, v6;
	v7, _, _ =	vpop (xrf2)  }
0x19a: {  	v8 =	vmul.f32 $1.718281870e+00, v2;
	v2 =	vbroadcast v5, $0xF;
	v5 =	vadd.f32 v7, v7  }
0x19b: {  	v9 =	vmul.f32 $1.718281870e+00, v1;
	v1 =	vbroadcast v6, $0xF  }
0x19c: {  	v11 =	vld [tilespmem:s9+$0xB010];
	v3 =	vmul.f32 $1.718281870e+00, v3;
	v2 =	vadd.f32 v2, v8;
	v5 =	vbroadcast v5, $0xF  }
0x19d: {  	v6 =	vld [tilespmem:s9+$0xD010];
	v1 =	vadd.f32 v1, v9  }
0x19e: {  	(erf) = vrcp.f32 v2;
	v5 =	vadd.f32 v5, v3  }
0x19f: {  	v10 =	vld [tilespmem:s9+$0xB050];
	(erf) = vrcp.f32 v1  }
0x1a0: {  	v7 =	vld [tilespmem:s9+$0xD050];
	(erf) = vrcp.f32 v5  }
0x1a1: {  	v12 =	vld [tilespmem:s9+$0xD040]  }
0x1a2: {  	v13 =	vld [tilespmem:s9+$0xB040];
	v6 =	vmul.f32 v6, v11;
	v11, _, _ =	vpop (xrf2)  }
0x1a3: {  	v11 =	vadd.f32 v11, v11;
	_ =	sdelay $0x1  }
0x1a4: {  	v7 =	vmul.f32 v7, v10;
	v10 =	vbroadcast v11, $0xF;
	_ =	sdelay $0x1  }
0x1a5: {  	v12 =	vmul.f32 v12, v13;
	v4 =	vmul.f32 $1.718281870e+00, v4;
	v11 =	vpop (erf)  }
0x1a6: {  	(xrf2) =	vadd.scan.msk.f32 $0xffff, v6;
	v13 =	vpop (erf)  }
0x1a7: {  	(xrf2) =	vadd.scan.msk.f32 $0xffff, v12;
	v14 =	vadd.f32 v10, v4;
	v10 =	vpop (erf)  }
0x1a8: {  	(xrf2) =	vadd.scan.msk.f32 $0xffff, v7;
	v5 =	vmul.f32 v10, v5;
	_ =	sdelay $0x1  }
0x1a9: {  	v5 =	vsub.f32 $2.000000000e+00, v5  }
0x1aa: {  	v15 =	vld [tilespmem:s9+$0xD070];
	(erf) = vrcp.f32 v14  }
0x1ab: {  	v16 =	vld [tilespmem:s9+$0xB070];
	v5 =	vmul.f32 v5, v10;
	_ =	sdelay $0x1  }
0x1ac: {  	v5 =	vmul.f32 v5, v3;
	_ =	sdelay $0x1  }
0x1ad: {  	v10, _, _ =	vpop (xrf2);
	v17 =	vmul.f32 v5, v5  }
0x1ae: {  	v15 =	vmul.f32 v15, v16;
	v18 =	vmul.f32 $1.718281870e+00, v7;
	v16, _, _ =	vpop (xrf2);
	v3 =	vadd.f32 v10, v10  }
0x1af: {  	v10 =	vmul.f32 $1.718281870e+00, v6;
	v6, _, _ =	vpop (xrf2);
	v7 =	vadd.f32 v16, v16;
	v19 =	vmul.f32 $1.818181870e-01, v17  }
0x1b0: {  	v12 =	vmul.f32 $1.718281870e+00, v12;
	v6 =	vadd.f32 v6, v6  }
0x1b1: {  	s10 =	simm.s32 $0x80;
	v16 =	vpop (erf);
	v3 =	vbroadcast v3, $0xF;
	v7 =	vbroadcast v7, $0xF;
	v19 =	vadd.f32 $2.222222240e-01, v19  }
0x1b2: {  	v20 =	vld [tilespmem:s10+$0xD010];
	v14 =	vmul.f32 v16, v14;
	v6 =	vbroadcast v6, $0xF  }
0x1b3: {  	v21 =	vld [tilespmem:s10+$0xD030];
	(xrf2) =	vadd.scan.msk.f32 $0xffff, v15;
	v3 =	vadd.f32 v3, v10;
	v23 =	vadd.f32 v7, v12;
	v7 =	vmul.f32 v19, v17  }
0x1b4: {  	v22 =	vld [tilespmem:s10+$0xD000];
	v24 =	vmul.f32 v11, v2;
	v1 =	vmul.f32 v13, v1;
	v14 =	vsub.f32 $2.000000000e+00, v14  }
0x1b5: {  	v25 =	vld [tilespmem:s10+$0xD060];
	v6 =	vadd.f32 v6, v18;
	(erf) = vrcp.f32 v3;
	v7 =	vadd.f32 $2.857142980e-01, v7  }
0x1b6: {  	v14 =	vmul.f32 v14, v16;
	(erf) = vrcp.f32 v23;
	v19 =	vld [tilespmem:s10+$0xB000]  }
0x1b7: {  	v1 =	vsub.f32 $2.000000000e+00, v1;
	v16 =	vld [tilespmem:s10+$0xB030];
	(erf) = vrcp.f32 v6;
	v26 =	vmul.f32 v7, v17  }
0x1b8: {  	v24 =	vsub.f32 $2.000000000e+00, v24;
	v2 =	vmul.f32 v14, v4;
	v4 =	vld [tilespmem:s10+$0xB060]  }
0x1b9: {  	v27 =	vld [tilespmem:s10+$0xD050];
	v13 =	vmul.f32 v1, v13;
	v1 =	vadd.f32 $4.000000060e-01, v26  }
0x1ba: {  	v52 =	vmul.f32 $1.718281870e+00, v15;
	v11 =	vmul.f32 v24, v11;
	v14 =	vld [tilespmem:s10+$0xD020]  }
0x1bb: {  	v19 =	vmul.f32 v22, v19;
	v22 =	vld [tilespmem:s10+$0xB020];
	v30 =	vmul.f32 v1, v17  }
0x1bc: {  	v15 =	vld [tilespmem:s10+$0xD040];
	v16 =	vmul.f32 v21, v16;
	v7 =	vmul.f32 v2, v2  }
0x1bd: {  	v21, _, _ =	vpop (xrf2);
	v25 =	vmul.f32 v25, v4;
	v26 =	vld [tilespmem:s10+$0xB050];
	(xrf2) =	vadd.scan.msk.f32 $0xffff, v19  }
0x1be: {  	v24 =	vmul.f32 $1.818181870e-01, v7;
	v28 =	vpop (erf);
	(xrf2) =	vadd.scan.msk.f32 $0xffff, v16;
	v1 =	vmul.f32 v11, v8;
	v8 =	vld [tilespmem:s10+$0xB040]  }
0x1bf: {  	v29 =	vld [tilespmem:s10+$0xB010];
	v4 =	vadd.f32 v21, v21;
	(xrf2) =	vadd.scan.msk.f32 $0xffff, v25;
	v11 =	vadd.f32 $6.666666860e-01, v30;
	v30 =	vpop (erf)  }
0x1c0: {  	v31 =	vmul.f32 v28, v3;
	v3 =	vadd.f32 $2.222222240e-01, v24;
	v14 =	vmul.f32 v14, v22;
	v22 =	vpop (erf)  }
0x1c1: {  	v24 =	vbroadcast v4, $0xF;
	v6 =	vmul.f32 v22, v6  }
0x1c2: {  	v4 =	vmul.f32 v3, v7;
	v26 =	vmul.f32 v27, v26  }
0x1c3: {  	v21 =	vld [tilespmem:s10+$0xD070];
	v11 =	vmul.f32 v11, v17;
	v27 =	vmul.f32 v15, v8;
	v8 =	vsub.f32 $2.000000000e+00, v6  }
0x1c4: {  	v20 =	vmul.f32 v20, v29;
	v17 =	vld [tilespmem:s10+$0xB070];
	(xrf2) =	vadd.scan.msk.f32 $0xffff, v14;
	v6 =	vmul.f32 $1.718281870e+00, v16;
	v16 =	vadd.f32 $2.857142980e-01, v4  }
0x1c5: {  	v55 =	vmul.f32 $1.718281870e+00, v25;
	v3 =	vmul.f32 v1, v1;
	v11 =	vadd.f32 $2.000000000e+00, v11  }
0x1c6: {  	v23 =	vmul.f32 v30, v23;
	v4 =	vmul.f32 v13, v9;
	v13 =	vadd.f32 v24, v52  }
0x1c7: {  	v53 =	vmul.f32 v11, v5;
	v5 =	vmul.f32 v8, v22;
	v8, _, _ =	vpop (xrf2)  }
0x1c8: {  	v9 =	vmul.f32 v16, v7;
	(erf) = vrcp.f32 v13;
	(xrf2) =	vadd.scan.msk.f32 $0xffff, v20;
	v16, _, _ =	vpop (xrf2)  }
0x1c9: {  	v24 =	vmul.f32 $1.818181870e-01, v3;
	v15 =	vmul.f32 v21, v17;
	v17, _, _ =	vpop (xrf2)  }
0x1ca: {  	v5 =	vmul.f32 v5, v18;
	v8 =	vadd.f32 v8, v8;
	(xrf2) =	vadd.scan.msk.f32 $0xffff, v27;
	v17 =	vadd.f32 v17, v17  }
0x1cb: {  	v21 =	vmul.f32 $1.718281870e+00, v19;
	v11 =	vmul.f32 v4, v4;
	v16 =	vadd.f32 v16, v16  }
0x1cc: {  	v54 =	vmul.f32 v5, v5;
	v8 =	vbroadcast v8, $0xF  }
0x1cd: {  	v18 =	vadd.f32 $4.000000060e-01, v9;
	v9 =	vmul.f32 $1.718281870e+00, v26;
	v16 =	vbroadcast v16, $0xF  }
0x1ce: {  	v19 =	vmul.f32 $1.818181870e-01, v54;
	v22 =	vadd.f32 v8, v21;
	v8 =	vbroadcast v17, $0xF;
	v17, _, _ =	vpop (xrf2)  }
0x1cf: {  	(xrf2) =	vadd.scan.msk.f32 $0xffff, v26;
	v26 =	vmul.f32 $1.718281870e+00, v14;
	v16 =	vadd.f32 v16, v6;
	v17 =	vadd.f32 v17, v17  }
0x1d0: {  	(erf) = vrcp.f32 v22;
	v25 =	vadd.f32 v8, v55;
	v8 =	vadd.f32 $2.222222240e-01, v19  }
0x1d1: {  	v14 =	vbroadcast v17, $0xF;
	v17 =	vmul.f32 v18, v7;
	v18 =	vpop (erf)  }
0x1d2: {  	v23 =	vsub.f32 $2.000000000e+00, v23;
	(erf) = vrcp.f32 v16;
	v8 =	vmul.f32 v8, v54;
	v19, _, _ =	vpop (xrf2)  }
0x1d3: {  	(erf) = vrcp.f32 v25;
	v13 =	vmul.f32 v18, v13;
	v19 =	vadd.f32 v19, v19  }
0x1d4: {  	v29 =	vadd.f32 $2.857142980e-01, v8;
	v8 =	vmul.f32 $1.718281870e+00, v20;
	v20, _, _ =	vpop (xrf2);
	v57 =	vadd.f32 v14, v26  }
0x1d5: {  	v56 =	vmul.f32 $1.818181870e-01, v11;
	v14 =	vsub.f32 $2.000000000e+00, v31;
	v20 =	vadd.f32 v20, v20  }
0x1d6: {  	v13 =	vsub.f32 $2.000000000e+00, v13;
	v19 =	vbroadcast v19, $0xF;
	(erf) = vrcp.f32 v57  }
0x1d7: {  	(xrf2) =	vadd.scan.msk.f32 $0xffff, v15;
	v14 =	vmul.f32 v14, v28;
	v28 =	vmul.f32 v29, v54  }
0x1d8: {  	v20 =	vbroadcast v20, $0xF;
	v13 =	vmul.f32 v13, v18;
	v29 =	vadd.f32 v19, v8  }
0x1d9: {  	v18 =	vmul.f32 v23, v30;
	v23, _, _ =	vpop (xrf2);
	v14 =	vmul.f32 v14, v10  }
0x1da: {  	v58 =	vpop (erf);
	v10 =	vmul.f32 $1.718281870e+00, v27;
	(erf) = vrcp.f32 v29  }
0x1db: {  	v28 =	vadd.f32 $4.000000060e-01, v28;
	v27 =	vpop (erf);
	v18 =	vmul.f32 v18, v12;
	v13 =	vmul.f32 v13, v52  }
0x1dc: {  	v30 =	vadd.f32 v23, v23;
	v22 =	vmul.f32 v58, v22;
	v19 =	vmul.f32 v14, v14;
	v31 =	vpop (erf)  }
0x1dd: {  	v12 =	vadd.f32 v20, v10;
	v16 =	vmul.f32 v27, v16;
	v25 =	vmul.f32 v31, v25  }
0x1de: {  	v30 =	vbroadcast v30, $0xF;
	v28 =	vmul.f32 v28, v54  }
0x1df: {  	v33 =	vadd.f32 $6.666666860e-01, v17;
	v23 =	vmul.f32 v18, v18;
	(erf) = vrcp.f32 v12  }
0x1e0: {  	v20 =	vmul.f32 v13, v13;
	v62 =	vsub.f32 $2.000000000e+00, v22;
	v17 =	vsub.f32 $2.000000000e+00, v25;
	v59 =	vpop (erf)  }
0x1e1: {  	v16 =	vsub.f32 $2.000000000e+00, v16;
	v34 =	vmul.f32 $1.818181870e-01, v23;
	v25, _, _ =	vpop (xrf2);
	v41 =	vmul.f32 v59, v57  }
0x1e2: {  	v61 =	vmul.f32 $1.818181870e-01, v20;
	v17 =	vmul.f32 v17, v31;
	v32 =	vadd.f32 v25, v25  }
0x1e3: {  	v25 =	vmul.f32 v16, v27;
	v16 =	vadd.f32 $2.222222240e-01, v56;
	v31 =	vsub.f32 $2.000000000e+00, v41  }
0x1e4: {  	v27 =	vmul.f32 v17, v55;
	v17 =	vmul.f32 $1.818181870e-01, v19  }
0x1e5: {  	v28 =	vadd.f32 $6.666666860e-01, v28;
	v36 =	vmul.f32 v62, v58;
	v60 =	vmul.f32 v31, v59  }
0x1e6: {  	v30 =	vadd.f32 v30, v9;
	v63 =	vmul.f32 v16, v11;
	v31 =	vmul.f32 v27, v27  }
0x1e7: {  	s11 =	simm.s32 $0x400;
	[tilespmem:s9+$0xF060] =	vst v53;
	v28 =	vmul.f32 v28, v54;
	v16 =	vpop (erf);
	v22 =	vmul.f32 v60, v26;
	v26 =	vadd.f32 $2.222222240e-01, v61  }
0x1e8: {  	v37 =	vadd.f32 $2.222222240e-01, v17;
	v35 =	vadd.f32 $2.857142980e-01, v63;
	v17 =	vpop (erf);
	v38 =	vmul.f32 $1.818181870e-01, v31  }
.LBB2_11:
0x1e9: {  	s12 =	sshra.s32 s11, $0x2;
	p0 =	sne.s32 s11, $0x3E00;
	s11 =	sadd.s32 $0x200, s11;
	v29 =	vmul.f32 v16, v29;
	v39 =	vadd.f32 $2.222222240e-01, v24;
	v24 =	vmul.f32 v26, v20  }
0x1ea: {  	v33 =	vmul.f32 v33, v7;
	v7 =	vmul.f32 v22, v22;
	v40 =	vld [tilespmem:s12+$0xD010];
	v26 =	vadd.f32 $2.222222240e-01, v38  }
0x1eb: {  	v37 =	vmul.f32 v37, v19;
	v38 =	vld [tilespmem:s12+$0xD070];
	(erf) = vrcp.f32 v30;
	v41 =	vadd.f32 $2.857142980e-01, v24  }
0x1ec: {  	v34 =	vadd.f32 $2.222222240e-01, v34;
	v43 =	vmul.f32 $1.818181870e-01, v7;
	v42 =	vld [tilespmem:s12+$0xD030];
	v26 =	vmul.f32 v26, v31  }
0x1ed: {  	v24 =	vmul.f32 v36, v21;
	v21 =	vmul.f32 v39, v3;
	v36 =	vadd.f32 $2.857142980e-01, v37;
	v44 =	vld [tilespmem:s12+$0xD000]  }
0x1ee: {  	v35 =	vmul.f32 v35, v11;
	v34 =	vmul.f32 v34, v23;
	v37 =	vld [tilespmem:s12+$0xD020];
	v39 =	vadd.f32 $2.857142980e-01, v26  }
0x1ef: {  	v26 =	vmul.f32 $1.718281870e+00, v15;
	v15 =	vadd.f32 $2.857142980e-01, v21;
	v21 =	vmul.f32 v36, v19;
	v45 =	vld [tilespmem:s12+$0xD050]  }
0x1f0: {  	v35 =	vadd.f32 $4.000000060e-01, v35;
	v34 =	vadd.f32 $2.857142980e-01, v34;
	v36 =	vld [tilespmem:s12+$0xB000];
	v39 =	vmul.f32 v39, v31  }
0x1f1: {  	v32 =	vbroadcast v32, $0xF;
	v43 =	vadd.f32 $2.222222240e-01, v43;
	v21 =	vadd.f32 $4.000000060e-01, v21;
	v46 =	vld [tilespmem:s12+$0xB050]  }
0x1f2: {  	v35 =	vmul.f32 v35, v11;
	v34 =	vmul.f32 v34, v23;
	v47 =	vld [tilespmem:s12+$0xB010];
	v39 =	vadd.f32 $4.000000060e-01, v39  }
0x1f3: {  	v33 =	vadd.f32 $2.000000000e+00, v33;
	v15 =	vmul.f32 v15, v3;
	v21 =	vmul.f32 v21, v19;
	v48 =	vld [tilespmem:s12+$0xB030]  }
0x1f4: {  	v43 =	vmul.f32 v43, v7;
	v34 =	vadd.f32 $4.000000060e-01, v34;
	v49 =	vld [tilespmem:s12+$0xD040];
	v39 =	vmul.f32 v39, v31;
	v50 =	vpop (erf)  }
0x1f5: {  	v33 =	vmul.f32 v33, v2;
	v2 =	vmovc v22;
	v21 =	vadd.f32 $6.666666860e-01, v21;
	v36 =	vmul.f32 v44, v36;
	v44 =	vld [tilespmem:s12+$0xD060]  }
0x1f6: {  	v34 =	vmul.f32 v34, v23;
	v51 =	vld [tilespmem:s12+$0xB040];
	v45 =	vmul.f32 v45, v46;
	v39 =	vadd.f32 $6.666666860e-01, v39  }
0x1f7: {  	v15 =	vadd.f32 $4.000000060e-01, v15;
	v46 =	vmul.f32 v50, v30;
	v22 =	vmul.f32 v40, v47;
	v40 =	vld [tilespmem:s12+$0xB020];
	[tilespmem:s9+$0xF020] =	vst v33  }
0x1f8: {  	v33 =	vld [tilespmem:s12+$0xB060];
	(xrf2) =	vadd.scan.msk.f32 $0xffff, v36;
	v30 =	vmul.f32 v39, v31;
	v31 =	vadd.f32 $6.666666860e-01, v35;
	v35 =	vmul.f32 v41, v20  }
0x1f9: {  	v15 =	vmul.f32 v15, v3;
	v34 =	vadd.f32 $6.666666860e-01, v34;
	v39 =	vmul.f32 v42, v48  }
0x1fa: {  	v41 =	vmul.f32 v24, v24;
	v42 =	vadd.f32 $2.000000000e+00, v30;
	v35 =	vadd.f32 $4.000000060e-01, v35  }
0x1fb: {  	v48 =	vadd.f32 $6.666666860e-01, v15;
	v11 =	vmul.f32 v31, v11;
	v30 =	vmul.f32 v49, v51;
	v47 =	vld [tilespmem:s12+$0xB070];
	(xrf2) =	vadd.scan.msk.f32 $0xffff, v39  }
0x1fc: {  	v15 =	vmul.f32 v34, v23;
	v31 =	vmul.f32 v37, v40;
	v37 =	vadd.f32 $2.857142980e-01, v43  }
0x1fd: {  	v34 =	vadd.f32 $2.000000000e+00, v11;
	v23 =	vmul.f32 v44, v33;
	v33 =	vsub.f32 $2.000000000e+00, v46  }
0x1fe: {  	v11 =	vmul.f32 $1.718281870e+00, v39;
	v27 =	vmul.f32 v42, v27;
	v39 =	vadd.f32 $2.000000000e+00, v15  }
0x1ff: {  	v25 =	vmul.f32 v25, v6;
	v35 =	vmul.f32 v35, v20;
	(xrf2) =	vadd.scan.msk.f32 $0xffff, v23  }
0x200: {  	v6 =	vmovc v11;
	v15 =	vmul.f32 v38, v47;
	[tilespmem:s10+$0xF060] =	vst v27;
	v27 =	vmul.f32 v48, v3;
	v3 =	vmov v41  }
0x201: {  	v11 =	vmul.f32 v25, v25;
	v33 =	vmul.f32 v33, v50;
	v38 =	vadd.f32 $2.000000000e+00, v28  }
0x202: {  	v32 =	vadd.f32 v32, v26;
	v37 =	vmul.f32 v37, v7;
	v41 =	vmul.f32 v34, v4;
	v28, _, _ =	vpop (xrf2);
	(xrf2) =	vadd.scan.msk.f32 $0xffff, v31  }
0x203: {  	v19 =	vmul.f32 v21, v19;
	v4 =	vmovc v25;
	v33 =	vmul.f32 v33, v9;
	v40 =	vadd.f32 v28, v28  }
0x204: {  	v21 =	vmul.f32 $1.718281870e+00, v36;
	v18 =	vmul.f32 v39, v18;
	v25 =	vadd.f32 $4.000000060e-01, v37;
	[tilespmem:s9+$0xF030] =	vst v41  }
0x205: {  	v35 =	vadd.f32 $6.666666860e-01, v35;
	v9 =	vmul.f32 $1.718281870e+00, v45;
	v28 =	vmul.f32 v33, v33;
	v34, _, _ =	vpop (xrf2)  }
0x206: {  	v37 =	vadd.f32 $2.000000000e+00, v19;
	v36 =	vbroadcast v40, $0xF;
	v34 =	vadd.f32 v34, v34;
	[tilespmem:s9+$0xF040] =	vst v18  }
0x207: {  	v20 =	vmul.f32 v35, v20;
	v18 =	vadd.f32 $2.000000000e+00, v27;
	(xrf2) =	vadd.scan.msk.f32 $0xffff, v22;
	(erf) = vrcp.f32 v32  }
0x208: {  	v14 =	vmul.f32 v37, v14;
	v27 =	vadd.f32 v36, v21;
	v34 =	vbroadcast v34, $0xF  }
0x209: {  	v37 =	vadd.f32 $2.000000000e+00, v20;
	v35 =	vmul.f32 $1.818181870e-01, v28;
	v36 =	vmul.f32 v38, v5;
	v19, _, _ =	vpop (xrf2)  }
0x20a: {  	v18 =	vmul.f32 v18, v1;
	v1 =	vmovc v24;
	v19 =	vadd.f32 v19, v19;
	(erf) = vrcp.f32 v27;
	(xrf2) =	vadd.scan.msk.f32 $0xffff, v30  }
0x20b: {  	v13 =	vmul.f32 v37, v13;
	v5 =	vmovc v33;
	v24 =	vmul.f32 $1.818181870e-01, v3;
	v34 =	vadd.f32 v34, v6;
	[tilespmem:s9+$0xF050] =	vst v36  }
0x20c: {  	v36 =	vmul.f32 $1.718281870e+00, v23;
	v23 =	vadd.f32 $2.222222240e-01, v35;
	v19 =	vbroadcast v19, $0xF;
	v20, _, _ =	vpop (xrf2);
	[tilespmem:s9+$0xF000] =	vst v18  }
0x20d: {  	v18 =	vadd.f32 v20, v20;
	(erf) = vrcp.f32 v34;
	(xrf2) =	vadd.scan.msk.f32 $0xffff, v45;
	[tilespmem:s9+$0xF070] =	vst v13  }
0x20e: {  	v25 =	vmul.f32 v25, v7;
	v35 =	vmul.f32 $1.818181870e-01, v11;
	v20 =	vadd.f32 v19, v36;
	[tilespmem:s9+$0xF010] =	vst v14;
	s9 =	smov.u32 s10;
	s10 =	smov.u32 s12  }
0x20f: {  	v38 =	vmul.f32 $1.718281870e+00, v31;
	v33 =	vbroadcast v18, $0xF  }
0x210: {  	v14 =	vsub.f32 $2.000000000e+00, v29;
	v18 =	vmul.f32 v23, v28;
	(erf) = vrcp.f32 v20;
	(xrf2) =	vadd.scan.msk.f32 $0xffff, v15;
	v19 =	vpop (erf)  }
0x211: {  	v12 =	vmul.f32 v17, v12;
	v31 =	vadd.f32 v33, v38;
	v13, _, _ =	vpop (xrf2);
	v29 =	vmul.f32 v19, v32  }
0x212: {  	v14 =	vmul.f32 v14, v16;
	v16 =	vadd.f32 $2.857142980e-01, v18;
	v13 =	vadd.f32 v13, v13  }
0x213: {  	v18 =	vmul.f32 $1.718281870e+00, v22;
	v39 =	vpop (erf);
	(erf) = vrcp.f32 v31;
	v22 =	vsub.f32 $2.000000000e+00, v29  }
0x214: {  	v12 =	vsub.f32 $2.000000000e+00, v12;
	v16 =	vmul.f32 v16, v28;
	v13 =	vbroadcast v13, $0xF;
	v23, _, _ =	vpop (xrf2)  }
0x215: {  	v14 =	vmul.f32 v14, v8;
	v8 =	vmovc v18;
	v23 =	vadd.f32 v23, v23;
	v22 =	vmul.f32 v22, v19  }
0x216: {  	v12 =	vmul.f32 v12, v17;
	v29 =	vadd.f32 v13, v8;
	v13 =	vmul.f32 $1.718281870e+00, v30;
	v37 =	vpop (erf)  }
0x217: {  	v19 =	vmul.f32 v14, v14;
	v16 =	vadd.f32 $4.000000060e-01, v16;
	v23 =	vbroadcast v23, $0xF;
	v18, _, _ =	vpop (xrf2)  }
0x218: {  	v30 =	vadd.f32 v18, v18;
	(erf) = vrcp.f32 v29;
	v18 =	vmul.f32 v12, v10;
	v10 =	vmovc v13  }
0x219: {  	v32 =	vmul.f32 v37, v34;
	v13 =	vmul.f32 v22, v26;
	v12 =	vadd.f32 v23, v10;
	v17 =	vpop (erf)  }
0x21a: {  	v33 =	vadd.f32 $6.666666860e-01, v25;
	v22 =	vmul.f32 v17, v20;
	v26, _, _ =	vpop (xrf2);
	v23 =	vmul.f32 v18, v18  }
0x21b: {  	v25 =	vsub.f32 $2.000000000e+00, v32;
	v20 =	vmul.f32 v13, v13;
	(erf) = vrcp.f32 v12  }
0x21c: {  	v16 =	vmul.f32 v16, v28;
	v30 =	vbroadcast v30, $0xF;
	v22 =	vsub.f32 $2.000000000e+00, v22;
	v40 =	vpop (erf)  }
0x21d: {  	v32 =	vadd.f32 v26, v26;
	v34 =	vmul.f32 $1.818181870e-01, v23;
	v31 =	vmul.f32 v40, v31  }
0x21e: {  	v26 =	vadd.f32 $6.666666860e-01, v16;
	v30 =	vadd.f32 v30, v9;
	v17 =	vmul.f32 v22, v17  }
0x21f: {  	v41 =	vmul.f32 v39, v27;
	v25 =	vmul.f32 v25, v37;
	v22 =	vsub.f32 $2.000000000e+00, v31  }
.Ltmp6:
0x220: {  	v35 =	vadd.f32 $2.222222240e-01, v35;
	v27 =	vmul.f32 v17, v36;
	v17 =	vmul.f32 $1.818181870e-01, v19;
	(pc) =	sbr.rel @p0 .LBB2_11-.Ltmp6, $4  }
0x221: {  	v36 =	vsub.f32 $2.000000000e+00, v41;
	v22 =	vmul.f32 v22, v40;
	v16 =	vpop (erf);
	v40 =	vmul.f32 $1.818181870e-01, v20  }
0x222: {  	v35 =	vmul.f32 v35, v11;
	v31 =	vmul.f32 v27, v27;
	v37 =	vadd.f32 $2.222222240e-01, v17  }
0x223: {  	v28 =	vmul.f32 v26, v28;
	v22 =	vmul.f32 v22, v38;
	v26 =	vadd.f32 $2.222222240e-01, v40  }
0x224: {  	v35 =	vadd.f32 $2.857142980e-01, v35;
	v36 =	vmul.f32 v36, v39;
	v38 =	vmul.f32 $1.818181870e-01, v31;
	v17 =	vpop (erf)  }
0x225: {  	v29 =	vmul.f32 v16, v29;
	v39 =	vmul.f32 v26, v20  }
0x226: {  	v26 =	vmul.f32 v22, v22;
	v33 =	vmul.f32 v33, v7  }
0x227: {  	(erf) = vrcp.f32 v30;
	v37 =	vmul.f32 v37, v19  }
0x228: {  	v24 =	vadd.f32 $2.222222240e-01, v24;
	v15 =	vmul.f32 $1.718281870e+00, v15;
	v32 =	vbroadcast v32, $0xF  }
0x229: {  	v34 =	vadd.f32 $2.222222240e-01, v34;
	v6 =	vmul.f32 v25, v6;
	v12 =	vmul.f32 v17, v12  }
0x22a: {  	v28 =	vadd.f32 $2.000000000e+00, v28;
	v7 =	vmul.f32 v36, v21;
	v35 =	vmul.f32 v35, v11  }
0x22b: {  	v38 =	vadd.f32 $2.222222240e-01, v38;
	v40 =	vmul.f32 $1.818181870e-01, v26;
	v48 =	vmul.f32 v24, v3  }
0x22c: {  	v49 =	vadd.f32 $2.857142980e-01, v37;
	v34 =	vmul.f32 v34, v23;
	v51 =	vadd.f32 $2.857142980e-01, v39  }
0x22d: {  	v33 =	vadd.f32 $2.000000000e+00, v33;
	v32 =	vadd.f32 v32, v15;
	v63 =	vmul.f32 v6, v6  }
0x22e: {  	v12 =	vsub.f32 $2.000000000e+00, v12;
	v5 =	vmul.f32 v28, v5;
	v38 =	vmul.f32 v38, v31  }
0x22f: {  	v35 =	vadd.f32 $4.000000060e-01, v35;
	v24 =	vmul.f32 v49, v19;
	v34 =	vadd.f32 $2.857142980e-01, v34  }
0x230: {  	v21 =	vadd.f32 $2.857142980e-01, v48;
	v2 =	vmul.f32 v33, v2;
	v58 =	vmul.f32 v51, v20  }
0x231: {  	v52 =	vadd.f32 $2.222222240e-01, v40;
	v12 =	vmul.f32 v12, v17;
	v46 =	vmul.f32 $1.818181870e-01, v63  }
0x232: {  	v50 =	vadd.f32 $2.857142980e-01, v38;
	v35 =	vmul.f32 v35, v11;
	v34 =	vmul.f32 v34, v23  }
0x233: {  	v24 =	vadd.f32 $4.000000060e-01, v24;
	v21 =	vmul.f32 v21, v3;
	v38 =	vmul.f32 v52, v26  }
0x234: {  	v10 =	vmul.f32 v12, v10;
	v36 =	vmul.f32 v50, v31;
	v57 =	vadd.f32 $6.666666860e-01, v35  }
0x235: {  	v35 =	vadd.f32 $4.000000060e-01, v58;
	v24 =	vmul.f32 v24, v19;
	v34 =	vadd.f32 $4.000000060e-01, v34  }
0x236: {  	v21 =	vadd.f32 $4.000000060e-01, v21;
	v45 =	vmul.f32 v10, v10;
	v53 =	vpop (erf);
	(erf) = vrcp.f32 v32  }
0x237: {  	v61 =	vadd.f32 $2.857142980e-01, v38;
	v59 =	vmul.f32 v57, v11;
	v62 =	vmul.f32 v35, v20  }
0x238: {  	v36 =	vadd.f32 $4.000000060e-01, v36;
	v54 =	vmul.f32 v34, v23;
	v55 =	vmul.f32 v53, v30  }
0x239: {  	v21 =	vmul.f32 v21, v3;
	v34 =	vmul.f32 v61, v26;
	v11 =	vadd.f32 $2.000000000e+00, v59  }
0x23a: {  	v36 =	vmul.f32 v36, v31;
	v35 =	vadd.f32 $6.666666860e-01, v62;
	v33 =	vadd.f32 $6.666666860e-01, v54  }
0x23b: {  	v48 =	vmul.f32 $1.818181870e-01, v45;
	v21 =	vadd.f32 $6.666666860e-01, v21;
	v30 =	vsub.f32 $2.000000000e+00, v55  }
0x23c: {  	v36 =	vadd.f32 $6.666666860e-01, v36;
	v4 =	vmul.f32 v11, v4;
	v11 =	vmul.f32 v35, v20  }
0x23d: {  	v20 =	vadd.f32 $2.222222240e-01, v46;
	v60 =	vmul.f32 v33, v23;
	v30 =	vmul.f32 v30, v53  }
0x23e: {  	v24 =	vadd.f32 $6.666666860e-01, v24;
	v3 =	vmul.f32 v21, v3;
	v56 =	vmul.f32 v36, v31  }
0x23f: {  	v36 =	vmul.f32 v7, v7;
	v11 =	vadd.f32 $2.000000000e+00, v11;
	v20 =	vmul.f32 v20, v63  }
0x240: {  	v23 =	vadd.f32 $2.000000000e+00, v60;
	v9 =	vmul.f32 v30, v9;
	v3 =	vadd.f32 $2.000000000e+00, v3;
	v39 =	vpop (erf)  }
0x241: {  	v31 =	vadd.f32 $2.000000000e+00, v56;
	v41 =	vmul.f32 $1.818181870e-01, v36;
	v40 =	vmul.f32 v39, v32  }
0x242: {  	v11 =	vmul.f32 v11, v13;
	v1 =	vmul.f32 v3, v1;
	v3 =	vsub.f32 $2.000000000e+00, v29  }
0x243: {  	v37 =	vmul.f32 v9, v9;
	v18 =	vmul.f32 v23, v18;
	v23 =	vsub.f32 $2.000000000e+00, v40  }
0x244: {  	v20 =	vadd.f32 $2.857142980e-01, v20;
	v27 =	vmul.f32 v31, v27;
	v3 =	vmul.f32 v3, v16  }
0x245: {  	v31 =	vmul.f32 v24, v19;
	v43 =	vmul.f32 v23, v39  }
0x246: {  	v17 =	vadd.f32 $2.222222240e-01, v41;
	v20 =	vmul.f32 v20, v63;
	v3 =	vmul.f32 v3, v8  }
0x247: {  	v38 =	vmul.f32 $1.818181870e-01, v37;
	v19 =	vadd.f32 $2.000000000e+00, v31;
	v15 =	vmul.f32 v43, v15  }
0x248: {  	v44 =	vadd.f32 $4.000000060e-01, v34;
	v17 =	vmul.f32 v17, v36;
	v47 =	vmul.f32 v3, v3  }
0x249: {  	v20 =	vadd.f32 $4.000000060e-01, v20;
	v14 =	vmul.f32 v19, v14;
	v49 =	vmul.f32 v15, v15  }
0x24a: {  	v19 =	vadd.f32 $2.222222240e-01, v38;
	v23 =	vadd.f32 $2.222222240e-01, v48;
	v50 =	vmul.f32 $1.818181870e-01, v47  }
0x24b: {  	v17 =	vadd.f32 $2.857142980e-01, v17;
	v20 =	vmul.f32 v20, v63;
	v51 =	vmul.f32 $1.818181870e-01, v49  }
0x24c: {  	v42 =	vmul.f32 v19, v37;
	v23 =	vmul.f32 v23, v45;
	v13 =	vadd.f32 $2.222222240e-01, v50  }
0x24d: {  	v19 =	vmul.f32 v44, v26;
	v17 =	vmul.f32 v17, v36;
	v28 =	vadd.f32 $2.222222240e-01, v51  }
0x24e: {  	v20 =	vadd.f32 $6.666666860e-01, v20;
	v12 =	vadd.f32 $2.857142980e-01, v42;
	v13 =	vmul.f32 v13, v47  }
0x24f: {  	v23 =	vadd.f32 $2.857142980e-01, v23;
	v19 =	vadd.f32 $6.666666860e-01, v19;
	v28 =	vmul.f32 v28, v49  }
0x250: {  	v17 =	vadd.f32 $4.000000060e-01, v17;
	v12 =	vmul.f32 v12, v37;
	v13 =	vadd.f32 $2.857142980e-01, v13  }
0x251: {  	v56 =	vmul.f32 v20, v63;
	v23 =	vmul.f32 v23, v45;
	v28 =	vadd.f32 $2.857142980e-01, v28  }
0x252: {  	v19 =	vmul.f32 v19, v26;
	v12 =	vadd.f32 $4.000000060e-01, v12;
	v13 =	vmul.f32 v13, v47  }
0x253: {  	[tilespmem:s9+$0xF020] =	vst v2;
	v54 =	vmul.f32 v17, v36;
	v23 =	vadd.f32 $4.000000060e-01, v23;
	v28 =	vmul.f32 v28, v49  }
0x254: {  	[tilespmem:s10+$0xF060] =	vst v27;
	v59 =	vadd.f32 $2.000000000e+00, v56;
	v12 =	vmul.f32 v12, v37;
	v2 =	vadd.f32 $4.000000060e-01, v13  }
0x255: {  	[tilespmem:s9+$0xF030] =	vst v4;
	v4 =	vadd.f32 $6.666666860e-01, v54;
	v52 =	vmul.f32 v23, v45;
	v53 =	vadd.f32 $4.000000060e-01, v28  }
0x256: {  	[tilespmem:s9+$0xF040] =	vst v18;
	v55 =	vadd.f32 $2.000000000e+00, v19;
	v12 =	vadd.f32 $6.666666860e-01, v12;
	v2 =	vmul.f32 v2, v47  }
0x257: {  	[tilespmem:s9+$0xF050] =	vst v5;
	v4 =	vmul.f32 v4, v36;
	v13 =	vadd.f32 $6.666666860e-01, v52;
	v57 =	vmul.f32 v53, v49  }
0x258: {  	[tilespmem:s9+$0xF000] =	vst v1;
	v6 =	vmul.f32 v59, v6;
	v1 =	vmul.f32 v12, v37;
	v2 =	vadd.f32 $6.666666860e-01, v2  }
0x259: {  	[tilespmem:s9+$0xF070] =	vst v11;
	v4 =	vadd.f32 $2.000000000e+00, v4;
	v58 =	vmul.f32 v13, v45;
	v60 =	vadd.f32 $6.666666860e-01, v57  }
0x25a: {  	[tilespmem:s9+$0xF010] =	vst v14;
	v61 =	vmul.f32 v55, v22;
	v1 =	vadd.f32 $2.000000000e+00, v1;
	v2 =	vmul.f32 v2, v47  }
0x25b: {  	[tilespmem:s10+$0xF030] =	vst v6;
	v4 =	vmul.f32 v4, v7;
	v5 =	vadd.f32 $2.000000000e+00, v58;
	v62 =	vmul.f32 v60, v49  }
0x25c: {  	[tilespmem:s10+$0xF020] =	vst v61;
	v1 =	vmul.f32 v1, v9;
	v2 =	vadd.f32 $2.000000000e+00, v2  }
0x25d: {  	[tilespmem:s10+$0xF000] =	vst v4;
	v5 =	vmul.f32 v5, v10;
	v63 =	vadd.f32 $2.000000000e+00, v62  }
.Ltmp7:
0x25e: {  	[tilespmem:s10+$0xF050] =	vst v1;
	v2 =	vmul.f32 v2, v3;
	(pc) =	sbr.rel @p1 .LBB2_14-.Ltmp7, $4  }
0x25f: {  	[tilespmem:s10+$0xF040] =	vst v5;
	v1 =	vmul.f32 v63, v15  }
0x260: {  	[tilespmem:s10+$0xF010] =	vst v2  }
0x261: {  	s8 =	sadd.s32 $0x5100, s8;
	[tilespmem:s10+$0xF070] =	vst v1  }
0x262: {  	[spmem:s4] =	stream.indirect.scatter.add.f32 [tilespmem:s29], [sflag:$0x6], $0x10, s8, s24, $0xb8;
	[tilespmem:$0x1C600] =	vst v63  }
.Ltmp8:
0x263: {  	(pc) =	sbr.rel .LBB2_8-.Ltmp8, $4  }
0x264: {  	s8 =	sadd.s32 $0x300, s7  }
0x265: {  	[tilespmem:s28], [sflag:$0x2] =	stream.indirect.gather [spmem:s2], $0x10, s8, s24, $0xb8;
	[tilespmem:$0x1C600] =	vst v63  }
0x266: {  	s12 =	sadd.s32 $0x5300, s7;
	s6 =	sadd.s32 $0x1, s6  }
0x267: {  	[tilespmem:s30], [sflag:$0x4] =	stream.indirect.gather [spmem:s3], $0x10, s12, s24, $0xb8;
	[tilespmem:$0x1C600] =	vst v63  }
.LBB2_15:
0x268: {  	_ =	sfence.sel $0x180000  }
0x269: {  	[bflag:$0x0] =	sbarrier.arrive $0xFFFF  }
0x26a: {  	_ =	strace $0x9000004A  }
0x26b: {  	s0 =	stileid.u32;
	[bflag:$0x2] =	sbarrier.arrive $0xFFFF  }
0x26c: {  	p0 =	sne.s32 s0, $0x0;
	s0 =	rddreg [dreg:$0x5]  }
0x26d: {  	s0 =	sadd.s32 @!p0 $0x100000, s0  }
0x26e: {  	[sflag:s0] =	ssyncadd.tile.s32 @!p0 $0x1;
	_ =	shalt  }
.Lfunc_end2:
_tile_overlayer_lowered:
.L_overlay_start_2:
0x26f: {  	(tag) =	ssettag $0x2  }
0x270: {  	s0 =	rddreg [dreg:$0x0];
	s2 =	stileid.u32  }
0x271: {  	s1 =	rddreg [dreg:$0x1];
	p0 =	sne.s32 s2, $0x0  }
0x272: {  	s3 =	rddreg [dreg:$0x2];
	[bflag:$0x3] =	sbarrier.arrive $0xFFFF;
	s2 =	simm.s32 @!p0 $0x1C07  }
0x273: {  	[timem:s3], [sflag:s2] =	dma.local @!p0 [hbm:s0], s1  }
0x274: {  	s0 =	simm.s32 @!p0 $0x7  }
0x275: {  	_ =	swait.ge @!p0 [sflag:s0], s1  }
0x276: {  	s1 =	ssub.s32 @!p0 $0x0, s1;
	[sflag:s0] =	ssyncset.done @!p0 $0x0  }
0x277: {  	[sflag:s0] =	ssyncadd.s32 @!p0 s1  }
0x278: {  	[bflag:$0x3] =	sbarrier.arrive $0xFFFF  }
0x279: {  	_ =	shalt  }

</sc_bundles>
